<compile_context>
chip_gen: v7x
topology: tpu7x:2x2x1
jax: 0.10.2.dev20260603
libtpu: 0.0.44.dev20260713+nightly
codegen_flags: <defaults>
</compile_context>

<pallas_src>
import functools

import jax
import jax.numpy as jnp
from jax import lax
from jax.experimental import pallas as pl
from jax.experimental.pallas import tpu as pltpu
from jax.experimental.pallas import tpu_sc as plsc

N = 10000
NSC = 10016
DUMMY = 10000
E_RAW = 160000
E_TOT = E_RAW + N
E_PAD = 172032
ROW_BLK = 2504

L1 = (128, 200, 208)
L2 = (208, 100, 112)
L3 = (112, 2, 16)


def _augment(h, beta, mpad):
    sq = jnp.sum(h * h, axis=1, keepdims=True)
    r = 1.0 / (jnp.sqrt(sq) + 1e-8)
    col = jax.lax.broadcasted_iota(jnp.int32, h.shape, 1)
    h = jnp.where(col == mpad - 3, r, h)
    h = jnp.where(col == mpad - 2, beta * r, h)
    h = jnp.where(col == mpad - 1, 1.0, h)
    return h


def _mm_first_body(x_ref, w_ref, beta_ref, out_ref, *, mpad):
    h = jnp.dot(x_ref[...], w_ref[...], preferred_element_type=jnp.float32)
    out_ref[...] = _augment(h, beta_ref[0, 0], mpad)


def _combine(nm_ref, summed):
    return (nm_ref[0] + nm_ref[1]) if summed else nm_ref[0]


def _mm_mid_body(nm_ref, w_ref, beta_ref, out_ref, *, mpad, summed):
    nm = _combine(nm_ref, summed)
    denom = nm[:, -1:]
    hin = jnp.maximum(nm / (denom + 1e-16), 0.0)
    h = jnp.dot(hin, w_ref[...], preferred_element_type=jnp.float32)
    out_ref[...] = _augment(h, beta_ref[0, 0], mpad)


def _final_body(nm_ref, out_ref, *, summed):
    nm = _combine(nm_ref, summed)
    denom = nm[:, -1:]
    out_ref[...] = jnp.maximum(nm / (denom + 1e-16), 0.0)


def _part_spec(a, summed):
    if summed:
        return pl.BlockSpec((2, ROW_BLK, a.shape[2]), lambda i: (0, i, 0))
    return pl.BlockSpec((1, ROW_BLK, a.shape[2]), lambda i: (i // 2, i % 2, 0))


def _mm_call(body, a, w, beta, mpad, summed=False):
    grid = NSC // ROW_BLK
    if a.ndim == 3:
        a_spec = _part_spec(a, summed)
        body = functools.partial(body, summed=summed)
    else:
        a_spec = pl.BlockSpec((ROW_BLK, a.shape[1]), lambda i: (i, 0))
    k = a.shape[-1]
    return pl.pallas_call(
        functools.partial(body, mpad=mpad),
        grid=(grid,),
        in_specs=[
            a_spec,
            pl.BlockSpec((k, mpad), lambda i: (0, 0)),
            pl.BlockSpec(memory_space=pltpu.SMEM),
        ],
        out_specs=pl.BlockSpec((ROW_BLK, mpad), lambda i: (i, 0)),
        out_shape=jax.ShapeDtypeStruct((NSC, mpad), jnp.float32),
    )(a, w, beta)


def _final_call(nm, summed=False):
    mpad = nm.shape[-1]
    grid = NSC // ROW_BLK
    return pl.pallas_call(
        functools.partial(_final_body, summed=summed),
        grid=(grid,),
        in_specs=[_part_spec(nm, summed)],
        out_specs=pl.BlockSpec((ROW_BLK, mpad), lambda i: (i, 0)),
        out_shape=jax.ShapeDtypeStruct((NSC, mpad), jnp.float32),
    )(nm)



CHUNK = 64
PER_TILE = E_PAD // 16
N_CHUNKS = PER_TILE // CHUNK
NHALF = NSC // 2
ACC_ROWS = 5120
TRASH = ACC_ROWS - 1
ACC_FULL = 10240


@functools.lru_cache
def _make_edge_kernel(mpad, mt, esplit):
    nch = mpad // 16
    nfull = mt // 16
    rem = mt % 16
    acc_rows = ACC_FULL if esplit else ACC_ROWS
    nct = (N_CHUNKS // 2) if esplit else N_CHUNKS
    super_ = 28
    zrows = acc_rows // 16
    mesh = plsc.VectorSubcoreMesh(core_axis_name="c", subcore_axis_name="s")

    @functools.partial(
        pl.kernel,
        out_type=jax.ShapeDtypeStruct((2, acc_rows, mpad), jnp.float32),
        mesh=mesh,
        compiler_params=pltpu.CompilerParams(use_tc_tiling_on_sc=False),
        scratch_types=[
            pltpu.VMEM((super_ * 2 * CHUNK,), jnp.int32),
            pltpu.VMEM((CHUNK,), jnp.int32),
            pltpu.VMEM((CHUNK,), jnp.int32),
            pltpu.VMEM((2 * CHUNK, mpad), jnp.float32),
            pltpu.VMEM((2 * CHUNK, mpad), jnp.float32),
            pltpu.VMEM_SHARED((acc_rows, mpad), jnp.float32),
            pltpu.SemaphoreType.DMA,
            pltpu.SemaphoreType.DMA,
        ],
    )
    def edge_kernel(h_hbm, eidx_hbm, out_hbm,
                    idxbuf, didxa, didxb, bufa, bufb, acc, sem1, sem2):
        cid = lax.axis_index("c")
        sid = lax.axis_index("s")

        def zrow(i, _):
            for c in range(nch):
                bufa[i, pl.ds(c * 16, 16)] = jnp.zeros((16,), jnp.float32)
            return 0
        lax.fori_loop(0, 2 * CHUNK, zrow, 0)
        zbase = pl.multiple_of(sid * zrows, 8)
        for t in range(zrows // (2 * CHUNK)):
            pltpu.sync_copy(bufa, acc.at[pl.ds(zbase + t * 2 * CHUNK,
                                               2 * CHUNK)])
        ztail = zrows % (2 * CHUNK)
        if ztail:
            pltpu.sync_copy(bufa.at[pl.ds(0, ztail)],
                            acc.at[pl.ds(zbase + zrows - ztail, ztail)])
        plsc.subcore_barrier()

        lane = lax.iota(jnp.int32, 16)
        if esplit:
            base = (cid * 16 + sid) * nct * 2 * CHUNK
        else:
            base = sid * nct * 2 * CHUNK
        nbase = cid * NHALF

        def process(buf, jb, didx):
            for q in range(CHUNK // 16):
                sl = pl.ds(q * 16, 16)
                dv = idxbuf[pl.ds(jb + CHUNK + q * 16, 16)]
                if esplit:
                    didx[sl] = dv
                else:
                    dl = dv - nbase
                    ok = (dl >= 0) & (dl < NHALF)
                    trash = NHALF + jnp.bitwise_and(dv, 63)
                    didx[sl] = jnp.where(ok, dl, trash)

            def group(g, _):
                def doti(i, lgvec):
                    e = g * 16 + i
                    ts = buf[e, pl.ds((nch - 1) * 16, 16)]
                    td = buf[CHUNK + e, pl.ds((nch - 1) * 16, 16)]
                    acc16 = jnp.where(lane < rem, ts * td, 0.0)
                    for c in range(nfull):
                        acc16 += (buf[e, pl.ds(c * 16, 16)]
                                  * buf[CHUNK + e, pl.ds(c * 16, 16)])
                    for k in (8, 4, 2, 1):
                        acc16 = acc16 + acc16.at[
                            jnp.bitwise_xor(lane, k)].get(
                                mode="promise_in_bounds")
                    logit = ts[14] * td[13] * acc16
                    return jnp.where(lane == i, logit, lgvec)

                lgvec = lax.fori_loop(0, 16, doti,
                                      jnp.zeros((16,), jnp.float32))
                exvec = jnp.exp(lgvec)

                def scalei(i, _):
                    e = g * 16 + i
                    eidx = jnp.full((16,), i, jnp.int32)
                    exb = exvec.at[eidx].get(mode="promise_in_bounds")
                    for c in range(nch):
                        slc = pl.ds(c * 16, 16)
                        buf[e, slc] = buf[e, slc] * exb
                    return 0

                lax.fori_loop(0, 16, scalei, 0)
                return 0

            lax.fori_loop(0, CHUNK // 16, group, 0)

        def block(t, _):
            boff = pl.multiple_of(base + t * super_ * 2 * CHUNK, 8)
            pltpu.sync_copy(eidx_hbm.at[pl.ds(boff, super_ * 2 * CHUNK)],
                            idxbuf)

            def pair(k, _):
                ja = pl.multiple_of(k * 4 * CHUNK, 8)
                jb = ja + 2 * CHUNK
                cpa = pltpu.async_copy(
                    h_hbm.at[idxbuf.at[pl.ds(ja, 2 * CHUNK)]], bufa, sem1)
                cpb = pltpu.async_copy(
                    h_hbm.at[idxbuf.at[pl.ds(jb, 2 * CHUNK)]], bufb, sem2)
                cpa.wait()
                process(bufa, ja, didxa)
                pltpu.sync_copy(bufa.at[pl.ds(0, CHUNK)], acc.at[didxa],
                                add=True)
                cpb.wait()
                process(bufb, jb, didxb)
                pltpu.sync_copy(bufb.at[pl.ds(0, CHUNK)], acc.at[didxb],
                                add=True)
                return 0

            lax.fori_loop(0, super_ // 2, pair, 0)
            return 0

        lax.fori_loop(0, nct // super_, block, 0)
        plsc.subcore_barrier()

        for t in range(zrows // (2 * CHUNK)):
            sl = pl.ds(zbase + t * 2 * CHUNK, 2 * CHUNK)
            pltpu.sync_copy(acc.at[sl], bufa)
            pltpu.sync_copy(bufa, out_hbm.at[cid, sl])
        tail = zrows % (2 * CHUNK)
        if tail:
            tsl = pl.ds(zbase + zrows - tail, tail)
            pltpu.sync_copy(acc.at[tsl], bufa.at[pl.ds(0, tail)])
            pltpu.sync_copy(bufa.at[pl.ds(0, tail)], out_hbm.at[cid, tsl])

    return edge_kernel


def _edge_phase(h, eidx, mt, esplit=False):
    mpad = h.shape[1]
    return _make_edge_kernel(mpad, mt, esplit)(h, eidx)


def kernel(x, edge_index, W1, beta1, W2, beta2, W3, beta3):
    xp = jnp.ones((NSC, L1[0]), jnp.float32).at[:N].set(x)
    loop = jnp.arange(N, dtype=jnp.int32)
    pad = DUMMY + jnp.arange(E_PAD - E_TOT, dtype=jnp.int32) % (NSC - DUMMY)
    src = jnp.concatenate([edge_index[0].astype(jnp.int32), loop, pad])
    dst = jnp.concatenate([edge_index[1].astype(jnp.int32), loop, pad])
    eidx = jnp.concatenate(
        [src.reshape(-1, CHUNK), dst.reshape(-1, CHUNK)], axis=1).reshape(-1)

    def wpad(w, spec):
        k, mt, mp = spec
        return jnp.zeros((k, mp), jnp.float32).at[: w.shape[0], :mt].set(w)

    w1p, w2p, w3p = wpad(W1, L1), wpad(W2, L2), wpad(W3, L3)
    b = lambda s: jnp.reshape(s, (1, 1)).astype(jnp.float32)

    h1 = _mm_call(_mm_first_body, xp, w1p, b(beta1), L1[2])
    nm1 = _edge_phase(h1, eidx, L1[1])
    h2 = _mm_call(_mm_mid_body, nm1, w2p, b(beta2), L2[2])
    nm2 = _edge_phase(h2, eidx, L2[1], esplit=True)
    h3 = _mm_call(_mm_mid_body, nm2, w3p, b(beta3), L3[2], summed=True)
    nm3 = _edge_phase(h3, eidx, L3[1], esplit=True)
    out = _final_call(nm3, summed=True)
    return out[:N, : L3[1]]

# --- scband reference (transcript-rebuilt; emitter-appended) ---
"""Pipeline reference for scband-l3-agnnconv-84859963834423 (READ-ONLY COPY).

The authoritative reference and input builder live on the scoring server;
editing this copy changes nothing except your own understanding.
"""

import jax, jax.numpy as jnp
import numpy as np

N_NODES = 10000
N_EDGES = 160000
IN_CH = 128
H1 = 100 * 2   # MAX_CHANNELS * out_channels
H2 = 50 * 2    # (MAX_CHANNELS/2) * out_channels
OUT_CH = 2


def setup_inputs(seed: int = 0) -> dict:
    key = jax.random.key(seed)
    ks = jax.random.split(key, 8)
    x = jax.random.normal(ks[0], (N_NODES, IN_CH), dtype=jnp.float32)
    edge_index = jax.random.randint(ks[1], (2, N_EDGES), 0, N_NODES, dtype=jnp.int64)
    W1 = jax.random.normal(ks[2], (IN_CH, H1), dtype=jnp.float32) / np.sqrt(IN_CH)
    W2 = jax.random.normal(ks[3], (H1, H2), dtype=jnp.float32) / np.sqrt(H1)
    W3 = jax.random.normal(ks[4], (H2, OUT_CH), dtype=jnp.float32) / np.sqrt(H2)
    beta1 = jnp.ones((), dtype=jnp.float32)
    beta2 = jnp.ones((), dtype=jnp.float32)
    beta3 = jnp.ones((), dtype=jnp.float32)
    return {"x": x, "edge_index": edge_index, "W1": W1, "beta1": beta1,
            "W2": W2, "beta2": beta2, "W3": W3, "beta3": beta3}


def _agnn_propagate(h, src, dst, beta, n):
    # AGNN attention: softmax over incoming edges of beta * cos(h_dst, h_src)
    hn = h / (jnp.linalg.norm(h, axis=1, keepdims=True) + 1e-8)
    logits = beta * jnp.sum(hn[dst] * hn[src], axis=1)
    m = jax.lax.stop_gradient(jax.ops.segment_max(logits, dst, num_segments=n))
    m = jnp.where(jnp.isfinite(m), m, 0.0)
    ex = jnp.exp(logits - m[dst])
    denom = jax.ops.segment_sum(ex, dst, num_segments=n)
    alpha = ex / (denom[dst] + 1e-16)
    return jax.ops.segment_sum(alpha[:, None] * h[src], dst, num_segments=n)


def _agnn_conv(x, W, beta, src, dst, n):
    h = x @ W
    return _agnn_propagate(h, src, dst, beta, n)


def reference(x, edge_index, W1, beta1, W2, beta2, W3, beta3):
    n = x.shape[0]
    # add self-loops (standard for AGNN propagation)
    loop = jnp.arange(n, dtype=edge_index.dtype)
    src = jnp.concatenate([edge_index[0], loop])
    dst = jnp.concatenate([edge_index[1], loop])
    h = jax.nn.relu(_agnn_conv(x, W1, beta1, src, dst, n))
    # dropout is identity in eval mode
    h = jax.nn.relu(_agnn_conv(h, W2, beta2, src, dst, n))
    h = jax.nn.relu(_agnn_conv(h, W3, beta3, src, dst, n))
    return h

if __name__ == "__main__":
    import jax
    _d = setup_inputs()
    print(jax.jit(kernel)(*tuple(_d.values())))

</pallas_src>

<mosaic_0001>
#map = affine_map<(d0, d1) -> (0, 0)>
#map1 = affine_map<(d0, d1) -> (0)>
#map2 = affine_map<(d0, d1) -> (0, 0, 0)>
module attributes {stable_mosaic.version = 14 : i64} {
  func.func @edge_kernel(%arg0: i32, %arg1: i32, %arg2: memref<10016x112xf32, #tpu.memory_space<hbm>>, %arg3: memref<344064xi32, #tpu.memory_space<hbm>>, %arg4: memref<2x10240x112xf32, #tpu.memory_space<hbm>>, %arg5: memref<3584xi32, #tpu.memory_space<vmem>>, %arg6: memref<64xi32, #tpu.memory_space<vmem>>, %arg7: memref<64xi32, #tpu.memory_space<vmem>>, %arg8: memref<128x112xf32, #tpu.memory_space<vmem>>, %arg9: memref<128x112xf32, #tpu.memory_space<vmem>>, %arg10: memref<10240x112xf32, #tpu.memory_space<vmem_shared>>, %arg11: memref<!tpu.dma_semaphore, #tpu.memory_space<semaphore_mem>>, %arg12: memref<!tpu.dma_semaphore, #tpu.memory_space<semaphore_mem>>) attributes {dimension_semantics = [#tpu.dimension_semantics<core_parallel>, #tpu.dimension_semantics<subcore_parallel>], iteration_bounds = array<i64: 2, 16>, scalar_prefetch = 0 : i64, scratch_operands = 8 : i64, tpu.core_type = #tpu.core_type<sc_vector_subcore>, window_params = [{transform_indices = #map}, {transform_indices = #map1}, {transform_indices = #map2}]} {
    %scan3A = arith.constant 0 : i32
    %scan3A_0 = arith.constant 0 : i32
    %scan3A_1 = arith.constant 128 : i32
    %scan3A_2 = arith.addi %scan3A_0, %scan3A_1 : i32
    %scan3A_3 = arith.constant 1 : i32
    %scan3A_4 = scf.for %scan3A_45 = %scan3A_0 to %scan3A_2 step %scan3A_3 iter_args(%scan3A_46 = %scan3A) -> (i32)  : i32 {
      %broadcast_in_dim3A = arith.constant 0.000000e+00 : f32
      %broadcast_in_dim3A_47 = vector.broadcast %broadcast_in_dim3A : f32 to vector<16xf32>
      %swap3A = arith.index_cast %scan3A_45 : i32 to index
      %swap3A_48 = arith.constant 0 : index
      %swap3A_49 = tpu.vector_load %arg8[%swap3A, %swap3A_48] {strides = array<i32>} : memref<128x112xf32, #tpu.memory_space<vmem>>, vector<1x16xf32>,
      %swap3A_50 = vector.shape_cast %swap3A_49 : vector<1x16xf32> to vector<16xf32>
      %swap3A_51 = vector.shape_cast %broadcast_in_dim3A_47 : vector<16xf32> to vector<1x16xf32>
      tpu.vector_store %arg8[%swap3A, %swap3A_48], %swap3A_51 {strides = array<i32>} : memref<128x112xf32, #tpu.memory_space<vmem>>, vector<1x16xf32>,
      %broadcast_in_dim3A_52 = arith.constant 0.000000e+00 : f32
      %broadcast_in_dim3A_53 = vector.broadcast %broadcast_in_dim3A_52 : f32 to vector<16xf32>
      %swap3A_54 = arith.index_cast %scan3A_45 : i32 to index
      %swap3A_55 = arith.constant 16 : index
      %swap3A_56 = tpu.vector_load %arg8[%swap3A_54, %swap3A_55] {strides = array<i32>} : memref<128x112xf32, #tpu.memory_space<vmem>>, vector<1x16xf32>,
      %swap3A_57 = vector.shape_cast %swap3A_56 : vector<1x16xf32> to vector<16xf32>
      %swap3A_58 = vector.shape_cast %broadcast_in_dim3A_53 : vector<16xf32> to vector<1x16xf32>
      tpu.vector_store %arg8[%swap3A_54, %swap3A_55], %swap3A_58 {strides = array<i32>} : memref<128x112xf32, #tpu.memory_space<vmem>>, vector<1x16xf32>,
      %broadcast_in_dim3A_59 = arith.constant 0.000000e+00 : f32
      %broadcast_in_dim3A_60 = vector.broadcast %broadcast_in_dim3A_59 : f32 to vector<16xf32>
      %swap3A_61 = arith.index_cast %scan3A_45 : i32 to index
      %swap3A_62 = arith.constant 32 : index
      %swap3A_63 = tpu.vector_load %arg8[%swap3A_61, %swap3A_62] {strides = array<i32>} : memref<128x112xf32, #tpu.memory_space<vmem>>, vector<1x16xf32>,
      %swap3A_64 = vector.shape_cast %swap3A_63 : vector<1x16xf32> to vector<16xf32>
      %swap3A_65 = vector.shape_cast %broadcast_in_dim3A_60 : vector<16xf32> to vector<1x16xf32>
      tpu.vector_store %arg8[%swap3A_61, %swap3A_62], %swap3A_65 {strides = array<i32>} : memref<128x112xf32, #tpu.memory_space<vmem>>, vector<1x16xf32>,
      %broadcast_in_dim3A_66 = arith.constant 0.000000e+00 : f32
      %broadcast_in_dim3A_67 = vector.broadcast %broadcast_in_dim3A_66 : f32 to vector<16xf32>
      %swap3A_68 = arith.index_cast %scan3A_45 : i32 to index
      %swap3A_69 = arith.constant 48 : index
      %swap3A_70 = tpu.vector_load %arg8[%swap3A_68, %swap3A_69] {strides = array<i32>} : memref<128x112xf32, #tpu.memory_space<vmem>>, vector<1x16xf32>,
      %swap3A_71 = vector.shape_cast %swap3A_70 : vector<1x16xf32> to vector<16xf32>
      %swap3A_72 = vector.shape_cast %broadcast_in_dim3A_67 : vector<16xf32> to vector<1x16xf32>
      tpu.vector_store %arg8[%swap3A_68, %swap3A_69], %swap3A_72 {strides = array<i32>} : memref<128x112xf32, #tpu.memory_space<vmem>>, vector<1x16xf32>,
      %broadcast_in_dim3A_73 = arith.constant 0.000000e+00 : f32
      %broadcast_in_dim3A_74 = vector.broadcast %broadcast_in_dim3A_73 : f32 to vector<16xf32>
      %swap3A_75 = arith.index_cast %scan3A_45 : i32 to index
      %swap3A_76 = arith.constant 64 : index
      %swap3A_77 = tpu.vector_load %arg8[%swap3A_75, %swap3A_76] {strides = array<i32>} : memref<128x112xf32, #tpu.memory_space<vmem>>, vector<1x16xf32>,
      %swap3A_78 = vector.shape_cast %swap3A_77 : vector<1x16xf32> to vector<16xf32>
      %swap3A_79 = vector.shape_cast %broadcast_in_dim3A_74 : vector<16xf32> to vector<1x16xf32>
      tpu.vector_store %arg8[%swap3A_75, %swap3A_76], %swap3A_79 {strides = array<i32>} : memref<128x112xf32, #tpu.memory_space<vmem>>, vector<1x16xf32>,
      %broadcast_in_dim3A_80 = arith.constant 0.000000e+00 : f32
      %broadcast_in_dim3A_81 = vector.broadcast %broadcast_in_dim3A_80 : f32 to vector<16xf32>
      %swap3A_82 = arith.index_cast %scan3A_45 : i32 to index
      %swap3A_83 = arith.constant 80 : index
      %swap3A_84 = tpu.vector_load %arg8[%swap3A_82, %swap3A_83] {strides = array<i32>} : memref<128x112xf32, #tpu.memory_space<vmem>>, vector<1x16xf32>,
      %swap3A_85 = vector.shape_cast %swap3A_84 : vector<1x16xf32> to vector<16xf32>
      %swap3A_86 = vector.shape_cast %broadcast_in_dim3A_81 : vector<16xf32> to vector<1x16xf32>
      tpu.vector_store %arg8[%swap3A_82, %swap3A_83], %swap3A_86 {strides = array<i32>} : memref<128x112xf32, #tpu.memory_space<vmem>>, vector<1x16xf32>,
      %broadcast_in_dim3A_87 = arith.constant 0.000000e+00 : f32
      %broadcast_in_dim3A_88 = vector.broadcast %broadcast_in_dim3A_87 : f32 to vector<16xf32>
      %swap3A_89 = arith.index_cast %scan3A_45 : i32 to index
      %swap3A_90 = arith.constant 96 : index
      %swap3A_91 = tpu.vector_load %arg8[%swap3A_89, %swap3A_90] {strides = array<i32>} : memref<128x112xf32, #tpu.memory_space<vmem>>, vector<1x16xf32>,
      %swap3A_92 = vector.shape_cast %swap3A_91 : vector<1x16xf32> to vector<16xf32>
      %swap3A_93 = vector.shape_cast %broadcast_in_dim3A_88 : vector<16xf32> to vector<1x16xf32>
      tpu.vector_store %arg8[%swap3A_89, %swap3A_90], %swap3A_93 {strides = array<i32>} : memref<128x112xf32, #tpu.memory_space<vmem>>, vector<1x16xf32>,
      %scan3A_94 = arith.constant 0 : i32
      scf.yield %scan3A_94 : i32
    }
    %scan3A_5 = arith.constant 128 : i32
    %mul3A = arith.constant 640 : i32
    %mul3A_6 = arith.muli %arg1, %mul3A : i32
    %multiple_of3A = tpu.assume_multiple %mul3A_6, 8 : i32
    %add3A = arith.constant 0 : i32
    %add3A_7 = arith.addi %multiple_of3A, %add3A : i32
    "tpu.region"() ({
      %run_scoped3A = tpu.sem_alloc : memref<!tpu.dma_semaphore, #tpu.memory_space<semaphore_mem>>
      %dma_start3A = arith.constant 0 : i32
      %dma_start3A_45 = tpu.memref_slice %arg10[%add3A_7, %dma_start3A] : memref<10240x112xf32, #tpu.memory_space<vmem_shared>> -> memref<128x112xf32, #tpu.memory_space<vmem_shared>>
      %dma_start3A_46 = arith.constant 0 : i32
      %dma_start3A_47 = tpu.memref_slice %arg10[%add3A_7, %dma_start3A_46] : memref<10240x112xf32, #tpu.memory_space<vmem_shared>> -> memref<128x112xf32, #tpu.memory_space<vmem_shared>>
      tpu.enqueue_dma source(%arg8 : memref<128x112xf32, #tpu.memory_space<vmem>>) target(%dma_start3A_47 : memref<128x112xf32, #tpu.memory_space<vmem_shared>>) target_semaphore(%run_scoped3A : memref<!tpu.dma_semaphore, #tpu.memory_space<semaphore_mem>>)
      %dma_wait3A = arith.constant 0 : i32
      %dma_wait3A_48 = tpu.memref_slice %arg10[%add3A_7, %dma_wait3A] : memref<10240x112xf32, #tpu.memory_space<vmem_shared>> -> memref<128x112xf32, #tpu.memory_space<vmem_shared>>
      %dma_wait3A_49 = arith.constant 0 : i32
      %dma_wait3A_50 = tpu.memref_slice %arg10[%add3A_7, %dma_wait3A_49] : memref<10240x112xf32, #tpu.memory_space<vmem_shared>> -> memref<128x112xf32, #tpu.memory_space<vmem_shared>>
      tpu.wait_dma2 semaphore(%run_scoped3A : memref<!tpu.dma_semaphore, #tpu.memory_space<semaphore_mem>>) src(%arg8 : memref<128x112xf32, #tpu.memory_space<vmem>>) dst(%dma_wait3A_50 : memref<128x112xf32, #tpu.memory_space<vmem_shared>>)
      tpu.yield
    }) : () -> ()
    %add3A_8 = arith.constant 128 : i32
    %add3A_9 = arith.addi %multiple_of3A, %add3A_8 : i32
    "tpu.region"() ({
      %run_scoped3A = tpu.sem_alloc : memref<!tpu.dma_semaphore, #tpu.memory_space<semaphore_mem>>
      %dma_start3A = arith.constant 0 : i32
      %dma_start3A_45 = tpu.memref_slice %arg10[%add3A_9, %dma_start3A] : memref<10240x112xf32, #tpu.memory_space<vmem_shared>> -> memref<128x112xf32, #tpu.memory_space<vmem_shared>>
      %dma_start3A_46 = arith.constant 0 : i32
      %dma_start3A_47 = tpu.memref_slice %arg10[%add3A_9, %dma_start3A_46] : memref<10240x112xf32, #tpu.memory_space<vmem_shared>> -> memref<128x112xf32, #tpu.memory_space<vmem_shared>>
      tpu.enqueue_dma source(%arg8 : memref<128x112xf32, #tpu.memory_space<vmem>>) target(%dma_start3A_47 : memref<128x112xf32, #tpu.memory_space<vmem_shared>>) target_semaphore(%run_scoped3A : memref<!tpu.dma_semaphore, #tpu.memory_space<semaphore_mem>>)
      %dma_wait3A = arith.constant 0 : i32
      %dma_wait3A_48 = tpu.memref_slice %arg10[%add3A_9, %dma_wait3A] : memref<10240x112xf32, #tpu.memory_space<vmem_shared>> -> memref<128x112xf32, #tpu.memory_space<vmem_shared>>
      %dma_wait3A_49 = arith.constant 0 : i32
      %dma_wait3A_50 = tpu.memref_slice %arg10[%add3A_9, %dma_wait3A_49] : memref<10240x112xf32, #tpu.memory_space<vmem_shared>> -> memref<128x112xf32, #tpu.memory_space<vmem_shared>>
      tpu.wait_dma2 semaphore(%run_scoped3A : memref<!tpu.dma_semaphore, #tpu.memory_space<semaphore_mem>>) src(%arg8 : memref<128x112xf32, #tpu.memory_space<vmem>>) dst(%dma_wait3A_50 : memref<128x112xf32, #tpu.memory_space<vmem_shared>>)
      tpu.yield
    }) : () -> ()
    %add3A_10 = arith.constant 256 : i32
    %add3A_11 = arith.addi %multiple_of3A, %add3A_10 : i32
    "tpu.region"() ({
      %run_scoped3A = tpu.sem_alloc : memref<!tpu.dma_semaphore, #tpu.memory_space<semaphore_mem>>
      %dma_start3A = arith.constant 0 : i32
      %dma_start3A_45 = tpu.memref_slice %arg10[%add3A_11, %dma_start3A] : memref<10240x112xf32, #tpu.memory_space<vmem_shared>> -> memref<128x112xf32, #tpu.memory_space<vmem_shared>>
      %dma_start3A_46 = arith.constant 0 : i32
      %dma_start3A_47 = tpu.memref_slice %arg10[%add3A_11, %dma_start3A_46] : memref<10240x112xf32, #tpu.memory_space<vmem_shared>> -> memref<128x112xf32, #tpu.memory_space<vmem_shared>>
      tpu.enqueue_dma source(%arg8 : memref<128x112xf32, #tpu.memory_space<vmem>>) target(%dma_start3A_47 : memref<128x112xf32, #tpu.memory_space<vmem_shared>>) target_semaphore(%run_scoped3A : memref<!tpu.dma_semaphore, #tpu.memory_space<semaphore_mem>>)
      %dma_wait3A = arith.constant 0 : i32
      %dma_wait3A_48 = tpu.memref_slice %arg10[%add3A_11, %dma_wait3A] : memref<10240x112xf32, #tpu.memory_space<vmem_shared>> -> memref<128x112xf32, #tpu.memory_space<vmem_shared>>
      %dma_wait3A_49 = arith.constant 0 : i32
      %dma_wait3A_50 = tpu.memref_slice %arg10[%add3A_11, %dma_wait3A_49] : memref<10240x112xf32, #tpu.memory_space<vmem_shared>> -> memref<128x112xf32, #tpu.memory_space<vmem_shared>>
      tpu.wait_dma2 semaphore(%run_scoped3A : memref<!tpu.dma_semaphore, #tpu.memory_space<semaphore_mem>>) src(%arg8 : memref<128x112xf32, #tpu.memory_space<vmem>>) dst(%dma_wait3A_50 : memref<128x112xf32, #tpu.memory_space<vmem_shared>>)
      tpu.yield
    }) : () -> ()
    %add3A_12 = arith.constant 384 : i32
    %add3A_13 = arith.addi %multiple_of3A, %add3A_12 : i32
    "tpu.region"() ({
      %run_scoped3A = tpu.sem_alloc : memref<!tpu.dma_semaphore, #tpu.memory_space<semaphore_mem>>
      %dma_start3A = arith.constant 0 : i32
      %dma_start3A_45 = tpu.memref_slice %arg10[%add3A_13, %dma_start3A] : memref<10240x112xf32, #tpu.memory_space<vmem_shared>> -> memref<128x112xf32, #tpu.memory_space<vmem_shared>>
      %dma_start3A_46 = arith.constant 0 : i32
      %dma_start3A_47 = tpu.memref_slice %arg10[%add3A_13, %dma_start3A_46] : memref<10240x112xf32, #tpu.memory_space<vmem_shared>> -> memref<128x112xf32, #tpu.memory_space<vmem_shared>>
      tpu.enqueue_dma source(%arg8 : memref<128x112xf32, #tpu.memory_space<vmem>>) target(%dma_start3A_47 : memref<128x112xf32, #tpu.memory_space<vmem_shared>>) target_semaphore(%run_scoped3A : memref<!tpu.dma_semaphore, #tpu.memory_space<semaphore_mem>>)
      %dma_wait3A = arith.constant 0 : i32
      %dma_wait3A_48 = tpu.memref_slice %arg10[%add3A_13, %dma_wait3A] : memref<10240x112xf32, #tpu.memory_space<vmem_shared>> -> memref<128x112xf32, #tpu.memory_space<vmem_shared>>
      %dma_wait3A_49 = arith.constant 0 : i32
      %dma_wait3A_50 = tpu.memref_slice %arg10[%add3A_13, %dma_wait3A_49] : memref<10240x112xf32, #tpu.memory_space<vmem_shared>> -> memref<128x112xf32, #tpu.memory_space<vmem_shared>>
      tpu.wait_dma2 semaphore(%run_scoped3A : memref<!tpu.dma_semaphore, #tpu.memory_space<semaphore_mem>>) src(%arg8 : memref<128x112xf32, #tpu.memory_space<vmem>>) dst(%dma_wait3A_50 : memref<128x112xf32, #tpu.memory_space<vmem_shared>>)
      tpu.yield
    }) : () -> ()
    %add3A_14 = arith.constant 512 : i32
    %add3A_15 = arith.addi %multiple_of3A, %add3A_14 : i32
    "tpu.region"() ({
      %run_scoped3A = tpu.sem_alloc : memref<!tpu.dma_semaphore, #tpu.memory_space<semaphore_mem>>
      %dma_start3A = arith.constant 0 : i32
      %dma_start3A_45 = tpu.memref_slice %arg10[%add3A_15, %dma_start3A] : memref<10240x112xf32, #tpu.memory_space<vmem_shared>> -> memref<128x112xf32, #tpu.memory_space<vmem_shared>>
      %dma_start3A_46 = arith.constant 0 : i32
      %dma_start3A_47 = tpu.memref_slice %arg10[%add3A_15, %dma_start3A_46] : memref<10240x112xf32, #tpu.memory_space<vmem_shared>> -> memref<128x112xf32, #tpu.memory_space<vmem_shared>>
      tpu.enqueue_dma source(%arg8 : memref<128x112xf32, #tpu.memory_space<vmem>>) target(%dma_start3A_47 : memref<128x112xf32, #tpu.memory_space<vmem_shared>>) target_semaphore(%run_scoped3A : memref<!tpu.dma_semaphore, #tpu.memory_space<semaphore_mem>>)
      %dma_wait3A = arith.constant 0 : i32
      %dma_wait3A_48 = tpu.memref_slice %arg10[%add3A_15, %dma_wait3A] : memref<10240x112xf32, #tpu.memory_space<vmem_shared>> -> memref<128x112xf32, #tpu.memory_space<vmem_shared>>
      %dma_wait3A_49 = arith.constant 0 : i32
      %dma_wait3A_50 = tpu.memref_slice %arg10[%add3A_15, %dma_wait3A_49] : memref<10240x112xf32, #tpu.memory_space<vmem_shared>> -> memref<128x112xf32, #tpu.memory_space<vmem_shared>>
      tpu.wait_dma2 semaphore(%run_scoped3A : memref<!tpu.dma_semaphore, #tpu.memory_space<semaphore_mem>>) src(%arg8 : memref<128x112xf32, #tpu.memory_space<vmem>>) dst(%dma_wait3A_50 : memref<128x112xf32, #tpu.memory_space<vmem_shared>>)
      tpu.yield
    }) : () -> ()
    %barrier3A = arith.constant 0 : index
    tpu.barrier barrier_id(%barrier3A)
    %iota3A = tpu.iota {dimensions = array<i32: 0>} : vector<16xi32>
    %mul3A_16 = arith.constant 16 : i32
    %mul3A_17 = arith.muli %arg0, %mul3A_16 : i32
    %add3A_18 = arith.addi %mul3A_17, %arg1 : i32
    %mul3A_19 = arith.constant 84 : i32
    %mul3A_20 = arith.muli %add3A_18, %mul3A_19 : i32
    %mul3A_21 = arith.constant 2 : i32
    %mul3A_22 = arith.muli %mul3A_20, %mul3A_21 : i32
    %mul3A_23 = arith.constant 64 : i32
    %mul3A_24 = arith.muli %mul3A_22, %mul3A_23 : i32
    %mul3A_25 = arith.constant 5008 : i32
    %mul3A_26 = arith.muli %arg0, %mul3A_25 : i32
    %scan3A_27 = arith.constant 0 : i32
    %scan3A_28 = arith.constant 0 : i32
    %scan3A_29 = arith.constant 3 : i32
    %scan3A_30 = arith.addi %scan3A_28, %scan3A_29 : i32
    %scan3A_31 = arith.constant 1 : i32
    %scan3A_32 = scf.for %scan3A_45 = %scan3A_28 to %scan3A_30 step %scan3A_31 iter_args(%scan3A_46 = %scan3A_27) -> (i32)  : i32 {
      %mul3A_47 = arith.constant 28 : i32
      %mul3A_48 = arith.muli %scan3A_45, %mul3A_47 : i32
      %mul3A_49 = arith.constant 2 : i32
      %mul3A_50 = arith.muli %mul3A_48, %mul3A_49 : i32
      %mul3A_51 = arith.constant 64 : i32
      %mul3A_52 = arith.muli %mul3A_50, %mul3A_51 : i32
      %add3A_53 = arith.addi %mul3A_24, %mul3A_52 : i32
      %multiple_of3A_54 = tpu.assume_multiple %add3A_53, 8 : i32
      "tpu.region"() ({
        %run_scoped3A = tpu.sem_alloc : memref<!tpu.dma_semaphore, #tpu.memory_space<semaphore_mem>>
        %dma_start3A = tpu.memref_slice %arg3[%multiple_of3A_54] : memref<344064xi32, #tpu.memory_space<hbm>> -> memref<3584xi32, #tpu.memory_space<hbm>>
        %dma_start3A_63 = tpu.memref_slice %arg3[%multiple_of3A_54] : memref<344064xi32, #tpu.memory_space<hbm>> -> memref<3584xi32, #tpu.memory_space<hbm>>
        tpu.enqueue_dma source(%dma_start3A_63 : memref<3584xi32, #tpu.memory_space<hbm>>) target(%arg5 : memref<3584xi32, #tpu.memory_space<vmem>>) target_semaphore(%run_scoped3A : memref<!tpu.dma_semaphore, #tpu.memory_space<semaphore_mem>>)
        %dma_wait3A = tpu.memref_slice %arg3[%multiple_of3A_54] : memref<344064xi32, #tpu.memory_space<hbm>> -> memref<3584xi32, #tpu.memory_space<hbm>>
        %dma_wait3A_64 = tpu.memref_slice %arg3[%multiple_of3A_54] : memref<344064xi32, #tpu.memory_space<hbm>> -> memref<3584xi32, #tpu.memory_space<hbm>>
        tpu.wait_dma2 semaphore(%run_scoped3A : memref<!tpu.dma_semaphore, #tpu.memory_space<semaphore_mem>>) src(%dma_wait3A_64 : memref<3584xi32, #tpu.memory_space<hbm>>) dst(%arg5 : memref<3584xi32, #tpu.memory_space<vmem>>)
        tpu.yield
      }) : () -> ()
      %scan3A_55 = arith.constant 0 : i32
      %scan3A_56 = arith.constant 0 : i32
      %scan3A_57 = arith.constant 14 : i32
      %scan3A_58 = arith.addi %scan3A_56, %scan3A_57 : i32
      %scan3A_59 = arith.constant 1 : i32
      %scan3A_60 = scf.for %scan3A_63 = %scan3A_56 to %scan3A_58 step %scan3A_59 iter_args(%scan3A_64 = %scan3A_55) -> (i32)  : i32 {
        %mul3A_65 = arith.constant 4 : i32
        %mul3A_66 = arith.muli %scan3A_63, %mul3A_65 : i32
        %mul3A_67 = arith.constant 64 : i32
        %mul3A_68 = arith.muli %mul3A_66, %mul3A_67 : i32
        %multiple_of3A_69 = tpu.assume_multiple %mul3A_68, 8 : i32
        %add3A_70 = arith.constant 128 : i32
        %add3A_71 = arith.addi %multiple_of3A_69, %add3A_70 : i32
        %dma_start3A = tpu.memref_slice %arg5[%multiple_of3A_69] : memref<3584xi32, #tpu.memory_space<vmem>> -> memref<128xi32, #tpu.memory_space<vmem>>
        %dma_start3A_72 = arith.constant 0 : i32
        %dma_start3A_73 = arith.constant 0 : i32
        %dma_start3A_74 = tpu.memref_slice %arg2[%dma_start3A_72, %dma_start3A_73] : memref<10016x112xf32, #tpu.memory_space<hbm>> -> memref<10016x112xf32, #tpu.memory_space<hbm>>
        tpu.enqueue_indirect_dma source(%dma_start3A_74 : memref<10016x112xf32, #tpu.memory_space<hbm>>) target(%arg8 : memref<128x112xf32, #tpu.memory_space<vmem>>) offsets(%dma_start3A : memref<128xi32, #tpu.memory_space<vmem>>) semaphore(%arg11 : memref<!tpu.dma_semaphore, #tpu.memory_space<semaphore_mem>>)
        %dma_start3A_75 = tpu.memref_slice %arg5[%add3A_71] : memref<3584xi32, #tpu.memory_space<vmem>> -> memref<128xi32, #tpu.memory_space<vmem>>
        %dma_start3A_76 = arith.constant 0 : i32
        %dma_start3A_77 = arith.constant 0 : i32
        %dma_start3A_78 = tpu.memref_slice %arg2[%dma_start3A_76, %dma_start3A_77] : memref<10016x112xf32, #tpu.memory_space<hbm>> -> memref<10016x112xf32, #tpu.memory_space<hbm>>
        tpu.enqueue_indirect_dma source(%dma_start3A_78 : memref<10016x112xf32, #tpu.memory_space<hbm>>) target(%arg9 : memref<128x112xf32, #tpu.memory_space<vmem>>) offsets(%dma_start3A_75 : memref<128xi32, #tpu.memory_space<vmem>>) semaphore(%arg12 : memref<!tpu.dma_semaphore, #tpu.memory_space<semaphore_mem>>)
        %dma_wait3A = tpu.memref_slice %arg5[%multiple_of3A_69] : memref<3584xi32, #tpu.memory_space<vmem>> -> memref<128xi32, #tpu.memory_space<vmem>>
        %dma_wait3A_79 = arith.constant 0 : i32
        %dma_wait3A_80 = arith.constant 0 : i32
        %dma_wait3A_81 = tpu.memref_slice %arg2[%dma_wait3A_79, %dma_wait3A_80] : memref<10016x112xf32, #tpu.memory_space<hbm>> -> memref<10016x112xf32, #tpu.memory_space<hbm>>
        tpu.wait_indirect_dma semaphore(%arg11 : memref<!tpu.dma_semaphore, #tpu.memory_space<semaphore_mem>>) src(%dma_wait3A_81 : memref<10016x112xf32, #tpu.memory_space<hbm>>) dst(%arg8 : memref<128x112xf32, #tpu.memory_space<vmem>>)
        %add3A_82 = arith.constant 64 : i32
        %add3A_83 = arith.addi %multiple_of3A_69, %add3A_82 : i32
        %add3A_84 = arith.constant 0 : i32
        %add3A_85 = arith.addi %add3A_83, %add3A_84 : i32
        %get3A = arith.index_cast %add3A_85 : i32 to index
        %get3A_86 = tpu.vector_load %arg5[%get3A] {strides = array<i32>} : memref<3584xi32, #tpu.memory_space<vmem>>, vector<16xi32>,
        %get3A_87 = vector.shape_cast %get3A_86 : vector<16xi32> to vector<16xi32>
        %swap3A = arith.constant 0 : index
        %swap3A_88 = tpu.vector_load %arg6[%swap3A] {strides = array<i32>} : memref<64xi32, #tpu.memory_space<vmem>>, vector<16xi32>,
        %swap3A_89 = vector.shape_cast %swap3A_88 : vector<16xi32> to vector<16xi32>
        %swap3A_90 = vector.shape_cast %get3A_87 : vector<16xi32> to vector<16xi32>
        tpu.vector_store %arg6[%swap3A], %swap3A_90 {strides = array<i32>} : memref<64xi32, #tpu.memory_space<vmem>>, vector<16xi32>,
        %add3A_91 = arith.constant 64 : i32
        %add3A_92 = arith.addi %multiple_of3A_69, %add3A_91 : i32
        %add3A_93 = arith.constant 16 : i32
        %add3A_94 = arith.addi %add3A_92, %add3A_93 : i32
        %get3A_95 = arith.index_cast %add3A_94 : i32 to index
        %get3A_96 = tpu.vector_load %arg5[%get3A_95] {strides = array<i32>} : memref<3584xi32, #tpu.memory_space<vmem>>, vector<16xi32>,
        %get3A_97 = vector.shape_cast %get3A_96 : vector<16xi32> to vector<16xi32>
        %swap3A_98 = arith.constant 16 : index
        %swap3A_99 = tpu.vector_load %arg6[%swap3A_98] {strides = array<i32>} : memref<64xi32, #tpu.memory_space<vmem>>, vector<16xi32>,
        %swap3A_100 = vector.shape_cast %swap3A_99 : vector<16xi32> to vector<16xi32>
        %swap3A_101 = vector.shape_cast %get3A_97 : vector<16xi32> to vector<16xi32>
        tpu.vector_store %arg6[%swap3A_98], %swap3A_101 {strides = array<i32>} : memref<64xi32, #tpu.memory_space<vmem>>, vector<16xi32>,
        %add3A_102 = arith.constant 64 : i32
        %add3A_103 = arith.addi %multiple_of3A_69, %add3A_102 : i32
        %add3A_104 = arith.constant 32 : i32
        %add3A_105 = arith.addi %add3A_103, %add3A_104 : i32
        %get3A_106 = arith.index_cast %add3A_105 : i32 to index
        %get3A_107 = tpu.vector_load %arg5[%get3A_106] {strides = array<i32>} : memref<3584xi32, #tpu.memory_space<vmem>>, vector<16xi32>,
        %get3A_108 = vector.shape_cast %get3A_107 : vector<16xi32> to vector<16xi32>
        %swap3A_109 = arith.constant 32 : index
        %swap3A_110 = tpu.vector_load %arg6[%swap3A_109] {strides = array<i32>} : memref<64xi32, #tpu.memory_space<vmem>>, vector<16xi32>,
        %swap3A_111 = vector.shape_cast %swap3A_110 : vector<16xi32> to vector<16xi32>
        %swap3A_112 = vector.shape_cast %get3A_108 : vector<16xi32> to vector<16xi32>
        tpu.vector_store %arg6[%swap3A_109], %swap3A_112 {strides = array<i32>} : memref<64xi32, #tpu.memory_space<vmem>>, vector<16xi32>,
        %add3A_113 = arith.constant 64 : i32
        %add3A_114 = arith.addi %multiple_of3A_69, %add3A_113 : i32
        %add3A_115 = arith.constant 48 : i32
        %add3A_116 = arith.addi %add3A_114, %add3A_115 : i32
        %get3A_117 = arith.index_cast %add3A_116 : i32 to index
        %get3A_118 = tpu.vector_load %arg5[%get3A_117] {strides = array<i32>} : memref<3584xi32, #tpu.memory_space<vmem>>, vector<16xi32>,
        %get3A_119 = vector.shape_cast %get3A_118 : vector<16xi32> to vector<16xi32>
        %swap3A_120 = arith.constant 48 : index
        %swap3A_121 = tpu.vector_load %arg6[%swap3A_120] {strides = array<i32>} : memref<64xi32, #tpu.memory_space<vmem>>, vector<16xi32>,
        %swap3A_122 = vector.shape_cast %swap3A_121 : vector<16xi32> to vector<16xi32>
        %swap3A_123 = vector.shape_cast %get3A_119 : vector<16xi32> to vector<16xi32>
        tpu.vector_store %arg6[%swap3A_120], %swap3A_123 {strides = array<i32>} : memref<64xi32, #tpu.memory_space<vmem>>, vector<16xi32>,
        %scan3A_124 = arith.constant 0 : i32
        %scan3A_125 = arith.constant 0 : i32
        %scan3A_126 = arith.constant 4 : i32
        %scan3A_127 = arith.addi %scan3A_125, %scan3A_126 : i32
        %scan3A_128 = arith.constant 1 : i32
        %scan3A_129 = scf.for %scan3A_187 = %scan3A_125 to %scan3A_127 step %scan3A_128 iter_args(%scan3A_188 = %scan3A_124) -> (i32)  : i32 {
          %broadcast_in_dim3A = arith.constant 0.000000e+00 : f32
          %broadcast_in_dim3A_189 = vector.broadcast %broadcast_in_dim3A : f32 to vector<16xf32>
          %scan3A_190 = arith.constant 0 : i32
          %scan3A_191 = arith.constant 16 : i32
          %scan3A_192 = arith.addi %scan3A_190, %scan3A_191 : i32
          %scan3A_193 = arith.constant 1 : i32
          %scan3A_194 = scf.for %scan3A_204 = %scan3A_190 to %scan3A_192 step %scan3A_193 iter_args(%scan3A_205 = %broadcast_in_dim3A_189) -> (vector<16xf32>)  : i32 {
            %mul3A_206 = arith.constant 16 : i32
            %mul3A_207 = arith.muli %scan3A_187, %mul3A_206 : i32
            %add3A_208 = arith.addi %mul3A_207, %scan3A_204 : i32
            %get3A_209 = arith.index_cast %add3A_208 : i32 to index
            %get3A_210 = arith.constant 96 : index
            %get3A_211 = tpu.vector_load %arg8[%get3A_209, %get3A_210] {strides = array<i32>} : memref<128x112xf32, #tpu.memory_space<vmem>>, vector<1x16xf32>,
            %get3A_212 = vector.shape_cast %get3A_211 : vector<1x16xf32> to vector<16xf32>
            %add3A_213 = arith.constant 64 : i32
            %add3A_214 = arith.addi %add3A_213, %add3A_208 : i32
            %get3A_215 = arith.index_cast %add3A_214 : i32 to index
            %get3A_216 = arith.constant 96 : index
            %get3A_217 = tpu.vector_load %arg8[%get3A_215, %get3A_216] {strides = array<i32>} : memref<128x112xf32, #tpu.memory_space<vmem>>, vector<1x16xf32>,
            %get3A_218 = vector.shape_cast %get3A_217 : vector<1x16xf32> to vector<16xf32>
            %lt3A = arith.constant 4 : i32
            %lt3A_219 = vector.broadcast %lt3A : i32 to vector<16xi32>
            %lt3A_220 = arith.cmpi slt, %iota3A, %lt3A_219 : vector<16xi32>
            %mul3A_221 = arith.mulf %get3A_212, %get3A_218 : vector<16xf32>
            %jit3A = arith.constant 0.000000e+00 : f32
            %broadcast_in_dim3A_222 = vector.broadcast %jit3A : f32 to vector<16xf32>
            %select_n3A = arith.select %lt3A_220, %mul3A_221, %broadcast_in_dim3A_222 : vector<16xi1>, vector<16xf32>
            %get3A_223 = arith.index_cast %add3A_208 : i32 to index
            %get3A_224 = arith.constant 0 : index
            %get3A_225 = tpu.vector_load %arg8[%get3A_223, %get3A_224] {strides = array<i32>} : memref<128x112xf32, #tpu.memory_space<vmem>>, vector<1x16xf32>,
            %get3A_226 = vector.shape_cast %get3A_225 : vector<1x16xf32> to vector<16xf32>
            %add3A_227 = arith.constant 64 : i32
            %add3A_228 = arith.addi %add3A_227, %add3A_208 : i32
            %get3A_229 = arith.index_cast %add3A_228 : i32 to index
            %get3A_230 = arith.constant 0 : index
            %get3A_231 = tpu.vector_load %arg8[%get3A_229, %get3A_230] {strides = array<i32>} : memref<128x112xf32, #tpu.memory_space<vmem>>, vector<1x16xf32>,
            %get3A_232 = vector.shape_cast %get3A_231 : vector<1x16xf32> to vector<16xf32>
            %mul3A_233 = arith.mulf %get3A_226, %get3A_232 : vector<16xf32>
            %add3A_234 = arith.addf %select_n3A, %mul3A_233 : vector<16xf32>
            %get3A_235 = arith.index_cast %add3A_208 : i32 to index
            %get3A_236 = arith.constant 16 : index
            %get3A_237 = tpu.vector_load %arg8[%get3A_235, %get3A_236] {strides = array<i32>} : memref<128x112xf32, #tpu.memory_space<vmem>>, vector<1x16xf32>,
            %get3A_238 = vector.shape_cast %get3A_237 : vector<1x16xf32> to vector<16xf32>
            %add3A_239 = arith.constant 64 : i32
            %add3A_240 = arith.addi %add3A_239, %add3A_208 : i32
            %get3A_241 = arith.index_cast %add3A_240 : i32 to index
            %get3A_242 = arith.constant 16 : index
            %get3A_243 = tpu.vector_load %arg8[%get3A_241, %get3A_242] {strides = array<i32>} : memref<128x112xf32, #tpu.memory_space<vmem>>, vector<1x16xf32>,
            %get3A_244 = vector.shape_cast %get3A_243 : vector<1x16xf32> to vector<16xf32>
            %mul3A_245 = arith.mulf %get3A_238, %get3A_244 : vector<16xf32>
            %add3A_246 = arith.addf %add3A_234, %mul3A_245 : vector<16xf32>
            %get3A_247 = arith.index_cast %add3A_208 : i32 to index
            %get3A_248 = arith.constant 32 : index
            %get3A_249 = tpu.vector_load %arg8[%get3A_247, %get3A_248] {strides = array<i32>} : memref<128x112xf32, #tpu.memory_space<vmem>>, vector<1x16xf32>,
            %get3A_250 = vector.shape_cast %get3A_249 : vector<1x16xf32> to vector<16xf32>
            %add3A_251 = arith.constant 64 : i32
            %add3A_252 = arith.addi %add3A_251, %add3A_208 : i32
            %get3A_253 = arith.index_cast %add3A_252 : i32 to index
            %get3A_254 = arith.constant 32 : index
            %get3A_255 = tpu.vector_load %arg8[%get3A_253, %get3A_254] {strides = array<i32>} : memref<128x112xf32, #tpu.memory_space<vmem>>, vector<1x16xf32>,
            %get3A_256 = vector.shape_cast %get3A_255 : vector<1x16xf32> to vector<16xf32>
            %mul3A_257 = arith.mulf %get3A_250, %get3A_256 : vector<16xf32>
            %add3A_258 = arith.addf %add3A_246, %mul3A_257 : vector<16xf32>
            %get3A_259 = arith.index_cast %add3A_208 : i32 to index
            %get3A_260 = arith.constant 48 : index
            %get3A_261 = tpu.vector_load %arg8[%get3A_259, %get3A_260] {strides = array<i32>} : memref<128x112xf32, #tpu.memory_space<vmem>>, vector<1x16xf32>,
            %get3A_262 = vector.shape_cast %get3A_261 : vector<1x16xf32> to vector<16xf32>
            %add3A_263 = arith.constant 64 : i32
            %add3A_264 = arith.addi %add3A_263, %add3A_208 : i32
            %get3A_265 = arith.index_cast %add3A_264 : i32 to index
            %get3A_266 = arith.constant 48 : index
            %get3A_267 = tpu.vector_load %arg8[%get3A_265, %get3A_266] {strides = array<i32>} : memref<128x112xf32, #tpu.memory_space<vmem>>, vector<1x16xf32>,
            %get3A_268 = vector.shape_cast %get3A_267 : vector<1x16xf32> to vector<16xf32>
            %mul3A_269 = arith.mulf %get3A_262, %get3A_268 : vector<16xf32>
            %add3A_270 = arith.addf %add3A_258, %mul3A_269 : vector<16xf32>
            %get3A_271 = arith.index_cast %add3A_208 : i32 to index
            %get3A_272 = arith.constant 64 : index
            %get3A_273 = tpu.vector_load %arg8[%get3A_271, %get3A_272] {strides = array<i32>} : memref<128x112xf32, #tpu.memory_space<vmem>>, vector<1x16xf32>,
            %get3A_274 = vector.shape_cast %get3A_273 : vector<1x16xf32> to vector<16xf32>
            %add3A_275 = arith.constant 64 : i32
            %add3A_276 = arith.addi %add3A_275, %add3A_208 : i32
            %get3A_277 = arith.index_cast %add3A_276 : i32 to index
            %get3A_278 = arith.constant 64 : index
            %get3A_279 = tpu.vector_load %arg8[%get3A_277, %get3A_278] {strides = array<i32>} : memref<128x112xf32, #tpu.memory_space<vmem>>, vector<1x16xf32>,
            %get3A_280 = vector.shape_cast %get3A_279 : vector<1x16xf32> to vector<16xf32>
            %mul3A_281 = arith.mulf %get3A_274, %get3A_280 : vector<16xf32>
            %add3A_282 = arith.addf %add3A_270, %mul3A_281 : vector<16xf32>
            %get3A_283 = arith.index_cast %add3A_208 : i32 to index
            %get3A_284 = arith.constant 80 : index
            %get3A_285 = tpu.vector_load %arg8[%get3A_283, %get3A_284] {strides = array<i32>} : memref<128x112xf32, #tpu.memory_space<vmem>>, vector<1x16xf32>,
            %get3A_286 = vector.shape_cast %get3A_285 : vector<1x16xf32> to vector<16xf32>
            %add3A_287 = arith.constant 64 : i32
            %add3A_288 = arith.addi %add3A_287, %add3A_208 : i32
            %get3A_289 = arith.index_cast %add3A_288 : i32 to index
            %get3A_290 = arith.constant 80 : index
            %get3A_291 = tpu.vector_load %arg8[%get3A_289, %get3A_290] {strides = array<i32>} : memref<128x112xf32, #tpu.memory_space<vmem>>, vector<1x16xf32>,
            %get3A_292 = vector.shape_cast %get3A_291 : vector<1x16xf32> to vector<16xf32>
            %mul3A_293 = arith.mulf %get3A_286, %get3A_292 : vector<16xf32>
            %add3A_294 = arith.addf %add3A_282, %mul3A_293 : vector<16xf32>
            %xor3A = arith.constant 8 : i32
            %xor3A_295 = vector.broadcast %xor3A : i32 to vector<16xi32>
            %xor3A_296 = arith.xori %iota3A, %xor3A_295 : vector<16xi32>
            %lt3A_297 = arith.constant 0 : i32
            %lt3A_298 = vector.broadcast %lt3A_297 : i32 to vector<16xi32>
            %lt3A_299 = arith.cmpi slt, %xor3A_296, %lt3A_298 : vector<16xi32>
            %add3A_300 = arith.constant 16 : i32
            %add3A_301 = vector.broadcast %add3A_300 : i32 to vector<16xi32>
            %add3A_302 = arith.addi %xor3A_296, %add3A_301 : vector<16xi32>
            %select_n3A_303 = arith.select %lt3A_299, %add3A_302, %xor3A_296 : vector<16xi1>, vector<16xi32>
            %broadcast_in_dim3A_304 = vector.shape_cast %select_n3A_303 : vector<16xi32> to vector<16x1xi32>
            %gather3A = vector.shape_cast %broadcast_in_dim3A_304 : vector<16x1xi32> to vector<16xi32>
            %gather3A_305 = tpu.dynamic_gather %add3A_294[%gather3A] in [0] : vector<16xf32>, vector<16xi32> -> vector<16xf32>
            %add3A_306 = arith.addf %add3A_294, %gather3A_305 : vector<16xf32>
            %xor3A_307 = arith.constant 4 : i32
            %xor3A_308 = vector.broadcast %xor3A_307 : i32 to vector<16xi32>
            %xor3A_309 = arith.xori %iota3A, %xor3A_308 : vector<16xi32>
            %lt3A_310 = arith.constant 0 : i32
            %lt3A_311 = vector.broadcast %lt3A_310 : i32 to vector<16xi32>
            %lt3A_312 = arith.cmpi slt, %xor3A_309, %lt3A_311 : vector<16xi32>
            %add3A_313 = arith.constant 16 : i32
            %add3A_314 = vector.broadcast %add3A_313 : i32 to vector<16xi32>
            %add3A_315 = arith.addi %xor3A_309, %add3A_314 : vector<16xi32>
            %select_n3A_316 = arith.select %lt3A_312, %add3A_315, %xor3A_309 : vector<16xi1>, vector<16xi32>
            %broadcast_in_dim3A_317 = vector.shape_cast %select_n3A_316 : vector<16xi32> to vector<16x1xi32>
            %gather3A_318 = vector.shape_cast %broadcast_in_dim3A_317 : vector<16x1xi32> to vector<16xi32>
            %gather3A_319 = tpu.dynamic_gather %add3A_306[%gather3A_318] in [0] : vector<16xf32>, vector<16xi32> -> vector<16xf32>
            %add3A_320 = arith.addf %add3A_306, %gather3A_319 : vector<16xf32>
            %xor3A_321 = arith.constant 2 : i32
            %xor3A_322 = vector.broadcast %xor3A_321 : i32 to vector<16xi32>
            %xor3A_323 = arith.xori %iota3A, %xor3A_322 : vector<16xi32>
            %lt3A_324 = arith.constant 0 : i32
            %lt3A_325 = vector.broadcast %lt3A_324 : i32 to vector<16xi32>
            %lt3A_326 = arith.cmpi slt, %xor3A_323, %lt3A_325 : vector<16xi32>
            %add3A_327 = arith.constant 16 : i32
            %add3A_328 = vector.broadcast %add3A_327 : i32 to vector<16xi32>
            %add3A_329 = arith.addi %xor3A_323, %add3A_328 : vector<16xi32>
            %select_n3A_330 = arith.select %lt3A_326, %add3A_329, %xor3A_323 : vector<16xi1>, vector<16xi32>
            %broadcast_in_dim3A_331 = vector.shape_cast %select_n3A_330 : vector<16xi32> to vector<16x1xi32>
            %gather3A_332 = vector.shape_cast %broadcast_in_dim3A_331 : vector<16x1xi32> to vector<16xi32>
            %gather3A_333 = tpu.dynamic_gather %add3A_320[%gather3A_332] in [0] : vector<16xf32>, vector<16xi32> -> vector<16xf32>
            %add3A_334 = arith.addf %add3A_320, %gather3A_333 : vector<16xf32>
            %xor3A_335 = arith.constant 1 : i32
            %xor3A_336 = vector.broadcast %xor3A_335 : i32 to vector<16xi32>
            %xor3A_337 = arith.xori %iota3A, %xor3A_336 : vector<16xi32>
            %lt3A_338 = arith.constant 0 : i32
            %lt3A_339 = vector.broadcast %lt3A_338 : i32 to vector<16xi32>
            %lt3A_340 = arith.cmpi slt, %xor3A_337, %lt3A_339 : vector<16xi32>
            %add3A_341 = arith.constant 16 : i32
            %add3A_342 = vector.broadcast %add3A_341 : i32 to vector<16xi32>
            %add3A_343 = arith.addi %xor3A_337, %add3A_342 : vector<16xi32>
            %select_n3A_344 = arith.select %lt3A_340, %add3A_343, %xor3A_337 : vector<16xi1>, vector<16xi32>
            %broadcast_in_dim3A_345 = vector.shape_cast %select_n3A_344 : vector<16xi32> to vector<16x1xi32>
            %gather3A_346 = vector.shape_cast %broadcast_in_dim3A_345 : vector<16x1xi32> to vector<16xi32>
            %gather3A_347 = tpu.dynamic_gather %add3A_334[%gather3A_346] in [0] : vector<16xf32>, vector<16xi32> -> vector<16xf32>
            %add3A_348 = arith.addf %add3A_334, %gather3A_347 : vector<16xf32>
            %slice3A = vector.extract_strided_slice %get3A_212 {offsets = [14], sizes = [1], strides = [1]} : vector<16xf32> to vector<1xf32>
            %squeeze3A = vector.extract %slice3A[0] : f32 from vector<1xf32>
            %slice3A_349 = vector.extract_strided_slice %get3A_218 {offsets = [13], sizes = [1], strides = [1]} : vector<16xf32> to vector<1xf32>
            %squeeze3A_350 = vector.extract %slice3A_349[0] : f32 from vector<1xf32>
            %mul3A_351 = arith.mulf %squeeze3A, %squeeze3A_350 : f32
            %mul3A_352 = vector.broadcast %mul3A_351 : f32 to vector<16xf32>
            %mul3A_353 = arith.mulf %mul3A_352, %add3A_348 : vector<16xf32>
            %eq3A = vector.broadcast %scan3A_204 : i32 to vector<16xi32>
            %eq3A_354 = arith.cmpi eq, %iota3A, %eq3A : vector<16xi32>
            %select_n3A_355 = arith.select %eq3A_354, %mul3A_353, %scan3A_205 : vector<16xi1>, vector<16xf32>
            scf.yield %select_n3A_355 : vector<16xf32>
          }
          %scan3A_195 = arith.constant 16 : i32
          %exp3A = math.exp %scan3A_194 : vector<16xf32>
          %scan3A_196 = arith.constant 0 : i32
          %scan3A_197 = arith.constant 0 : i32
          %scan3A_198 = arith.constant 16 : i32
          %scan3A_199 = arith.addi %scan3A_197, %scan3A_198 : i32
          %scan3A_200 = arith.constant 1 : i32
          %scan3A_201 = scf.for %scan3A_204 = %scan3A_197 to %scan3A_199 step %scan3A_200 iter_args(%scan3A_205 = %scan3A_196) -> (i32)  : i32 {
            %mul3A_206 = arith.constant 16 : i32
            %mul3A_207 = arith.muli %scan3A_187, %mul3A_206 : i32
            %add3A_208 = arith.addi %mul3A_207, %scan3A_204 : i32
            %broadcast_in_dim3A_209 = vector.broadcast %scan3A_204 : i32 to vector<16xi32>
            %lt3A = arith.constant 0 : i32
            %lt3A_210 = vector.broadcast %lt3A : i32 to vector<16xi32>
            %lt3A_211 = arith.cmpi slt, %broadcast_in_dim3A_209, %lt3A_210 : vector<16xi32>
            %add3A_212 = arith.constant 16 : i32
            %add3A_213 = vector.broadcast %add3A_212 : i32 to vector<16xi32>
            %add3A_214 = arith.addi %broadcast_in_dim3A_209, %add3A_213 : vector<16xi32>
            %select_n3A = arith.select %lt3A_211, %add3A_214, %broadcast_in_dim3A_209 : vector<16xi1>, vector<16xi32>
            %broadcast_in_dim3A_215 = vector.shape_cast %select_n3A : vector<16xi32> to vector<16x1xi32>
            %gather3A = vector.shape_cast %broadcast_in_dim3A_215 : vector<16x1xi32> to vector<16xi32>
            %gather3A_216 = tpu.dynamic_gather %exp3A[%gather3A] in [0] : vector<16xf32>, vector<16xi32> -> vector<16xf32>
            %get3A_217 = arith.index_cast %add3A_208 : i32 to index
            %get3A_218 = arith.constant 0 : index
            %get3A_219 = tpu.vector_load %arg8[%get3A_217, %get3A_218] {strides = array<i32>} : memref<128x112xf32, #tpu.memory_space<vmem>>, vector<1x16xf32>,
            %get3A_220 = vector.shape_cast %get3A_219 : vector<1x16xf32> to vector<16xf32>
            %mul3A_221 = arith.mulf %get3A_220, %gather3A_216 : vector<16xf32>
            %swap3A_222 = arith.index_cast %add3A_208 : i32 to index
            %swap3A_223 = arith.constant 0 : index
            %swap3A_224 = tpu.vector_load %arg8[%swap3A_222, %swap3A_223] {strides = array<i32>} : memref<128x112xf32, #tpu.memory_space<vmem>>, vector<1x16xf32>,
            %swap3A_225 = vector.shape_cast %swap3A_224 : vector<1x16xf32> to vector<16xf32>
            %swap3A_226 = vector.shape_cast %mul3A_221 : vector<16xf32> to vector<1x16xf32>
            tpu.vector_store %arg8[%swap3A_222, %swap3A_223], %swap3A_226 {strides = array<i32>} : memref<128x112xf32, #tpu.memory_space<vmem>>, vector<1x16xf32>,
            %get3A_227 = arith.index_cast %add3A_208 : i32 to index
            %get3A_228 = arith.constant 16 : index
            %get3A_229 = tpu.vector_load %arg8[%get3A_227, %get3A_228] {strides = array<i32>} : memref<128x112xf32, #tpu.memory_space<vmem>>, vector<1x16xf32>,
            %get3A_230 = vector.shape_cast %get3A_229 : vector<1x16xf32> to vector<16xf32>
            %mul3A_231 = arith.mulf %get3A_230, %gather3A_216 : vector<16xf32>
            %swap3A_232 = arith.index_cast %add3A_208 : i32 to index
            %swap3A_233 = arith.constant 16 : index
            %swap3A_234 = tpu.vector_load %arg8[%swap3A_232, %swap3A_233] {strides = array<i32>} : memref<128x112xf32, #tpu.memory_space<vmem>>, vector<1x16xf32>,
            %swap3A_235 = vector.shape_cast %swap3A_234 : vector<1x16xf32> to vector<16xf32>
            %swap3A_236 = vector.shape_cast %mul3A_231 : vector<16xf32> to vector<1x16xf32>
            tpu.vector_store %arg8[%swap3A_232, %swap3A_233], %swap3A_236 {strides = array<i32>} : memref<128x112xf32, #tpu.memory_space<vmem>>, vector<1x16xf32>,
            %get3A_237 = arith.index_cast %add3A_208 : i32 to index
            %get3A_238 = arith.constant 32 : index
            %get3A_239 = tpu.vector_load %arg8[%get3A_237, %get3A_238] {strides = array<i32>} : memref<128x112xf32, #tpu.memory_space<vmem>>, vector<1x16xf32>,
            %get3A_240 = vector.shape_cast %get3A_239 : vector<1x16xf32> to vector<16xf32>
            %mul3A_241 = arith.mulf %get3A_240, %gather3A_216 : vector<16xf32>
            %swap3A_242 = arith.index_cast %add3A_208 : i32 to index
            %swap3A_243 = arith.constant 32 : index
            %swap3A_244 = tpu.vector_load %arg8[%swap3A_242, %swap3A_243] {strides = array<i32>} : memref<128x112xf32, #tpu.memory_space<vmem>>, vector<1x16xf32>,
            %swap3A_245 = vector.shape_cast %swap3A_244 : vector<1x16xf32> to vector<16xf32>
            %swap3A_246 = vector.shape_cast %mul3A_241 : vector<16xf32> to vector<1x16xf32>
            tpu.vector_store %arg8[%swap3A_242, %swap3A_243], %swap3A_246 {strides = array<i32>} : memref<128x112xf32, #tpu.memory_space<vmem>>, vector<1x16xf32>,
            %get3A_247 = arith.index_cast %add3A_208 : i32 to index
            %get3A_248 = arith.constant 48 : index
            %get3A_249 = tpu.vector_load %arg8[%get3A_247, %get3A_248] {strides = array<i32>} : memref<128x112xf32, #tpu.memory_space<vmem>>, vector<1x16xf32>,
            %get3A_250 = vector.shape_cast %get3A_249 : vector<1x16xf32> to vector<16xf32>
            %mul3A_251 = arith.mulf %get3A_250, %gather3A_216 : vector<16xf32>
            %swap3A_252 = arith.index_cast %add3A_208 : i32 to index
            %swap3A_253 = arith.constant 48 : index
            %swap3A_254 = tpu.vector_load %arg8[%swap3A_252, %swap3A_253] {strides = array<i32>} : memref<128x112xf32, #tpu.memory_space<vmem>>, vector<1x16xf32>,
            %swap3A_255 = vector.shape_cast %swap3A_254 : vector<1x16xf32> to vector<16xf32>
            %swap3A_256 = vector.shape_cast %mul3A_251 : vector<16xf32> to vector<1x16xf32>
            tpu.vector_store %arg8[%swap3A_252, %swap3A_253], %swap3A_256 {strides = array<i32>} : memref<128x112xf32, #tpu.memory_space<vmem>>, vector<1x16xf32>,
            %get3A_257 = arith.index_cast %add3A_208 : i32 to index
            %get3A_258 = arith.constant 64 : index
            %get3A_259 = tpu.vector_load %arg8[%get3A_257, %get3A_258] {strides = array<i32>} : memref<128x112xf32, #tpu.memory_space<vmem>>, vector<1x16xf32>,
            %get3A_260 = vector.shape_cast %get3A_259 : vector<1x16xf32> to vector<16xf32>
            %mul3A_261 = arith.mulf %get3A_260, %gather3A_216 : vector<16xf32>
            %swap3A_262 = arith.index_cast %add3A_208 : i32 to index
            %swap3A_263 = arith.constant 64 : index
            %swap3A_264 = tpu.vector_load %arg8[%swap3A_262, %swap3A_263] {strides = array<i32>} : memref<128x112xf32, #tpu.memory_space<vmem>>, vector<1x16xf32>,
            %swap3A_265 = vector.shape_cast %swap3A_264 : vector<1x16xf32> to vector<16xf32>
            %swap3A_266 = vector.shape_cast %mul3A_261 : vector<16xf32> to vector<1x16xf32>
            tpu.vector_store %arg8[%swap3A_262, %swap3A_263], %swap3A_266 {strides = array<i32>} : memref<128x112xf32, #tpu.memory_space<vmem>>, vector<1x16xf32>,
            %get3A_267 = arith.index_cast %add3A_208 : i32 to index
            %get3A_268 = arith.constant 80 : index
            %get3A_269 = tpu.vector_load %arg8[%get3A_267, %get3A_268] {strides = array<i32>} : memref<128x112xf32, #tpu.memory_space<vmem>>, vector<1x16xf32>,
            %get3A_270 = vector.shape_cast %get3A_269 : vector<1x16xf32> to vector<16xf32>
            %mul3A_271 = arith.mulf %get3A_270, %gather3A_216 : vector<16xf32>
            %swap3A_272 = arith.index_cast %add3A_208 : i32 to index
            %swap3A_273 = arith.constant 80 : index
            %swap3A_274 = tpu.vector_load %arg8[%swap3A_272, %swap3A_273] {strides = array<i32>} : memref<128x112xf32, #tpu.memory_space<vmem>>, vector<1x16xf32>,
            %swap3A_275 = vector.shape_cast %swap3A_274 : vector<1x16xf32> to vector<16xf32>
            %swap3A_276 = vector.shape_cast %mul3A_271 : vector<16xf32> to vector<1x16xf32>
            tpu.vector_store %arg8[%swap3A_272, %swap3A_273], %swap3A_276 {strides = array<i32>} : memref<128x112xf32, #tpu.memory_space<vmem>>, vector<1x16xf32>,
            %get3A_277 = arith.index_cast %add3A_208 : i32 to index
            %get3A_278 = arith.constant 96 : index
            %get3A_279 = tpu.vector_load %arg8[%get3A_277, %get3A_278] {strides = array<i32>} : memref<128x112xf32, #tpu.memory_space<vmem>>, vector<1x16xf32>,
            %get3A_280 = vector.shape_cast %get3A_279 : vector<1x16xf32> to vector<16xf32>
            %mul3A_281 = arith.mulf %get3A_280, %gather3A_216 : vector<16xf32>
            %swap3A_282 = arith.index_cast %add3A_208 : i32 to index
            %swap3A_283 = arith.constant 96 : index
            %swap3A_284 = tpu.vector_load %arg8[%swap3A_282, %swap3A_283] {strides = array<i32>} : memref<128x112xf32, #tpu.memory_space<vmem>>, vector<1x16xf32>,
            %swap3A_285 = vector.shape_cast %swap3A_284 : vector<1x16xf32> to vector<16xf32>
            %swap3A_286 = vector.shape_cast %mul3A_281 : vector<16xf32> to vector<1x16xf32>
            tpu.vector_store %arg8[%swap3A_282, %swap3A_283], %swap3A_286 {strides = array<i32>} : memref<128x112xf32, #tpu.memory_space<vmem>>, vector<1x16xf32>,
            %scan3A_287 = arith.constant 0 : i32
            scf.yield %scan3A_287 : i32
          }
          %scan3A_202 = arith.constant 16 : i32
          %scan3A_203 = arith.constant 0 : i32
          scf.yield %scan3A_203 : i32
        }
        %scan3A_130 = arith.constant 4 : i32
        "tpu.region"() ({
          %run_scoped3A = tpu.sem_alloc : memref<!tpu.dma_semaphore, #tpu.memory_space<semaphore_mem>>
          %dma_start3A_187 = arith.constant 0 : i32
          %dma_start3A_188 = arith.constant 0 : i32
          %dma_start3A_189 = tpu.memref_slice %arg8[%dma_start3A_187, %dma_start3A_188] : memref<128x112xf32, #tpu.memory_space<vmem>> -> memref<64x112xf32, #tpu.memory_space<vmem>>
          %dma_start3A_190 = arith.constant 0 : i32
          %dma_start3A_191 = arith.constant 0 : i32
          %dma_start3A_192 = tpu.memref_slice %arg10[%dma_start3A_190, %dma_start3A_191] : memref<10240x112xf32, #tpu.memory_space<vmem_shared>> -> memref<10240x112xf32, #tpu.memory_space<vmem_shared>>
          tpu.enqueue_indirect_dma source(%dma_start3A_189 : memref<64x112xf32, #tpu.memory_space<vmem>>) target(%dma_start3A_192 : memref<10240x112xf32, #tpu.memory_space<vmem_shared>>) offsets(%arg6 : memref<64xi32, #tpu.memory_space<vmem>>) semaphore(%run_scoped3A : memref<!tpu.dma_semaphore, #tpu.memory_space<semaphore_mem>>) {add = true}
          %dma_wait3A_193 = arith.constant 0 : i32
          %dma_wait3A_194 = arith.constant 0 : i32
          %dma_wait3A_195 = tpu.memref_slice %arg8[%dma_wait3A_193, %dma_wait3A_194] : memref<128x112xf32, #tpu.memory_space<vmem>> -> memref<64x112xf32, #tpu.memory_space<vmem>>
          %dma_wait3A_196 = arith.constant 0 : i32
          %dma_wait3A_197 = arith.constant 0 : i32
          %dma_wait3A_198 = tpu.memref_slice %arg10[%dma_wait3A_196, %dma_wait3A_197] : memref<10240x112xf32, #tpu.memory_space<vmem_shared>> -> memref<10240x112xf32, #tpu.memory_space<vmem_shared>>
          tpu.wait_indirect_dma semaphore(%run_scoped3A : memref<!tpu.dma_semaphore, #tpu.memory_space<semaphore_mem>>) src(%dma_wait3A_195 : memref<64x112xf32, #tpu.memory_space<vmem>>) dst(%dma_wait3A_198 : memref<10240x112xf32, #tpu.memory_space<vmem_shared>>)
          tpu.yield
        }) : () -> ()
        %dma_wait3A_131 = tpu.memref_slice %arg5[%add3A_71] : memref<3584xi32, #tpu.memory_space<vmem>> -> memref<128xi32, #tpu.memory_space<vmem>>
        %dma_wait3A_132 = arith.constant 0 : i32
        %dma_wait3A_133 = arith.constant 0 : i32
        %dma_wait3A_134 = tpu.memref_slice %arg2[%dma_wait3A_132, %dma_wait3A_133] : memref<10016x112xf32, #tpu.memory_space<hbm>> -> memref<10016x112xf32, #tpu.memory_space<hbm>>
        tpu.wait_indirect_dma semaphore(%arg12 : memref<!tpu.dma_semaphore, #tpu.memory_space<semaphore_mem>>) src(%dma_wait3A_134 : memref<10016x112xf32, #tpu.memory_space<hbm>>) dst(%arg9 : memref<128x112xf32, #tpu.memory_space<vmem>>)
        %add3A_135 = arith.constant 64 : i32
        %add3A_136 = arith.addi %add3A_71, %add3A_135 : i32
        %add3A_137 = arith.constant 0 : i32
        %add3A_138 = arith.addi %add3A_136, %add3A_137 : i32
        %get3A_139 = arith.index_cast %add3A_138 : i32 to index
        %get3A_140 = tpu.vector_load %arg5[%get3A_139] {strides = array<i32>} : memref<3584xi32, #tpu.memory_space<vmem>>, vector<16xi32>,
        %get3A_141 = vector.shape_cast %get3A_140 : vector<16xi32> to vector<16xi32>
        %swap3A_142 = arith.constant 0 : index
        %swap3A_143 = tpu.vector_load %arg7[%swap3A_142] {strides = array<i32>} : memref<64xi32, #tpu.memory_space<vmem>>, vector<16xi32>,
        %swap3A_144 = vector.shape_cast %swap3A_143 : vector<16xi32> to vector<16xi32>
        %swap3A_145 = vector.shape_cast %get3A_141 : vector<16xi32> to vector<16xi32>
        tpu.vector_store %arg7[%swap3A_142], %swap3A_145 {strides = array<i32>} : memref<64xi32, #tpu.memory_space<vmem>>, vector<16xi32>,
        %add3A_146 = arith.constant 64 : i32
        %add3A_147 = arith.addi %add3A_71, %add3A_146 : i32
        %add3A_148 = arith.constant 16 : i32
        %add3A_149 = arith.addi %add3A_147, %add3A_148 : i32
        %get3A_150 = arith.index_cast %add3A_149 : i32 to index
        %get3A_151 = tpu.vector_load %arg5[%get3A_150] {strides = array<i32>} : memref<3584xi32, #tpu.memory_space<vmem>>, vector<16xi32>,
        %get3A_152 = vector.shape_cast %get3A_151 : vector<16xi32> to vector<16xi32>
        %swap3A_153 = arith.constant 16 : index
        %swap3A_154 = tpu.vector_load %arg7[%swap3A_153] {strides = array<i32>} : memref<64xi32, #tpu.memory_space<vmem>>, vector<16xi32>,
        %swap3A_155 = vector.shape_cast %swap3A_154 : vector<16xi32> to vector<16xi32>
        %swap3A_156 = vector.shape_cast %get3A_152 : vector<16xi32> to vector<16xi32>
        tpu.vector_store %arg7[%swap3A_153], %swap3A_156 {strides = array<i32>} : memref<64xi32, #tpu.memory_space<vmem>>, vector<16xi32>,
        %add3A_157 = arith.constant 64 : i32
        %add3A_158 = arith.addi %add3A_71, %add3A_157 : i32
        %add3A_159 = arith.constant 32 : i32
        %add3A_160 = arith.addi %add3A_158, %add3A_159 : i32
        %get3A_161 = arith.index_cast %add3A_160 : i32 to index
        %get3A_162 = tpu.vector_load %arg5[%get3A_161] {strides = array<i32>} : memref<3584xi32, #tpu.memory_space<vmem>>, vector<16xi32>,
        %get3A_163 = vector.shape_cast %get3A_162 : vector<16xi32> to vector<16xi32>
        %swap3A_164 = arith.constant 32 : index
        %swap3A_165 = tpu.vector_load %arg7[%swap3A_164] {strides = array<i32>} : memref<64xi32, #tpu.memory_space<vmem>>, vector<16xi32>,
        %swap3A_166 = vector.shape_cast %swap3A_165 : vector<16xi32> to vector<16xi32>
        %swap3A_167 = vector.shape_cast %get3A_163 : vector<16xi32> to vector<16xi32>
        tpu.vector_store %arg7[%swap3A_164], %swap3A_167 {strides = array<i32>} : memref<64xi32, #tpu.memory_space<vmem>>, vector<16xi32>,
        %add3A_168 = arith.constant 64 : i32
        %add3A_169 = arith.addi %add3A_71, %add3A_168 : i32
        %add3A_170 = arith.constant 48 : i32
        %add3A_171 = arith.addi %add3A_169, %add3A_170 : i32
        %get3A_172 = arith.index_cast %add3A_171 : i32 to index
        %get3A_173 = tpu.vector_load %arg5[%get3A_172] {strides = array<i32>} : memref<3584xi32, #tpu.memory_space<vmem>>, vector<16xi32>,
        %get3A_174 = vector.shape_cast %get3A_173 : vector<16xi32> to vector<16xi32>
        %swap3A_175 = arith.constant 48 : index
        %swap3A_176 = tpu.vector_load %arg7[%swap3A_175] {strides = array<i32>} : memref<64xi32, #tpu.memory_space<vmem>>, vector<16xi32>,
        %swap3A_177 = vector.shape_cast %swap3A_176 : vector<16xi32> to vector<16xi32>
        %swap3A_178 = vector.shape_cast %get3A_174 : vector<16xi32> to vector<16xi32>
        tpu.vector_store %arg7[%swap3A_175], %swap3A_178 {strides = array<i32>} : memref<64xi32, #tpu.memory_space<vmem>>, vector<16xi32>,
        %scan3A_179 = arith.constant 0 : i32
        %scan3A_180 = arith.constant 0 : i32
        %scan3A_181 = arith.constant 4 : i32
        %scan3A_182 = arith.addi %scan3A_180, %scan3A_181 : i32
        %scan3A_183 = arith.constant 1 : i32
        %scan3A_184 = scf.for %scan3A_187 = %scan3A_180 to %scan3A_182 step %scan3A_183 iter_args(%scan3A_188 = %scan3A_179) -> (i32)  : i32 {
          %broadcast_in_dim3A = arith.constant 0.000000e+00 : f32
          %broadcast_in_dim3A_189 = vector.broadcast %broadcast_in_dim3A : f32 to vector<16xf32>
          %scan3A_190 = arith.constant 0 : i32
          %scan3A_191 = arith.constant 16 : i32
          %scan3A_192 = arith.addi %scan3A_190, %scan3A_191 : i32
          %scan3A_193 = arith.constant 1 : i32
          %scan3A_194 = scf.for %scan3A_204 = %scan3A_190 to %scan3A_192 step %scan3A_193 iter_args(%scan3A_205 = %broadcast_in_dim3A_189) -> (vector<16xf32>)  : i32 {
            %mul3A_206 = arith.constant 16 : i32
            %mul3A_207 = arith.muli %scan3A_187, %mul3A_206 : i32
            %add3A_208 = arith.addi %mul3A_207, %scan3A_204 : i32
            %get3A_209 = arith.index_cast %add3A_208 : i32 to index
            %get3A_210 = arith.constant 96 : index
            %get3A_211 = tpu.vector_load %arg9[%get3A_209, %get3A_210] {strides = array<i32>} : memref<128x112xf32, #tpu.memory_space<vmem>>, vector<1x16xf32>,
            %get3A_212 = vector.shape_cast %get3A_211 : vector<1x16xf32> to vector<16xf32>
            %add3A_213 = arith.constant 64 : i32
            %add3A_214 = arith.addi %add3A_213, %add3A_208 : i32
            %get3A_215 = arith.index_cast %add3A_214 : i32 to index
            %get3A_216 = arith.constant 96 : index
            %get3A_217 = tpu.vector_load %arg9[%get3A_215, %get3A_216] {strides = array<i32>} : memref<128x112xf32, #tpu.memory_space<vmem>>, vector<1x16xf32>,
            %get3A_218 = vector.shape_cast %get3A_217 : vector<1x16xf32> to vector<16xf32>
            %lt3A = arith.constant 4 : i32
            %lt3A_219 = vector.broadcast %lt3A : i32 to vector<16xi32>
            %lt3A_220 = arith.cmpi slt, %iota3A, %lt3A_219 : vector<16xi32>
            %mul3A_221 = arith.mulf %get3A_212, %get3A_218 : vector<16xf32>
            %jit3A = arith.constant 0.000000e+00 : f32
            %broadcast_in_dim3A_222 = vector.broadcast %jit3A : f32 to vector<16xf32>
            %select_n3A = arith.select %lt3A_220, %mul3A_221, %broadcast_in_dim3A_222 : vector<16xi1>, vector<16xf32>
            %get3A_223 = arith.index_cast %add3A_208 : i32 to index
            %get3A_224 = arith.constant 0 : index
            %get3A_225 = tpu.vector_load %arg9[%get3A_223, %get3A_224] {strides = array<i32>} : memref<128x112xf32, #tpu.memory_space<vmem>>, vector<1x16xf32>,
            %get3A_226 = vector.shape_cast %get3A_225 : vector<1x16xf32> to vector<16xf32>
            %add3A_227 = arith.constant 64 : i32
            %add3A_228 = arith.addi %add3A_227, %add3A_208 : i32
            %get3A_229 = arith.index_cast %add3A_228 : i32 to index
            %get3A_230 = arith.constant 0 : index
            %get3A_231 = tpu.vector_load %arg9[%get3A_229, %get3A_230] {strides = array<i32>} : memref<128x112xf32, #tpu.memory_space<vmem>>, vector<1x16xf32>,
            %get3A_232 = vector.shape_cast %get3A_231 : vector<1x16xf32> to vector<16xf32>
            %mul3A_233 = arith.mulf %get3A_226, %get3A_232 : vector<16xf32>
            %add3A_234 = arith.addf %select_n3A, %mul3A_233 : vector<16xf32>
            %get3A_235 = arith.index_cast %add3A_208 : i32 to index
            %get3A_236 = arith.constant 16 : index
            %get3A_237 = tpu.vector_load %arg9[%get3A_235, %get3A_236] {strides = array<i32>} : memref<128x112xf32, #tpu.memory_space<vmem>>, vector<1x16xf32>,
            %get3A_238 = vector.shape_cast %get3A_237 : vector<1x16xf32> to vector<16xf32>
            %add3A_239 = arith.constant 64 : i32
            %add3A_240 = arith.addi %add3A_239, %add3A_208 : i32
            %get3A_241 = arith.index_cast %add3A_240 : i32 to index
            %get3A_242 = arith.constant 16 : index
            %get3A_243 = tpu.vector_load %arg9[%get3A_241, %get3A_242] {strides = array<i32>} : memref<128x112xf32, #tpu.memory_space<vmem>>, vector<1x16xf32>,
            %get3A_244 = vector.shape_cast %get3A_243 : vector<1x16xf32> to vector<16xf32>
            %mul3A_245 = arith.mulf %get3A_238, %get3A_244 : vector<16xf32>
            %add3A_246 = arith.addf %add3A_234, %mul3A_245 : vector<16xf32>
            %get3A_247 = arith.index_cast %add3A_208 : i32 to index
            %get3A_248 = arith.constant 32 : index
            %get3A_249 = tpu.vector_load %arg9[%get3A_247, %get3A_248] {strides = array<i32>} : memref<128x112xf32, #tpu.memory_space<vmem>>, vector<1x16xf32>,
            %get3A_250 = vector.shape_cast %get3A_249 : vector<1x16xf32> to vector<16xf32>
            %add3A_251 = arith.constant 64 : i32
            %add3A_252 = arith.addi %add3A_251, %add3A_208 : i32
            %get3A_253 = arith.index_cast %add3A_252 : i32 to index
            %get3A_254 = arith.constant 32 : index
            %get3A_255 = tpu.vector_load %arg9[%get3A_253, %get3A_254] {strides = array<i32>} : memref<128x112xf32, #tpu.memory_space<vmem>>, vector<1x16xf32>,
            %get3A_256 = vector.shape_cast %get3A_255 : vector<1x16xf32> to vector<16xf32>
            %mul3A_257 = arith.mulf %get3A_250, %get3A_256 : vector<16xf32>
            %add3A_258 = arith.addf %add3A_246, %mul3A_257 : vector<16xf32>
            %get3A_259 = arith.index_cast %add3A_208 : i32 to index
            %get3A_260 = arith.constant 48 : index
            %get3A_261 = tpu.vector_load %arg9[%get3A_259, %get3A_260] {strides = array<i32>} : memref<128x112xf32, #tpu.memory_space<vmem>>, vector<1x16xf32>,
            %get3A_262 = vector.shape_cast %get3A_261 : vector<1x16xf32> to vector<16xf32>
            %add3A_263 = arith.constant 64 : i32
            %add3A_264 = arith.addi %add3A_263, %add3A_208 : i32
            %get3A_265 = arith.index_cast %add3A_264 : i32 to index
            %get3A_266 = arith.constant 48 : index
            %get3A_267 = tpu.vector_load %arg9[%get3A_265, %get3A_266] {strides = array<i32>} : memref<128x112xf32, #tpu.memory_space<vmem>>, vector<1x16xf32>,
            %get3A_268 = vector.shape_cast %get3A_267 : vector<1x16xf32> to vector<16xf32>
            %mul3A_269 = arith.mulf %get3A_262, %get3A_268 : vector<16xf32>
            %add3A_270 = arith.addf %add3A_258, %mul3A_269 : vector<16xf32>
            %get3A_271 = arith.index_cast %add3A_208 : i32 to index
            %get3A_272 = arith.constant 64 : index
            %get3A_273 = tpu.vector_load %arg9[%get3A_271, %get3A_272] {strides = array<i32>} : memref<128x112xf32, #tpu.memory_space<vmem>>, vector<1x16xf32>,
            %get3A_274 = vector.shape_cast %get3A_273 : vector<1x16xf32> to vector<16xf32>
            %add3A_275 = arith.constant 64 : i32
            %add3A_276 = arith.addi %add3A_275, %add3A_208 : i32
            %get3A_277 = arith.index_cast %add3A_276 : i32 to index
            %get3A_278 = arith.constant 64 : index
            %get3A_279 = tpu.vector_load %arg9[%get3A_277, %get3A_278] {strides = array<i32>} : memref<128x112xf32, #tpu.memory_space<vmem>>, vector<1x16xf32>,
            %get3A_280 = vector.shape_cast %get3A_279 : vector<1x16xf32> to vector<16xf32>
            %mul3A_281 = arith.mulf %get3A_274, %get3A_280 : vector<16xf32>
            %add3A_282 = arith.addf %add3A_270, %mul3A_281 : vector<16xf32>
            %get3A_283 = arith.index_cast %add3A_208 : i32 to index
            %get3A_284 = arith.constant 80 : index
            %get3A_285 = tpu.vector_load %arg9[%get3A_283, %get3A_284] {strides = array<i32>} : memref<128x112xf32, #tpu.memory_space<vmem>>, vector<1x16xf32>,
            %get3A_286 = vector.shape_cast %get3A_285 : vector<1x16xf32> to vector<16xf32>
            %add3A_287 = arith.constant 64 : i32
            %add3A_288 = arith.addi %add3A_287, %add3A_208 : i32
            %get3A_289 = arith.index_cast %add3A_288 : i32 to index
            %get3A_290 = arith.constant 80 : index
            %get3A_291 = tpu.vector_load %arg9[%get3A_289, %get3A_290] {strides = array<i32>} : memref<128x112xf32, #tpu.memory_space<vmem>>, vector<1x16xf32>,
            %get3A_292 = vector.shape_cast %get3A_291 : vector<1x16xf32> to vector<16xf32>
            %mul3A_293 = arith.mulf %get3A_286, %get3A_292 : vector<16xf32>
            %add3A_294 = arith.addf %add3A_282, %mul3A_293 : vector<16xf32>
            %xor3A = arith.constant 8 : i32
            %xor3A_295 = vector.broadcast %xor3A : i32 to vector<16xi32>
            %xor3A_296 = arith.xori %iota3A, %xor3A_295 : vector<16xi32>
            %lt3A_297 = arith.constant 0 : i32
            %lt3A_298 = vector.broadcast %lt3A_297 : i32 to vector<16xi32>
            %lt3A_299 = arith.cmpi slt, %xor3A_296, %lt3A_298 : vector<16xi32>
            %add3A_300 = arith.constant 16 : i32
            %add3A_301 = vector.broadcast %add3A_300 : i32 to vector<16xi32>
            %add3A_302 = arith.addi %xor3A_296, %add3A_301 : vector<16xi32>
            %select_n3A_303 = arith.select %lt3A_299, %add3A_302, %xor3A_296 : vector<16xi1>, vector<16xi32>
            %broadcast_in_dim3A_304 = vector.shape_cast %select_n3A_303 : vector<16xi32> to vector<16x1xi32>
            %gather3A = vector.shape_cast %broadcast_in_dim3A_304 : vector<16x1xi32> to vector<16xi32>
            %gather3A_305 = tpu.dynamic_gather %add3A_294[%gather3A] in [0] : vector<16xf32>, vector<16xi32> -> vector<16xf32>
            %add3A_306 = arith.addf %add3A_294, %gather3A_305 : vector<16xf32>
            %xor3A_307 = arith.constant 4 : i32
            %xor3A_308 = vector.broadcast %xor3A_307 : i32 to vector<16xi32>
            %xor3A_309 = arith.xori %iota3A, %xor3A_308 : vector<16xi32>
            %lt3A_310 = arith.constant 0 : i32
            %lt3A_311 = vector.broadcast %lt3A_310 : i32 to vector<16xi32>
            %lt3A_312 = arith.cmpi slt, %xor3A_309, %lt3A_311 : vector<16xi32>
            %add3A_313 = arith.constant 16 : i32
            %add3A_314 = vector.broadcast %add3A_313 : i32 to vector<16xi32>
            %add3A_315 = arith.addi %xor3A_309, %add3A_314 : vector<16xi32>
            %select_n3A_316 = arith.select %lt3A_312, %add3A_315, %xor3A_309 : vector<16xi1>, vector<16xi32>
            %broadcast_in_dim3A_317 = vector.shape_cast %select_n3A_316 : vector<16xi32> to vector<16x1xi32>
            %gather3A_318 = vector.shape_cast %broadcast_in_dim3A_317 : vector<16x1xi32> to vector<16xi32>
            %gather3A_319 = tpu.dynamic_gather %add3A_306[%gather3A_318] in [0] : vector<16xf32>, vector<16xi32> -> vector<16xf32>
            %add3A_320 = arith.addf %add3A_306, %gather3A_319 : vector<16xf32>
            %xor3A_321 = arith.constant 2 : i32
            %xor3A_322 = vector.broadcast %xor3A_321 : i32 to vector<16xi32>
            %xor3A_323 = arith.xori %iota3A, %xor3A_322 : vector<16xi32>
            %lt3A_324 = arith.constant 0 : i32
            %lt3A_325 = vector.broadcast %lt3A_324 : i32 to vector<16xi32>
            %lt3A_326 = arith.cmpi slt, %xor3A_323, %lt3A_325 : vector<16xi32>
            %add3A_327 = arith.constant 16 : i32
            %add3A_328 = vector.broadcast %add3A_327 : i32 to vector<16xi32>
            %add3A_329 = arith.addi %xor3A_323, %add3A_328 : vector<16xi32>
            %select_n3A_330 = arith.select %lt3A_326, %add3A_329, %xor3A_323 : vector<16xi1>, vector<16xi32>
            %broadcast_in_dim3A_331 = vector.shape_cast %select_n3A_330 : vector<16xi32> to vector<16x1xi32>
            %gather3A_332 = vector.shape_cast %broadcast_in_dim3A_331 : vector<16x1xi32> to vector<16xi32>
            %gather3A_333 = tpu.dynamic_gather %add3A_320[%gather3A_332] in [0] : vector<16xf32>, vector<16xi32> -> vector<16xf32>
            %add3A_334 = arith.addf %add3A_320, %gather3A_333 : vector<16xf32>
            %xor3A_335 = arith.constant 1 : i32
            %xor3A_336 = vector.broadcast %xor3A_335 : i32 to vector<16xi32>
            %xor3A_337 = arith.xori %iota3A, %xor3A_336 : vector<16xi32>
            %lt3A_338 = arith.constant 0 : i32
            %lt3A_339 = vector.broadcast %lt3A_338 : i32 to vector<16xi32>
            %lt3A_340 = arith.cmpi slt, %xor3A_337, %lt3A_339 : vector<16xi32>
            %add3A_341 = arith.constant 16 : i32
            %add3A_342 = vector.broadcast %add3A_341 : i32 to vector<16xi32>
            %add3A_343 = arith.addi %xor3A_337, %add3A_342 : vector<16xi32>
            %select_n3A_344 = arith.select %lt3A_340, %add3A_343, %xor3A_337 : vector<16xi1>, vector<16xi32>
            %broadcast_in_dim3A_345 = vector.shape_cast %select_n3A_344 : vector<16xi32> to vector<16x1xi32>
            %gather3A_346 = vector.shape_cast %broadcast_in_dim3A_345 : vector<16x1xi32> to vector<16xi32>
            %gather3A_347 = tpu.dynamic_gather %add3A_334[%gather3A_346] in [0] : vector<16xf32>, vector<16xi32> -> vector<16xf32>
            %add3A_348 = arith.addf %add3A_334, %gather3A_347 : vector<16xf32>
            %slice3A = vector.extract_strided_slice %get3A_212 {offsets = [14], sizes = [1], strides = [1]} : vector<16xf32> to vector<1xf32>
            %squeeze3A = vector.extract %slice3A[0] : f32 from vector<1xf32>
            %slice3A_349 = vector.extract_strided_slice %get3A_218 {offsets = [13], sizes = [1], strides = [1]} : vector<16xf32> to vector<1xf32>
            %squeeze3A_350 = vector.extract %slice3A_349[0] : f32 from vector<1xf32>
            %mul3A_351 = arith.mulf %squeeze3A, %squeeze3A_350 : f32
            %mul3A_352 = vector.broadcast %mul3A_351 : f32 to vector<16xf32>
            %mul3A_353 = arith.mulf %mul3A_352, %add3A_348 : vector<16xf32>
            %eq3A = vector.broadcast %scan3A_204 : i32 to vector<16xi32>
            %eq3A_354 = arith.cmpi eq, %iota3A, %eq3A : vector<16xi32>
            %select_n3A_355 = arith.select %eq3A_354, %mul3A_353, %scan3A_205 : vector<16xi1>, vector<16xf32>
            scf.yield %select_n3A_355 : vector<16xf32>
          }
          %scan3A_195 = arith.constant 16 : i32
          %exp3A = math.exp %scan3A_194 : vector<16xf32>
          %scan3A_196 = arith.constant 0 : i32
          %scan3A_197 = arith.constant 0 : i32
          %scan3A_198 = arith.constant 16 : i32
          %scan3A_199 = arith.addi %scan3A_197, %scan3A_198 : i32
          %scan3A_200 = arith.constant 1 : i32
          %scan3A_201 = scf.for %scan3A_204 = %scan3A_197 to %scan3A_199 step %scan3A_200 iter_args(%scan3A_205 = %scan3A_196) -> (i32)  : i32 {
            %mul3A_206 = arith.constant 16 : i32
            %mul3A_207 = arith.muli %scan3A_187, %mul3A_206 : i32
            %add3A_208 = arith.addi %mul3A_207, %scan3A_204 : i32
            %broadcast_in_dim3A_209 = vector.broadcast %scan3A_204 : i32 to vector<16xi32>
            %lt3A = arith.constant 0 : i32
            %lt3A_210 = vector.broadcast %lt3A : i32 to vector<16xi32>
            %lt3A_211 = arith.cmpi slt, %broadcast_in_dim3A_209, %lt3A_210 : vector<16xi32>
            %add3A_212 = arith.constant 16 : i32
            %add3A_213 = vector.broadcast %add3A_212 : i32 to vector<16xi32>
            %add3A_214 = arith.addi %broadcast_in_dim3A_209, %add3A_213 : vector<16xi32>
            %select_n3A = arith.select %lt3A_211, %add3A_214, %broadcast_in_dim3A_209 : vector<16xi1>, vector<16xi32>
            %broadcast_in_dim3A_215 = vector.shape_cast %select_n3A : vector<16xi32> to vector<16x1xi32>
            %gather3A = vector.shape_cast %broadcast_in_dim3A_215 : vector<16x1xi32> to vector<16xi32>
            %gather3A_216 = tpu.dynamic_gather %exp3A[%gather3A] in [0] : vector<16xf32>, vector<16xi32> -> vector<16xf32>
            %get3A_217 = arith.index_cast %add3A_208 : i32 to index
            %get3A_218 = arith.constant 0 : index
            %get3A_219 = tpu.vector_load %arg9[%get3A_217, %get3A_218] {strides = array<i32>} : memref<128x112xf32, #tpu.memory_space<vmem>>, vector<1x16xf32>,
            %get3A_220 = vector.shape_cast %get3A_219 : vector<1x16xf32> to vector<16xf32>
            %mul3A_221 = arith.mulf %get3A_220, %gather3A_216 : vector<16xf32>
            %swap3A_222 = arith.index_cast %add3A_208 : i32 to index
            %swap3A_223 = arith.constant 0 : index
            %swap3A_224 = tpu.vector_load %arg9[%swap3A_222, %swap3A_223] {strides = array<i32>} : memref<128x112xf32, #tpu.memory_space<vmem>>, vector<1x16xf32>,
            %swap3A_225 = vector.shape_cast %swap3A_224 : vector<1x16xf32> to vector<16xf32>
            %swap3A_226 = vector.shape_cast %mul3A_221 : vector<16xf32> to vector<1x16xf32>
            tpu.vector_store %arg9[%swap3A_222, %swap3A_223], %swap3A_226 {strides = array<i32>} : memref<128x112xf32, #tpu.memory_space<vmem>>, vector<1x16xf32>,
            %get3A_227 = arith.index_cast %add3A_208 : i32 to index
            %get3A_228 = arith.constant 16 : index
            %get3A_229 = tpu.vector_load %arg9[%get3A_227, %get3A_228] {strides = array<i32>} : memref<128x112xf32, #tpu.memory_space<vmem>>, vector<1x16xf32>,
            %get3A_230 = vector.shape_cast %get3A_229 : vector<1x16xf32> to vector<16xf32>
            %mul3A_231 = arith.mulf %get3A_230, %gather3A_216 : vector<16xf32>
            %swap3A_232 = arith.index_cast %add3A_208 : i32 to index
            %swap3A_233 = arith.constant 16 : index
            %swap3A_234 = tpu.vector_load %arg9[%swap3A_232, %swap3A_233] {strides = array<i32>} : memref<128x112xf32, #tpu.memory_space<vmem>>, vector<1x16xf32>,
            %swap3A_235 = vector.shape_cast %swap3A_234 : vector<1x16xf32> to vector<16xf32>
            %swap3A_236 = vector.shape_cast %mul3A_231 : vector<16xf32> to vector<1x16xf32>
            tpu.vector_store %arg9[%swap3A_232, %swap3A_233], %swap3A_236 {strides = array<i32>} : memref<128x112xf32, #tpu.memory_space<vmem>>, vector<1x16xf32>,
            %get3A_237 = arith.index_cast %add3A_208 : i32 to index
            %get3A_238 = arith.constant 32 : index
            %get3A_239 = tpu.vector_load %arg9[%get3A_237, %get3A_238] {strides = array<i32>} : memref<128x112xf32, #tpu.memory_space<vmem>>, vector<1x16xf32>,
            %get3A_240 = vector.shape_cast %get3A_239 : vector<1x16xf32> to vector<16xf32>
            %mul3A_241 = arith.mulf %get3A_240, %gather3A_216 : vector<16xf32>
            %swap3A_242 = arith.index_cast %add3A_208 : i32 to index
            %swap3A_243 = arith.constant 32 : index
            %swap3A_244 = tpu.vector_load %arg9[%swap3A_242, %swap3A_243] {strides = array<i32>} : memref<128x112xf32, #tpu.memory_space<vmem>>, vector<1x16xf32>,
            %swap3A_245 = vector.shape_cast %swap3A_244 : vector<1x16xf32> to vector<16xf32>
            %swap3A_246 = vector.shape_cast %mul3A_241 : vector<16xf32> to vector<1x16xf32>
            tpu.vector_store %arg9[%swap3A_242, %swap3A_243], %swap3A_246 {strides = array<i32>} : memref<128x112xf32, #tpu.memory_space<vmem>>, vector<1x16xf32>,
            %get3A_247 = arith.index_cast %add3A_208 : i32 to index
            %get3A_248 = arith.constant 48 : index
            %get3A_249 = tpu.vector_load %arg9[%get3A_247, %get3A_248] {strides = array<i32>} : memref<128x112xf32, #tpu.memory_space<vmem>>, vector<1x16xf32>,
            %get3A_250 = vector.shape_cast %get3A_249 : vector<1x16xf32> to vector<16xf32>
            %mul3A_251 = arith.mulf %get3A_250, %gather3A_216 : vector<16xf32>
            %swap3A_252 = arith.index_cast %add3A_208 : i32 to index
            %swap3A_253 = arith.constant 48 : index
            %swap3A_254 = tpu.vector_load %arg9[%swap3A_252, %swap3A_253] {strides = array<i32>} : memref<128x112xf32, #tpu.memory_space<vmem>>, vector<1x16xf32>,
            %swap3A_255 = vector.shape_cast %swap3A_254 : vector<1x16xf32> to vector<16xf32>
            %swap3A_256 = vector.shape_cast %mul3A_251 : vector<16xf32> to vector<1x16xf32>
            tpu.vector_store %arg9[%swap3A_252, %swap3A_253], %swap3A_256 {strides = array<i32>} : memref<128x112xf32, #tpu.memory_space<vmem>>, vector<1x16xf32>,
            %get3A_257 = arith.index_cast %add3A_208 : i32 to index
            %get3A_258 = arith.constant 64 : index
            %get3A_259 = tpu.vector_load %arg9[%get3A_257, %get3A_258] {strides = array<i32>} : memref<128x112xf32, #tpu.memory_space<vmem>>, vector<1x16xf32>,
            %get3A_260 = vector.shape_cast %get3A_259 : vector<1x16xf32> to vector<16xf32>
            %mul3A_261 = arith.mulf %get3A_260, %gather3A_216 : vector<16xf32>
            %swap3A_262 = arith.index_cast %add3A_208 : i32 to index
            %swap3A_263 = arith.constant 64 : index
            %swap3A_264 = tpu.vector_load %arg9[%swap3A_262, %swap3A_263] {strides = array<i32>} : memref<128x112xf32, #tpu.memory_space<vmem>>, vector<1x16xf32>,
            %swap3A_265 = vector.shape_cast %swap3A_264 : vector<1x16xf32> to vector<16xf32>
            %swap3A_266 = vector.shape_cast %mul3A_261 : vector<16xf32> to vector<1x16xf32>
            tpu.vector_store %arg9[%swap3A_262, %swap3A_263], %swap3A_266 {strides = array<i32>} : memref<128x112xf32, #tpu.memory_space<vmem>>, vector<1x16xf32>,
            %get3A_267 = arith.index_cast %add3A_208 : i32 to index
            %get3A_268 = arith.constant 80 : index
            %get3A_269 = tpu.vector_load %arg9[%get3A_267, %get3A_268] {strides = array<i32>} : memref<128x112xf32, #tpu.memory_space<vmem>>, vector<1x16xf32>,
            %get3A_270 = vector.shape_cast %get3A_269 : vector<1x16xf32> to vector<16xf32>
            %mul3A_271 = arith.mulf %get3A_270, %gather3A_216 : vector<16xf32>
            %swap3A_272 = arith.index_cast %add3A_208 : i32 to index
            %swap3A_273 = arith.constant 80 : index
            %swap3A_274 = tpu.vector_load %arg9[%swap3A_272, %swap3A_273] {strides = array<i32>} : memref<128x112xf32, #tpu.memory_space<vmem>>, vector<1x16xf32>,
            %swap3A_275 = vector.shape_cast %swap3A_274 : vector<1x16xf32> to vector<16xf32>
            %swap3A_276 = vector.shape_cast %mul3A_271 : vector<16xf32> to vector<1x16xf32>
            tpu.vector_store %arg9[%swap3A_272, %swap3A_273], %swap3A_276 {strides = array<i32>} : memref<128x112xf32, #tpu.memory_space<vmem>>, vector<1x16xf32>,
            %get3A_277 = arith.index_cast %add3A_208 : i32 to index
            %get3A_278 = arith.constant 96 : index
            %get3A_279 = tpu.vector_load %arg9[%get3A_277, %get3A_278] {strides = array<i32>} : memref<128x112xf32, #tpu.memory_space<vmem>>, vector<1x16xf32>,
            %get3A_280 = vector.shape_cast %get3A_279 : vector<1x16xf32> to vector<16xf32>
            %mul3A_281 = arith.mulf %get3A_280, %gather3A_216 : vector<16xf32>
            %swap3A_282 = arith.index_cast %add3A_208 : i32 to index
            %swap3A_283 = arith.constant 96 : index
            %swap3A_284 = tpu.vector_load %arg9[%swap3A_282, %swap3A_283] {strides = array<i32>} : memref<128x112xf32, #tpu.memory_space<vmem>>, vector<1x16xf32>,
            %swap3A_285 = vector.shape_cast %swap3A_284 : vector<1x16xf32> to vector<16xf32>
            %swap3A_286 = vector.shape_cast %mul3A_281 : vector<16xf32> to vector<1x16xf32>
            tpu.vector_store %arg9[%swap3A_282, %swap3A_283], %swap3A_286 {strides = array<i32>} : memref<128x112xf32, #tpu.memory_space<vmem>>, vector<1x16xf32>,
            %scan3A_287 = arith.constant 0 : i32
            scf.yield %scan3A_287 : i32
          }
          %scan3A_202 = arith.constant 16 : i32
          %scan3A_203 = arith.constant 0 : i32
          scf.yield %scan3A_203 : i32
        }
        %scan3A_185 = arith.constant 4 : i32
        "tpu.region"() ({
          %run_scoped3A = tpu.sem_alloc : memref<!tpu.dma_semaphore, #tpu.memory_space<semaphore_mem>>
          %dma_start3A_187 = arith.constant 0 : i32
          %dma_start3A_188 = arith.constant 0 : i32
          %dma_start3A_189 = tpu.memref_slice %arg9[%dma_start3A_187, %dma_start3A_188] : memref<128x112xf32, #tpu.memory_space<vmem>> -> memref<64x112xf32, #tpu.memory_space<vmem>>
          %dma_start3A_190 = arith.constant 0 : i32
          %dma_start3A_191 = arith.constant 0 : i32
          %dma_start3A_192 = tpu.memref_slice %arg10[%dma_start3A_190, %dma_start3A_191] : memref<10240x112xf32, #tpu.memory_space<vmem_shared>> -> memref<10240x112xf32, #tpu.memory_space<vmem_shared>>
          tpu.enqueue_indirect_dma source(%dma_start3A_189 : memref<64x112xf32, #tpu.memory_space<vmem>>) target(%dma_start3A_192 : memref<10240x112xf32, #tpu.memory_space<vmem_shared>>) offsets(%arg7 : memref<64xi32, #tpu.memory_space<vmem>>) semaphore(%run_scoped3A : memref<!tpu.dma_semaphore, #tpu.memory_space<semaphore_mem>>) {add = true}
          %dma_wait3A_193 = arith.constant 0 : i32
          %dma_wait3A_194 = arith.constant 0 : i32
          %dma_wait3A_195 = tpu.memref_slice %arg9[%dma_wait3A_193, %dma_wait3A_194] : memref<128x112xf32, #tpu.memory_space<vmem>> -> memref<64x112xf32, #tpu.memory_space<vmem>>
          %dma_wait3A_196 = arith.constant 0 : i32
          %dma_wait3A_197 = arith.constant 0 : i32
          %dma_wait3A_198 = tpu.memref_slice %arg10[%dma_wait3A_196, %dma_wait3A_197] : memref<10240x112xf32, #tpu.memory_space<vmem_shared>> -> memref<10240x112xf32, #tpu.memory_space<vmem_shared>>
          tpu.wait_indirect_dma semaphore(%run_scoped3A : memref<!tpu.dma_semaphore, #tpu.memory_space<semaphore_mem>>) src(%dma_wait3A_195 : memref<64x112xf32, #tpu.memory_space<vmem>>) dst(%dma_wait3A_198 : memref<10240x112xf32, #tpu.memory_space<vmem_shared>>)
          tpu.yield
        }) : () -> ()
        %scan3A_186 = arith.constant 0 : i32
        scf.yield %scan3A_186 : i32
      }
      %scan3A_61 = arith.constant 14 : i32
      %scan3A_62 = arith.constant 0 : i32
      scf.yield %scan3A_62 : i32
    }
    %scan3A_33 = arith.constant 3 : i32
    %barrier3A_34 = arith.constant 0 : index
    tpu.barrier barrier_id(%barrier3A_34)
    %add3A_35 = arith.constant 0 : i32
    %add3A_36 = arith.addi %multiple_of3A, %add3A_35 : i32
    "tpu.region"() ({
      %run_scoped3A = tpu.sem_alloc : memref<!tpu.dma_semaphore, #tpu.memory_space<semaphore_mem>>
      %dma_start3A = arith.constant 0 : i32
      %dma_start3A_45 = tpu.memref_slice %arg10[%add3A_36, %dma_start3A] : memref<10240x112xf32, #tpu.memory_space<vmem_shared>> -> memref<128x112xf32, #tpu.memory_space<vmem_shared>>
      %dma_start3A_46 = arith.constant 0 : i32
      %dma_start3A_47 = tpu.memref_slice %arg10[%add3A_36, %dma_start3A_46] : memref<10240x112xf32, #tpu.memory_space<vmem_shared>> -> memref<128x112xf32, #tpu.memory_space<vmem_shared>>
      tpu.enqueue_dma source(%dma_start3A_47 : memref<128x112xf32, #tpu.memory_space<vmem_shared>>) target(%arg8 : memref<128x112xf32, #tpu.memory_space<vmem>>) target_semaphore(%run_scoped3A : memref<!tpu.dma_semaphore, #tpu.memory_space<semaphore_mem>>)
      %dma_wait3A = arith.constant 0 : i32
      %dma_wait3A_48 = tpu.memref_slice %arg10[%add3A_36, %dma_wait3A] : memref<10240x112xf32, #tpu.memory_space<vmem_shared>> -> memref<128x112xf32, #tpu.memory_space<vmem_shared>>
      %dma_wait3A_49 = arith.constant 0 : i32
      %dma_wait3A_50 = tpu.memref_slice %arg10[%add3A_36, %dma_wait3A_49] : memref<10240x112xf32, #tpu.memory_space<vmem_shared>> -> memref<128x112xf32, #tpu.memory_space<vmem_shared>>
      tpu.wait_dma2 semaphore(%run_scoped3A : memref<!tpu.dma_semaphore, #tpu.memory_space<semaphore_mem>>) src(%dma_wait3A_50 : memref<128x112xf32, #tpu.memory_space<vmem_shared>>) dst(%arg8 : memref<128x112xf32, #tpu.memory_space<vmem>>)
      tpu.yield
    }) : () -> ()
    "tpu.region"() ({
      %run_scoped3A = tpu.sem_alloc : memref<!tpu.dma_semaphore, #tpu.memory_space<semaphore_mem>>
      %dma_start3A = arith.constant 0 : i32
      %dma_start3A_45 = tpu.memref_slice %arg4[%arg0, %add3A_36, %dma_start3A] : memref<2x10240x112xf32, #tpu.memory_space<hbm>> -> memref<1x128x112xf32, #tpu.memory_space<hbm>>
      %dma_start3A_46 = tpu.memref_squeeze %dma_start3A_45 : memref<1x128x112xf32, #tpu.memory_space<hbm>> -> memref<128x112xf32, #tpu.memory_space<hbm>>
      %dma_start3A_47 = arith.constant 0 : i32
      %dma_start3A_48 = tpu.memref_slice %arg4[%arg0, %add3A_36, %dma_start3A_47] : memref<2x10240x112xf32, #tpu.memory_space<hbm>> -> memref<1x128x112xf32, #tpu.memory_space<hbm>>
      %dma_start3A_49 = tpu.memref_squeeze %dma_start3A_48 : memref<1x128x112xf32, #tpu.memory_space<hbm>> -> memref<128x112xf32, #tpu.memory_space<hbm>>
      tpu.enqueue_dma source(%arg8 : memref<128x112xf32, #tpu.memory_space<vmem>>) target(%dma_start3A_49 : memref<128x112xf32, #tpu.memory_space<hbm>>) target_semaphore(%run_scoped3A : memref<!tpu.dma_semaphore, #tpu.memory_space<semaphore_mem>>)
      %dma_wait3A = arith.constant 0 : i32
      %dma_wait3A_50 = tpu.memref_slice %arg4[%arg0, %add3A_36, %dma_wait3A] : memref<2x10240x112xf32, #tpu.memory_space<hbm>> -> memref<1x128x112xf32, #tpu.memory_space<hbm>>
      %dma_wait3A_51 = tpu.memref_squeeze %dma_wait3A_50 : memref<1x128x112xf32, #tpu.memory_space<hbm>> -> memref<128x112xf32, #tpu.memory_space<hbm>>
      %dma_wait3A_52 = arith.constant 0 : i32
      %dma_wait3A_53 = tpu.memref_slice %arg4[%arg0, %add3A_36, %dma_wait3A_52] : memref<2x10240x112xf32, #tpu.memory_space<hbm>> -> memref<1x128x112xf32, #tpu.memory_space<hbm>>
      %dma_wait3A_54 = tpu.memref_squeeze %dma_wait3A_53 : memref<1x128x112xf32, #tpu.memory_space<hbm>> -> memref<128x112xf32, #tpu.memory_space<hbm>>
      tpu.wait_dma2 semaphore(%run_scoped3A : memref<!tpu.dma_semaphore, #tpu.memory_space<semaphore_mem>>) src(%arg8 : memref<128x112xf32, #tpu.memory_space<vmem>>) dst(%dma_wait3A_54 : memref<128x112xf32, #tpu.memory_space<hbm>>)
      tpu.yield
    }) : () -> ()
    %add3A_37 = arith.constant 128 : i32
    %add3A_38 = arith.addi %multiple_of3A, %add3A_37 : i32
    "tpu.region"() ({
      %run_scoped3A = tpu.sem_alloc : memref<!tpu.dma_semaphore, #tpu.memory_space<semaphore_mem>>
      %dma_start3A = arith.constant 0 : i32
      %dma_start3A_45 = tpu.memref_slice %arg10[%add3A_38, %dma_start3A] : memref<10240x112xf32, #tpu.memory_space<vmem_shared>> -> memref<128x112xf32, #tpu.memory_space<vmem_shared>>
      %dma_start3A_46 = arith.constant 0 : i32
      %dma_start3A_47 = tpu.memref_slice %arg10[%add3A_38, %dma_start3A_46] : memref<10240x112xf32, #tpu.memory_space<vmem_shared>> -> memref<128x112xf32, #tpu.memory_space<vmem_shared>>
      tpu.enqueue_dma source(%dma_start3A_47 : memref<128x112xf32, #tpu.memory_space<vmem_shared>>) target(%arg8 : memref<128x112xf32, #tpu.memory_space<vmem>>) target_semaphore(%run_scoped3A : memref<!tpu.dma_semaphore, #tpu.memory_space<semaphore_mem>>)
      %dma_wait3A = arith.constant 0 : i32
      %dma_wait3A_48 = tpu.memref_slice %arg10[%add3A_38, %dma_wait3A] : memref<10240x112xf32, #tpu.memory_space<vmem_shared>> -> memref<128x112xf32, #tpu.memory_space<vmem_shared>>
      %dma_wait3A_49 = arith.constant 0 : i32
      %dma_wait3A_50 = tpu.memref_slice %arg10[%add3A_38, %dma_wait3A_49] : memref<10240x112xf32, #tpu.memory_space<vmem_shared>> -> memref<128x112xf32, #tpu.memory_space<vmem_shared>>
      tpu.wait_dma2 semaphore(%run_scoped3A : memref<!tpu.dma_semaphore, #tpu.memory_space<semaphore_mem>>) src(%dma_wait3A_50 : memref<128x112xf32, #tpu.memory_space<vmem_shared>>) dst(%arg8 : memref<128x112xf32, #tpu.memory_space<vmem>>)
      tpu.yield
    }) : () -> ()
    "tpu.region"() ({
      %run_scoped3A = tpu.sem_alloc : memref<!tpu.dma_semaphore, #tpu.memory_space<semaphore_mem>>
      %dma_start3A = arith.constant 0 : i32
      %dma_start3A_45 = tpu.memref_slice %arg4[%arg0, %add3A_38, %dma_start3A] : memref<2x10240x112xf32, #tpu.memory_space<hbm>> -> memref<1x128x112xf32, #tpu.memory_space<hbm>>
      %dma_start3A_46 = tpu.memref_squeeze %dma_start3A_45 : memref<1x128x112xf32, #tpu.memory_space<hbm>> -> memref<128x112xf32, #tpu.memory_space<hbm>>
      %dma_start3A_47 = arith.constant 0 : i32
      %dma_start3A_48 = tpu.memref_slice %arg4[%arg0, %add3A_38, %dma_start3A_47] : memref<2x10240x112xf32, #tpu.memory_space<hbm>> -> memref<1x128x112xf32, #tpu.memory_space<hbm>>
      %dma_start3A_49 = tpu.memref_squeeze %dma_start3A_48 : memref<1x128x112xf32, #tpu.memory_space<hbm>> -> memref<128x112xf32, #tpu.memory_space<hbm>>
      tpu.enqueue_dma source(%arg8 : memref<128x112xf32, #tpu.memory_space<vmem>>) target(%dma_start3A_49 : memref<128x112xf32, #tpu.memory_space<hbm>>) target_semaphore(%run_scoped3A : memref<!tpu.dma_semaphore, #tpu.memory_space<semaphore_mem>>)
      %dma_wait3A = arith.constant 0 : i32
      %dma_wait3A_50 = tpu.memref_slice %arg4[%arg0, %add3A_38, %dma_wait3A] : memref<2x10240x112xf32, #tpu.memory_space<hbm>> -> memref<1x128x112xf32, #tpu.memory_space<hbm>>
      %dma_wait3A_51 = tpu.memref_squeeze %dma_wait3A_50 : memref<1x128x112xf32, #tpu.memory_space<hbm>> -> memref<128x112xf32, #tpu.memory_space<hbm>>
      %dma_wait3A_52 = arith.constant 0 : i32
      %dma_wait3A_53 = tpu.memref_slice %arg4[%arg0, %add3A_38, %dma_wait3A_52] : memref<2x10240x112xf32, #tpu.memory_space<hbm>> -> memref<1x128x112xf32, #tpu.memory_space<hbm>>
      %dma_wait3A_54 = tpu.memref_squeeze %dma_wait3A_53 : memref<1x128x112xf32, #tpu.memory_space<hbm>> -> memref<128x112xf32, #tpu.memory_space<hbm>>
      tpu.wait_dma2 semaphore(%run_scoped3A : memref<!tpu.dma_semaphore, #tpu.memory_space<semaphore_mem>>) src(%arg8 : memref<128x112xf32, #tpu.memory_space<vmem>>) dst(%dma_wait3A_54 : memref<128x112xf32, #tpu.memory_space<hbm>>)
      tpu.yield
    }) : () -> ()
    %add3A_39 = arith.constant 256 : i32
    %add3A_40 = arith.addi %multiple_of3A, %add3A_39 : i32
    "tpu.region"() ({
      %run_scoped3A = tpu.sem_alloc : memref<!tpu.dma_semaphore, #tpu.memory_space<semaphore_mem>>
      %dma_start3A = arith.constant 0 : i32
      %dma_start3A_45 = tpu.memref_slice %arg10[%add3A_40, %dma_start3A] : memref<10240x112xf32, #tpu.memory_space<vmem_shared>> -> memref<128x112xf32, #tpu.memory_space<vmem_shared>>
      %dma_start3A_46 = arith.constant 0 : i32
      %dma_start3A_47 = tpu.memref_slice %arg10[%add3A_40, %dma_start3A_46] : memref<10240x112xf32, #tpu.memory_space<vmem_shared>> -> memref<128x112xf32, #tpu.memory_space<vmem_shared>>
      tpu.enqueue_dma source(%dma_start3A_47 : memref<128x112xf32, #tpu.memory_space<vmem_shared>>) target(%arg8 : memref<128x112xf32, #tpu.memory_space<vmem>>) target_semaphore(%run_scoped3A : memref<!tpu.dma_semaphore, #tpu.memory_space<semaphore_mem>>)
      %dma_wait3A = arith.constant 0 : i32
      %dma_wait3A_48 = tpu.memref_slice %arg10[%add3A_40, %dma_wait3A] : memref<10240x112xf32, #tpu.memory_space<vmem_shared>> -> memref<128x112xf32, #tpu.memory_space<vmem_shared>>
      %dma_wait3A_49 = arith.constant 0 : i32
      %dma_wait3A_50 = tpu.memref_slice %arg10[%add3A_40, %dma_wait3A_49] : memref<10240x112xf32, #tpu.memory_space<vmem_shared>> -> memref<128x112xf32, #tpu.memory_space<vmem_shared>>
      tpu.wait_dma2 semaphore(%run_scoped3A : memref<!tpu.dma_semaphore, #tpu.memory_space<semaphore_mem>>) src(%dma_wait3A_50 : memref<128x112xf32, #tpu.memory_space<vmem_shared>>) dst(%arg8 : memref<128x112xf32, #tpu.memory_space<vmem>>)
      tpu.yield
    }) : () -> ()
    "tpu.region"() ({
      %run_scoped3A = tpu.sem_alloc : memref<!tpu.dma_semaphore, #tpu.memory_space<semaphore_mem>>
      %dma_start3A = arith.constant 0 : i32
      %dma_start3A_45 = tpu.memref_slice %arg4[%arg0, %add3A_40, %dma_start3A] : memref<2x10240x112xf32, #tpu.memory_space<hbm>> -> memref<1x128x112xf32, #tpu.memory_space<hbm>>
      %dma_start3A_46 = tpu.memref_squeeze %dma_start3A_45 : memref<1x128x112xf32, #tpu.memory_space<hbm>> -> memref<128x112xf32, #tpu.memory_space<hbm>>
      %dma_start3A_47 = arith.constant 0 : i32
      %dma_start3A_48 = tpu.memref_slice %arg4[%arg0, %add3A_40, %dma_start3A_47] : memref<2x10240x112xf32, #tpu.memory_space<hbm>> -> memref<1x128x112xf32, #tpu.memory_space<hbm>>
      %dma_start3A_49 = tpu.memref_squeeze %dma_start3A_48 : memref<1x128x112xf32, #tpu.memory_space<hbm>> -> memref<128x112xf32, #tpu.memory_space<hbm>>
      tpu.enqueue_dma source(%arg8 : memref<128x112xf32, #tpu.memory_space<vmem>>) target(%dma_start3A_49 : memref<128x112xf32, #tpu.memory_space<hbm>>) target_semaphore(%run_scoped3A : memref<!tpu.dma_semaphore, #tpu.memory_space<semaphore_mem>>)
      %dma_wait3A = arith.constant 0 : i32
      %dma_wait3A_50 = tpu.memref_slice %arg4[%arg0, %add3A_40, %dma_wait3A] : memref<2x10240x112xf32, #tpu.memory_space<hbm>> -> memref<1x128x112xf32, #tpu.memory_space<hbm>>
      %dma_wait3A_51 = tpu.memref_squeeze %dma_wait3A_50 : memref<1x128x112xf32, #tpu.memory_space<hbm>> -> memref<128x112xf32, #tpu.memory_space<hbm>>
      %dma_wait3A_52 = arith.constant 0 : i32
      %dma_wait3A_53 = tpu.memref_slice %arg4[%arg0, %add3A_40, %dma_wait3A_52] : memref<2x10240x112xf32, #tpu.memory_space<hbm>> -> memref<1x128x112xf32, #tpu.memory_space<hbm>>
      %dma_wait3A_54 = tpu.memref_squeeze %dma_wait3A_53 : memref<1x128x112xf32, #tpu.memory_space<hbm>> -> memref<128x112xf32, #tpu.memory_space<hbm>>
      tpu.wait_dma2 semaphore(%run_scoped3A : memref<!tpu.dma_semaphore, #tpu.memory_space<semaphore_mem>>) src(%arg8 : memref<128x112xf32, #tpu.memory_space<vmem>>) dst(%dma_wait3A_54 : memref<128x112xf32, #tpu.memory_space<hbm>>)
      tpu.yield
    }) : () -> ()
    %add3A_41 = arith.constant 384 : i32
    %add3A_42 = arith.addi %multiple_of3A, %add3A_41 : i32
    "tpu.region"() ({
      %run_scoped3A = tpu.sem_alloc : memref<!tpu.dma_semaphore, #tpu.memory_space<semaphore_mem>>
      %dma_start3A = arith.constant 0 : i32
      %dma_start3A_45 = tpu.memref_slice %arg10[%add3A_42, %dma_start3A] : memref<10240x112xf32, #tpu.memory_space<vmem_shared>> -> memref<128x112xf32, #tpu.memory_space<vmem_shared>>
      %dma_start3A_46 = arith.constant 0 : i32
      %dma_start3A_47 = tpu.memref_slice %arg10[%add3A_42, %dma_start3A_46] : memref<10240x112xf32, #tpu.memory_space<vmem_shared>> -> memref<128x112xf32, #tpu.memory_space<vmem_shared>>
      tpu.enqueue_dma source(%dma_start3A_47 : memref<128x112xf32, #tpu.memory_space<vmem_shared>>) target(%arg8 : memref<128x112xf32, #tpu.memory_space<vmem>>) target_semaphore(%run_scoped3A : memref<!tpu.dma_semaphore, #tpu.memory_space<semaphore_mem>>)
      %dma_wait3A = arith.constant 0 : i32
      %dma_wait3A_48 = tpu.memref_slice %arg10[%add3A_42, %dma_wait3A] : memref<10240x112xf32, #tpu.memory_space<vmem_shared>> -> memref<128x112xf32, #tpu.memory_space<vmem_shared>>
      %dma_wait3A_49 = arith.constant 0 : i32
      %dma_wait3A_50 = tpu.memref_slice %arg10[%add3A_42, %dma_wait3A_49] : memref<10240x112xf32, #tpu.memory_space<vmem_shared>> -> memref<128x112xf32, #tpu.memory_space<vmem_shared>>
      tpu.wait_dma2 semaphore(%run_scoped3A : memref<!tpu.dma_semaphore, #tpu.memory_space<semaphore_mem>>) src(%dma_wait3A_50 : memref<128x112xf32, #tpu.memory_space<vmem_shared>>) dst(%arg8 : memref<128x112xf32, #tpu.memory_space<vmem>>)
      tpu.yield
    }) : () -> ()
    "tpu.region"() ({
      %run_scoped3A = tpu.sem_alloc : memref<!tpu.dma_semaphore, #tpu.memory_space<semaphore_mem>>
      %dma_start3A = arith.constant 0 : i32
      %dma_start3A_45 = tpu.memref_slice %arg4[%arg0, %add3A_42, %dma_start3A] : memref<2x10240x112xf32, #tpu.memory_space<hbm>> -> memref<1x128x112xf32, #tpu.memory_space<hbm>>
      %dma_start3A_46 = tpu.memref_squeeze %dma_start3A_45 : memref<1x128x112xf32, #tpu.memory_space<hbm>> -> memref<128x112xf32, #tpu.memory_space<hbm>>
      %dma_start3A_47 = arith.constant 0 : i32
      %dma_start3A_48 = tpu.memref_slice %arg4[%arg0, %add3A_42, %dma_start3A_47] : memref<2x10240x112xf32, #tpu.memory_space<hbm>> -> memref<1x128x112xf32, #tpu.memory_space<hbm>>
      %dma_start3A_49 = tpu.memref_squeeze %dma_start3A_48 : memref<1x128x112xf32, #tpu.memory_space<hbm>> -> memref<128x112xf32, #tpu.memory_space<hbm>>
      tpu.enqueue_dma source(%arg8 : memref<128x112xf32, #tpu.memory_space<vmem>>) target(%dma_start3A_49 : memref<128x112xf32, #tpu.memory_space<hbm>>) target_semaphore(%run_scoped3A : memref<!tpu.dma_semaphore, #tpu.memory_space<semaphore_mem>>)
      %dma_wait3A = arith.constant 0 : i32
      %dma_wait3A_50 = tpu.memref_slice %arg4[%arg0, %add3A_42, %dma_wait3A] : memref<2x10240x112xf32, #tpu.memory_space<hbm>> -> memref<1x128x112xf32, #tpu.memory_space<hbm>>
      %dma_wait3A_51 = tpu.memref_squeeze %dma_wait3A_50 : memref<1x128x112xf32, #tpu.memory_space<hbm>> -> memref<128x112xf32, #tpu.memory_space<hbm>>
      %dma_wait3A_52 = arith.constant 0 : i32
      %dma_wait3A_53 = tpu.memref_slice %arg4[%arg0, %add3A_42, %dma_wait3A_52] : memref<2x10240x112xf32, #tpu.memory_space<hbm>> -> memref<1x128x112xf32, #tpu.memory_space<hbm>>
      %dma_wait3A_54 = tpu.memref_squeeze %dma_wait3A_53 : memref<1x128x112xf32, #tpu.memory_space<hbm>> -> memref<128x112xf32, #tpu.memory_space<hbm>>
      tpu.wait_dma2 semaphore(%run_scoped3A : memref<!tpu.dma_semaphore, #tpu.memory_space<semaphore_mem>>) src(%arg8 : memref<128x112xf32, #tpu.memory_space<vmem>>) dst(%dma_wait3A_54 : memref<128x112xf32, #tpu.memory_space<hbm>>)
      tpu.yield
    }) : () -> ()
    %add3A_43 = arith.constant 512 : i32
    %add3A_44 = arith.addi %multiple_of3A, %add3A_43 : i32
    "tpu.region"() ({
      %run_scoped3A = tpu.sem_alloc : memref<!tpu.dma_semaphore, #tpu.memory_space<semaphore_mem>>
      %dma_start3A = arith.constant 0 : i32
      %dma_start3A_45 = tpu.memref_slice %arg10[%add3A_44, %dma_start3A] : memref<10240x112xf32, #tpu.memory_space<vmem_shared>> -> memref<128x112xf32, #tpu.memory_space<vmem_shared>>
      %dma_start3A_46 = arith.constant 0 : i32
      %dma_start3A_47 = tpu.memref_slice %arg10[%add3A_44, %dma_start3A_46] : memref<10240x112xf32, #tpu.memory_space<vmem_shared>> -> memref<128x112xf32, #tpu.memory_space<vmem_shared>>
      tpu.enqueue_dma source(%dma_start3A_47 : memref<128x112xf32, #tpu.memory_space<vmem_shared>>) target(%arg8 : memref<128x112xf32, #tpu.memory_space<vmem>>) target_semaphore(%run_scoped3A : memref<!tpu.dma_semaphore, #tpu.memory_space<semaphore_mem>>)
      %dma_wait3A = arith.constant 0 : i32
      %dma_wait3A_48 = tpu.memref_slice %arg10[%add3A_44, %dma_wait3A] : memref<10240x112xf32, #tpu.memory_space<vmem_shared>> -> memref<128x112xf32, #tpu.memory_space<vmem_shared>>
      %dma_wait3A_49 = arith.constant 0 : i32
      %dma_wait3A_50 = tpu.memref_slice %arg10[%add3A_44, %dma_wait3A_49] : memref<10240x112xf32, #tpu.memory_space<vmem_shared>> -> memref<128x112xf32, #tpu.memory_space<vmem_shared>>
      tpu.wait_dma2 semaphore(%run_scoped3A : memref<!tpu.dma_semaphore, #tpu.memory_space<semaphore_mem>>) src(%dma_wait3A_50 : memref<128x112xf32, #tpu.memory_space<vmem_shared>>) dst(%arg8 : memref<128x112xf32, #tpu.memory_space<vmem>>)
      tpu.yield
    }) : () -> ()
    "tpu.region"() ({
      %run_scoped3A = tpu.sem_alloc : memref<!tpu.dma_semaphore, #tpu.memory_space<semaphore_mem>>
      %dma_start3A = arith.constant 0 : i32
      %dma_start3A_45 = tpu.memref_slice %arg4[%arg0, %add3A_44, %dma_start3A] : memref<2x10240x112xf32, #tpu.memory_space<hbm>> -> memref<1x128x112xf32, #tpu.memory_space<hbm>>
      %dma_start3A_46 = tpu.memref_squeeze %dma_start3A_45 : memref<1x128x112xf32, #tpu.memory_space<hbm>> -> memref<128x112xf32, #tpu.memory_space<hbm>>
      %dma_start3A_47 = arith.constant 0 : i32
      %dma_start3A_48 = tpu.memref_slice %arg4[%arg0, %add3A_44, %dma_start3A_47] : memref<2x10240x112xf32, #tpu.memory_space<hbm>> -> memref<1x128x112xf32, #tpu.memory_space<hbm>>
      %dma_start3A_49 = tpu.memref_squeeze %dma_start3A_48 : memref<1x128x112xf32, #tpu.memory_space<hbm>> -> memref<128x112xf32, #tpu.memory_space<hbm>>
      tpu.enqueue_dma source(%arg8 : memref<128x112xf32, #tpu.memory_space<vmem>>) target(%dma_start3A_49 : memref<128x112xf32, #tpu.memory_space<hbm>>) target_semaphore(%run_scoped3A : memref<!tpu.dma_semaphore, #tpu.memory_space<semaphore_mem>>)
      %dma_wait3A = arith.constant 0 : i32
      %dma_wait3A_50 = tpu.memref_slice %arg4[%arg0, %add3A_44, %dma_wait3A] : memref<2x10240x112xf32, #tpu.memory_space<hbm>> -> memref<1x128x112xf32, #tpu.memory_space<hbm>>
      %dma_wait3A_51 = tpu.memref_squeeze %dma_wait3A_50 : memref<1x128x112xf32, #tpu.memory_space<hbm>> -> memref<128x112xf32, #tpu.memory_space<hbm>>
      %dma_wait3A_52 = arith.constant 0 : i32
      %dma_wait3A_53 = tpu.memref_slice %arg4[%arg0, %add3A_44, %dma_wait3A_52] : memref<2x10240x112xf32, #tpu.memory_space<hbm>> -> memref<1x128x112xf32, #tpu.memory_space<hbm>>
      %dma_wait3A_54 = tpu.memref_squeeze %dma_wait3A_53 : memref<1x128x112xf32, #tpu.memory_space<hbm>> -> memref<128x112xf32, #tpu.memory_space<hbm>>
      tpu.wait_dma2 semaphore(%run_scoped3A : memref<!tpu.dma_semaphore, #tpu.memory_space<semaphore_mem>>) src(%arg8 : memref<128x112xf32, #tpu.memory_space<vmem>>) dst(%dma_wait3A_54 : memref<128x112xf32, #tpu.memory_space<hbm>>)
      tpu.yield
    }) : () -> ()
    return
  }
}

#map = affine_map<(d0, d1) -> (0, 0)>
#map1 = affine_map<(d0, d1) -> (0)>
#map2 = affine_map<(d0, d1) -> (0, 0, 0)>
module attributes {stable_mosaic.version = 14 : i64} {
  func.func @edge_kernel(%arg0: i32, %arg1: i32, %arg2: memref<10016x16xf32, #tpu.memory_space<hbm>>, %arg3: memref<344064xi32, #tpu.memory_space<hbm>>, %arg4: memref<2x10240x16xf32, #tpu.memory_space<hbm>>, %arg5: memref<3584xi32, #tpu.memory_space<vmem>>, %arg6: memref<64xi32, #tpu.memory_space<vmem>>, %arg7: memref<64xi32, #tpu.memory_space<vmem>>, %arg8: memref<128x16xf32, #tpu.memory_space<vmem>>, %arg9: memref<128x16xf32, #tpu.memory_space<vmem>>, %arg10: memref<10240x16xf32, #tpu.memory_space<vmem_shared>>, %arg11: memref<!tpu.dma_semaphore, #tpu.memory_space<semaphore_mem>>, %arg12: memref<!tpu.dma_semaphore, #tpu.memory_space<semaphore_mem>>) attributes {dimension_semantics = [#tpu.dimension_semantics<core_parallel>, #tpu.dimension_semantics<subcore_parallel>], iteration_bounds = array<i64: 2, 16>, scalar_prefetch = 0 : i64, scratch_operands = 8 : i64, tpu.core_type = #tpu.core_type<sc_vector_subcore>, window_params = [{transform_indices = #map}, {transform_indices = #map1}, {transform_indices = #map2}]} {
    %scan3A = arith.constant 0 : i32
    %scan3A_0 = arith.constant 0 : i32
    %scan3A_1 = arith.constant 128 : i32
    %scan3A_2 = arith.addi %scan3A_0, %scan3A_1 : i32
    %scan3A_3 = arith.constant 1 : i32
    %scan3A_4 = scf.for %scan3A_45 = %scan3A_0 to %scan3A_2 step %scan3A_3 iter_args(%scan3A_46 = %scan3A) -> (i32)  : i32 {
      %broadcast_in_dim3A = arith.constant 0.000000e+00 : f32
      %broadcast_in_dim3A_47 = vector.broadcast %broadcast_in_dim3A : f32 to vector<16xf32>
      %swap3A = arith.index_cast %scan3A_45 : i32 to index
      %swap3A_48 = arith.constant 0 : index
      %swap3A_49 = tpu.vector_load %arg8[%swap3A, %swap3A_48] {strides = array<i32>} : memref<128x16xf32, #tpu.memory_space<vmem>>, vector<1x16xf32>,
      %swap3A_50 = vector.shape_cast %swap3A_49 : vector<1x16xf32> to vector<16xf32>
      %swap3A_51 = vector.shape_cast %broadcast_in_dim3A_47 : vector<16xf32> to vector<1x16xf32>
      tpu.vector_store %arg8[%swap3A, %swap3A_48], %swap3A_51 {strides = array<i32>} : memref<128x16xf32, #tpu.memory_space<vmem>>, vector<1x16xf32>,
      %scan3A_52 = arith.constant 0 : i32
      scf.yield %scan3A_52 : i32
    }
    %scan3A_5 = arith.constant 128 : i32
    %mul3A = arith.constant 640 : i32
    %mul3A_6 = arith.muli %arg1, %mul3A : i32
    %multiple_of3A = tpu.assume_multiple %mul3A_6, 8 : i32
    %add3A = arith.constant 0 : i32
    %add3A_7 = arith.addi %multiple_of3A, %add3A : i32
    "tpu.region"() ({
      %run_scoped3A = tpu.sem_alloc : memref<!tpu.dma_semaphore, #tpu.memory_space<semaphore_mem>>
      %dma_start3A = arith.constant 0 : i32
      %dma_start3A_45 = tpu.memref_slice %arg10[%add3A_7, %dma_start3A] : memref<10240x16xf32, #tpu.memory_space<vmem_shared>> -> memref<128x16xf32, #tpu.memory_space<vmem_shared>>
      %dma_start3A_46 = arith.constant 0 : i32
      %dma_start3A_47 = tpu.memref_slice %arg10[%add3A_7, %dma_start3A_46] : memref<10240x16xf32, #tpu.memory_space<vmem_shared>> -> memref<128x16xf32, #tpu.memory_space<vmem_shared>>
      tpu.enqueue_dma source(%arg8 : memref<128x16xf32, #tpu.memory_space<vmem>>) target(%dma_start3A_47 : memref<128x16xf32, #tpu.memory_space<vmem_shared>>) target_semaphore(%run_scoped3A : memref<!tpu.dma_semaphore, #tpu.memory_space<semaphore_mem>>)
      %dma_wait3A = arith.constant 0 : i32
      %dma_wait3A_48 = tpu.memref_slice %arg10[%add3A_7, %dma_wait3A] : memref<10240x16xf32, #tpu.memory_space<vmem_shared>> -> memref<128x16xf32, #tpu.memory_space<vmem_shared>>
      %dma_wait3A_49 = arith.constant 0 : i32
      %dma_wait3A_50 = tpu.memref_slice %arg10[%add3A_7, %dma_wait3A_49] : memref<10240x16xf32, #tpu.memory_space<vmem_shared>> -> memref<128x16xf32, #tpu.memory_space<vmem_shared>>
      tpu.wait_dma2 semaphore(%run_scoped3A : memref<!tpu.dma_semaphore, #tpu.memory_space<semaphore_mem>>) src(%arg8 : memref<128x16xf32, #tpu.memory_space<vmem>>) dst(%dma_wait3A_50 : memref<128x16xf32, #tpu.memory_space<vmem_shared>>)
      tpu.yield
    }) : () -> ()
    %add3A_8 = arith.constant 128 : i32
    %add3A_9 = arith.addi %multiple_of3A, %add3A_8 : i32
    "tpu.region"() ({
      %run_scoped3A = tpu.sem_alloc : memref<!tpu.dma_semaphore, #tpu.memory_space<semaphore_mem>>
      %dma_start3A = arith.constant 0 : i32
      %dma_start3A_45 = tpu.memref_slice %arg10[%add3A_9, %dma_start3A] : memref<10240x16xf32, #tpu.memory_space<vmem_shared>> -> memref<128x16xf32, #tpu.memory_space<vmem_shared>>
      %dma_start3A_46 = arith.constant 0 : i32
      %dma_start3A_47 = tpu.memref_slice %arg10[%add3A_9, %dma_start3A_46] : memref<10240x16xf32, #tpu.memory_space<vmem_shared>> -> memref<128x16xf32, #tpu.memory_space<vmem_shared>>
      tpu.enqueue_dma source(%arg8 : memref<128x16xf32, #tpu.memory_space<vmem>>) target(%dma_start3A_47 : memref<128x16xf32, #tpu.memory_space<vmem_shared>>) target_semaphore(%run_scoped3A : memref<!tpu.dma_semaphore, #tpu.memory_space<semaphore_mem>>)
      %dma_wait3A = arith.constant 0 : i32
      %dma_wait3A_48 = tpu.memref_slice %arg10[%add3A_9, %dma_wait3A] : memref<10240x16xf32, #tpu.memory_space<vmem_shared>> -> memref<128x16xf32, #tpu.memory_space<vmem_shared>>
      %dma_wait3A_49 = arith.constant 0 : i32
      %dma_wait3A_50 = tpu.memref_slice %arg10[%add3A_9, %dma_wait3A_49] : memref<10240x16xf32, #tpu.memory_space<vmem_shared>> -> memref<128x16xf32, #tpu.memory_space<vmem_shared>>
      tpu.wait_dma2 semaphore(%run_scoped3A : memref<!tpu.dma_semaphore, #tpu.memory_space<semaphore_mem>>) src(%arg8 : memref<128x16xf32, #tpu.memory_space<vmem>>) dst(%dma_wait3A_50 : memref<128x16xf32, #tpu.memory_space<vmem_shared>>)
      tpu.yield
    }) : () -> ()
    %add3A_10 = arith.constant 256 : i32
    %add3A_11 = arith.addi %multiple_of3A, %add3A_10 : i32
    "tpu.region"() ({
      %run_scoped3A = tpu.sem_alloc : memref<!tpu.dma_semaphore, #tpu.memory_space<semaphore_mem>>
      %dma_start3A = arith.constant 0 : i32
      %dma_start3A_45 = tpu.memref_slice %arg10[%add3A_11, %dma_start3A] : memref<10240x16xf32, #tpu.memory_space<vmem_shared>> -> memref<128x16xf32, #tpu.memory_space<vmem_shared>>
      %dma_start3A_46 = arith.constant 0 : i32
      %dma_start3A_47 = tpu.memref_slice %arg10[%add3A_11, %dma_start3A_46] : memref<10240x16xf32, #tpu.memory_space<vmem_shared>> -> memref<128x16xf32, #tpu.memory_space<vmem_shared>>
      tpu.enqueue_dma source(%arg8 : memref<128x16xf32, #tpu.memory_space<vmem>>) target(%dma_start3A_47 : memref<128x16xf32, #tpu.memory_space<vmem_shared>>) target_semaphore(%run_scoped3A : memref<!tpu.dma_semaphore, #tpu.memory_space<semaphore_mem>>)
      %dma_wait3A = arith.constant 0 : i32
      %dma_wait3A_48 = tpu.memref_slice %arg10[%add3A_11, %dma_wait3A] : memref<10240x16xf32, #tpu.memory_space<vmem_shared>> -> memref<128x16xf32, #tpu.memory_space<vmem_shared>>
      %dma_wait3A_49 = arith.constant 0 : i32
      %dma_wait3A_50 = tpu.memref_slice %arg10[%add3A_11, %dma_wait3A_49] : memref<10240x16xf32, #tpu.memory_space<vmem_shared>> -> memref<128x16xf32, #tpu.memory_space<vmem_shared>>
      tpu.wait_dma2 semaphore(%run_scoped3A : memref<!tpu.dma_semaphore, #tpu.memory_space<semaphore_mem>>) src(%arg8 : memref<128x16xf32, #tpu.memory_space<vmem>>) dst(%dma_wait3A_50 : memref<128x16xf32, #tpu.memory_space<vmem_shared>>)
      tpu.yield
    }) : () -> ()
    %add3A_12 = arith.constant 384 : i32
    %add3A_13 = arith.addi %multiple_of3A, %add3A_12 : i32
    "tpu.region"() ({
      %run_scoped3A = tpu.sem_alloc : memref<!tpu.dma_semaphore, #tpu.memory_space<semaphore_mem>>
      %dma_start3A = arith.constant 0 : i32
      %dma_start3A_45 = tpu.memref_slice %arg10[%add3A_13, %dma_start3A] : memref<10240x16xf32, #tpu.memory_space<vmem_shared>> -> memref<128x16xf32, #tpu.memory_space<vmem_shared>>
      %dma_start3A_46 = arith.constant 0 : i32
      %dma_start3A_47 = tpu.memref_slice %arg10[%add3A_13, %dma_start3A_46] : memref<10240x16xf32, #tpu.memory_space<vmem_shared>> -> memref<128x16xf32, #tpu.memory_space<vmem_shared>>
      tpu.enqueue_dma source(%arg8 : memref<128x16xf32, #tpu.memory_space<vmem>>) target(%dma_start3A_47 : memref<128x16xf32, #tpu.memory_space<vmem_shared>>) target_semaphore(%run_scoped3A : memref<!tpu.dma_semaphore, #tpu.memory_space<semaphore_mem>>)
      %dma_wait3A = arith.constant 0 : i32
      %dma_wait3A_48 = tpu.memref_slice %arg10[%add3A_13, %dma_wait3A] : memref<10240x16xf32, #tpu.memory_space<vmem_shared>> -> memref<128x16xf32, #tpu.memory_space<vmem_shared>>
      %dma_wait3A_49 = arith.constant 0 : i32
      %dma_wait3A_50 = tpu.memref_slice %arg10[%add3A_13, %dma_wait3A_49] : memref<10240x16xf32, #tpu.memory_space<vmem_shared>> -> memref<128x16xf32, #tpu.memory_space<vmem_shared>>
      tpu.wait_dma2 semaphore(%run_scoped3A : memref<!tpu.dma_semaphore, #tpu.memory_space<semaphore_mem>>) src(%arg8 : memref<128x16xf32, #tpu.memory_space<vmem>>) dst(%dma_wait3A_50 : memref<128x16xf32, #tpu.memory_space<vmem_shared>>)
      tpu.yield
    }) : () -> ()
    %add3A_14 = arith.constant 512 : i32
    %add3A_15 = arith.addi %multiple_of3A, %add3A_14 : i32
    "tpu.region"() ({
      %run_scoped3A = tpu.sem_alloc : memref<!tpu.dma_semaphore, #tpu.memory_space<semaphore_mem>>
      %dma_start3A = arith.constant 0 : i32
      %dma_start3A_45 = tpu.memref_slice %arg10[%add3A_15, %dma_start3A] : memref<10240x16xf32, #tpu.memory_space<vmem_shared>> -> memref<128x16xf32, #tpu.memory_space<vmem_shared>>
      %dma_start3A_46 = arith.constant 0 : i32
      %dma_start3A_47 = tpu.memref_slice %arg10[%add3A_15, %dma_start3A_46] : memref<10240x16xf32, #tpu.memory_space<vmem_shared>> -> memref<128x16xf32, #tpu.memory_space<vmem_shared>>
      tpu.enqueue_dma source(%arg8 : memref<128x16xf32, #tpu.memory_space<vmem>>) target(%dma_start3A_47 : memref<128x16xf32, #tpu.memory_space<vmem_shared>>) target_semaphore(%run_scoped3A : memref<!tpu.dma_semaphore, #tpu.memory_space<semaphore_mem>>)
      %dma_wait3A = arith.constant 0 : i32
      %dma_wait3A_48 = tpu.memref_slice %arg10[%add3A_15, %dma_wait3A] : memref<10240x16xf32, #tpu.memory_space<vmem_shared>> -> memref<128x16xf32, #tpu.memory_space<vmem_shared>>
      %dma_wait3A_49 = arith.constant 0 : i32
      %dma_wait3A_50 = tpu.memref_slice %arg10[%add3A_15, %dma_wait3A_49] : memref<10240x16xf32, #tpu.memory_space<vmem_shared>> -> memref<128x16xf32, #tpu.memory_space<vmem_shared>>
      tpu.wait_dma2 semaphore(%run_scoped3A : memref<!tpu.dma_semaphore, #tpu.memory_space<semaphore_mem>>) src(%arg8 : memref<128x16xf32, #tpu.memory_space<vmem>>) dst(%dma_wait3A_50 : memref<128x16xf32, #tpu.memory_space<vmem_shared>>)
      tpu.yield
    }) : () -> ()
    %barrier3A = arith.constant 0 : index
    tpu.barrier barrier_id(%barrier3A)
    %iota3A = tpu.iota {dimensions = array<i32: 0>} : vector<16xi32>
    %mul3A_16 = arith.constant 16 : i32
    %mul3A_17 = arith.muli %arg0, %mul3A_16 : i32
    %add3A_18 = arith.addi %mul3A_17, %arg1 : i32
    %mul3A_19 = arith.constant 84 : i32
    %mul3A_20 = arith.muli %add3A_18, %mul3A_19 : i32
    %mul3A_21 = arith.constant 2 : i32
    %mul3A_22 = arith.muli %mul3A_20, %mul3A_21 : i32
    %mul3A_23 = arith.constant 64 : i32
    %mul3A_24 = arith.muli %mul3A_22, %mul3A_23 : i32
    %mul3A_25 = arith.constant 5008 : i32
    %mul3A_26 = arith.muli %arg0, %mul3A_25 : i32
    %scan3A_27 = arith.constant 0 : i32
    %scan3A_28 = arith.constant 0 : i32
    %scan3A_29 = arith.constant 3 : i32
    %scan3A_30 = arith.addi %scan3A_28, %scan3A_29 : i32
    %scan3A_31 = arith.constant 1 : i32
    %scan3A_32 = scf.for %scan3A_45 = %scan3A_28 to %scan3A_30 step %scan3A_31 iter_args(%scan3A_46 = %scan3A_27) -> (i32)  : i32 {
      %mul3A_47 = arith.constant 28 : i32
      %mul3A_48 = arith.muli %scan3A_45, %mul3A_47 : i32
      %mul3A_49 = arith.constant 2 : i32
      %mul3A_50 = arith.muli %mul3A_48, %mul3A_49 : i32
      %mul3A_51 = arith.constant 64 : i32
      %mul3A_52 = arith.muli %mul3A_50, %mul3A_51 : i32
      %add3A_53 = arith.addi %mul3A_24, %mul3A_52 : i32
      %multiple_of3A_54 = tpu.assume_multiple %add3A_53, 8 : i32
      "tpu.region"() ({
        %run_scoped3A = tpu.sem_alloc : memref<!tpu.dma_semaphore, #tpu.memory_space<semaphore_mem>>
        %dma_start3A = tpu.memref_slice %arg3[%multiple_of3A_54] : memref<344064xi32, #tpu.memory_space<hbm>> -> memref<3584xi32, #tpu.memory_space<hbm>>
        %dma_start3A_63 = tpu.memref_slice %arg3[%multiple_of3A_54] : memref<344064xi32, #tpu.memory_space<hbm>> -> memref<3584xi32, #tpu.memory_space<hbm>>
        tpu.enqueue_dma source(%dma_start3A_63 : memref<3584xi32, #tpu.memory_space<hbm>>) target(%arg5 : memref<3584xi32, #tpu.memory_space<vmem>>) target_semaphore(%run_scoped3A : memref<!tpu.dma_semaphore, #tpu.memory_space<semaphore_mem>>)
        %dma_wait3A = tpu.memref_slice %arg3[%multiple_of3A_54] : memref<344064xi32, #tpu.memory_space<hbm>> -> memref<3584xi32, #tpu.memory_space<hbm>>
        %dma_wait3A_64 = tpu.memref_slice %arg3[%multiple_of3A_54] : memref<344064xi32, #tpu.memory_space<hbm>> -> memref<3584xi32, #tpu.memory_space<hbm>>
        tpu.wait_dma2 semaphore(%run_scoped3A : memref<!tpu.dma_semaphore, #tpu.memory_space<semaphore_mem>>) src(%dma_wait3A_64 : memref<3584xi32, #tpu.memory_space<hbm>>) dst(%arg5 : memref<3584xi32, #tpu.memory_space<vmem>>)
        tpu.yield
      }) : () -> ()
      %scan3A_55 = arith.constant 0 : i32
      %scan3A_56 = arith.constant 0 : i32
      %scan3A_57 = arith.constant 14 : i32
      %scan3A_58 = arith.addi %scan3A_56, %scan3A_57 : i32
      %scan3A_59 = arith.constant 1 : i32
      %scan3A_60 = scf.for %scan3A_63 = %scan3A_56 to %scan3A_58 step %scan3A_59 iter_args(%scan3A_64 = %scan3A_55) -> (i32)  : i32 {
        %mul3A_65 = arith.constant 4 : i32
        %mul3A_66 = arith.muli %scan3A_63, %mul3A_65 : i32
        %mul3A_67 = arith.constant 64 : i32
        %mul3A_68 = arith.muli %mul3A_66, %mul3A_67 : i32
        %multiple_of3A_69 = tpu.assume_multiple %mul3A_68, 8 : i32
        %add3A_70 = arith.constant 128 : i32
        %add3A_71 = arith.addi %multiple_of3A_69, %add3A_70 : i32
        %dma_start3A = tpu.memref_slice %arg5[%multiple_of3A_69] : memref<3584xi32, #tpu.memory_space<vmem>> -> memref<128xi32, #tpu.memory_space<vmem>>
        %dma_start3A_72 = arith.constant 0 : i32
        %dma_start3A_73 = arith.constant 0 : i32
        %dma_start3A_74 = tpu.memref_slice %arg2[%dma_start3A_72, %dma_start3A_73] : memref<10016x16xf32, #tpu.memory_space<hbm>> -> memref<10016x16xf32, #tpu.memory_space<hbm>>
        tpu.enqueue_indirect_dma source(%dma_start3A_74 : memref<10016x16xf32, #tpu.memory_space<hbm>>) target(%arg8 : memref<128x16xf32, #tpu.memory_space<vmem>>) offsets(%dma_start3A : memref<128xi32, #tpu.memory_space<vmem>>) semaphore(%arg11 : memref<!tpu.dma_semaphore, #tpu.memory_space<semaphore_mem>>)
        %dma_start3A_75 = tpu.memref_slice %arg5[%add3A_71] : memref<3584xi32, #tpu.memory_space<vmem>> -> memref<128xi32, #tpu.memory_space<vmem>>
        %dma_start3A_76 = arith.constant 0 : i32
        %dma_start3A_77 = arith.constant 0 : i32
        %dma_start3A_78 = tpu.memref_slice %arg2[%dma_start3A_76, %dma_start3A_77] : memref<10016x16xf32, #tpu.memory_space<hbm>> -> memref<10016x16xf32, #tpu.memory_space<hbm>>
        tpu.enqueue_indirect_dma source(%dma_start3A_78 : memref<10016x16xf32, #tpu.memory_space<hbm>>) target(%arg9 : memref<128x16xf32, #tpu.memory_space<vmem>>) offsets(%dma_start3A_75 : memref<128xi32, #tpu.memory_space<vmem>>) semaphore(%arg12 : memref<!tpu.dma_semaphore, #tpu.memory_space<semaphore_mem>>)
        %dma_wait3A = tpu.memref_slice %arg5[%multiple_of3A_69] : memref<3584xi32, #tpu.memory_space<vmem>> -> memref<128xi32, #tpu.memory_space<vmem>>
        %dma_wait3A_79 = arith.constant 0 : i32
        %dma_wait3A_80 = arith.constant 0 : i32
        %dma_wait3A_81 = tpu.memref_slice %arg2[%dma_wait3A_79, %dma_wait3A_80] : memref<10016x16xf32, #tpu.memory_space<hbm>> -> memref<10016x16xf32, #tpu.memory_space<hbm>>
        tpu.wait_indirect_dma semaphore(%arg11 : memref<!tpu.dma_semaphore, #tpu.memory_space<semaphore_mem>>) src(%dma_wait3A_81 : memref<10016x16xf32, #tpu.memory_space<hbm>>) dst(%arg8 : memref<128x16xf32, #tpu.memory_space<vmem>>)
        %add3A_82 = arith.constant 64 : i32
        %add3A_83 = arith.addi %multiple_of3A_69, %add3A_82 : i32
        %add3A_84 = arith.constant 0 : i32
        %add3A_85 = arith.addi %add3A_83, %add3A_84 : i32
        %get3A = arith.index_cast %add3A_85 : i32 to index
        %get3A_86 = tpu.vector_load %arg5[%get3A] {strides = array<i32>} : memref<3584xi32, #tpu.memory_space<vmem>>, vector<16xi32>,
        %get3A_87 = vector.shape_cast %get3A_86 : vector<16xi32> to vector<16xi32>
        %swap3A = arith.constant 0 : index
        %swap3A_88 = tpu.vector_load %arg6[%swap3A] {strides = array<i32>} : memref<64xi32, #tpu.memory_space<vmem>>, vector<16xi32>,
        %swap3A_89 = vector.shape_cast %swap3A_88 : vector<16xi32> to vector<16xi32>
        %swap3A_90 = vector.shape_cast %get3A_87 : vector<16xi32> to vector<16xi32>
        tpu.vector_store %arg6[%swap3A], %swap3A_90 {strides = array<i32>} : memref<64xi32, #tpu.memory_space<vmem>>, vector<16xi32>,
        %add3A_91 = arith.constant 64 : i32
        %add3A_92 = arith.addi %multiple_of3A_69, %add3A_91 : i32
        %add3A_93 = arith.constant 16 : i32
        %add3A_94 = arith.addi %add3A_92, %add3A_93 : i32
        %get3A_95 = arith.index_cast %add3A_94 : i32 to index
        %get3A_96 = tpu.vector_load %arg5[%get3A_95] {strides = array<i32>} : memref<3584xi32, #tpu.memory_space<vmem>>, vector<16xi32>,
        %get3A_97 = vector.shape_cast %get3A_96 : vector<16xi32> to vector<16xi32>
        %swap3A_98 = arith.constant 16 : index
        %swap3A_99 = tpu.vector_load %arg6[%swap3A_98] {strides = array<i32>} : memref<64xi32, #tpu.memory_space<vmem>>, vector<16xi32>,
        %swap3A_100 = vector.shape_cast %swap3A_99 : vector<16xi32> to vector<16xi32>
        %swap3A_101 = vector.shape_cast %get3A_97 : vector<16xi32> to vector<16xi32>
        tpu.vector_store %arg6[%swap3A_98], %swap3A_101 {strides = array<i32>} : memref<64xi32, #tpu.memory_space<vmem>>, vector<16xi32>,
        %add3A_102 = arith.constant 64 : i32
        %add3A_103 = arith.addi %multiple_of3A_69, %add3A_102 : i32
        %add3A_104 = arith.constant 32 : i32
        %add3A_105 = arith.addi %add3A_103, %add3A_104 : i32
        %get3A_106 = arith.index_cast %add3A_105 : i32 to index
        %get3A_107 = tpu.vector_load %arg5[%get3A_106] {strides = array<i32>} : memref<3584xi32, #tpu.memory_space<vmem>>, vector<16xi32>,
        %get3A_108 = vector.shape_cast %get3A_107 : vector<16xi32> to vector<16xi32>
        %swap3A_109 = arith.constant 32 : index
        %swap3A_110 = tpu.vector_load %arg6[%swap3A_109] {strides = array<i32>} : memref<64xi32, #tpu.memory_space<vmem>>, vector<16xi32>,
        %swap3A_111 = vector.shape_cast %swap3A_110 : vector<16xi32> to vector<16xi32>
        %swap3A_112 = vector.shape_cast %get3A_108 : vector<16xi32> to vector<16xi32>
        tpu.vector_store %arg6[%swap3A_109], %swap3A_112 {strides = array<i32>} : memref<64xi32, #tpu.memory_space<vmem>>, vector<16xi32>,
        %add3A_113 = arith.constant 64 : i32
        %add3A_114 = arith.addi %multiple_of3A_69, %add3A_113 : i32
        %add3A_115 = arith.constant 48 : i32
        %add3A_116 = arith.addi %add3A_114, %add3A_115 : i32
        %get3A_117 = arith.index_cast %add3A_116 : i32 to index
        %get3A_118 = tpu.vector_load %arg5[%get3A_117] {strides = array<i32>} : memref<3584xi32, #tpu.memory_space<vmem>>, vector<16xi32>,
        %get3A_119 = vector.shape_cast %get3A_118 : vector<16xi32> to vector<16xi32>
        %swap3A_120 = arith.constant 48 : index
        %swap3A_121 = tpu.vector_load %arg6[%swap3A_120] {strides = array<i32>} : memref<64xi32, #tpu.memory_space<vmem>>, vector<16xi32>,
        %swap3A_122 = vector.shape_cast %swap3A_121 : vector<16xi32> to vector<16xi32>
        %swap3A_123 = vector.shape_cast %get3A_119 : vector<16xi32> to vector<16xi32>
        tpu.vector_store %arg6[%swap3A_120], %swap3A_123 {strides = array<i32>} : memref<64xi32, #tpu.memory_space<vmem>>, vector<16xi32>,
        %scan3A_124 = arith.constant 0 : i32
        %scan3A_125 = arith.constant 0 : i32
        %scan3A_126 = arith.constant 4 : i32
        %scan3A_127 = arith.addi %scan3A_125, %scan3A_126 : i32
        %scan3A_128 = arith.constant 1 : i32
        %scan3A_129 = scf.for %scan3A_187 = %scan3A_125 to %scan3A_127 step %scan3A_128 iter_args(%scan3A_188 = %scan3A_124) -> (i32)  : i32 {
          %broadcast_in_dim3A = arith.constant 0.000000e+00 : f32
          %broadcast_in_dim3A_189 = vector.broadcast %broadcast_in_dim3A : f32 to vector<16xf32>
          %scan3A_190 = arith.constant 0 : i32
          %scan3A_191 = arith.constant 16 : i32
          %scan3A_192 = arith.addi %scan3A_190, %scan3A_191 : i32
          %scan3A_193 = arith.constant 1 : i32
          %scan3A_194 = scf.for %scan3A_204 = %scan3A_190 to %scan3A_192 step %scan3A_193 iter_args(%scan3A_205 = %broadcast_in_dim3A_189) -> (vector<16xf32>)  : i32 {
            %mul3A_206 = arith.constant 16 : i32
            %mul3A_207 = arith.muli %scan3A_187, %mul3A_206 : i32
            %add3A_208 = arith.addi %mul3A_207, %scan3A_204 : i32
            %get3A_209 = arith.index_cast %add3A_208 : i32 to index
            %get3A_210 = arith.constant 0 : index
            %get3A_211 = tpu.vector_load %arg8[%get3A_209, %get3A_210] {strides = array<i32>} : memref<128x16xf32, #tpu.memory_space<vmem>>, vector<1x16xf32>,
            %get3A_212 = vector.shape_cast %get3A_211 : vector<1x16xf32> to vector<16xf32>
            %add3A_213 = arith.constant 64 : i32
            %add3A_214 = arith.addi %add3A_213, %add3A_208 : i32
            %get3A_215 = arith.index_cast %add3A_214 : i32 to index
            %get3A_216 = arith.constant 0 : index
            %get3A_217 = tpu.vector_load %arg8[%get3A_215, %get3A_216] {strides = array<i32>} : memref<128x16xf32, #tpu.memory_space<vmem>>, vector<1x16xf32>,
            %get3A_218 = vector.shape_cast %get3A_217 : vector<1x16xf32> to vector<16xf32>
            %lt3A = arith.constant 2 : i32
            %lt3A_219 = vector.broadcast %lt3A : i32 to vector<16xi32>
            %lt3A_220 = arith.cmpi slt, %iota3A, %lt3A_219 : vector<16xi32>
            %mul3A_221 = arith.mulf %get3A_212, %get3A_218 : vector<16xf32>
            %jit3A = arith.constant 0.000000e+00 : f32
            %broadcast_in_dim3A_222 = vector.broadcast %jit3A : f32 to vector<16xf32>
            %select_n3A = arith.select %lt3A_220, %mul3A_221, %broadcast_in_dim3A_222 : vector<16xi1>, vector<16xf32>
            %xor3A = arith.constant 8 : i32
            %xor3A_223 = vector.broadcast %xor3A : i32 to vector<16xi32>
            %xor3A_224 = arith.xori %iota3A, %xor3A_223 : vector<16xi32>
            %lt3A_225 = arith.constant 0 : i32
            %lt3A_226 = vector.broadcast %lt3A_225 : i32 to vector<16xi32>
            %lt3A_227 = arith.cmpi slt, %xor3A_224, %lt3A_226 : vector<16xi32>
            %add3A_228 = arith.constant 16 : i32
            %add3A_229 = vector.broadcast %add3A_228 : i32 to vector<16xi32>
            %add3A_230 = arith.addi %xor3A_224, %add3A_229 : vector<16xi32>
            %select_n3A_231 = arith.select %lt3A_227, %add3A_230, %xor3A_224 : vector<16xi1>, vector<16xi32>
            %broadcast_in_dim3A_232 = vector.shape_cast %select_n3A_231 : vector<16xi32> to vector<16x1xi32>
            %gather3A = vector.shape_cast %broadcast_in_dim3A_232 : vector<16x1xi32> to vector<16xi32>
            %gather3A_233 = tpu.dynamic_gather %select_n3A[%gather3A] in [0] : vector<16xf32>, vector<16xi32> -> vector<16xf32>
            %add3A_234 = arith.addf %select_n3A, %gather3A_233 : vector<16xf32>
            %xor3A_235 = arith.constant 4 : i32
            %xor3A_236 = vector.broadcast %xor3A_235 : i32 to vector<16xi32>
            %xor3A_237 = arith.xori %iota3A, %xor3A_236 : vector<16xi32>
            %lt3A_238 = arith.constant 0 : i32
            %lt3A_239 = vector.broadcast %lt3A_238 : i32 to vector<16xi32>
            %lt3A_240 = arith.cmpi slt, %xor3A_237, %lt3A_239 : vector<16xi32>
            %add3A_241 = arith.constant 16 : i32
            %add3A_242 = vector.broadcast %add3A_241 : i32 to vector<16xi32>
            %add3A_243 = arith.addi %xor3A_237, %add3A_242 : vector<16xi32>
            %select_n3A_244 = arith.select %lt3A_240, %add3A_243, %xor3A_237 : vector<16xi1>, vector<16xi32>
            %broadcast_in_dim3A_245 = vector.shape_cast %select_n3A_244 : vector<16xi32> to vector<16x1xi32>
            %gather3A_246 = vector.shape_cast %broadcast_in_dim3A_245 : vector<16x1xi32> to vector<16xi32>
            %gather3A_247 = tpu.dynamic_gather %add3A_234[%gather3A_246] in [0] : vector<16xf32>, vector<16xi32> -> vector<16xf32>
            %add3A_248 = arith.addf %add3A_234, %gather3A_247 : vector<16xf32>
            %xor3A_249 = arith.constant 2 : i32
            %xor3A_250 = vector.broadcast %xor3A_249 : i32 to vector<16xi32>
            %xor3A_251 = arith.xori %iota3A, %xor3A_250 : vector<16xi32>
            %lt3A_252 = arith.constant 0 : i32
            %lt3A_253 = vector.broadcast %lt3A_252 : i32 to vector<16xi32>
            %lt3A_254 = arith.cmpi slt, %xor3A_251, %lt3A_253 : vector<16xi32>
            %add3A_255 = arith.constant 16 : i32
            %add3A_256 = vector.broadcast %add3A_255 : i32 to vector<16xi32>
            %add3A_257 = arith.addi %xor3A_251, %add3A_256 : vector<16xi32>
            %select_n3A_258 = arith.select %lt3A_254, %add3A_257, %xor3A_251 : vector<16xi1>, vector<16xi32>
            %broadcast_in_dim3A_259 = vector.shape_cast %select_n3A_258 : vector<16xi32> to vector<16x1xi32>
            %gather3A_260 = vector.shape_cast %broadcast_in_dim3A_259 : vector<16x1xi32> to vector<16xi32>
            %gather3A_261 = tpu.dynamic_gather %add3A_248[%gather3A_260] in [0] : vector<16xf32>, vector<16xi32> -> vector<16xf32>
            %add3A_262 = arith.addf %add3A_248, %gather3A_261 : vector<16xf32>
            %xor3A_263 = arith.constant 1 : i32
            %xor3A_264 = vector.broadcast %xor3A_263 : i32 to vector<16xi32>
            %xor3A_265 = arith.xori %iota3A, %xor3A_264 : vector<16xi32>
            %lt3A_266 = arith.constant 0 : i32
            %lt3A_267 = vector.broadcast %lt3A_266 : i32 to vector<16xi32>
            %lt3A_268 = arith.cmpi slt, %xor3A_265, %lt3A_267 : vector<16xi32>
            %add3A_269 = arith.constant 16 : i32
            %add3A_270 = vector.broadcast %add3A_269 : i32 to vector<16xi32>
            %add3A_271 = arith.addi %xor3A_265, %add3A_270 : vector<16xi32>
            %select_n3A_272 = arith.select %lt3A_268, %add3A_271, %xor3A_265 : vector<16xi1>, vector<16xi32>
            %broadcast_in_dim3A_273 = vector.shape_cast %select_n3A_272 : vector<16xi32> to vector<16x1xi32>
            %gather3A_274 = vector.shape_cast %broadcast_in_dim3A_273 : vector<16x1xi32> to vector<16xi32>
            %gather3A_275 = tpu.dynamic_gather %add3A_262[%gather3A_274] in [0] : vector<16xf32>, vector<16xi32> -> vector<16xf32>
            %add3A_276 = arith.addf %add3A_262, %gather3A_275 : vector<16xf32>
            %slice3A = vector.extract_strided_slice %get3A_212 {offsets = [14], sizes = [1], strides = [1]} : vector<16xf32> to vector<1xf32>
            %squeeze3A = vector.extract %slice3A[0] : f32 from vector<1xf32>
            %slice3A_277 = vector.extract_strided_slice %get3A_218 {offsets = [13], sizes = [1], strides = [1]} : vector<16xf32> to vector<1xf32>
            %squeeze3A_278 = vector.extract %slice3A_277[0] : f32 from vector<1xf32>
            %mul3A_279 = arith.mulf %squeeze3A, %squeeze3A_278 : f32
            %mul3A_280 = vector.broadcast %mul3A_279 : f32 to vector<16xf32>
            %mul3A_281 = arith.mulf %mul3A_280, %add3A_276 : vector<16xf32>
            %eq3A = vector.broadcast %scan3A_204 : i32 to vector<16xi32>
            %eq3A_282 = arith.cmpi eq, %iota3A, %eq3A : vector<16xi32>
            %select_n3A_283 = arith.select %eq3A_282, %mul3A_281, %scan3A_205 : vector<16xi1>, vector<16xf32>
            scf.yield %select_n3A_283 : vector<16xf32>
          }
          %scan3A_195 = arith.constant 16 : i32
          %exp3A = math.exp %scan3A_194 : vector<16xf32>
          %scan3A_196 = arith.constant 0 : i32
          %scan3A_197 = arith.constant 0 : i32
          %scan3A_198 = arith.constant 16 : i32
          %scan3A_199 = arith.addi %scan3A_197, %scan3A_198 : i32
          %scan3A_200 = arith.constant 1 : i32
          %scan3A_201 = scf.for %scan3A_204 = %scan3A_197 to %scan3A_199 step %scan3A_200 iter_args(%scan3A_205 = %scan3A_196) -> (i32)  : i32 {
            %mul3A_206 = arith.constant 16 : i32
            %mul3A_207 = arith.muli %scan3A_187, %mul3A_206 : i32
            %add3A_208 = arith.addi %mul3A_207, %scan3A_204 : i32
            %broadcast_in_dim3A_209 = vector.broadcast %scan3A_204 : i32 to vector<16xi32>
            %lt3A = arith.constant 0 : i32
            %lt3A_210 = vector.broadcast %lt3A : i32 to vector<16xi32>
            %lt3A_211 = arith.cmpi slt, %broadcast_in_dim3A_209, %lt3A_210 : vector<16xi32>
            %add3A_212 = arith.constant 16 : i32
            %add3A_213 = vector.broadcast %add3A_212 : i32 to vector<16xi32>
            %add3A_214 = arith.addi %broadcast_in_dim3A_209, %add3A_213 : vector<16xi32>
            %select_n3A = arith.select %lt3A_211, %add3A_214, %broadcast_in_dim3A_209 : vector<16xi1>, vector<16xi32>
            %broadcast_in_dim3A_215 = vector.shape_cast %select_n3A : vector<16xi32> to vector<16x1xi32>
            %gather3A = vector.shape_cast %broadcast_in_dim3A_215 : vector<16x1xi32> to vector<16xi32>
            %gather3A_216 = tpu.dynamic_gather %exp3A[%gather3A] in [0] : vector<16xf32>, vector<16xi32> -> vector<16xf32>
            %get3A_217 = arith.index_cast %add3A_208 : i32 to index
            %get3A_218 = arith.constant 0 : index
            %get3A_219 = tpu.vector_load %arg8[%get3A_217, %get3A_218] {strides = array<i32>} : memref<128x16xf32, #tpu.memory_space<vmem>>, vector<1x16xf32>,
            %get3A_220 = vector.shape_cast %get3A_219 : vector<1x16xf32> to vector<16xf32>
            %mul3A_221 = arith.mulf %get3A_220, %gather3A_216 : vector<16xf32>
            %swap3A_222 = arith.index_cast %add3A_208 : i32 to index
            %swap3A_223 = arith.constant 0 : index
            %swap3A_224 = tpu.vector_load %arg8[%swap3A_222, %swap3A_223] {strides = array<i32>} : memref<128x16xf32, #tpu.memory_space<vmem>>, vector<1x16xf32>,
            %swap3A_225 = vector.shape_cast %swap3A_224 : vector<1x16xf32> to vector<16xf32>
            %swap3A_226 = vector.shape_cast %mul3A_221 : vector<16xf32> to vector<1x16xf32>
            tpu.vector_store %arg8[%swap3A_222, %swap3A_223], %swap3A_226 {strides = array<i32>} : memref<128x16xf32, #tpu.memory_space<vmem>>, vector<1x16xf32>,
            %scan3A_227 = arith.constant 0 : i32
            scf.yield %scan3A_227 : i32
          }
          %scan3A_202 = arith.constant 16 : i32
          %scan3A_203 = arith.constant 0 : i32
          scf.yield %scan3A_203 : i32
        }
        %scan3A_130 = arith.constant 4 : i32
        "tpu.region"() ({
          %run_scoped3A = tpu.sem_alloc : memref<!tpu.dma_semaphore, #tpu.memory_space<semaphore_mem>>
          %dma_start3A_187 = arith.constant 0 : i32
          %dma_start3A_188 = arith.constant 0 : i32
          %dma_start3A_189 = tpu.memref_slice %arg8[%dma_start3A_187, %dma_start3A_188] : memref<128x16xf32, #tpu.memory_space<vmem>> -> memref<64x16xf32, #tpu.memory_space<vmem>>
          %dma_start3A_190 = arith.constant 0 : i32
          %dma_start3A_191 = arith.constant 0 : i32
          %dma_start3A_192 = tpu.memref_slice %arg10[%dma_start3A_190, %dma_start3A_191] : memref<10240x16xf32, #tpu.memory_space<vmem_shared>> -> memref<10240x16xf32, #tpu.memory_space<vmem_shared>>
          tpu.enqueue_indirect_dma source(%dma_start3A_189 : memref<64x16xf32, #tpu.memory_space<vmem>>) target(%dma_start3A_192 : memref<10240x16xf32, #tpu.memory_space<vmem_shared>>) offsets(%arg6 : memref<64xi32, #tpu.memory_space<vmem>>) semaphore(%run_scoped3A : memref<!tpu.dma_semaphore, #tpu.memory_space<semaphore_mem>>) {add = true}
          %dma_wait3A_193 = arith.constant 0 : i32
          %dma_wait3A_194 = arith.constant 0 : i32
          %dma_wait3A_195 = tpu.memref_slice %arg8[%dma_wait3A_193, %dma_wait3A_194] : memref<128x16xf32, #tpu.memory_space<vmem>> -> memref<64x16xf32, #tpu.memory_space<vmem>>
          %dma_wait3A_196 = arith.constant 0 : i32
          %dma_wait3A_197 = arith.constant 0 : i32
          %dma_wait3A_198 = tpu.memref_slice %arg10[%dma_wait3A_196, %dma_wait3A_197] : memref<10240x16xf32, #tpu.memory_space<vmem_shared>> -> memref<10240x16xf32, #tpu.memory_space<vmem_shared>>
          tpu.wait_indirect_dma semaphore(%run_scoped3A : memref<!tpu.dma_semaphore, #tpu.memory_space<semaphore_mem>>) src(%dma_wait3A_195 : memref<64x16xf32, #tpu.memory_space<vmem>>) dst(%dma_wait3A_198 : memref<10240x16xf32, #tpu.memory_space<vmem_shared>>)
          tpu.yield
        }) : () -> ()
        %dma_wait3A_131 = tpu.memref_slice %arg5[%add3A_71] : memref<3584xi32, #tpu.memory_space<vmem>> -> memref<128xi32, #tpu.memory_space<vmem>>
        %dma_wait3A_132 = arith.constant 0 : i32
        %dma_wait3A_133 = arith.constant 0 : i32
        %dma_wait3A_134 = tpu.memref_slice %arg2[%dma_wait3A_132, %dma_wait3A_133] : memref<10016x16xf32, #tpu.memory_space<hbm>> -> memref<10016x16xf32, #tpu.memory_space<hbm>>
        tpu.wait_indirect_dma semaphore(%arg12 : memref<!tpu.dma_semaphore, #tpu.memory_space<semaphore_mem>>) src(%dma_wait3A_134 : memref<10016x16xf32, #tpu.memory_space<hbm>>) dst(%arg9 : memref<128x16xf32, #tpu.memory_space<vmem>>)
        %add3A_135 = arith.constant 64 : i32
        %add3A_136 = arith.addi %add3A_71, %add3A_135 : i32
        %add3A_137 = arith.constant 0 : i32
        %add3A_138 = arith.addi %add3A_136, %add3A_137 : i32
        %get3A_139 = arith.index_cast %add3A_138 : i32 to index
        %get3A_140 = tpu.vector_load %arg5[%get3A_139] {strides = array<i32>} : memref<3584xi32, #tpu.memory_space<vmem>>, vector<16xi32>,
        %get3A_141 = vector.shape_cast %get3A_140 : vector<16xi32> to vector<16xi32>
        %swap3A_142 = arith.constant 0 : index
        %swap3A_143 = tpu.vector_load %arg7[%swap3A_142] {strides = array<i32>} : memref<64xi32, #tpu.memory_space<vmem>>, vector<16xi32>,
        %swap3A_144 = vector.shape_cast %swap3A_143 : vector<16xi32> to vector<16xi32>
        %swap3A_145 = vector.shape_cast %get3A_141 : vector<16xi32> to vector<16xi32>
        tpu.vector_store %arg7[%swap3A_142], %swap3A_145 {strides = array<i32>} : memref<64xi32, #tpu.memory_space<vmem>>, vector<16xi32>,
        %add3A_146 = arith.constant 64 : i32
        %add3A_147 = arith.addi %add3A_71, %add3A_146 : i32
        %add3A_148 = arith.constant 16 : i32
        %add3A_149 = arith.addi %add3A_147, %add3A_148 : i32
        %get3A_150 = arith.index_cast %add3A_149 : i32 to index
        %get3A_151 = tpu.vector_load %arg5[%get3A_150] {strides = array<i32>} : memref<3584xi32, #tpu.memory_space<vmem>>, vector<16xi32>,
        %get3A_152 = vector.shape_cast %get3A_151 : vector<16xi32> to vector<16xi32>
        %swap3A_153 = arith.constant 16 : index
        %swap3A_154 = tpu.vector_load %arg7[%swap3A_153] {strides = array<i32>} : memref<64xi32, #tpu.memory_space<vmem>>, vector<16xi32>,
        %swap3A_155 = vector.shape_cast %swap3A_154 : vector<16xi32> to vector<16xi32>
        %swap3A_156 = vector.shape_cast %get3A_152 : vector<16xi32> to vector<16xi32>
        tpu.vector_store %arg7[%swap3A_153], %swap3A_156 {strides = array<i32>} : memref<64xi32, #tpu.memory_space<vmem>>, vector<16xi32>,
        %add3A_157 = arith.constant 64 : i32
        %add3A_158 = arith.addi %add3A_71, %add3A_157 : i32
        %add3A_159 = arith.constant 32 : i32
        %add3A_160 = arith.addi %add3A_158, %add3A_159 : i32
        %get3A_161 = arith.index_cast %add3A_160 : i32 to index
        %get3A_162 = tpu.vector_load %arg5[%get3A_161] {strides = array<i32>} : memref<3584xi32, #tpu.memory_space<vmem>>, vector<16xi32>,
        %get3A_163 = vector.shape_cast %get3A_162 : vector<16xi32> to vector<16xi32>
        %swap3A_164 = arith.constant 32 : index
        %swap3A_165 = tpu.vector_load %arg7[%swap3A_164] {strides = array<i32>} : memref<64xi32, #tpu.memory_space<vmem>>, vector<16xi32>,
        %swap3A_166 = vector.shape_cast %swap3A_165 : vector<16xi32> to vector<16xi32>
        %swap3A_167 = vector.shape_cast %get3A_163 : vector<16xi32> to vector<16xi32>
        tpu.vector_store %arg7[%swap3A_164], %swap3A_167 {strides = array<i32>} : memref<64xi32, #tpu.memory_space<vmem>>, vector<16xi32>,
        %add3A_168 = arith.constant 64 : i32
        %add3A_169 = arith.addi %add3A_71, %add3A_168 : i32
        %add3A_170 = arith.constant 48 : i32
        %add3A_171 = arith.addi %add3A_169, %add3A_170 : i32
        %get3A_172 = arith.index_cast %add3A_171 : i32 to index
        %get3A_173 = tpu.vector_load %arg5[%get3A_172] {strides = array<i32>} : memref<3584xi32, #tpu.memory_space<vmem>>, vector<16xi32>,
        %get3A_174 = vector.shape_cast %get3A_173 : vector<16xi32> to vector<16xi32>
        %swap3A_175 = arith.constant 48 : index
        %swap3A_176 = tpu.vector_load %arg7[%swap3A_175] {strides = array<i32>} : memref<64xi32, #tpu.memory_space<vmem>>, vector<16xi32>,
        %swap3A_177 = vector.shape_cast %swap3A_176 : vector<16xi32> to vector<16xi32>
        %swap3A_178 = vector.shape_cast %get3A_174 : vector<16xi32> to vector<16xi32>
        tpu.vector_store %arg7[%swap3A_175], %swap3A_178 {strides = array<i32>} : memref<64xi32, #tpu.memory_space<vmem>>, vector<16xi32>,
        %scan3A_179 = arith.constant 0 : i32
        %scan3A_180 = arith.constant 0 : i32
        %scan3A_181 = arith.constant 4 : i32
        %scan3A_182 = arith.addi %scan3A_180, %scan3A_181 : i32
        %scan3A_183 = arith.constant 1 : i32
        %scan3A_184 = scf.for %scan3A_187 = %scan3A_180 to %scan3A_182 step %scan3A_183 iter_args(%scan3A_188 = %scan3A_179) -> (i32)  : i32 {
          %broadcast_in_dim3A = arith.constant 0.000000e+00 : f32
          %broadcast_in_dim3A_189 = vector.broadcast %broadcast_in_dim3A : f32 to vector<16xf32>
          %scan3A_190 = arith.constant 0 : i32
          %scan3A_191 = arith.constant 16 : i32
          %scan3A_192 = arith.addi %scan3A_190, %scan3A_191 : i32
          %scan3A_193 = arith.constant 1 : i32
          %scan3A_194 = scf.for %scan3A_204 = %scan3A_190 to %scan3A_192 step %scan3A_193 iter_args(%scan3A_205 = %broadcast_in_dim3A_189) -> (vector<16xf32>)  : i32 {
            %mul3A_206 = arith.constant 16 : i32
            %mul3A_207 = arith.muli %scan3A_187, %mul3A_206 : i32
            %add3A_208 = arith.addi %mul3A_207, %scan3A_204 : i32
            %get3A_209 = arith.index_cast %add3A_208 : i32 to index
            %get3A_210 = arith.constant 0 : index
            %get3A_211 = tpu.vector_load %arg9[%get3A_209, %get3A_210] {strides = array<i32>} : memref<128x16xf32, #tpu.memory_space<vmem>>, vector<1x16xf32>,
            %get3A_212 = vector.shape_cast %get3A_211 : vector<1x16xf32> to vector<16xf32>
            %add3A_213 = arith.constant 64 : i32
            %add3A_214 = arith.addi %add3A_213, %add3A_208 : i32
            %get3A_215 = arith.index_cast %add3A_214 : i32 to index
            %get3A_216 = arith.constant 0 : index
            %get3A_217 = tpu.vector_load %arg9[%get3A_215, %get3A_216] {strides = array<i32>} : memref<128x16xf32, #tpu.memory_space<vmem>>, vector<1x16xf32>,
            %get3A_218 = vector.shape_cast %get3A_217 : vector<1x16xf32> to vector<16xf32>
            %lt3A = arith.constant 2 : i32
            %lt3A_219 = vector.broadcast %lt3A : i32 to vector<16xi32>
            %lt3A_220 = arith.cmpi slt, %iota3A, %lt3A_219 : vector<16xi32>
            %mul3A_221 = arith.mulf %get3A_212, %get3A_218 : vector<16xf32>
            %jit3A = arith.constant 0.000000e+00 : f32
            %broadcast_in_dim3A_222 = vector.broadcast %jit3A : f32 to vector<16xf32>
            %select_n3A = arith.select %lt3A_220, %mul3A_221, %broadcast_in_dim3A_222 : vector<16xi1>, vector<16xf32>
            %xor3A = arith.constant 8 : i32
            %xor3A_223 = vector.broadcast %xor3A : i32 to vector<16xi32>
            %xor3A_224 = arith.xori %iota3A, %xor3A_223 : vector<16xi32>
            %lt3A_225 = arith.constant 0 : i32
            %lt3A_226 = vector.broadcast %lt3A_225 : i32 to vector<16xi32>
            %lt3A_227 = arith.cmpi slt, %xor3A_224, %lt3A_226 : vector<16xi32>
            %add3A_228 = arith.constant 16 : i32
            %add3A_229 = vector.broadcast %add3A_228 : i32 to vector<16xi32>
            %add3A_230 = arith.addi %xor3A_224, %add3A_229 : vector<16xi32>
            %select_n3A_231 = arith.select %lt3A_227, %add3A_230, %xor3A_224 : vector<16xi1>, vector<16xi32>
            %broadcast_in_dim3A_232 = vector.shape_cast %select_n3A_231 : vector<16xi32> to vector<16x1xi32>
            %gather3A = vector.shape_cast %broadcast_in_dim3A_232 : vector<16x1xi32> to vector<16xi32>
            %gather3A_233 = tpu.dynamic_gather %select_n3A[%gather3A] in [0] : vector<16xf32>, vector<16xi32> -> vector<16xf32>
            %add3A_234 = arith.addf %select_n3A, %gather3A_233 : vector<16xf32>
            %xor3A_235 = arith.constant 4 : i32
            %xor3A_236 = vector.broadcast %xor3A_235 : i32 to vector<16xi32>
            %xor3A_237 = arith.xori %iota3A, %xor3A_236 : vector<16xi32>
            %lt3A_238 = arith.constant 0 : i32
            %lt3A_239 = vector.broadcast %lt3A_238 : i32 to vector<16xi32>
            %lt3A_240 = arith.cmpi slt, %xor3A_237, %lt3A_239 : vector<16xi32>
            %add3A_241 = arith.constant 16 : i32
            %add3A_242 = vector.broadcast %add3A_241 : i32 to vector<16xi32>
            %add3A_243 = arith.addi %xor3A_237, %add3A_242 : vector<16xi32>
            %select_n3A_244 = arith.select %lt3A_240, %add3A_243, %xor3A_237 : vector<16xi1>, vector<16xi32>
            %broadcast_in_dim3A_245 = vector.shape_cast %select_n3A_244 : vector<16xi32> to vector<16x1xi32>
            %gather3A_246 = vector.shape_cast %broadcast_in_dim3A_245 : vector<16x1xi32> to vector<16xi32>
            %gather3A_247 = tpu.dynamic_gather %add3A_234[%gather3A_246] in [0] : vector<16xf32>, vector<16xi32> -> vector<16xf32>
            %add3A_248 = arith.addf %add3A_234, %gather3A_247 : vector<16xf32>
            %xor3A_249 = arith.constant 2 : i32
            %xor3A_250 = vector.broadcast %xor3A_249 : i32 to vector<16xi32>
            %xor3A_251 = arith.xori %iota3A, %xor3A_250 : vector<16xi32>
            %lt3A_252 = arith.constant 0 : i32
            %lt3A_253 = vector.broadcast %lt3A_252 : i32 to vector<16xi32>
            %lt3A_254 = arith.cmpi slt, %xor3A_251, %lt3A_253 : vector<16xi32>
            %add3A_255 = arith.constant 16 : i32
            %add3A_256 = vector.broadcast %add3A_255 : i32 to vector<16xi32>
            %add3A_257 = arith.addi %xor3A_251, %add3A_256 : vector<16xi32>
            %select_n3A_258 = arith.select %lt3A_254, %add3A_257, %xor3A_251 : vector<16xi1>, vector<16xi32>
            %broadcast_in_dim3A_259 = vector.shape_cast %select_n3A_258 : vector<16xi32> to vector<16x1xi32>
            %gather3A_260 = vector.shape_cast %broadcast_in_dim3A_259 : vector<16x1xi32> to vector<16xi32>
            %gather3A_261 = tpu.dynamic_gather %add3A_248[%gather3A_260] in [0] : vector<16xf32>, vector<16xi32> -> vector<16xf32>
            %add3A_262 = arith.addf %add3A_248, %gather3A_261 : vector<16xf32>
            %xor3A_263 = arith.constant 1 : i32
            %xor3A_264 = vector.broadcast %xor3A_263 : i32 to vector<16xi32>
            %xor3A_265 = arith.xori %iota3A, %xor3A_264 : vector<16xi32>
            %lt3A_266 = arith.constant 0 : i32
            %lt3A_267 = vector.broadcast %lt3A_266 : i32 to vector<16xi32>
            %lt3A_268 = arith.cmpi slt, %xor3A_265, %lt3A_267 : vector<16xi32>
            %add3A_269 = arith.constant 16 : i32
            %add3A_270 = vector.broadcast %add3A_269 : i32 to vector<16xi32>
            %add3A_271 = arith.addi %xor3A_265, %add3A_270 : vector<16xi32>
            %select_n3A_272 = arith.select %lt3A_268, %add3A_271, %xor3A_265 : vector<16xi1>, vector<16xi32>
            %broadcast_in_dim3A_273 = vector.shape_cast %select_n3A_272 : vector<16xi32> to vector<16x1xi32>
            %gather3A_274 = vector.shape_cast %broadcast_in_dim3A_273 : vector<16x1xi32> to vector<16xi32>
            %gather3A_275 = tpu.dynamic_gather %add3A_262[%gather3A_274] in [0] : vector<16xf32>, vector<16xi32> -> vector<16xf32>
            %add3A_276 = arith.addf %add3A_262, %gather3A_275 : vector<16xf32>
            %slice3A = vector.extract_strided_slice %get3A_212 {offsets = [14], sizes = [1], strides = [1]} : vector<16xf32> to vector<1xf32>
            %squeeze3A = vector.extract %slice3A[0] : f32 from vector<1xf32>
            %slice3A_277 = vector.extract_strided_slice %get3A_218 {offsets = [13], sizes = [1], strides = [1]} : vector<16xf32> to vector<1xf32>
            %squeeze3A_278 = vector.extract %slice3A_277[0] : f32 from vector<1xf32>
            %mul3A_279 = arith.mulf %squeeze3A, %squeeze3A_278 : f32
            %mul3A_280 = vector.broadcast %mul3A_279 : f32 to vector<16xf32>
            %mul3A_281 = arith.mulf %mul3A_280, %add3A_276 : vector<16xf32>
            %eq3A = vector.broadcast %scan3A_204 : i32 to vector<16xi32>
            %eq3A_282 = arith.cmpi eq, %iota3A, %eq3A : vector<16xi32>
            %select_n3A_283 = arith.select %eq3A_282, %mul3A_281, %scan3A_205 : vector<16xi1>, vector<16xf32>
            scf.yield %select_n3A_283 : vector<16xf32>
          }
          %scan3A_195 = arith.constant 16 : i32
          %exp3A = math.exp %scan3A_194 : vector<16xf32>
          %scan3A_196 = arith.constant 0 : i32
          %scan3A_197 = arith.constant 0 : i32
          %scan3A_198 = arith.constant 16 : i32
          %scan3A_199 = arith.addi %scan3A_197, %scan3A_198 : i32
          %scan3A_200 = arith.constant 1 : i32
          %scan3A_201 = scf.for %scan3A_204 = %scan3A_197 to %scan3A_199 step %scan3A_200 iter_args(%scan3A_205 = %scan3A_196) -> (i32)  : i32 {
            %mul3A_206 = arith.constant 16 : i32
            %mul3A_207 = arith.muli %scan3A_187, %mul3A_206 : i32
            %add3A_208 = arith.addi %mul3A_207, %scan3A_204 : i32
            %broadcast_in_dim3A_209 = vector.broadcast %scan3A_204 : i32 to vector<16xi32>
            %lt3A = arith.constant 0 : i32
            %lt3A_210 = vector.broadcast %lt3A : i32 to vector<16xi32>
            %lt3A_211 = arith.cmpi slt, %broadcast_in_dim3A_209, %lt3A_210 : vector<16xi32>
            %add3A_212 = arith.constant 16 : i32
            %add3A_213 = vector.broadcast %add3A_212 : i32 to vector<16xi32>
            %add3A_214 = arith.addi %broadcast_in_dim3A_209, %add3A_213 : vector<16xi32>
            %select_n3A = arith.select %lt3A_211, %add3A_214, %broadcast_in_dim3A_209 : vector<16xi1>, vector<16xi32>
            %broadcast_in_dim3A_215 = vector.shape_cast %select_n3A : vector<16xi32> to vector<16x1xi32>
            %gather3A = vector.shape_cast %broadcast_in_dim3A_215 : vector<16x1xi32> to vector<16xi32>
            %gather3A_216 = tpu.dynamic_gather %exp3A[%gather3A] in [0] : vector<16xf32>, vector<16xi32> -> vector<16xf32>
            %get3A_217 = arith.index_cast %add3A_208 : i32 to index
            %get3A_218 = arith.constant 0 : index
            %get3A_219 = tpu.vector_load %arg9[%get3A_217, %get3A_218] {strides = array<i32>} : memref<128x16xf32, #tpu.memory_space<vmem>>, vector<1x16xf32>,
            %get3A_220 = vector.shape_cast %get3A_219 : vector<1x16xf32> to vector<16xf32>
            %mul3A_221 = arith.mulf %get3A_220, %gather3A_216 : vector<16xf32>
            %swap3A_222 = arith.index_cast %add3A_208 : i32 to index
            %swap3A_223 = arith.constant 0 : index
            %swap3A_224 = tpu.vector_load %arg9[%swap3A_222, %swap3A_223] {strides = array<i32>} : memref<128x16xf32, #tpu.memory_space<vmem>>, vector<1x16xf32>,
            %swap3A_225 = vector.shape_cast %swap3A_224 : vector<1x16xf32> to vector<16xf32>
            %swap3A_226 = vector.shape_cast %mul3A_221 : vector<16xf32> to vector<1x16xf32>
            tpu.vector_store %arg9[%swap3A_222, %swap3A_223], %swap3A_226 {strides = array<i32>} : memref<128x16xf32, #tpu.memory_space<vmem>>, vector<1x16xf32>,
            %scan3A_227 = arith.constant 0 : i32
            scf.yield %scan3A_227 : i32
          }
          %scan3A_202 = arith.constant 16 : i32
          %scan3A_203 = arith.constant 0 : i32
          scf.yield %scan3A_203 : i32
        }
        %scan3A_185 = arith.constant 4 : i32
        "tpu.region"() ({
          %run_scoped3A = tpu.sem_alloc : memref<!tpu.dma_semaphore, #tpu.memory_space<semaphore_mem>>
          %dma_start3A_187 = arith.constant 0 : i32
          %dma_start3A_188 = arith.constant 0 : i32
          %dma_start3A_189 = tpu.memref_slice %arg9[%dma_start3A_187, %dma_start3A_188] : memref<128x16xf32, #tpu.memory_space<vmem>> -> memref<64x16xf32, #tpu.memory_space<vmem>>
          %dma_start3A_190 = arith.constant 0 : i32
          %dma_start3A_191 = arith.constant 0 : i32
          %dma_start3A_192 = tpu.memref_slice %arg10[%dma_start3A_190, %dma_start3A_191] : memref<10240x16xf32, #tpu.memory_space<vmem_shared>> -> memref<10240x16xf32, #tpu.memory_space<vmem_shared>>
          tpu.enqueue_indirect_dma source(%dma_start3A_189 : memref<64x16xf32, #tpu.memory_space<vmem>>) target(%dma_start3A_192 : memref<10240x16xf32, #tpu.memory_space<vmem_shared>>) offsets(%arg7 : memref<64xi32, #tpu.memory_space<vmem>>) semaphore(%run_scoped3A : memref<!tpu.dma_semaphore, #tpu.memory_space<semaphore_mem>>) {add = true}
          %dma_wait3A_193 = arith.constant 0 : i32
          %dma_wait3A_194 = arith.constant 0 : i32
          %dma_wait3A_195 = tpu.memref_slice %arg9[%dma_wait3A_193, %dma_wait3A_194] : memref<128x16xf32, #tpu.memory_space<vmem>> -> memref<64x16xf32, #tpu.memory_space<vmem>>
          %dma_wait3A_196 = arith.constant 0 : i32
          %dma_wait3A_197 = arith.constant 0 : i32
          %dma_wait3A_198 = tpu.memref_slice %arg10[%dma_wait3A_196, %dma_wait3A_197] : memref<10240x16xf32, #tpu.memory_space<vmem_shared>> -> memref<10240x16xf32, #tpu.memory_space<vmem_shared>>
          tpu.wait_indirect_dma semaphore(%run_scoped3A : memref<!tpu.dma_semaphore, #tpu.memory_space<semaphore_mem>>) src(%dma_wait3A_195 : memref<64x16xf32, #tpu.memory_space<vmem>>) dst(%dma_wait3A_198 : memref<10240x16xf32, #tpu.memory_space<vmem_shared>>)
          tpu.yield
        }) : () -> ()
        %scan3A_186 = arith.constant 0 : i32
        scf.yield %scan3A_186 : i32
      }
      %scan3A_61 = arith.constant 14 : i32
      %scan3A_62 = arith.constant 0 : i32
      scf.yield %scan3A_62 : i32
    }
    %scan3A_33 = arith.constant 3 : i32
    %barrier3A_34 = arith.constant 0 : index
    tpu.barrier barrier_id(%barrier3A_34)
    %add3A_35 = arith.constant 0 : i32
    %add3A_36 = arith.addi %multiple_of3A, %add3A_35 : i32
    "tpu.region"() ({
      %run_scoped3A = tpu.sem_alloc : memref<!tpu.dma_semaphore, #tpu.memory_space<semaphore_mem>>
      %dma_start3A = arith.constant 0 : i32
      %dma_start3A_45 = tpu.memref_slice %arg10[%add3A_36, %dma_start3A] : memref<10240x16xf32, #tpu.memory_space<vmem_shared>> -> memref<128x16xf32, #tpu.memory_space<vmem_shared>>
      %dma_start3A_46 = arith.constant 0 : i32
      %dma_start3A_47 = tpu.memref_slice %arg10[%add3A_36, %dma_start3A_46] : memref<10240x16xf32, #tpu.memory_space<vmem_shared>> -> memref<128x16xf32, #tpu.memory_space<vmem_shared>>
      tpu.enqueue_dma source(%dma_start3A_47 : memref<128x16xf32, #tpu.memory_space<vmem_shared>>) target(%arg8 : memref<128x16xf32, #tpu.memory_space<vmem>>) target_semaphore(%run_scoped3A : memref<!tpu.dma_semaphore, #tpu.memory_space<semaphore_mem>>)
      %dma_wait3A = arith.constant 0 : i32
      %dma_wait3A_48 = tpu.memref_slice %arg10[%add3A_36, %dma_wait3A] : memref<10240x16xf32, #tpu.memory_space<vmem_shared>> -> memref<128x16xf32, #tpu.memory_space<vmem_shared>>
      %dma_wait3A_49 = arith.constant 0 : i32
      %dma_wait3A_50 = tpu.memref_slice %arg10[%add3A_36, %dma_wait3A_49] : memref<10240x16xf32, #tpu.memory_space<vmem_shared>> -> memref<128x16xf32, #tpu.memory_space<vmem_shared>>
      tpu.wait_dma2 semaphore(%run_scoped3A : memref<!tpu.dma_semaphore, #tpu.memory_space<semaphore_mem>>) src(%dma_wait3A_50 : memref<128x16xf32, #tpu.memory_space<vmem_shared>>) dst(%arg8 : memref<128x16xf32, #tpu.memory_space<vmem>>)
      tpu.yield
    }) : () -> ()
    "tpu.region"() ({
      %run_scoped3A = tpu.sem_alloc : memref<!tpu.dma_semaphore, #tpu.memory_space<semaphore_mem>>
      %dma_start3A = arith.constant 0 : i32
      %dma_start3A_45 = tpu.memref_slice %arg4[%arg0, %add3A_36, %dma_start3A] : memref<2x10240x16xf32, #tpu.memory_space<hbm>> -> memref<1x128x16xf32, #tpu.memory_space<hbm>>
      %dma_start3A_46 = tpu.memref_squeeze %dma_start3A_45 : memref<1x128x16xf32, #tpu.memory_space<hbm>> -> memref<128x16xf32, #tpu.memory_space<hbm>>
      %dma_start3A_47 = arith.constant 0 : i32
      %dma_start3A_48 = tpu.memref_slice %arg4[%arg0, %add3A_36, %dma_start3A_47] : memref<2x10240x16xf32, #tpu.memory_space<hbm>> -> memref<1x128x16xf32, #tpu.memory_space<hbm>>
      %dma_start3A_49 = tpu.memref_squeeze %dma_start3A_48 : memref<1x128x16xf32, #tpu.memory_space<hbm>> -> memref<128x16xf32, #tpu.memory_space<hbm>>
      tpu.enqueue_dma source(%arg8 : memref<128x16xf32, #tpu.memory_space<vmem>>) target(%dma_start3A_49 : memref<128x16xf32, #tpu.memory_space<hbm>>) target_semaphore(%run_scoped3A : memref<!tpu.dma_semaphore, #tpu.memory_space<semaphore_mem>>)
      %dma_wait3A = arith.constant 0 : i32
      %dma_wait3A_50 = tpu.memref_slice %arg4[%arg0, %add3A_36, %dma_wait3A] : memref<2x10240x16xf32, #tpu.memory_space<hbm>> -> memref<1x128x16xf32, #tpu.memory_space<hbm>>
      %dma_wait3A_51 = tpu.memref_squeeze %dma_wait3A_50 : memref<1x128x16xf32, #tpu.memory_space<hbm>> -> memref<128x16xf32, #tpu.memory_space<hbm>>
      %dma_wait3A_52 = arith.constant 0 : i32
      %dma_wait3A_53 = tpu.memref_slice %arg4[%arg0, %add3A_36, %dma_wait3A_52] : memref<2x10240x16xf32, #tpu.memory_space<hbm>> -> memref<1x128x16xf32, #tpu.memory_space<hbm>>
      %dma_wait3A_54 = tpu.memref_squeeze %dma_wait3A_53 : memref<1x128x16xf32, #tpu.memory_space<hbm>> -> memref<128x16xf32, #tpu.memory_space<hbm>>
      tpu.wait_dma2 semaphore(%run_scoped3A : memref<!tpu.dma_semaphore, #tpu.memory_space<semaphore_mem>>) src(%arg8 : memref<128x16xf32, #tpu.memory_space<vmem>>) dst(%dma_wait3A_54 : memref<128x16xf32, #tpu.memory_space<hbm>>)
      tpu.yield
    }) : () -> ()
    %add3A_37 = arith.constant 128 : i32
    %add3A_38 = arith.addi %multiple_of3A, %add3A_37 : i32
    "tpu.region"() ({
      %run_scoped3A = tpu.sem_alloc : memref<!tpu.dma_semaphore, #tpu.memory_space<semaphore_mem>>
      %dma_start3A = arith.constant 0 : i32
      %dma_start3A_45 = tpu.memref_slice %arg10[%add3A_38, %dma_start3A] : memref<10240x16xf32, #tpu.memory_space<vmem_shared>> -> memref<128x16xf32, #tpu.memory_space<vmem_shared>>
      %dma_start3A_46 = arith.constant 0 : i32
      %dma_start3A_47 = tpu.memref_slice %arg10[%add3A_38, %dma_start3A_46] : memref<10240x16xf32, #tpu.memory_space<vmem_shared>> -> memref<128x16xf32, #tpu.memory_space<vmem_shared>>
      tpu.enqueue_dma source(%dma_start3A_47 : memref<128x16xf32, #tpu.memory_space<vmem_shared>>) target(%arg8 : memref<128x16xf32, #tpu.memory_space<vmem>>) target_semaphore(%run_scoped3A : memref<!tpu.dma_semaphore, #tpu.memory_space<semaphore_mem>>)
      %dma_wait3A = arith.constant 0 : i32
      %dma_wait3A_48 = tpu.memref_slice %arg10[%add3A_38, %dma_wait3A] : memref<10240x16xf32, #tpu.memory_space<vmem_shared>> -> memref<128x16xf32, #tpu.memory_space<vmem_shared>>
      %dma_wait3A_49 = arith.constant 0 : i32
      %dma_wait3A_50 = tpu.memref_slice %arg10[%add3A_38, %dma_wait3A_49] : memref<10240x16xf32, #tpu.memory_space<vmem_shared>> -> memref<128x16xf32, #tpu.memory_space<vmem_shared>>
      tpu.wait_dma2 semaphore(%run_scoped3A : memref<!tpu.dma_semaphore, #tpu.memory_space<semaphore_mem>>) src(%dma_wait3A_50 : memref<128x16xf32, #tpu.memory_space<vmem_shared>>) dst(%arg8 : memref<128x16xf32, #tpu.memory_space<vmem>>)
      tpu.yield
    }) : () -> ()
    "tpu.region"() ({
      %run_scoped3A = tpu.sem_alloc : memref<!tpu.dma_semaphore, #tpu.memory_space<semaphore_mem>>
      %dma_start3A = arith.constant 0 : i32
      %dma_start3A_45 = tpu.memref_slice %arg4[%arg0, %add3A_38, %dma_start3A] : memref<2x10240x16xf32, #tpu.memory_space<hbm>> -> memref<1x128x16xf32, #tpu.memory_space<hbm>>
      %dma_start3A_46 = tpu.memref_squeeze %dma_start3A_45 : memref<1x128x16xf32, #tpu.memory_space<hbm>> -> memref<128x16xf32, #tpu.memory_space<hbm>>
      %dma_start3A_47 = arith.constant 0 : i32
      %dma_start3A_48 = tpu.memref_slice %arg4[%arg0, %add3A_38, %dma_start3A_47] : memref<2x10240x16xf32, #tpu.memory_space<hbm>> -> memref<1x128x16xf32, #tpu.memory_space<hbm>>
      %dma_start3A_49 = tpu.memref_squeeze %dma_start3A_48 : memref<1x128x16xf32, #tpu.memory_space<hbm>> -> memref<128x16xf32, #tpu.memory_space<hbm>>
      tpu.enqueue_dma source(%arg8 : memref<128x16xf32, #tpu.memory_space<vmem>>) target(%dma_start3A_49 : memref<128x16xf32, #tpu.memory_space<hbm>>) target_semaphore(%run_scoped3A : memref<!tpu.dma_semaphore, #tpu.memory_space<semaphore_mem>>)
      %dma_wait3A = arith.constant 0 : i32
      %dma_wait3A_50 = tpu.memref_slice %arg4[%arg0, %add3A_38, %dma_wait3A] : memref<2x10240x16xf32, #tpu.memory_space<hbm>> -> memref<1x128x16xf32, #tpu.memory_space<hbm>>
      %dma_wait3A_51 = tpu.memref_squeeze %dma_wait3A_50 : memref<1x128x16xf32, #tpu.memory_space<hbm>> -> memref<128x16xf32, #tpu.memory_space<hbm>>
      %dma_wait3A_52 = arith.constant 0 : i32
      %dma_wait3A_53 = tpu.memref_slice %arg4[%arg0, %add3A_38, %dma_wait3A_52] : memref<2x10240x16xf32, #tpu.memory_space<hbm>> -> memref<1x128x16xf32, #tpu.memory_space<hbm>>
      %dma_wait3A_54 = tpu.memref_squeeze %dma_wait3A_53 : memref<1x128x16xf32, #tpu.memory_space<hbm>> -> memref<128x16xf32, #tpu.memory_space<hbm>>
      tpu.wait_dma2 semaphore(%run_scoped3A : memref<!tpu.dma_semaphore, #tpu.memory_space<semaphore_mem>>) src(%arg8 : memref<128x16xf32, #tpu.memory_space<vmem>>) dst(%dma_wait3A_54 : memref<128x16xf32, #tpu.memory_space<hbm>>)
      tpu.yield
    }) : () -> ()
    %add3A_39 = arith.constant 256 : i32
    %add3A_40 = arith.addi %multiple_of3A, %add3A_39 : i32
    "tpu.region"() ({
      %run_scoped3A = tpu.sem_alloc : memref<!tpu.dma_semaphore, #tpu.memory_space<semaphore_mem>>
      %dma_start3A = arith.constant 0 : i32
      %dma_start3A_45 = tpu.memref_slice %arg10[%add3A_40, %dma_start3A] : memref<10240x16xf32, #tpu.memory_space<vmem_shared>> -> memref<128x16xf32, #tpu.memory_space<vmem_shared>>
      %dma_start3A_46 = arith.constant 0 : i32
      %dma_start3A_47 = tpu.memref_slice %arg10[%add3A_40, %dma_start3A_46] : memref<10240x16xf32, #tpu.memory_space<vmem_shared>> -> memref<128x16xf32, #tpu.memory_space<vmem_shared>>
      tpu.enqueue_dma source(%dma_start3A_47 : memref<128x16xf32, #tpu.memory_space<vmem_shared>>) target(%arg8 : memref<128x16xf32, #tpu.memory_space<vmem>>) target_semaphore(%run_scoped3A : memref<!tpu.dma_semaphore, #tpu.memory_space<semaphore_mem>>)
      %dma_wait3A = arith.constant 0 : i32
      %dma_wait3A_48 = tpu.memref_slice %arg10[%add3A_40, %dma_wait3A] : memref<10240x16xf32, #tpu.memory_space<vmem_shared>> -> memref<128x16xf32, #tpu.memory_space<vmem_shared>>
      %dma_wait3A_49 = arith.constant 0 : i32
      %dma_wait3A_50 = tpu.memref_slice %arg10[%add3A_40, %dma_wait3A_49] : memref<10240x16xf32, #tpu.memory_space<vmem_shared>> -> memref<128x16xf32, #tpu.memory_space<vmem_shared>>
      tpu.wait_dma2 semaphore(%run_scoped3A : memref<!tpu.dma_semaphore, #tpu.memory_space<semaphore_mem>>) src(%dma_wait3A_50 : memref<128x16xf32, #tpu.memory_space<vmem_shared>>) dst(%arg8 : memref<128x16xf32, #tpu.memory_space<vmem>>)
      tpu.yield
    }) : () -> ()
    "tpu.region"() ({
      %run_scoped3A = tpu.sem_alloc : memref<!tpu.dma_semaphore, #tpu.memory_space<semaphore_mem>>
      %dma_start3A = arith.constant 0 : i32
      %dma_start3A_45 = tpu.memref_slice %arg4[%arg0, %add3A_40, %dma_start3A] : memref<2x10240x16xf32, #tpu.memory_space<hbm>> -> memref<1x128x16xf32, #tpu.memory_space<hbm>>
      %dma_start3A_46 = tpu.memref_squeeze %dma_start3A_45 : memref<1x128x16xf32, #tpu.memory_space<hbm>> -> memref<128x16xf32, #tpu.memory_space<hbm>>
      %dma_start3A_47 = arith.constant 0 : i32
      %dma_start3A_48 = tpu.memref_slice %arg4[%arg0, %add3A_40, %dma_start3A_47] : memref<2x10240x16xf32, #tpu.memory_space<hbm>> -> memref<1x128x16xf32, #tpu.memory_space<hbm>>
      %dma_start3A_49 = tpu.memref_squeeze %dma_start3A_48 : memref<1x128x16xf32, #tpu.memory_space<hbm>> -> memref<128x16xf32, #tpu.memory_space<hbm>>
      tpu.enqueue_dma source(%arg8 : memref<128x16xf32, #tpu.memory_space<vmem>>) target(%dma_start3A_49 : memref<128x16xf32, #tpu.memory_space<hbm>>) target_semaphore(%run_scoped3A : memref<!tpu.dma_semaphore, #tpu.memory_space<semaphore_mem>>)
      %dma_wait3A = arith.constant 0 : i32
      %dma_wait3A_50 = tpu.memref_slice %arg4[%arg0, %add3A_40, %dma_wait3A] : memref<2x10240x16xf32, #tpu.memory_space<hbm>> -> memref<1x128x16xf32, #tpu.memory_space<hbm>>
      %dma_wait3A_51 = tpu.memref_squeeze %dma_wait3A_50 : memref<1x128x16xf32, #tpu.memory_space<hbm>> -> memref<128x16xf32, #tpu.memory_space<hbm>>
      %dma_wait3A_52 = arith.constant 0 : i32
      %dma_wait3A_53 = tpu.memref_slice %arg4[%arg0, %add3A_40, %dma_wait3A_52] : memref<2x10240x16xf32, #tpu.memory_space<hbm>> -> memref<1x128x16xf32, #tpu.memory_space<hbm>>
      %dma_wait3A_54 = tpu.memref_squeeze %dma_wait3A_53 : memref<1x128x16xf32, #tpu.memory_space<hbm>> -> memref<128x16xf32, #tpu.memory_space<hbm>>
      tpu.wait_dma2 semaphore(%run_scoped3A : memref<!tpu.dma_semaphore, #tpu.memory_space<semaphore_mem>>) src(%arg8 : memref<128x16xf32, #tpu.memory_space<vmem>>) dst(%dma_wait3A_54 : memref<128x16xf32, #tpu.memory_space<hbm>>)
      tpu.yield
    }) : () -> ()
    %add3A_41 = arith.constant 384 : i32
    %add3A_42 = arith.addi %multiple_of3A, %add3A_41 : i32
    "tpu.region"() ({
      %run_scoped3A = tpu.sem_alloc : memref<!tpu.dma_semaphore, #tpu.memory_space<semaphore_mem>>
      %dma_start3A = arith.constant 0 : i32
      %dma_start3A_45 = tpu.memref_slice %arg10[%add3A_42, %dma_start3A] : memref<10240x16xf32, #tpu.memory_space<vmem_shared>> -> memref<128x16xf32, #tpu.memory_space<vmem_shared>>
      %dma_start3A_46 = arith.constant 0 : i32
      %dma_start3A_47 = tpu.memref_slice %arg10[%add3A_42, %dma_start3A_46] : memref<10240x16xf32, #tpu.memory_space<vmem_shared>> -> memref<128x16xf32, #tpu.memory_space<vmem_shared>>
      tpu.enqueue_dma source(%dma_start3A_47 : memref<128x16xf32, #tpu.memory_space<vmem_shared>>) target(%arg8 : memref<128x16xf32, #tpu.memory_space<vmem>>) target_semaphore(%run_scoped3A : memref<!tpu.dma_semaphore, #tpu.memory_space<semaphore_mem>>)
      %dma_wait3A = arith.constant 0 : i32
      %dma_wait3A_48 = tpu.memref_slice %arg10[%add3A_42, %dma_wait3A] : memref<10240x16xf32, #tpu.memory_space<vmem_shared>> -> memref<128x16xf32, #tpu.memory_space<vmem_shared>>
      %dma_wait3A_49 = arith.constant 0 : i32
      %dma_wait3A_50 = tpu.memref_slice %arg10[%add3A_42, %dma_wait3A_49] : memref<10240x16xf32, #tpu.memory_space<vmem_shared>> -> memref<128x16xf32, #tpu.memory_space<vmem_shared>>
      tpu.wait_dma2 semaphore(%run_scoped3A : memref<!tpu.dma_semaphore, #tpu.memory_space<semaphore_mem>>) src(%dma_wait3A_50 : memref<128x16xf32, #tpu.memory_space<vmem_shared>>) dst(%arg8 : memref<128x16xf32, #tpu.memory_space<vmem>>)
      tpu.yield
    }) : () -> ()
    "tpu.region"() ({
      %run_scoped3A = tpu.sem_alloc : memref<!tpu.dma_semaphore, #tpu.memory_space<semaphore_mem>>
      %dma_start3A = arith.constant 0 : i32
      %dma_start3A_45 = tpu.memref_slice %arg4[%arg0, %add3A_42, %dma_start3A] : memref<2x10240x16xf32, #tpu.memory_space<hbm>> -> memref<1x128x16xf32, #tpu.memory_space<hbm>>
      %dma_start3A_46 = tpu.memref_squeeze %dma_start3A_45 : memref<1x128x16xf32, #tpu.memory_space<hbm>> -> memref<128x16xf32, #tpu.memory_space<hbm>>
      %dma_start3A_47 = arith.constant 0 : i32
      %dma_start3A_48 = tpu.memref_slice %arg4[%arg0, %add3A_42, %dma_start3A_47] : memref<2x10240x16xf32, #tpu.memory_space<hbm>> -> memref<1x128x16xf32, #tpu.memory_space<hbm>>
      %dma_start3A_49 = tpu.memref_squeeze %dma_start3A_48 : memref<1x128x16xf32, #tpu.memory_space<hbm>> -> memref<128x16xf32, #tpu.memory_space<hbm>>
      tpu.enqueue_dma source(%arg8 : memref<128x16xf32, #tpu.memory_space<vmem>>) target(%dma_start3A_49 : memref<128x16xf32, #tpu.memory_space<hbm>>) target_semaphore(%run_scoped3A : memref<!tpu.dma_semaphore, #tpu.memory_space<semaphore_mem>>)
      %dma_wait3A = arith.constant 0 : i32
      %dma_wait3A_50 = tpu.memref_slice %arg4[%arg0, %add3A_42, %dma_wait3A] : memref<2x10240x16xf32, #tpu.memory_space<hbm>> -> memref<1x128x16xf32, #tpu.memory_space<hbm>>
      %dma_wait3A_51 = tpu.memref_squeeze %dma_wait3A_50 : memref<1x128x16xf32, #tpu.memory_space<hbm>> -> memref<128x16xf32, #tpu.memory_space<hbm>>
      %dma_wait3A_52 = arith.constant 0 : i32
      %dma_wait3A_53 = tpu.memref_slice %arg4[%arg0, %add3A_42, %dma_wait3A_52] : memref<2x10240x16xf32, #tpu.memory_space<hbm>> -> memref<1x128x16xf32, #tpu.memory_space<hbm>>
      %dma_wait3A_54 = tpu.memref_squeeze %dma_wait3A_53 : memref<1x128x16xf32, #tpu.memory_space<hbm>> -> memref<128x16xf32, #tpu.memory_space<hbm>>
      tpu.wait_dma2 semaphore(%run_scoped3A : memref<!tpu.dma_semaphore, #tpu.memory_space<semaphore_mem>>) src(%arg8 : memref<128x16xf32, #tpu.memory_space<vmem>>) dst(%dma_wait3A_54 : memref<128x16xf32, #tpu.memory_space<hbm>>)
      tpu.yield
    }) : () -> ()
    %add3A_43 = arith.constant 512 : i32
    %add3A_44 = arith.addi %multiple_of3A, %add3A_43 : i32
    "tpu.region"() ({
      %run_scoped3A = tpu.sem_alloc : memref<!tpu.dma_semaphore, #tpu.memory_space<semaphore_mem>>
      %dma_start3A = arith.constant 0 : i32
      %dma_start3A_45 = tpu.memref_slice %arg10[%add3A_44, %dma_start3A] : memref<10240x16xf32, #tpu.memory_space<vmem_shared>> -> memref<128x16xf32, #tpu.memory_space<vmem_shared>>
      %dma_start3A_46 = arith.constant 0 : i32
      %dma_start3A_47 = tpu.memref_slice %arg10[%add3A_44, %dma_start3A_46] : memref<10240x16xf32, #tpu.memory_space<vmem_shared>> -> memref<128x16xf32, #tpu.memory_space<vmem_shared>>
      tpu.enqueue_dma source(%dma_start3A_47 : memref<128x16xf32, #tpu.memory_space<vmem_shared>>) target(%arg8 : memref<128x16xf32, #tpu.memory_space<vmem>>) target_semaphore(%run_scoped3A : memref<!tpu.dma_semaphore, #tpu.memory_space<semaphore_mem>>)
      %dma_wait3A = arith.constant 0 : i32
      %dma_wait3A_48 = tpu.memref_slice %arg10[%add3A_44, %dma_wait3A] : memref<10240x16xf32, #tpu.memory_space<vmem_shared>> -> memref<128x16xf32, #tpu.memory_space<vmem_shared>>
      %dma_wait3A_49 = arith.constant 0 : i32
      %dma_wait3A_50 = tpu.memref_slice %arg10[%add3A_44, %dma_wait3A_49] : memref<10240x16xf32, #tpu.memory_space<vmem_shared>> -> memref<128x16xf32, #tpu.memory_space<vmem_shared>>
      tpu.wait_dma2 semaphore(%run_scoped3A : memref<!tpu.dma_semaphore, #tpu.memory_space<semaphore_mem>>) src(%dma_wait3A_50 : memref<128x16xf32, #tpu.memory_space<vmem_shared>>) dst(%arg8 : memref<128x16xf32, #tpu.memory_space<vmem>>)
      tpu.yield
    }) : () -> ()
    "tpu.region"() ({
      %run_scoped3A = tpu.sem_alloc : memref<!tpu.dma_semaphore, #tpu.memory_space<semaphore_mem>>
      %dma_start3A = arith.constant 0 : i32
      %dma_start3A_45 = tpu.memref_slice %arg4[%arg0, %add3A_44, %dma_start3A] : memref<2x10240x16xf32, #tpu.memory_space<hbm>> -> memref<1x128x16xf32, #tpu.memory_space<hbm>>
      %dma_start3A_46 = tpu.memref_squeeze %dma_start3A_45 : memref<1x128x16xf32, #tpu.memory_space<hbm>> -> memref<128x16xf32, #tpu.memory_space<hbm>>
      %dma_start3A_47 = arith.constant 0 : i32
      %dma_start3A_48 = tpu.memref_slice %arg4[%arg0, %add3A_44, %dma_start3A_47] : memref<2x10240x16xf32, #tpu.memory_space<hbm>> -> memref<1x128x16xf32, #tpu.memory_space<hbm>>
      %dma_start3A_49 = tpu.memref_squeeze %dma_start3A_48 : memref<1x128x16xf32, #tpu.memory_space<hbm>> -> memref<128x16xf32, #tpu.memory_space<hbm>>
      tpu.enqueue_dma source(%arg8 : memref<128x16xf32, #tpu.memory_space<vmem>>) target(%dma_start3A_49 : memref<128x16xf32, #tpu.memory_space<hbm>>) target_semaphore(%run_scoped3A : memref<!tpu.dma_semaphore, #tpu.memory_space<semaphore_mem>>)
      %dma_wait3A = arith.constant 0 : i32
      %dma_wait3A_50 = tpu.memref_slice %arg4[%arg0, %add3A_44, %dma_wait3A] : memref<2x10240x16xf32, #tpu.memory_space<hbm>> -> memref<1x128x16xf32, #tpu.memory_space<hbm>>
      %dma_wait3A_51 = tpu.memref_squeeze %dma_wait3A_50 : memref<1x128x16xf32, #tpu.memory_space<hbm>> -> memref<128x16xf32, #tpu.memory_space<hbm>>
      %dma_wait3A_52 = arith.constant 0 : i32
      %dma_wait3A_53 = tpu.memref_slice %arg4[%arg0, %add3A_44, %dma_wait3A_52] : memref<2x10240x16xf32, #tpu.memory_space<hbm>> -> memref<1x128x16xf32, #tpu.memory_space<hbm>>
      %dma_wait3A_54 = tpu.memref_squeeze %dma_wait3A_53 : memref<1x128x16xf32, #tpu.memory_space<hbm>> -> memref<128x16xf32, #tpu.memory_space<hbm>>
      tpu.wait_dma2 semaphore(%run_scoped3A : memref<!tpu.dma_semaphore, #tpu.memory_space<semaphore_mem>>) src(%arg8 : memref<128x16xf32, #tpu.memory_space<vmem>>) dst(%dma_wait3A_54 : memref<128x16xf32, #tpu.memory_space<hbm>>)
      tpu.yield
    }) : () -> ()
    return
  }
}

#map = affine_map<(d0, d1) -> (0, 0)>
#map1 = affine_map<(d0, d1) -> (0)>
#map2 = affine_map<(d0, d1) -> (0, 0, 0)>
module attributes {stable_mosaic.version = 14 : i64} {
  func.func @edge_kernel(%arg0: i32, %arg1: i32, %arg2: memref<10016x208xf32, #tpu.memory_space<hbm>>, %arg3: memref<344064xi32, #tpu.memory_space<hbm>>, %arg4: memref<2x5120x208xf32, #tpu.memory_space<hbm>>, %arg5: memref<3584xi32, #tpu.memory_space<vmem>>, %arg6: memref<64xi32, #tpu.memory_space<vmem>>, %arg7: memref<64xi32, #tpu.memory_space<vmem>>, %arg8: memref<128x208xf32, #tpu.memory_space<vmem>>, %arg9: memref<128x208xf32, #tpu.memory_space<vmem>>, %arg10: memref<5120x208xf32, #tpu.memory_space<vmem_shared>>, %arg11: memref<!tpu.dma_semaphore, #tpu.memory_space<semaphore_mem>>, %arg12: memref<!tpu.dma_semaphore, #tpu.memory_space<semaphore_mem>>) attributes {dimension_semantics = [#tpu.dimension_semantics<core_parallel>, #tpu.dimension_semantics<subcore_parallel>], iteration_bounds = array<i64: 2, 16>, scalar_prefetch = 0 : i64, scratch_operands = 8 : i64, tpu.core_type = #tpu.core_type<sc_vector_subcore>, window_params = [{transform_indices = #map}, {transform_indices = #map1}, {transform_indices = #map2}]} {
    %scan3A = arith.constant 0 : i32
    %scan3A_0 = arith.constant 0 : i32
    %scan3A_1 = arith.constant 128 : i32
    %scan3A_2 = arith.addi %scan3A_0, %scan3A_1 : i32
    %scan3A_3 = arith.constant 1 : i32
    %scan3A_4 = scf.for %scan3A_37 = %scan3A_0 to %scan3A_2 step %scan3A_3 iter_args(%scan3A_38 = %scan3A) -> (i32)  : i32 {
      %broadcast_in_dim3A = arith.constant 0.000000e+00 : f32
      %broadcast_in_dim3A_39 = vector.broadcast %broadcast_in_dim3A : f32 to vector<16xf32>
      %swap3A = arith.index_cast %scan3A_37 : i32 to index
      %swap3A_40 = arith.constant 0 : index
      %swap3A_41 = tpu.vector_load %arg8[%swap3A, %swap3A_40] {strides = array<i32>} : memref<128x208xf32, #tpu.memory_space<vmem>>, vector<1x16xf32>,
      %swap3A_42 = vector.shape_cast %swap3A_41 : vector<1x16xf32> to vector<16xf32>
      %swap3A_43 = vector.shape_cast %broadcast_in_dim3A_39 : vector<16xf32> to vector<1x16xf32>
      tpu.vector_store %arg8[%swap3A, %swap3A_40], %swap3A_43 {strides = array<i32>} : memref<128x208xf32, #tpu.memory_space<vmem>>, vector<1x16xf32>,
      %broadcast_in_dim3A_44 = arith.constant 0.000000e+00 : f32
      %broadcast_in_dim3A_45 = vector.broadcast %broadcast_in_dim3A_44 : f32 to vector<16xf32>
      %swap3A_46 = arith.index_cast %scan3A_37 : i32 to index
      %swap3A_47 = arith.constant 16 : index
      %swap3A_48 = tpu.vector_load %arg8[%swap3A_46, %swap3A_47] {strides = array<i32>} : memref<128x208xf32, #tpu.memory_space<vmem>>, vector<1x16xf32>,
      %swap3A_49 = vector.shape_cast %swap3A_48 : vector<1x16xf32> to vector<16xf32>
      %swap3A_50 = vector.shape_cast %broadcast_in_dim3A_45 : vector<16xf32> to vector<1x16xf32>
      tpu.vector_store %arg8[%swap3A_46, %swap3A_47], %swap3A_50 {strides = array<i32>} : memref<128x208xf32, #tpu.memory_space<vmem>>, vector<1x16xf32>,
      %broadcast_in_dim3A_51 = arith.constant 0.000000e+00 : f32
      %broadcast_in_dim3A_52 = vector.broadcast %broadcast_in_dim3A_51 : f32 to vector<16xf32>
      %swap3A_53 = arith.index_cast %scan3A_37 : i32 to index
      %swap3A_54 = arith.constant 32 : index
      %swap3A_55 = tpu.vector_load %arg8[%swap3A_53, %swap3A_54] {strides = array<i32>} : memref<128x208xf32, #tpu.memory_space<vmem>>, vector<1x16xf32>,
      %swap3A_56 = vector.shape_cast %swap3A_55 : vector<1x16xf32> to vector<16xf32>
      %swap3A_57 = vector.shape_cast %broadcast_in_dim3A_52 : vector<16xf32> to vector<1x16xf32>
      tpu.vector_store %arg8[%swap3A_53, %swap3A_54], %swap3A_57 {strides = array<i32>} : memref<128x208xf32, #tpu.memory_space<vmem>>, vector<1x16xf32>,
      %broadcast_in_dim3A_58 = arith.constant 0.000000e+00 : f32
      %broadcast_in_dim3A_59 = vector.broadcast %broadcast_in_dim3A_58 : f32 to vector<16xf32>
      %swap3A_60 = arith.index_cast %scan3A_37 : i32 to index
      %swap3A_61 = arith.constant 48 : index
      %swap3A_62 = tpu.vector_load %arg8[%swap3A_60, %swap3A_61] {strides = array<i32>} : memref<128x208xf32, #tpu.memory_space<vmem>>, vector<1x16xf32>,
      %swap3A_63 = vector.shape_cast %swap3A_62 : vector<1x16xf32> to vector<16xf32>
      %swap3A_64 = vector.shape_cast %broadcast_in_dim3A_59 : vector<16xf32> to vector<1x16xf32>
      tpu.vector_store %arg8[%swap3A_60, %swap3A_61], %swap3A_64 {strides = array<i32>} : memref<128x208xf32, #tpu.memory_space<vmem>>, vector<1x16xf32>,
      %broadcast_in_dim3A_65 = arith.constant 0.000000e+00 : f32
      %broadcast_in_dim3A_66 = vector.broadcast %broadcast_in_dim3A_65 : f32 to vector<16xf32>
      %swap3A_67 = arith.index_cast %scan3A_37 : i32 to index
      %swap3A_68 = arith.constant 64 : index
      %swap3A_69 = tpu.vector_load %arg8[%swap3A_67, %swap3A_68] {strides = array<i32>} : memref<128x208xf32, #tpu.memory_space<vmem>>, vector<1x16xf32>,
      %swap3A_70 = vector.shape_cast %swap3A_69 : vector<1x16xf32> to vector<16xf32>
      %swap3A_71 = vector.shape_cast %broadcast_in_dim3A_66 : vector<16xf32> to vector<1x16xf32>
      tpu.vector_store %arg8[%swap3A_67, %swap3A_68], %swap3A_71 {strides = array<i32>} : memref<128x208xf32, #tpu.memory_space<vmem>>, vector<1x16xf32>,
      %broadcast_in_dim3A_72 = arith.constant 0.000000e+00 : f32
      %broadcast_in_dim3A_73 = vector.broadcast %broadcast_in_dim3A_72 : f32 to vector<16xf32>
      %swap3A_74 = arith.index_cast %scan3A_37 : i32 to index
      %swap3A_75 = arith.constant 80 : index
      %swap3A_76 = tpu.vector_load %arg8[%swap3A_74, %swap3A_75] {strides = array<i32>} : memref<128x208xf32, #tpu.memory_space<vmem>>, vector<1x16xf32>,
      %swap3A_77 = vector.shape_cast %swap3A_76 : vector<1x16xf32> to vector<16xf32>
      %swap3A_78 = vector.shape_cast %broadcast_in_dim3A_73 : vector<16xf32> to vector<1x16xf32>
      tpu.vector_store %arg8[%swap3A_74, %swap3A_75], %swap3A_78 {strides = array<i32>} : memref<128x208xf32, #tpu.memory_space<vmem>>, vector<1x16xf32>,
      %broadcast_in_dim3A_79 = arith.constant 0.000000e+00 : f32
      %broadcast_in_dim3A_80 = vector.broadcast %broadcast_in_dim3A_79 : f32 to vector<16xf32>
      %swap3A_81 = arith.index_cast %scan3A_37 : i32 to index
      %swap3A_82 = arith.constant 96 : index
      %swap3A_83 = tpu.vector_load %arg8[%swap3A_81, %swap3A_82] {strides = array<i32>} : memref<128x208xf32, #tpu.memory_space<vmem>>, vector<1x16xf32>,
      %swap3A_84 = vector.shape_cast %swap3A_83 : vector<1x16xf32> to vector<16xf32>
      %swap3A_85 = vector.shape_cast %broadcast_in_dim3A_80 : vector<16xf32> to vector<1x16xf32>
      tpu.vector_store %arg8[%swap3A_81, %swap3A_82], %swap3A_85 {strides = array<i32>} : memref<128x208xf32, #tpu.memory_space<vmem>>, vector<1x16xf32>,
      %broadcast_in_dim3A_86 = arith.constant 0.000000e+00 : f32
      %broadcast_in_dim3A_87 = vector.broadcast %broadcast_in_dim3A_86 : f32 to vector<16xf32>
      %swap3A_88 = arith.index_cast %scan3A_37 : i32 to index
      %swap3A_89 = arith.constant 112 : index
      %swap3A_90 = tpu.vector_load %arg8[%swap3A_88, %swap3A_89] {strides = array<i32>} : memref<128x208xf32, #tpu.memory_space<vmem>>, vector<1x16xf32>,
      %swap3A_91 = vector.shape_cast %swap3A_90 : vector<1x16xf32> to vector<16xf32>
      %swap3A_92 = vector.shape_cast %broadcast_in_dim3A_87 : vector<16xf32> to vector<1x16xf32>
      tpu.vector_store %arg8[%swap3A_88, %swap3A_89], %swap3A_92 {strides = array<i32>} : memref<128x208xf32, #tpu.memory_space<vmem>>, vector<1x16xf32>,
      %broadcast_in_dim3A_93 = arith.constant 0.000000e+00 : f32
      %broadcast_in_dim3A_94 = vector.broadcast %broadcast_in_dim3A_93 : f32 to vector<16xf32>
      %swap3A_95 = arith.index_cast %scan3A_37 : i32 to index
      %swap3A_96 = arith.constant 128 : index
      %swap3A_97 = tpu.vector_load %arg8[%swap3A_95, %swap3A_96] {strides = array<i32>} : memref<128x208xf32, #tpu.memory_space<vmem>>, vector<1x16xf32>,
      %swap3A_98 = vector.shape_cast %swap3A_97 : vector<1x16xf32> to vector<16xf32>
      %swap3A_99 = vector.shape_cast %broadcast_in_dim3A_94 : vector<16xf32> to vector<1x16xf32>
      tpu.vector_store %arg8[%swap3A_95, %swap3A_96], %swap3A_99 {strides = array<i32>} : memref<128x208xf32, #tpu.memory_space<vmem>>, vector<1x16xf32>,
      %broadcast_in_dim3A_100 = arith.constant 0.000000e+00 : f32
      %broadcast_in_dim3A_101 = vector.broadcast %broadcast_in_dim3A_100 : f32 to vector<16xf32>
      %swap3A_102 = arith.index_cast %scan3A_37 : i32 to index
      %swap3A_103 = arith.constant 144 : index
      %swap3A_104 = tpu.vector_load %arg8[%swap3A_102, %swap3A_103] {strides = array<i32>} : memref<128x208xf32, #tpu.memory_space<vmem>>, vector<1x16xf32>,
      %swap3A_105 = vector.shape_cast %swap3A_104 : vector<1x16xf32> to vector<16xf32>
      %swap3A_106 = vector.shape_cast %broadcast_in_dim3A_101 : vector<16xf32> to vector<1x16xf32>
      tpu.vector_store %arg8[%swap3A_102, %swap3A_103], %swap3A_106 {strides = array<i32>} : memref<128x208xf32, #tpu.memory_space<vmem>>, vector<1x16xf32>,
      %broadcast_in_dim3A_107 = arith.constant 0.000000e+00 : f32
      %broadcast_in_dim3A_108 = vector.broadcast %broadcast_in_dim3A_107 : f32 to vector<16xf32>
      %swap3A_109 = arith.index_cast %scan3A_37 : i32 to index
      %swap3A_110 = arith.constant 160 : index
      %swap3A_111 = tpu.vector_load %arg8[%swap3A_109, %swap3A_110] {strides = array<i32>} : memref<128x208xf32, #tpu.memory_space<vmem>>, vector<1x16xf32>,
      %swap3A_112 = vector.shape_cast %swap3A_111 : vector<1x16xf32> to vector<16xf32>
      %swap3A_113 = vector.shape_cast %broadcast_in_dim3A_108 : vector<16xf32> to vector<1x16xf32>
      tpu.vector_store %arg8[%swap3A_109, %swap3A_110], %swap3A_113 {strides = array<i32>} : memref<128x208xf32, #tpu.memory_space<vmem>>, vector<1x16xf32>,
      %broadcast_in_dim3A_114 = arith.constant 0.000000e+00 : f32
      %broadcast_in_dim3A_115 = vector.broadcast %broadcast_in_dim3A_114 : f32 to vector<16xf32>
      %swap3A_116 = arith.index_cast %scan3A_37 : i32 to index
      %swap3A_117 = arith.constant 176 : index
      %swap3A_118 = tpu.vector_load %arg8[%swap3A_116, %swap3A_117] {strides = array<i32>} : memref<128x208xf32, #tpu.memory_space<vmem>>, vector<1x16xf32>,
      %swap3A_119 = vector.shape_cast %swap3A_118 : vector<1x16xf32> to vector<16xf32>
      %swap3A_120 = vector.shape_cast %broadcast_in_dim3A_115 : vector<16xf32> to vector<1x16xf32>
      tpu.vector_store %arg8[%swap3A_116, %swap3A_117], %swap3A_120 {strides = array<i32>} : memref<128x208xf32, #tpu.memory_space<vmem>>, vector<1x16xf32>,
      %broadcast_in_dim3A_121 = arith.constant 0.000000e+00 : f32
      %broadcast_in_dim3A_122 = vector.broadcast %broadcast_in_dim3A_121 : f32 to vector<16xf32>
      %swap3A_123 = arith.index_cast %scan3A_37 : i32 to index
      %swap3A_124 = arith.constant 192 : index
      %swap3A_125 = tpu.vector_load %arg8[%swap3A_123, %swap3A_124] {strides = array<i32>} : memref<128x208xf32, #tpu.memory_space<vmem>>, vector<1x16xf32>,
      %swap3A_126 = vector.shape_cast %swap3A_125 : vector<1x16xf32> to vector<16xf32>
      %swap3A_127 = vector.shape_cast %broadcast_in_dim3A_122 : vector<16xf32> to vector<1x16xf32>
      tpu.vector_store %arg8[%swap3A_123, %swap3A_124], %swap3A_127 {strides = array<i32>} : memref<128x208xf32, #tpu.memory_space<vmem>>, vector<1x16xf32>,
      %scan3A_128 = arith.constant 0 : i32
      scf.yield %scan3A_128 : i32
    }
    %scan3A_5 = arith.constant 128 : i32
    %mul3A = arith.constant 320 : i32
    %mul3A_6 = arith.muli %arg1, %mul3A : i32
    %multiple_of3A = tpu.assume_multiple %mul3A_6, 8 : i32
    %add3A = arith.constant 0 : i32
    %add3A_7 = arith.addi %multiple_of3A, %add3A : i32
    "tpu.region"() ({
      %run_scoped3A = tpu.sem_alloc : memref<!tpu.dma_semaphore, #tpu.memory_space<semaphore_mem>>
      %dma_start3A = arith.constant 0 : i32
      %dma_start3A_37 = tpu.memref_slice %arg10[%add3A_7, %dma_start3A] : memref<5120x208xf32, #tpu.memory_space<vmem_shared>> -> memref<128x208xf32, #tpu.memory_space<vmem_shared>>
      %dma_start3A_38 = arith.constant 0 : i32
      %dma_start3A_39 = tpu.memref_slice %arg10[%add3A_7, %dma_start3A_38] : memref<5120x208xf32, #tpu.memory_space<vmem_shared>> -> memref<128x208xf32, #tpu.memory_space<vmem_shared>>
      tpu.enqueue_dma source(%arg8 : memref<128x208xf32, #tpu.memory_space<vmem>>) target(%dma_start3A_39 : memref<128x208xf32, #tpu.memory_space<vmem_shared>>) target_semaphore(%run_scoped3A : memref<!tpu.dma_semaphore, #tpu.memory_space<semaphore_mem>>)
      %dma_wait3A = arith.constant 0 : i32
      %dma_wait3A_40 = tpu.memref_slice %arg10[%add3A_7, %dma_wait3A] : memref<5120x208xf32, #tpu.memory_space<vmem_shared>> -> memref<128x208xf32, #tpu.memory_space<vmem_shared>>
      %dma_wait3A_41 = arith.constant 0 : i32
      %dma_wait3A_42 = tpu.memref_slice %arg10[%add3A_7, %dma_wait3A_41] : memref<5120x208xf32, #tpu.memory_space<vmem_shared>> -> memref<128x208xf32, #tpu.memory_space<vmem_shared>>
      tpu.wait_dma2 semaphore(%run_scoped3A : memref<!tpu.dma_semaphore, #tpu.memory_space<semaphore_mem>>) src(%arg8 : memref<128x208xf32, #tpu.memory_space<vmem>>) dst(%dma_wait3A_42 : memref<128x208xf32, #tpu.memory_space<vmem_shared>>)
      tpu.yield
    }) : () -> ()
    %add3A_8 = arith.constant 128 : i32
    %add3A_9 = arith.addi %multiple_of3A, %add3A_8 : i32
    "tpu.region"() ({
      %run_scoped3A = tpu.sem_alloc : memref<!tpu.dma_semaphore, #tpu.memory_space<semaphore_mem>>
      %dma_start3A = arith.constant 0 : i32
      %dma_start3A_37 = tpu.memref_slice %arg10[%add3A_9, %dma_start3A] : memref<5120x208xf32, #tpu.memory_space<vmem_shared>> -> memref<128x208xf32, #tpu.memory_space<vmem_shared>>
      %dma_start3A_38 = arith.constant 0 : i32
      %dma_start3A_39 = tpu.memref_slice %arg10[%add3A_9, %dma_start3A_38] : memref<5120x208xf32, #tpu.memory_space<vmem_shared>> -> memref<128x208xf32, #tpu.memory_space<vmem_shared>>
      tpu.enqueue_dma source(%arg8 : memref<128x208xf32, #tpu.memory_space<vmem>>) target(%dma_start3A_39 : memref<128x208xf32, #tpu.memory_space<vmem_shared>>) target_semaphore(%run_scoped3A : memref<!tpu.dma_semaphore, #tpu.memory_space<semaphore_mem>>)
      %dma_wait3A = arith.constant 0 : i32
      %dma_wait3A_40 = tpu.memref_slice %arg10[%add3A_9, %dma_wait3A] : memref<5120x208xf32, #tpu.memory_space<vmem_shared>> -> memref<128x208xf32, #tpu.memory_space<vmem_shared>>
      %dma_wait3A_41 = arith.constant 0 : i32
      %dma_wait3A_42 = tpu.memref_slice %arg10[%add3A_9, %dma_wait3A_41] : memref<5120x208xf32, #tpu.memory_space<vmem_shared>> -> memref<128x208xf32, #tpu.memory_space<vmem_shared>>
      tpu.wait_dma2 semaphore(%run_scoped3A : memref<!tpu.dma_semaphore, #tpu.memory_space<semaphore_mem>>) src(%arg8 : memref<128x208xf32, #tpu.memory_space<vmem>>) dst(%dma_wait3A_42 : memref<128x208xf32, #tpu.memory_space<vmem_shared>>)
      tpu.yield
    }) : () -> ()
    %add3A_10 = arith.constant 320 : i32
    %add3A_11 = arith.addi %multiple_of3A, %add3A_10 : i32
    %sub3A = arith.constant 64 : i32
    %sub3A_12 = arith.subi %add3A_11, %sub3A : i32
    "tpu.region"() ({
      %run_scoped3A = tpu.sem_alloc : memref<!tpu.dma_semaphore, #tpu.memory_space<semaphore_mem>>
      %dma_start3A = arith.constant 0 : i32
      %dma_start3A_37 = arith.constant 0 : i32
      %dma_start3A_38 = tpu.memref_slice %arg8[%dma_start3A, %dma_start3A_37] : memref<128x208xf32, #tpu.memory_space<vmem>> -> memref<64x208xf32, #tpu.memory_space<vmem>>
      %dma_start3A_39 = arith.constant 0 : i32
      %dma_start3A_40 = tpu.memref_slice %arg10[%sub3A_12, %dma_start3A_39] : memref<5120x208xf32, #tpu.memory_space<vmem_shared>> -> memref<64x208xf32, #tpu.memory_space<vmem_shared>>
      %dma_start3A_41 = arith.constant 0 : i32
      %dma_start3A_42 = tpu.memref_slice %arg10[%sub3A_12, %dma_start3A_41] : memref<5120x208xf32, #tpu.memory_space<vmem_shared>> -> memref<64x208xf32, #tpu.memory_space<vmem_shared>>
      %dma_start3A_43 = arith.constant 0 : i32
      %dma_start3A_44 = arith.constant 0 : i32
      %dma_start3A_45 = tpu.memref_slice %arg8[%dma_start3A_43, %dma_start3A_44] : memref<128x208xf32, #tpu.memory_space<vmem>> -> memref<64x208xf32, #tpu.memory_space<vmem>>
      tpu.enqueue_dma source(%dma_start3A_45 : memref<64x208xf32, #tpu.memory_space<vmem>>) target(%dma_start3A_42 : memref<64x208xf32, #tpu.memory_space<vmem_shared>>) target_semaphore(%run_scoped3A : memref<!tpu.dma_semaphore, #tpu.memory_space<semaphore_mem>>)
      %dma_wait3A = arith.constant 0 : i32
      %dma_wait3A_46 = arith.constant 0 : i32
      %dma_wait3A_47 = tpu.memref_slice %arg8[%dma_wait3A, %dma_wait3A_46] : memref<128x208xf32, #tpu.memory_space<vmem>> -> memref<64x208xf32, #tpu.memory_space<vmem>>
      %dma_wait3A_48 = arith.constant 0 : i32
      %dma_wait3A_49 = tpu.memref_slice %arg10[%sub3A_12, %dma_wait3A_48] : memref<5120x208xf32, #tpu.memory_space<vmem_shared>> -> memref<64x208xf32, #tpu.memory_space<vmem_shared>>
      %dma_wait3A_50 = arith.constant 0 : i32
      %dma_wait3A_51 = tpu.memref_slice %arg10[%sub3A_12, %dma_wait3A_50] : memref<5120x208xf32, #tpu.memory_space<vmem_shared>> -> memref<64x208xf32, #tpu.memory_space<vmem_shared>>
      %dma_wait3A_52 = arith.constant 0 : i32
      %dma_wait3A_53 = arith.constant 0 : i32
      %dma_wait3A_54 = tpu.memref_slice %arg8[%dma_wait3A_52, %dma_wait3A_53] : memref<128x208xf32, #tpu.memory_space<vmem>> -> memref<64x208xf32, #tpu.memory_space<vmem>>
      tpu.wait_dma2 semaphore(%run_scoped3A : memref<!tpu.dma_semaphore, #tpu.memory_space<semaphore_mem>>) src(%dma_wait3A_54 : memref<64x208xf32, #tpu.memory_space<vmem>>) dst(%dma_wait3A_51 : memref<64x208xf32, #tpu.memory_space<vmem_shared>>)
      tpu.yield
    }) : () -> ()
    %barrier3A = arith.constant 0 : index
    tpu.barrier barrier_id(%barrier3A)
    %iota3A = tpu.iota {dimensions = array<i32: 0>} : vector<16xi32>
    %mul3A_13 = arith.constant 168 : i32
    %mul3A_14 = arith.muli %arg1, %mul3A_13 : i32
    %mul3A_15 = arith.constant 2 : i32
    %mul3A_16 = arith.muli %mul3A_14, %mul3A_15 : i32
    %mul3A_17 = arith.constant 64 : i32
    %mul3A_18 = arith.muli %mul3A_16, %mul3A_17 : i32
    %mul3A_19 = arith.constant 5008 : i32
    %mul3A_20 = arith.muli %arg0, %mul3A_19 : i32
    %scan3A_21 = arith.constant 0 : i32
    %scan3A_22 = arith.constant 0 : i32
    %scan3A_23 = arith.constant 6 : i32
    %scan3A_24 = arith.addi %scan3A_22, %scan3A_23 : i32
    %scan3A_25 = arith.constant 1 : i32
    %scan3A_26 = scf.for %scan3A_37 = %scan3A_22 to %scan3A_24 step %scan3A_25 iter_args(%scan3A_38 = %scan3A_21) -> (i32)  : i32 {
      %mul3A_39 = arith.constant 28 : i32
      %mul3A_40 = arith.muli %scan3A_37, %mul3A_39 : i32
      %mul3A_41 = arith.constant 2 : i32
      %mul3A_42 = arith.muli %mul3A_40, %mul3A_41 : i32
      %mul3A_43 = arith.constant 64 : i32
      %mul3A_44 = arith.muli %mul3A_42, %mul3A_43 : i32
      %add3A_45 = arith.addi %mul3A_18, %mul3A_44 : i32
      %multiple_of3A_46 = tpu.assume_multiple %add3A_45, 8 : i32
      "tpu.region"() ({
        %run_scoped3A = tpu.sem_alloc : memref<!tpu.dma_semaphore, #tpu.memory_space<semaphore_mem>>
        %dma_start3A = tpu.memref_slice %arg3[%multiple_of3A_46] : memref<344064xi32, #tpu.memory_space<hbm>> -> memref<3584xi32, #tpu.memory_space<hbm>>
        %dma_start3A_55 = tpu.memref_slice %arg3[%multiple_of3A_46] : memref<344064xi32, #tpu.memory_space<hbm>> -> memref<3584xi32, #tpu.memory_space<hbm>>
        tpu.enqueue_dma source(%dma_start3A_55 : memref<3584xi32, #tpu.memory_space<hbm>>) target(%arg5 : memref<3584xi32, #tpu.memory_space<vmem>>) target_semaphore(%run_scoped3A : memref<!tpu.dma_semaphore, #tpu.memory_space<semaphore_mem>>)
        %dma_wait3A = tpu.memref_slice %arg3[%multiple_of3A_46] : memref<344064xi32, #tpu.memory_space<hbm>> -> memref<3584xi32, #tpu.memory_space<hbm>>
        %dma_wait3A_56 = tpu.memref_slice %arg3[%multiple_of3A_46] : memref<344064xi32, #tpu.memory_space<hbm>> -> memref<3584xi32, #tpu.memory_space<hbm>>
        tpu.wait_dma2 semaphore(%run_scoped3A : memref<!tpu.dma_semaphore, #tpu.memory_space<semaphore_mem>>) src(%dma_wait3A_56 : memref<3584xi32, #tpu.memory_space<hbm>>) dst(%arg5 : memref<3584xi32, #tpu.memory_space<vmem>>)
        tpu.yield
      }) : () -> ()
      %scan3A_47 = arith.constant 0 : i32
      %scan3A_48 = arith.constant 0 : i32
      %scan3A_49 = arith.constant 14 : i32
      %scan3A_50 = arith.addi %scan3A_48, %scan3A_49 : i32
      %scan3A_51 = arith.constant 1 : i32
      %scan3A_52 = scf.for %scan3A_55 = %scan3A_48 to %scan3A_50 step %scan3A_51 iter_args(%scan3A_56 = %scan3A_47) -> (i32)  : i32 {
        %mul3A_57 = arith.constant 4 : i32
        %mul3A_58 = arith.muli %scan3A_55, %mul3A_57 : i32
        %mul3A_59 = arith.constant 64 : i32
        %mul3A_60 = arith.muli %mul3A_58, %mul3A_59 : i32
        %multiple_of3A_61 = tpu.assume_multiple %mul3A_60, 8 : i32
        %add3A_62 = arith.constant 128 : i32
        %add3A_63 = arith.addi %multiple_of3A_61, %add3A_62 : i32
        %dma_start3A = tpu.memref_slice %arg5[%multiple_of3A_61] : memref<3584xi32, #tpu.memory_space<vmem>> -> memref<128xi32, #tpu.memory_space<vmem>>
        %dma_start3A_64 = arith.constant 0 : i32
        %dma_start3A_65 = arith.constant 0 : i32
        %dma_start3A_66 = tpu.memref_slice %arg2[%dma_start3A_64, %dma_start3A_65] : memref<10016x208xf32, #tpu.memory_space<hbm>> -> memref<10016x208xf32, #tpu.memory_space<hbm>>
        tpu.enqueue_indirect_dma source(%dma_start3A_66 : memref<10016x208xf32, #tpu.memory_space<hbm>>) target(%arg8 : memref<128x208xf32, #tpu.memory_space<vmem>>) offsets(%dma_start3A : memref<128xi32, #tpu.memory_space<vmem>>) semaphore(%arg11 : memref<!tpu.dma_semaphore, #tpu.memory_space<semaphore_mem>>)
        %dma_start3A_67 = tpu.memref_slice %arg5[%add3A_63] : memref<3584xi32, #tpu.memory_space<vmem>> -> memref<128xi32, #tpu.memory_space<vmem>>
        %dma_start3A_68 = arith.constant 0 : i32
        %dma_start3A_69 = arith.constant 0 : i32
        %dma_start3A_70 = tpu.memref_slice %arg2[%dma_start3A_68, %dma_start3A_69] : memref<10016x208xf32, #tpu.memory_space<hbm>> -> memref<10016x208xf32, #tpu.memory_space<hbm>>
        tpu.enqueue_indirect_dma source(%dma_start3A_70 : memref<10016x208xf32, #tpu.memory_space<hbm>>) target(%arg9 : memref<128x208xf32, #tpu.memory_space<vmem>>) offsets(%dma_start3A_67 : memref<128xi32, #tpu.memory_space<vmem>>) semaphore(%arg12 : memref<!tpu.dma_semaphore, #tpu.memory_space<semaphore_mem>>)
        %dma_wait3A = tpu.memref_slice %arg5[%multiple_of3A_61] : memref<3584xi32, #tpu.memory_space<vmem>> -> memref<128xi32, #tpu.memory_space<vmem>>
        %dma_wait3A_71 = arith.constant 0 : i32
        %dma_wait3A_72 = arith.constant 0 : i32
        %dma_wait3A_73 = tpu.memref_slice %arg2[%dma_wait3A_71, %dma_wait3A_72] : memref<10016x208xf32, #tpu.memory_space<hbm>> -> memref<10016x208xf32, #tpu.memory_space<hbm>>
        tpu.wait_indirect_dma semaphore(%arg11 : memref<!tpu.dma_semaphore, #tpu.memory_space<semaphore_mem>>) src(%dma_wait3A_73 : memref<10016x208xf32, #tpu.memory_space<hbm>>) dst(%arg8 : memref<128x208xf32, #tpu.memory_space<vmem>>)
        %add3A_74 = arith.constant 64 : i32
        %add3A_75 = arith.addi %multiple_of3A_61, %add3A_74 : i32
        %add3A_76 = arith.constant 0 : i32
        %add3A_77 = arith.addi %add3A_75, %add3A_76 : i32
        %get3A = arith.index_cast %add3A_77 : i32 to index
        %get3A_78 = tpu.vector_load %arg5[%get3A] {strides = array<i32>} : memref<3584xi32, #tpu.memory_space<vmem>>, vector<16xi32>,
        %get3A_79 = vector.shape_cast %get3A_78 : vector<16xi32> to vector<16xi32>
        %sub3A_80 = vector.broadcast %mul3A_20 : i32 to vector<16xi32>
        %sub3A_81 = arith.subi %get3A_79, %sub3A_80 : vector<16xi32>
        %ge3A = arith.constant 0 : i32
        %ge3A_82 = vector.broadcast %ge3A : i32 to vector<16xi32>
        %ge3A_83 = arith.cmpi sge, %sub3A_81, %ge3A_82 : vector<16xi32>
        %lt3A = arith.constant 5008 : i32
        %lt3A_84 = vector.broadcast %lt3A : i32 to vector<16xi32>
        %lt3A_85 = arith.cmpi slt, %sub3A_81, %lt3A_84 : vector<16xi32>
        %and3A = arith.andi %ge3A_83, %lt3A_85 : vector<16xi1>
        %and3A_86 = arith.constant 63 : i32
        %and3A_87 = vector.broadcast %and3A_86 : i32 to vector<16xi32>
        %and3A_88 = arith.andi %get3A_79, %and3A_87 : vector<16xi32>
        %add3A_89 = arith.constant 5008 : i32
        %add3A_90 = vector.broadcast %add3A_89 : i32 to vector<16xi32>
        %add3A_91 = arith.addi %add3A_90, %and3A_88 : vector<16xi32>
        %select_n3A = arith.select %and3A, %sub3A_81, %add3A_91 : vector<16xi1>, vector<16xi32>
        %swap3A = arith.constant 0 : index
        %swap3A_92 = tpu.vector_load %arg6[%swap3A] {strides = array<i32>} : memref<64xi32, #tpu.memory_space<vmem>>, vector<16xi32>,
        %swap3A_93 = vector.shape_cast %swap3A_92 : vector<16xi32> to vector<16xi32>
        %swap3A_94 = vector.shape_cast %select_n3A : vector<16xi32> to vector<16xi32>
        tpu.vector_store %arg6[%swap3A], %swap3A_94 {strides = array<i32>} : memref<64xi32, #tpu.memory_space<vmem>>, vector<16xi32>,
        %add3A_95 = arith.constant 64 : i32
        %add3A_96 = arith.addi %multiple_of3A_61, %add3A_95 : i32
        %add3A_97 = arith.constant 16 : i32
        %add3A_98 = arith.addi %add3A_96, %add3A_97 : i32
        %get3A_99 = arith.index_cast %add3A_98 : i32 to index
        %get3A_100 = tpu.vector_load %arg5[%get3A_99] {strides = array<i32>} : memref<3584xi32, #tpu.memory_space<vmem>>, vector<16xi32>,
        %get3A_101 = vector.shape_cast %get3A_100 : vector<16xi32> to vector<16xi32>
        %sub3A_102 = vector.broadcast %mul3A_20 : i32 to vector<16xi32>
        %sub3A_103 = arith.subi %get3A_101, %sub3A_102 : vector<16xi32>
        %ge3A_104 = arith.constant 0 : i32
        %ge3A_105 = vector.broadcast %ge3A_104 : i32 to vector<16xi32>
        %ge3A_106 = arith.cmpi sge, %sub3A_103, %ge3A_105 : vector<16xi32>
        %lt3A_107 = arith.constant 5008 : i32
        %lt3A_108 = vector.broadcast %lt3A_107 : i32 to vector<16xi32>
        %lt3A_109 = arith.cmpi slt, %sub3A_103, %lt3A_108 : vector<16xi32>
        %and3A_110 = arith.andi %ge3A_106, %lt3A_109 : vector<16xi1>
        %and3A_111 = arith.constant 63 : i32
        %and3A_112 = vector.broadcast %and3A_111 : i32 to vector<16xi32>
        %and3A_113 = arith.andi %get3A_101, %and3A_112 : vector<16xi32>
        %add3A_114 = arith.constant 5008 : i32
        %add3A_115 = vector.broadcast %add3A_114 : i32 to vector<16xi32>
        %add3A_116 = arith.addi %add3A_115, %and3A_113 : vector<16xi32>
        %select_n3A_117 = arith.select %and3A_110, %sub3A_103, %add3A_116 : vector<16xi1>, vector<16xi32>
        %swap3A_118 = arith.constant 16 : index
        %swap3A_119 = tpu.vector_load %arg6[%swap3A_118] {strides = array<i32>} : memref<64xi32, #tpu.memory_space<vmem>>, vector<16xi32>,
        %swap3A_120 = vector.shape_cast %swap3A_119 : vector<16xi32> to vector<16xi32>
        %swap3A_121 = vector.shape_cast %select_n3A_117 : vector<16xi32> to vector<16xi32>
        tpu.vector_store %arg6[%swap3A_118], %swap3A_121 {strides = array<i32>} : memref<64xi32, #tpu.memory_space<vmem>>, vector<16xi32>,
        %add3A_122 = arith.constant 64 : i32
        %add3A_123 = arith.addi %multiple_of3A_61, %add3A_122 : i32
        %add3A_124 = arith.constant 32 : i32
        %add3A_125 = arith.addi %add3A_123, %add3A_124 : i32
        %get3A_126 = arith.index_cast %add3A_125 : i32 to index
        %get3A_127 = tpu.vector_load %arg5[%get3A_126] {strides = array<i32>} : memref<3584xi32, #tpu.memory_space<vmem>>, vector<16xi32>,
        %get3A_128 = vector.shape_cast %get3A_127 : vector<16xi32> to vector<16xi32>
        %sub3A_129 = vector.broadcast %mul3A_20 : i32 to vector<16xi32>
        %sub3A_130 = arith.subi %get3A_128, %sub3A_129 : vector<16xi32>
        %ge3A_131 = arith.constant 0 : i32
        %ge3A_132 = vector.broadcast %ge3A_131 : i32 to vector<16xi32>
        %ge3A_133 = arith.cmpi sge, %sub3A_130, %ge3A_132 : vector<16xi32>
        %lt3A_134 = arith.constant 5008 : i32
        %lt3A_135 = vector.broadcast %lt3A_134 : i32 to vector<16xi32>
        %lt3A_136 = arith.cmpi slt, %sub3A_130, %lt3A_135 : vector<16xi32>
        %and3A_137 = arith.andi %ge3A_133, %lt3A_136 : vector<16xi1>
        %and3A_138 = arith.constant 63 : i32
        %and3A_139 = vector.broadcast %and3A_138 : i32 to vector<16xi32>
        %and3A_140 = arith.andi %get3A_128, %and3A_139 : vector<16xi32>
        %add3A_141 = arith.constant 5008 : i32
        %add3A_142 = vector.broadcast %add3A_141 : i32 to vector<16xi32>
        %add3A_143 = arith.addi %add3A_142, %and3A_140 : vector<16xi32>
        %select_n3A_144 = arith.select %and3A_137, %sub3A_130, %add3A_143 : vector<16xi1>, vector<16xi32>
        %swap3A_145 = arith.constant 32 : index
        %swap3A_146 = tpu.vector_load %arg6[%swap3A_145] {strides = array<i32>} : memref<64xi32, #tpu.memory_space<vmem>>, vector<16xi32>,
        %swap3A_147 = vector.shape_cast %swap3A_146 : vector<16xi32> to vector<16xi32>
        %swap3A_148 = vector.shape_cast %select_n3A_144 : vector<16xi32> to vector<16xi32>
        tpu.vector_store %arg6[%swap3A_145], %swap3A_148 {strides = array<i32>} : memref<64xi32, #tpu.memory_space<vmem>>, vector<16xi32>,
        %add3A_149 = arith.constant 64 : i32
        %add3A_150 = arith.addi %multiple_of3A_61, %add3A_149 : i32
        %add3A_151 = arith.constant 48 : i32
        %add3A_152 = arith.addi %add3A_150, %add3A_151 : i32
        %get3A_153 = arith.index_cast %add3A_152 : i32 to index
        %get3A_154 = tpu.vector_load %arg5[%get3A_153] {strides = array<i32>} : memref<3584xi32, #tpu.memory_space<vmem>>, vector<16xi32>,
        %get3A_155 = vector.shape_cast %get3A_154 : vector<16xi32> to vector<16xi32>
        %sub3A_156 = vector.broadcast %mul3A_20 : i32 to vector<16xi32>
        %sub3A_157 = arith.subi %get3A_155, %sub3A_156 : vector<16xi32>
        %ge3A_158 = arith.constant 0 : i32
        %ge3A_159 = vector.broadcast %ge3A_158 : i32 to vector<16xi32>
        %ge3A_160 = arith.cmpi sge, %sub3A_157, %ge3A_159 : vector<16xi32>
        %lt3A_161 = arith.constant 5008 : i32
        %lt3A_162 = vector.broadcast %lt3A_161 : i32 to vector<16xi32>
        %lt3A_163 = arith.cmpi slt, %sub3A_157, %lt3A_162 : vector<16xi32>
        %and3A_164 = arith.andi %ge3A_160, %lt3A_163 : vector<16xi1>
        %and3A_165 = arith.constant 63 : i32
        %and3A_166 = vector.broadcast %and3A_165 : i32 to vector<16xi32>
        %and3A_167 = arith.andi %get3A_155, %and3A_166 : vector<16xi32>
        %add3A_168 = arith.constant 5008 : i32
        %add3A_169 = vector.broadcast %add3A_168 : i32 to vector<16xi32>
        %add3A_170 = arith.addi %add3A_169, %and3A_167 : vector<16xi32>
        %select_n3A_171 = arith.select %and3A_164, %sub3A_157, %add3A_170 : vector<16xi1>, vector<16xi32>
        %swap3A_172 = arith.constant 48 : index
        %swap3A_173 = tpu.vector_load %arg6[%swap3A_172] {strides = array<i32>} : memref<64xi32, #tpu.memory_space<vmem>>, vector<16xi32>,
        %swap3A_174 = vector.shape_cast %swap3A_173 : vector<16xi32> to vector<16xi32>
        %swap3A_175 = vector.shape_cast %select_n3A_171 : vector<16xi32> to vector<16xi32>
        tpu.vector_store %arg6[%swap3A_172], %swap3A_175 {strides = array<i32>} : memref<64xi32, #tpu.memory_space<vmem>>, vector<16xi32>,
        %scan3A_176 = arith.constant 0 : i32
        %scan3A_177 = arith.constant 0 : i32
        %scan3A_178 = arith.constant 4 : i32
        %scan3A_179 = arith.addi %scan3A_177, %scan3A_178 : i32
        %scan3A_180 = arith.constant 1 : i32
        %scan3A_181 = scf.for %scan3A_303 = %scan3A_177 to %scan3A_179 step %scan3A_180 iter_args(%scan3A_304 = %scan3A_176) -> (i32)  : i32 {
          %broadcast_in_dim3A = arith.constant 0.000000e+00 : f32
          %broadcast_in_dim3A_305 = vector.broadcast %broadcast_in_dim3A : f32 to vector<16xf32>
          %scan3A_306 = arith.constant 0 : i32
          %scan3A_307 = arith.constant 16 : i32
          %scan3A_308 = arith.addi %scan3A_306, %scan3A_307 : i32
          %scan3A_309 = arith.constant 1 : i32
          %scan3A_310 = scf.for %scan3A_320 = %scan3A_306 to %scan3A_308 step %scan3A_309 iter_args(%scan3A_321 = %broadcast_in_dim3A_305) -> (vector<16xf32>)  : i32 {
            %mul3A_322 = arith.constant 16 : i32
            %mul3A_323 = arith.muli %scan3A_303, %mul3A_322 : i32
            %add3A_324 = arith.addi %mul3A_323, %scan3A_320 : i32
            %get3A_325 = arith.index_cast %add3A_324 : i32 to index
            %get3A_326 = arith.constant 192 : index
            %get3A_327 = tpu.vector_load %arg8[%get3A_325, %get3A_326] {strides = array<i32>} : memref<128x208xf32, #tpu.memory_space<vmem>>, vector<1x16xf32>,
            %get3A_328 = vector.shape_cast %get3A_327 : vector<1x16xf32> to vector<16xf32>
            %add3A_329 = arith.constant 64 : i32
            %add3A_330 = arith.addi %add3A_329, %add3A_324 : i32
            %get3A_331 = arith.index_cast %add3A_330 : i32 to index
            %get3A_332 = arith.constant 192 : index
            %get3A_333 = tpu.vector_load %arg8[%get3A_331, %get3A_332] {strides = array<i32>} : memref<128x208xf32, #tpu.memory_space<vmem>>, vector<1x16xf32>,
            %get3A_334 = vector.shape_cast %get3A_333 : vector<1x16xf32> to vector<16xf32>
            %lt3A_335 = arith.constant 8 : i32
            %lt3A_336 = vector.broadcast %lt3A_335 : i32 to vector<16xi32>
            %lt3A_337 = arith.cmpi slt, %iota3A, %lt3A_336 : vector<16xi32>
            %mul3A_338 = arith.mulf %get3A_328, %get3A_334 : vector<16xf32>
            %jit3A = arith.constant 0.000000e+00 : f32
            %broadcast_in_dim3A_339 = vector.broadcast %jit3A : f32 to vector<16xf32>
            %select_n3A_340 = arith.select %lt3A_337, %mul3A_338, %broadcast_in_dim3A_339 : vector<16xi1>, vector<16xf32>
            %get3A_341 = arith.index_cast %add3A_324 : i32 to index
            %get3A_342 = arith.constant 0 : index
            %get3A_343 = tpu.vector_load %arg8[%get3A_341, %get3A_342] {strides = array<i32>} : memref<128x208xf32, #tpu.memory_space<vmem>>, vector<1x16xf32>,
            %get3A_344 = vector.shape_cast %get3A_343 : vector<1x16xf32> to vector<16xf32>
            %add3A_345 = arith.constant 64 : i32
            %add3A_346 = arith.addi %add3A_345, %add3A_324 : i32
            %get3A_347 = arith.index_cast %add3A_346 : i32 to index
            %get3A_348 = arith.constant 0 : index
            %get3A_349 = tpu.vector_load %arg8[%get3A_347, %get3A_348] {strides = array<i32>} : memref<128x208xf32, #tpu.memory_space<vmem>>, vector<1x16xf32>,
            %get3A_350 = vector.shape_cast %get3A_349 : vector<1x16xf32> to vector<16xf32>
            %mul3A_351 = arith.mulf %get3A_344, %get3A_350 : vector<16xf32>
            %add3A_352 = arith.addf %select_n3A_340, %mul3A_351 : vector<16xf32>
            %get3A_353 = arith.index_cast %add3A_324 : i32 to index
            %get3A_354 = arith.constant 16 : index
            %get3A_355 = tpu.vector_load %arg8[%get3A_353, %get3A_354] {strides = array<i32>} : memref<128x208xf32, #tpu.memory_space<vmem>>, vector<1x16xf32>,
            %get3A_356 = vector.shape_cast %get3A_355 : vector<1x16xf32> to vector<16xf32>
            %add3A_357 = arith.constant 64 : i32
            %add3A_358 = arith.addi %add3A_357, %add3A_324 : i32
            %get3A_359 = arith.index_cast %add3A_358 : i32 to index
            %get3A_360 = arith.constant 16 : index
            %get3A_361 = tpu.vector_load %arg8[%get3A_359, %get3A_360] {strides = array<i32>} : memref<128x208xf32, #tpu.memory_space<vmem>>, vector<1x16xf32>,
            %get3A_362 = vector.shape_cast %get3A_361 : vector<1x16xf32> to vector<16xf32>
            %mul3A_363 = arith.mulf %get3A_356, %get3A_362 : vector<16xf32>
            %add3A_364 = arith.addf %add3A_352, %mul3A_363 : vector<16xf32>
            %get3A_365 = arith.index_cast %add3A_324 : i32 to index
            %get3A_366 = arith.constant 32 : index
            %get3A_367 = tpu.vector_load %arg8[%get3A_365, %get3A_366] {strides = array<i32>} : memref<128x208xf32, #tpu.memory_space<vmem>>, vector<1x16xf32>,
            %get3A_368 = vector.shape_cast %get3A_367 : vector<1x16xf32> to vector<16xf32>
            %add3A_369 = arith.constant 64 : i32
            %add3A_370 = arith.addi %add3A_369, %add3A_324 : i32
            %get3A_371 = arith.index_cast %add3A_370 : i32 to index
            %get3A_372 = arith.constant 32 : index
            %get3A_373 = tpu.vector_load %arg8[%get3A_371, %get3A_372] {strides = array<i32>} : memref<128x208xf32, #tpu.memory_space<vmem>>, vector<1x16xf32>,
            %get3A_374 = vector.shape_cast %get3A_373 : vector<1x16xf32> to vector<16xf32>
            %mul3A_375 = arith.mulf %get3A_368, %get3A_374 : vector<16xf32>
            %add3A_376 = arith.addf %add3A_364, %mul3A_375 : vector<16xf32>
            %get3A_377 = arith.index_cast %add3A_324 : i32 to index
            %get3A_378 = arith.constant 48 : index
            %get3A_379 = tpu.vector_load %arg8[%get3A_377, %get3A_378] {strides = array<i32>} : memref<128x208xf32, #tpu.memory_space<vmem>>, vector<1x16xf32>,
            %get3A_380 = vector.shape_cast %get3A_379 : vector<1x16xf32> to vector<16xf32>
            %add3A_381 = arith.constant 64 : i32
            %add3A_382 = arith.addi %add3A_381, %add3A_324 : i32
            %get3A_383 = arith.index_cast %add3A_382 : i32 to index
            %get3A_384 = arith.constant 48 : index
            %get3A_385 = tpu.vector_load %arg8[%get3A_383, %get3A_384] {strides = array<i32>} : memref<128x208xf32, #tpu.memory_space<vmem>>, vector<1x16xf32>,
            %get3A_386 = vector.shape_cast %get3A_385 : vector<1x16xf32> to vector<16xf32>
            %mul3A_387 = arith.mulf %get3A_380, %get3A_386 : vector<16xf32>
            %add3A_388 = arith.addf %add3A_376, %mul3A_387 : vector<16xf32>
            %get3A_389 = arith.index_cast %add3A_324 : i32 to index
            %get3A_390 = arith.constant 64 : index
            %get3A_391 = tpu.vector_load %arg8[%get3A_389, %get3A_390] {strides = array<i32>} : memref<128x208xf32, #tpu.memory_space<vmem>>, vector<1x16xf32>,
            %get3A_392 = vector.shape_cast %get3A_391 : vector<1x16xf32> to vector<16xf32>
            %add3A_393 = arith.constant 64 : i32
            %add3A_394 = arith.addi %add3A_393, %add3A_324 : i32
            %get3A_395 = arith.index_cast %add3A_394 : i32 to index
            %get3A_396 = arith.constant 64 : index
            %get3A_397 = tpu.vector_load %arg8[%get3A_395, %get3A_396] {strides = array<i32>} : memref<128x208xf32, #tpu.memory_space<vmem>>, vector<1x16xf32>,
            %get3A_398 = vector.shape_cast %get3A_397 : vector<1x16xf32> to vector<16xf32>
            %mul3A_399 = arith.mulf %get3A_392, %get3A_398 : vector<16xf32>
            %add3A_400 = arith.addf %add3A_388, %mul3A_399 : vector<16xf32>
            %get3A_401 = arith.index_cast %add3A_324 : i32 to index
            %get3A_402 = arith.constant 80 : index
            %get3A_403 = tpu.vector_load %arg8[%get3A_401, %get3A_402] {strides = array<i32>} : memref<128x208xf32, #tpu.memory_space<vmem>>, vector<1x16xf32>,
            %get3A_404 = vector.shape_cast %get3A_403 : vector<1x16xf32> to vector<16xf32>
            %add3A_405 = arith.constant 64 : i32
            %add3A_406 = arith.addi %add3A_405, %add3A_324 : i32
            %get3A_407 = arith.index_cast %add3A_406 : i32 to index
            %get3A_408 = arith.constant 80 : index
            %get3A_409 = tpu.vector_load %arg8[%get3A_407, %get3A_408] {strides = array<i32>} : memref<128x208xf32, #tpu.memory_space<vmem>>, vector<1x16xf32>,
            %get3A_410 = vector.shape_cast %get3A_409 : vector<1x16xf32> to vector<16xf32>
            %mul3A_411 = arith.mulf %get3A_404, %get3A_410 : vector<16xf32>
            %add3A_412 = arith.addf %add3A_400, %mul3A_411 : vector<16xf32>
            %get3A_413 = arith.index_cast %add3A_324 : i32 to index
            %get3A_414 = arith.constant 96 : index
            %get3A_415 = tpu.vector_load %arg8[%get3A_413, %get3A_414] {strides = array<i32>} : memref<128x208xf32, #tpu.memory_space<vmem>>, vector<1x16xf32>,
            %get3A_416 = vector.shape_cast %get3A_415 : vector<1x16xf32> to vector<16xf32>
            %add3A_417 = arith.constant 64 : i32
            %add3A_418 = arith.addi %add3A_417, %add3A_324 : i32
            %get3A_419 = arith.index_cast %add3A_418 : i32 to index
            %get3A_420 = arith.constant 96 : index
            %get3A_421 = tpu.vector_load %arg8[%get3A_419, %get3A_420] {strides = array<i32>} : memref<128x208xf32, #tpu.memory_space<vmem>>, vector<1x16xf32>,
            %get3A_422 = vector.shape_cast %get3A_421 : vector<1x16xf32> to vector<16xf32>
            %mul3A_423 = arith.mulf %get3A_416, %get3A_422 : vector<16xf32>
            %add3A_424 = arith.addf %add3A_412, %mul3A_423 : vector<16xf32>
            %get3A_425 = arith.index_cast %add3A_324 : i32 to index
            %get3A_426 = arith.constant 112 : index
            %get3A_427 = tpu.vector_load %arg8[%get3A_425, %get3A_426] {strides = array<i32>} : memref<128x208xf32, #tpu.memory_space<vmem>>, vector<1x16xf32>,
            %get3A_428 = vector.shape_cast %get3A_427 : vector<1x16xf32> to vector<16xf32>
            %add3A_429 = arith.constant 64 : i32
            %add3A_430 = arith.addi %add3A_429, %add3A_324 : i32
            %get3A_431 = arith.index_cast %add3A_430 : i32 to index
            %get3A_432 = arith.constant 112 : index
            %get3A_433 = tpu.vector_load %arg8[%get3A_431, %get3A_432] {strides = array<i32>} : memref<128x208xf32, #tpu.memory_space<vmem>>, vector<1x16xf32>,
            %get3A_434 = vector.shape_cast %get3A_433 : vector<1x16xf32> to vector<16xf32>
            %mul3A_435 = arith.mulf %get3A_428, %get3A_434 : vector<16xf32>
            %add3A_436 = arith.addf %add3A_424, %mul3A_435 : vector<16xf32>
            %get3A_437 = arith.index_cast %add3A_324 : i32 to index
            %get3A_438 = arith.constant 128 : index
            %get3A_439 = tpu.vector_load %arg8[%get3A_437, %get3A_438] {strides = array<i32>} : memref<128x208xf32, #tpu.memory_space<vmem>>, vector<1x16xf32>,
            %get3A_440 = vector.shape_cast %get3A_439 : vector<1x16xf32> to vector<16xf32>
            %add3A_441 = arith.constant 64 : i32
            %add3A_442 = arith.addi %add3A_441, %add3A_324 : i32
            %get3A_443 = arith.index_cast %add3A_442 : i32 to index
            %get3A_444 = arith.constant 128 : index
            %get3A_445 = tpu.vector_load %arg8[%get3A_443, %get3A_444] {strides = array<i32>} : memref<128x208xf32, #tpu.memory_space<vmem>>, vector<1x16xf32>,
            %get3A_446 = vector.shape_cast %get3A_445 : vector<1x16xf32> to vector<16xf32>
            %mul3A_447 = arith.mulf %get3A_440, %get3A_446 : vector<16xf32>
            %add3A_448 = arith.addf %add3A_436, %mul3A_447 : vector<16xf32>
            %get3A_449 = arith.index_cast %add3A_324 : i32 to index
            %get3A_450 = arith.constant 144 : index
            %get3A_451 = tpu.vector_load %arg8[%get3A_449, %get3A_450] {strides = array<i32>} : memref<128x208xf32, #tpu.memory_space<vmem>>, vector<1x16xf32>,
            %get3A_452 = vector.shape_cast %get3A_451 : vector<1x16xf32> to vector<16xf32>
            %add3A_453 = arith.constant 64 : i32
            %add3A_454 = arith.addi %add3A_453, %add3A_324 : i32
            %get3A_455 = arith.index_cast %add3A_454 : i32 to index
            %get3A_456 = arith.constant 144 : index
            %get3A_457 = tpu.vector_load %arg8[%get3A_455, %get3A_456] {strides = array<i32>} : memref<128x208xf32, #tpu.memory_space<vmem>>, vector<1x16xf32>,
            %get3A_458 = vector.shape_cast %get3A_457 : vector<1x16xf32> to vector<16xf32>
            %mul3A_459 = arith.mulf %get3A_452, %get3A_458 : vector<16xf32>
            %add3A_460 = arith.addf %add3A_448, %mul3A_459 : vector<16xf32>
            %get3A_461 = arith.index_cast %add3A_324 : i32 to index
            %get3A_462 = arith.constant 160 : index
            %get3A_463 = tpu.vector_load %arg8[%get3A_461, %get3A_462] {strides = array<i32>} : memref<128x208xf32, #tpu.memory_space<vmem>>, vector<1x16xf32>,
            %get3A_464 = vector.shape_cast %get3A_463 : vector<1x16xf32> to vector<16xf32>
            %add3A_465 = arith.constant 64 : i32
            %add3A_466 = arith.addi %add3A_465, %add3A_324 : i32
            %get3A_467 = arith.index_cast %add3A_466 : i32 to index
            %get3A_468 = arith.constant 160 : index
            %get3A_469 = tpu.vector_load %arg8[%get3A_467, %get3A_468] {strides = array<i32>} : memref<128x208xf32, #tpu.memory_space<vmem>>, vector<1x16xf32>,
            %get3A_470 = vector.shape_cast %get3A_469 : vector<1x16xf32> to vector<16xf32>
            %mul3A_471 = arith.mulf %get3A_464, %get3A_470 : vector<16xf32>
            %add3A_472 = arith.addf %add3A_460, %mul3A_471 : vector<16xf32>
            %get3A_473 = arith.index_cast %add3A_324 : i32 to index
            %get3A_474 = arith.constant 176 : index
            %get3A_475 = tpu.vector_load %arg8[%get3A_473, %get3A_474] {strides = array<i32>} : memref<128x208xf32, #tpu.memory_space<vmem>>, vector<1x16xf32>,
            %get3A_476 = vector.shape_cast %get3A_475 : vector<1x16xf32> to vector<16xf32>
            %add3A_477 = arith.constant 64 : i32
            %add3A_478 = arith.addi %add3A_477, %add3A_324 : i32
            %get3A_479 = arith.index_cast %add3A_478 : i32 to index
            %get3A_480 = arith.constant 176 : index
            %get3A_481 = tpu.vector_load %arg8[%get3A_479, %get3A_480] {strides = array<i32>} : memref<128x208xf32, #tpu.memory_space<vmem>>, vector<1x16xf32>,
            %get3A_482 = vector.shape_cast %get3A_481 : vector<1x16xf32> to vector<16xf32>
            %mul3A_483 = arith.mulf %get3A_476, %get3A_482 : vector<16xf32>
            %add3A_484 = arith.addf %add3A_472, %mul3A_483 : vector<16xf32>
            %xor3A = arith.constant 8 : i32
            %xor3A_485 = vector.broadcast %xor3A : i32 to vector<16xi32>
            %xor3A_486 = arith.xori %iota3A, %xor3A_485 : vector<16xi32>
            %lt3A_487 = arith.constant 0 : i32
            %lt3A_488 = vector.broadcast %lt3A_487 : i32 to vector<16xi32>
            %lt3A_489 = arith.cmpi slt, %xor3A_486, %lt3A_488 : vector<16xi32>
            %add3A_490 = arith.constant 16 : i32
            %add3A_491 = vector.broadcast %add3A_490 : i32 to vector<16xi32>
            %add3A_492 = arith.addi %xor3A_486, %add3A_491 : vector<16xi32>
            %select_n3A_493 = arith.select %lt3A_489, %add3A_492, %xor3A_486 : vector<16xi1>, vector<16xi32>
            %broadcast_in_dim3A_494 = vector.shape_cast %select_n3A_493 : vector<16xi32> to vector<16x1xi32>
            %gather3A = vector.shape_cast %broadcast_in_dim3A_494 : vector<16x1xi32> to vector<16xi32>
            %gather3A_495 = tpu.dynamic_gather %add3A_484[%gather3A] in [0] : vector<16xf32>, vector<16xi32> -> vector<16xf32>
            %add3A_496 = arith.addf %add3A_484, %gather3A_495 : vector<16xf32>
            %xor3A_497 = arith.constant 4 : i32
            %xor3A_498 = vector.broadcast %xor3A_497 : i32 to vector<16xi32>
            %xor3A_499 = arith.xori %iota3A, %xor3A_498 : vector<16xi32>
            %lt3A_500 = arith.constant 0 : i32
            %lt3A_501 = vector.broadcast %lt3A_500 : i32 to vector<16xi32>
            %lt3A_502 = arith.cmpi slt, %xor3A_499, %lt3A_501 : vector<16xi32>
            %add3A_503 = arith.constant 16 : i32
            %add3A_504 = vector.broadcast %add3A_503 : i32 to vector<16xi32>
            %add3A_505 = arith.addi %xor3A_499, %add3A_504 : vector<16xi32>
            %select_n3A_506 = arith.select %lt3A_502, %add3A_505, %xor3A_499 : vector<16xi1>, vector<16xi32>
            %broadcast_in_dim3A_507 = vector.shape_cast %select_n3A_506 : vector<16xi32> to vector<16x1xi32>
            %gather3A_508 = vector.shape_cast %broadcast_in_dim3A_507 : vector<16x1xi32> to vector<16xi32>
            %gather3A_509 = tpu.dynamic_gather %add3A_496[%gather3A_508] in [0] : vector<16xf32>, vector<16xi32> -> vector<16xf32>
            %add3A_510 = arith.addf %add3A_496, %gather3A_509 : vector<16xf32>
            %xor3A_511 = arith.constant 2 : i32
            %xor3A_512 = vector.broadcast %xor3A_511 : i32 to vector<16xi32>
            %xor3A_513 = arith.xori %iota3A, %xor3A_512 : vector<16xi32>
            %lt3A_514 = arith.constant 0 : i32
            %lt3A_515 = vector.broadcast %lt3A_514 : i32 to vector<16xi32>
            %lt3A_516 = arith.cmpi slt, %xor3A_513, %lt3A_515 : vector<16xi32>
            %add3A_517 = arith.constant 16 : i32
            %add3A_518 = vector.broadcast %add3A_517 : i32 to vector<16xi32>
            %add3A_519 = arith.addi %xor3A_513, %add3A_518 : vector<16xi32>
            %select_n3A_520 = arith.select %lt3A_516, %add3A_519, %xor3A_513 : vector<16xi1>, vector<16xi32>
            %broadcast_in_dim3A_521 = vector.shape_cast %select_n3A_520 : vector<16xi32> to vector<16x1xi32>
            %gather3A_522 = vector.shape_cast %broadcast_in_dim3A_521 : vector<16x1xi32> to vector<16xi32>
            %gather3A_523 = tpu.dynamic_gather %add3A_510[%gather3A_522] in [0] : vector<16xf32>, vector<16xi32> -> vector<16xf32>
            %add3A_524 = arith.addf %add3A_510, %gather3A_523 : vector<16xf32>
            %xor3A_525 = arith.constant 1 : i32
            %xor3A_526 = vector.broadcast %xor3A_525 : i32 to vector<16xi32>
            %xor3A_527 = arith.xori %iota3A, %xor3A_526 : vector<16xi32>
            %lt3A_528 = arith.constant 0 : i32
            %lt3A_529 = vector.broadcast %lt3A_528 : i32 to vector<16xi32>
            %lt3A_530 = arith.cmpi slt, %xor3A_527, %lt3A_529 : vector<16xi32>
            %add3A_531 = arith.constant 16 : i32
            %add3A_532 = vector.broadcast %add3A_531 : i32 to vector<16xi32>
            %add3A_533 = arith.addi %xor3A_527, %add3A_532 : vector<16xi32>
            %select_n3A_534 = arith.select %lt3A_530, %add3A_533, %xor3A_527 : vector<16xi1>, vector<16xi32>
            %broadcast_in_dim3A_535 = vector.shape_cast %select_n3A_534 : vector<16xi32> to vector<16x1xi32>
            %gather3A_536 = vector.shape_cast %broadcast_in_dim3A_535 : vector<16x1xi32> to vector<16xi32>
            %gather3A_537 = tpu.dynamic_gather %add3A_524[%gather3A_536] in [0] : vector<16xf32>, vector<16xi32> -> vector<16xf32>
            %add3A_538 = arith.addf %add3A_524, %gather3A_537 : vector<16xf32>
            %slice3A = vector.extract_strided_slice %get3A_328 {offsets = [14], sizes = [1], strides = [1]} : vector<16xf32> to vector<1xf32>
            %squeeze3A = vector.extract %slice3A[0] : f32 from vector<1xf32>
            %slice3A_539 = vector.extract_strided_slice %get3A_334 {offsets = [13], sizes = [1], strides = [1]} : vector<16xf32> to vector<1xf32>
            %squeeze3A_540 = vector.extract %slice3A_539[0] : f32 from vector<1xf32>
            %mul3A_541 = arith.mulf %squeeze3A, %squeeze3A_540 : f32
            %mul3A_542 = vector.broadcast %mul3A_541 : f32 to vector<16xf32>
            %mul3A_543 = arith.mulf %mul3A_542, %add3A_538 : vector<16xf32>
            %eq3A = vector.broadcast %scan3A_320 : i32 to vector<16xi32>
            %eq3A_544 = arith.cmpi eq, %iota3A, %eq3A : vector<16xi32>
            %select_n3A_545 = arith.select %eq3A_544, %mul3A_543, %scan3A_321 : vector<16xi1>, vector<16xf32>
            scf.yield %select_n3A_545 : vector<16xf32>
          }
          %scan3A_311 = arith.constant 16 : i32
          %exp3A = math.exp %scan3A_310 : vector<16xf32>
          %scan3A_312 = arith.constant 0 : i32
          %scan3A_313 = arith.constant 0 : i32
          %scan3A_314 = arith.constant 16 : i32
          %scan3A_315 = arith.addi %scan3A_313, %scan3A_314 : i32
          %scan3A_316 = arith.constant 1 : i32
          %scan3A_317 = scf.for %scan3A_320 = %scan3A_313 to %scan3A_315 step %scan3A_316 iter_args(%scan3A_321 = %scan3A_312) -> (i32)  : i32 {
            %mul3A_322 = arith.constant 16 : i32
            %mul3A_323 = arith.muli %scan3A_303, %mul3A_322 : i32
            %add3A_324 = arith.addi %mul3A_323, %scan3A_320 : i32
            %broadcast_in_dim3A_325 = vector.broadcast %scan3A_320 : i32 to vector<16xi32>
            %lt3A_326 = arith.constant 0 : i32
            %lt3A_327 = vector.broadcast %lt3A_326 : i32 to vector<16xi32>
            %lt3A_328 = arith.cmpi slt, %broadcast_in_dim3A_325, %lt3A_327 : vector<16xi32>
            %add3A_329 = arith.constant 16 : i32
            %add3A_330 = vector.broadcast %add3A_329 : i32 to vector<16xi32>
            %add3A_331 = arith.addi %broadcast_in_dim3A_325, %add3A_330 : vector<16xi32>
            %select_n3A_332 = arith.select %lt3A_328, %add3A_331, %broadcast_in_dim3A_325 : vector<16xi1>, vector<16xi32>
            %broadcast_in_dim3A_333 = vector.shape_cast %select_n3A_332 : vector<16xi32> to vector<16x1xi32>
            %gather3A = vector.shape_cast %broadcast_in_dim3A_333 : vector<16x1xi32> to vector<16xi32>
            %gather3A_334 = tpu.dynamic_gather %exp3A[%gather3A] in [0] : vector<16xf32>, vector<16xi32> -> vector<16xf32>
            %get3A_335 = arith.index_cast %add3A_324 : i32 to index
            %get3A_336 = arith.constant 0 : index
            %get3A_337 = tpu.vector_load %arg8[%get3A_335, %get3A_336] {strides = array<i32>} : memref<128x208xf32, #tpu.memory_space<vmem>>, vector<1x16xf32>,
            %get3A_338 = vector.shape_cast %get3A_337 : vector<1x16xf32> to vector<16xf32>
            %mul3A_339 = arith.mulf %get3A_338, %gather3A_334 : vector<16xf32>
            %swap3A_340 = arith.index_cast %add3A_324 : i32 to index
            %swap3A_341 = arith.constant 0 : index
            %swap3A_342 = tpu.vector_load %arg8[%swap3A_340, %swap3A_341] {strides = array<i32>} : memref<128x208xf32, #tpu.memory_space<vmem>>, vector<1x16xf32>,
            %swap3A_343 = vector.shape_cast %swap3A_342 : vector<1x16xf32> to vector<16xf32>
            %swap3A_344 = vector.shape_cast %mul3A_339 : vector<16xf32> to vector<1x16xf32>
            tpu.vector_store %arg8[%swap3A_340, %swap3A_341], %swap3A_344 {strides = array<i32>} : memref<128x208xf32, #tpu.memory_space<vmem>>, vector<1x16xf32>,
            %get3A_345 = arith.index_cast %add3A_324 : i32 to index
            %get3A_346 = arith.constant 16 : index
            %get3A_347 = tpu.vector_load %arg8[%get3A_345, %get3A_346] {strides = array<i32>} : memref<128x208xf32, #tpu.memory_space<vmem>>, vector<1x16xf32>,
            %get3A_348 = vector.shape_cast %get3A_347 : vector<1x16xf32> to vector<16xf32>
            %mul3A_349 = arith.mulf %get3A_348, %gather3A_334 : vector<16xf32>
            %swap3A_350 = arith.index_cast %add3A_324 : i32 to index
            %swap3A_351 = arith.constant 16 : index
            %swap3A_352 = tpu.vector_load %arg8[%swap3A_350, %swap3A_351] {strides = array<i32>} : memref<128x208xf32, #tpu.memory_space<vmem>>, vector<1x16xf32>,
            %swap3A_353 = vector.shape_cast %swap3A_352 : vector<1x16xf32> to vector<16xf32>
            %swap3A_354 = vector.shape_cast %mul3A_349 : vector<16xf32> to vector<1x16xf32>
            tpu.vector_store %arg8[%swap3A_350, %swap3A_351], %swap3A_354 {strides = array<i32>} : memref<128x208xf32, #tpu.memory_space<vmem>>, vector<1x16xf32>,
            %get3A_355 = arith.index_cast %add3A_324 : i32 to index
            %get3A_356 = arith.constant 32 : index
            %get3A_357 = tpu.vector_load %arg8[%get3A_355, %get3A_356] {strides = array<i32>} : memref<128x208xf32, #tpu.memory_space<vmem>>, vector<1x16xf32>,
            %get3A_358 = vector.shape_cast %get3A_357 : vector<1x16xf32> to vector<16xf32>
            %mul3A_359 = arith.mulf %get3A_358, %gather3A_334 : vector<16xf32>
            %swap3A_360 = arith.index_cast %add3A_324 : i32 to index
            %swap3A_361 = arith.constant 32 : index
            %swap3A_362 = tpu.vector_load %arg8[%swap3A_360, %swap3A_361] {strides = array<i32>} : memref<128x208xf32, #tpu.memory_space<vmem>>, vector<1x16xf32>,
            %swap3A_363 = vector.shape_cast %swap3A_362 : vector<1x16xf32> to vector<16xf32>
            %swap3A_364 = vector.shape_cast %mul3A_359 : vector<16xf32> to vector<1x16xf32>
            tpu.vector_store %arg8[%swap3A_360, %swap3A_361], %swap3A_364 {strides = array<i32>} : memref<128x208xf32, #tpu.memory_space<vmem>>, vector<1x16xf32>,
            %get3A_365 = arith.index_cast %add3A_324 : i32 to index
            %get3A_366 = arith.constant 48 : index
            %get3A_367 = tpu.vector_load %arg8[%get3A_365, %get3A_366] {strides = array<i32>} : memref<128x208xf32, #tpu.memory_space<vmem>>, vector<1x16xf32>,
            %get3A_368 = vector.shape_cast %get3A_367 : vector<1x16xf32> to vector<16xf32>
            %mul3A_369 = arith.mulf %get3A_368, %gather3A_334 : vector<16xf32>
            %swap3A_370 = arith.index_cast %add3A_324 : i32 to index
            %swap3A_371 = arith.constant 48 : index
            %swap3A_372 = tpu.vector_load %arg8[%swap3A_370, %swap3A_371] {strides = array<i32>} : memref<128x208xf32, #tpu.memory_space<vmem>>, vector<1x16xf32>,
            %swap3A_373 = vector.shape_cast %swap3A_372 : vector<1x16xf32> to vector<16xf32>
            %swap3A_374 = vector.shape_cast %mul3A_369 : vector<16xf32> to vector<1x16xf32>
            tpu.vector_store %arg8[%swap3A_370, %swap3A_371], %swap3A_374 {strides = array<i32>} : memref<128x208xf32, #tpu.memory_space<vmem>>, vector<1x16xf32>,
            %get3A_375 = arith.index_cast %add3A_324 : i32 to index
            %get3A_376 = arith.constant 64 : index
            %get3A_377 = tpu.vector_load %arg8[%get3A_375, %get3A_376] {strides = array<i32>} : memref<128x208xf32, #tpu.memory_space<vmem>>, vector<1x16xf32>,
            %get3A_378 = vector.shape_cast %get3A_377 : vector<1x16xf32> to vector<16xf32>
            %mul3A_379 = arith.mulf %get3A_378, %gather3A_334 : vector<16xf32>
            %swap3A_380 = arith.index_cast %add3A_324 : i32 to index
            %swap3A_381 = arith.constant 64 : index
            %swap3A_382 = tpu.vector_load %arg8[%swap3A_380, %swap3A_381] {strides = array<i32>} : memref<128x208xf32, #tpu.memory_space<vmem>>, vector<1x16xf32>,
            %swap3A_383 = vector.shape_cast %swap3A_382 : vector<1x16xf32> to vector<16xf32>
            %swap3A_384 = vector.shape_cast %mul3A_379 : vector<16xf32> to vector<1x16xf32>
            tpu.vector_store %arg8[%swap3A_380, %swap3A_381], %swap3A_384 {strides = array<i32>} : memref<128x208xf32, #tpu.memory_space<vmem>>, vector<1x16xf32>,
            %get3A_385 = arith.index_cast %add3A_324 : i32 to index
            %get3A_386 = arith.constant 80 : index
            %get3A_387 = tpu.vector_load %arg8[%get3A_385, %get3A_386] {strides = array<i32>} : memref<128x208xf32, #tpu.memory_space<vmem>>, vector<1x16xf32>,
            %get3A_388 = vector.shape_cast %get3A_387 : vector<1x16xf32> to vector<16xf32>
            %mul3A_389 = arith.mulf %get3A_388, %gather3A_334 : vector<16xf32>
            %swap3A_390 = arith.index_cast %add3A_324 : i32 to index
            %swap3A_391 = arith.constant 80 : index
            %swap3A_392 = tpu.vector_load %arg8[%swap3A_390, %swap3A_391] {strides = array<i32>} : memref<128x208xf32, #tpu.memory_space<vmem>>, vector<1x16xf32>,
            %swap3A_393 = vector.shape_cast %swap3A_392 : vector<1x16xf32> to vector<16xf32>
            %swap3A_394 = vector.shape_cast %mul3A_389 : vector<16xf32> to vector<1x16xf32>
            tpu.vector_store %arg8[%swap3A_390, %swap3A_391], %swap3A_394 {strides = array<i32>} : memref<128x208xf32, #tpu.memory_space<vmem>>, vector<1x16xf32>,
            %get3A_395 = arith.index_cast %add3A_324 : i32 to index
            %get3A_396 = arith.constant 96 : index
            %get3A_397 = tpu.vector_load %arg8[%get3A_395, %get3A_396] {strides = array<i32>} : memref<128x208xf32, #tpu.memory_space<vmem>>, vector<1x16xf32>,
            %get3A_398 = vector.shape_cast %get3A_397 : vector<1x16xf32> to vector<16xf32>
            %mul3A_399 = arith.mulf %get3A_398, %gather3A_334 : vector<16xf32>
            %swap3A_400 = arith.index_cast %add3A_324 : i32 to index
            %swap3A_401 = arith.constant 96 : index
            %swap3A_402 = tpu.vector_load %arg8[%swap3A_400, %swap3A_401] {strides = array<i32>} : memref<128x208xf32, #tpu.memory_space<vmem>>, vector<1x16xf32>,
            %swap3A_403 = vector.shape_cast %swap3A_402 : vector<1x16xf32> to vector<16xf32>
            %swap3A_404 = vector.shape_cast %mul3A_399 : vector<16xf32> to vector<1x16xf32>
            tpu.vector_store %arg8[%swap3A_400, %swap3A_401], %swap3A_404 {strides = array<i32>} : memref<128x208xf32, #tpu.memory_space<vmem>>, vector<1x16xf32>,
            %get3A_405 = arith.index_cast %add3A_324 : i32 to index
            %get3A_406 = arith.constant 112 : index
            %get3A_407 = tpu.vector_load %arg8[%get3A_405, %get3A_406] {strides = array<i32>} : memref<128x208xf32, #tpu.memory_space<vmem>>, vector<1x16xf32>,
            %get3A_408 = vector.shape_cast %get3A_407 : vector<1x16xf32> to vector<16xf32>
            %mul3A_409 = arith.mulf %get3A_408, %gather3A_334 : vector<16xf32>
            %swap3A_410 = arith.index_cast %add3A_324 : i32 to index
            %swap3A_411 = arith.constant 112 : index
            %swap3A_412 = tpu.vector_load %arg8[%swap3A_410, %swap3A_411] {strides = array<i32>} : memref<128x208xf32, #tpu.memory_space<vmem>>, vector<1x16xf32>,
            %swap3A_413 = vector.shape_cast %swap3A_412 : vector<1x16xf32> to vector<16xf32>
            %swap3A_414 = vector.shape_cast %mul3A_409 : vector<16xf32> to vector<1x16xf32>
            tpu.vector_store %arg8[%swap3A_410, %swap3A_411], %swap3A_414 {strides = array<i32>} : memref<128x208xf32, #tpu.memory_space<vmem>>, vector<1x16xf32>,
            %get3A_415 = arith.index_cast %add3A_324 : i32 to index
            %get3A_416 = arith.constant 128 : index
            %get3A_417 = tpu.vector_load %arg8[%get3A_415, %get3A_416] {strides = array<i32>} : memref<128x208xf32, #tpu.memory_space<vmem>>, vector<1x16xf32>,
            %get3A_418 = vector.shape_cast %get3A_417 : vector<1x16xf32> to vector<16xf32>
            %mul3A_419 = arith.mulf %get3A_418, %gather3A_334 : vector<16xf32>
            %swap3A_420 = arith.index_cast %add3A_324 : i32 to index
            %swap3A_421 = arith.constant 128 : index
            %swap3A_422 = tpu.vector_load %arg8[%swap3A_420, %swap3A_421] {strides = array<i32>} : memref<128x208xf32, #tpu.memory_space<vmem>>, vector<1x16xf32>,
            %swap3A_423 = vector.shape_cast %swap3A_422 : vector<1x16xf32> to vector<16xf32>
            %swap3A_424 = vector.shape_cast %mul3A_419 : vector<16xf32> to vector<1x16xf32>
            tpu.vector_store %arg8[%swap3A_420, %swap3A_421], %swap3A_424 {strides = array<i32>} : memref<128x208xf32, #tpu.memory_space<vmem>>, vector<1x16xf32>,
            %get3A_425 = arith.index_cast %add3A_324 : i32 to index
            %get3A_426 = arith.constant 144 : index
            %get3A_427 = tpu.vector_load %arg8[%get3A_425, %get3A_426] {strides = array<i32>} : memref<128x208xf32, #tpu.memory_space<vmem>>, vector<1x16xf32>,
            %get3A_428 = vector.shape_cast %get3A_427 : vector<1x16xf32> to vector<16xf32>
            %mul3A_429 = arith.mulf %get3A_428, %gather3A_334 : vector<16xf32>
            %swap3A_430 = arith.index_cast %add3A_324 : i32 to index
            %swap3A_431 = arith.constant 144 : index
            %swap3A_432 = tpu.vector_load %arg8[%swap3A_430, %swap3A_431] {strides = array<i32>} : memref<128x208xf32, #tpu.memory_space<vmem>>, vector<1x16xf32>,
            %swap3A_433 = vector.shape_cast %swap3A_432 : vector<1x16xf32> to vector<16xf32>
            %swap3A_434 = vector.shape_cast %mul3A_429 : vector<16xf32> to vector<1x16xf32>
            tpu.vector_store %arg8[%swap3A_430, %swap3A_431], %swap3A_434 {strides = array<i32>} : memref<128x208xf32, #tpu.memory_space<vmem>>, vector<1x16xf32>,
            %get3A_435 = arith.index_cast %add3A_324 : i32 to index
            %get3A_436 = arith.constant 160 : index
            %get3A_437 = tpu.vector_load %arg8[%get3A_435, %get3A_436] {strides = array<i32>} : memref<128x208xf32, #tpu.memory_space<vmem>>, vector<1x16xf32>,
            %get3A_438 = vector.shape_cast %get3A_437 : vector<1x16xf32> to vector<16xf32>
            %mul3A_439 = arith.mulf %get3A_438, %gather3A_334 : vector<16xf32>
            %swap3A_440 = arith.index_cast %add3A_324 : i32 to index
            %swap3A_441 = arith.constant 160 : index
            %swap3A_442 = tpu.vector_load %arg8[%swap3A_440, %swap3A_441] {strides = array<i32>} : memref<128x208xf32, #tpu.memory_space<vmem>>, vector<1x16xf32>,
            %swap3A_443 = vector.shape_cast %swap3A_442 : vector<1x16xf32> to vector<16xf32>
            %swap3A_444 = vector.shape_cast %mul3A_439 : vector<16xf32> to vector<1x16xf32>
            tpu.vector_store %arg8[%swap3A_440, %swap3A_441], %swap3A_444 {strides = array<i32>} : memref<128x208xf32, #tpu.memory_space<vmem>>, vector<1x16xf32>,
            %get3A_445 = arith.index_cast %add3A_324 : i32 to index
            %get3A_446 = arith.constant 176 : index
            %get3A_447 = tpu.vector_load %arg8[%get3A_445, %get3A_446] {strides = array<i32>} : memref<128x208xf32, #tpu.memory_space<vmem>>, vector<1x16xf32>,
            %get3A_448 = vector.shape_cast %get3A_447 : vector<1x16xf32> to vector<16xf32>
            %mul3A_449 = arith.mulf %get3A_448, %gather3A_334 : vector<16xf32>
            %swap3A_450 = arith.index_cast %add3A_324 : i32 to index
            %swap3A_451 = arith.constant 176 : index
            %swap3A_452 = tpu.vector_load %arg8[%swap3A_450, %swap3A_451] {strides = array<i32>} : memref<128x208xf32, #tpu.memory_space<vmem>>, vector<1x16xf32>,
            %swap3A_453 = vector.shape_cast %swap3A_452 : vector<1x16xf32> to vector<16xf32>
            %swap3A_454 = vector.shape_cast %mul3A_449 : vector<16xf32> to vector<1x16xf32>
            tpu.vector_store %arg8[%swap3A_450, %swap3A_451], %swap3A_454 {strides = array<i32>} : memref<128x208xf32, #tpu.memory_space<vmem>>, vector<1x16xf32>,
            %get3A_455 = arith.index_cast %add3A_324 : i32 to index
            %get3A_456 = arith.constant 192 : index
            %get3A_457 = tpu.vector_load %arg8[%get3A_455, %get3A_456] {strides = array<i32>} : memref<128x208xf32, #tpu.memory_space<vmem>>, vector<1x16xf32>,
            %get3A_458 = vector.shape_cast %get3A_457 : vector<1x16xf32> to vector<16xf32>
            %mul3A_459 = arith.mulf %get3A_458, %gather3A_334 : vector<16xf32>
            %swap3A_460 = arith.index_cast %add3A_324 : i32 to index
            %swap3A_461 = arith.constant 192 : index
            %swap3A_462 = tpu.vector_load %arg8[%swap3A_460, %swap3A_461] {strides = array<i32>} : memref<128x208xf32, #tpu.memory_space<vmem>>, vector<1x16xf32>,
            %swap3A_463 = vector.shape_cast %swap3A_462 : vector<1x16xf32> to vector<16xf32>
            %swap3A_464 = vector.shape_cast %mul3A_459 : vector<16xf32> to vector<1x16xf32>
            tpu.vector_store %arg8[%swap3A_460, %swap3A_461], %swap3A_464 {strides = array<i32>} : memref<128x208xf32, #tpu.memory_space<vmem>>, vector<1x16xf32>,
            %scan3A_465 = arith.constant 0 : i32
            scf.yield %scan3A_465 : i32
          }
          %scan3A_318 = arith.constant 16 : i32
          %scan3A_319 = arith.constant 0 : i32
          scf.yield %scan3A_319 : i32
        }
        %scan3A_182 = arith.constant 4 : i32
        "tpu.region"() ({
          %run_scoped3A = tpu.sem_alloc : memref<!tpu.dma_semaphore, #tpu.memory_space<semaphore_mem>>
          %dma_start3A_303 = arith.constant 0 : i32
          %dma_start3A_304 = arith.constant 0 : i32
          %dma_start3A_305 = tpu.memref_slice %arg8[%dma_start3A_303, %dma_start3A_304] : memref<128x208xf32, #tpu.memory_space<vmem>> -> memref<64x208xf32, #tpu.memory_space<vmem>>
          %dma_start3A_306 = arith.constant 0 : i32
          %dma_start3A_307 = arith.constant 0 : i32
          %dma_start3A_308 = tpu.memref_slice %arg10[%dma_start3A_306, %dma_start3A_307] : memref<5120x208xf32, #tpu.memory_space<vmem_shared>> -> memref<5120x208xf32, #tpu.memory_space<vmem_shared>>
          tpu.enqueue_indirect_dma source(%dma_start3A_305 : memref<64x208xf32, #tpu.memory_space<vmem>>) target(%dma_start3A_308 : memref<5120x208xf32, #tpu.memory_space<vmem_shared>>) offsets(%arg6 : memref<64xi32, #tpu.memory_space<vmem>>) semaphore(%run_scoped3A : memref<!tpu.dma_semaphore, #tpu.memory_space<semaphore_mem>>) {add = true}
          %dma_wait3A_309 = arith.constant 0 : i32
          %dma_wait3A_310 = arith.constant 0 : i32
          %dma_wait3A_311 = tpu.memref_slice %arg8[%dma_wait3A_309, %dma_wait3A_310] : memref<128x208xf32, #tpu.memory_space<vmem>> -> memref<64x208xf32, #tpu.memory_space<vmem>>
          %dma_wait3A_312 = arith.constant 0 : i32
          %dma_wait3A_313 = arith.constant 0 : i32
          %dma_wait3A_314 = tpu.memref_slice %arg10[%dma_wait3A_312, %dma_wait3A_313] : memref<5120x208xf32, #tpu.memory_space<vmem_shared>> -> memref<5120x208xf32, #tpu.memory_space<vmem_shared>>
          tpu.wait_indirect_dma semaphore(%run_scoped3A : memref<!tpu.dma_semaphore, #tpu.memory_space<semaphore_mem>>) src(%dma_wait3A_311 : memref<64x208xf32, #tpu.memory_space<vmem>>) dst(%dma_wait3A_314 : memref<5120x208xf32, #tpu.memory_space<vmem_shared>>)
          tpu.yield
        }) : () -> ()
        %dma_wait3A_183 = tpu.memref_slice %arg5[%add3A_63] : memref<3584xi32, #tpu.memory_space<vmem>> -> memref<128xi32, #tpu.memory_space<vmem>>
        %dma_wait3A_184 = arith.constant 0 : i32
        %dma_wait3A_185 = arith.constant 0 : i32
        %dma_wait3A_186 = tpu.memref_slice %arg2[%dma_wait3A_184, %dma_wait3A_185] : memref<10016x208xf32, #tpu.memory_space<hbm>> -> memref<10016x208xf32, #tpu.memory_space<hbm>>
        tpu.wait_indirect_dma semaphore(%arg12 : memref<!tpu.dma_semaphore, #tpu.memory_space<semaphore_mem>>) src(%dma_wait3A_186 : memref<10016x208xf32, #tpu.memory_space<hbm>>) dst(%arg9 : memref<128x208xf32, #tpu.memory_space<vmem>>)
        %add3A_187 = arith.constant 64 : i32
        %add3A_188 = arith.addi %add3A_63, %add3A_187 : i32
        %add3A_189 = arith.constant 0 : i32
        %add3A_190 = arith.addi %add3A_188, %add3A_189 : i32
        %get3A_191 = arith.index_cast %add3A_190 : i32 to index
        %get3A_192 = tpu.vector_load %arg5[%get3A_191] {strides = array<i32>} : memref<3584xi32, #tpu.memory_space<vmem>>, vector<16xi32>,
        %get3A_193 = vector.shape_cast %get3A_192 : vector<16xi32> to vector<16xi32>
        %sub3A_194 = vector.broadcast %mul3A_20 : i32 to vector<16xi32>
        %sub3A_195 = arith.subi %get3A_193, %sub3A_194 : vector<16xi32>
        %ge3A_196 = arith.constant 0 : i32
        %ge3A_197 = vector.broadcast %ge3A_196 : i32 to vector<16xi32>
        %ge3A_198 = arith.cmpi sge, %sub3A_195, %ge3A_197 : vector<16xi32>
        %lt3A_199 = arith.constant 5008 : i32
        %lt3A_200 = vector.broadcast %lt3A_199 : i32 to vector<16xi32>
        %lt3A_201 = arith.cmpi slt, %sub3A_195, %lt3A_200 : vector<16xi32>
        %and3A_202 = arith.andi %ge3A_198, %lt3A_201 : vector<16xi1>
        %and3A_203 = arith.constant 63 : i32
        %and3A_204 = vector.broadcast %and3A_203 : i32 to vector<16xi32>
        %and3A_205 = arith.andi %get3A_193, %and3A_204 : vector<16xi32>
        %add3A_206 = arith.constant 5008 : i32
        %add3A_207 = vector.broadcast %add3A_206 : i32 to vector<16xi32>
        %add3A_208 = arith.addi %add3A_207, %and3A_205 : vector<16xi32>
        %select_n3A_209 = arith.select %and3A_202, %sub3A_195, %add3A_208 : vector<16xi1>, vector<16xi32>
        %swap3A_210 = arith.constant 0 : index
        %swap3A_211 = tpu.vector_load %arg7[%swap3A_210] {strides = array<i32>} : memref<64xi32, #tpu.memory_space<vmem>>, vector<16xi32>,
        %swap3A_212 = vector.shape_cast %swap3A_211 : vector<16xi32> to vector<16xi32>
        %swap3A_213 = vector.shape_cast %select_n3A_209 : vector<16xi32> to vector<16xi32>
        tpu.vector_store %arg7[%swap3A_210], %swap3A_213 {strides = array<i32>} : memref<64xi32, #tpu.memory_space<vmem>>, vector<16xi32>,
        %add3A_214 = arith.constant 64 : i32
        %add3A_215 = arith.addi %add3A_63, %add3A_214 : i32
        %add3A_216 = arith.constant 16 : i32
        %add3A_217 = arith.addi %add3A_215, %add3A_216 : i32
        %get3A_218 = arith.index_cast %add3A_217 : i32 to index
        %get3A_219 = tpu.vector_load %arg5[%get3A_218] {strides = array<i32>} : memref<3584xi32, #tpu.memory_space<vmem>>, vector<16xi32>,
        %get3A_220 = vector.shape_cast %get3A_219 : vector<16xi32> to vector<16xi32>
        %sub3A_221 = vector.broadcast %mul3A_20 : i32 to vector<16xi32>
        %sub3A_222 = arith.subi %get3A_220, %sub3A_221 : vector<16xi32>
        %ge3A_223 = arith.constant 0 : i32
        %ge3A_224 = vector.broadcast %ge3A_223 : i32 to vector<16xi32>
        %ge3A_225 = arith.cmpi sge, %sub3A_222, %ge3A_224 : vector<16xi32>
        %lt3A_226 = arith.constant 5008 : i32
        %lt3A_227 = vector.broadcast %lt3A_226 : i32 to vector<16xi32>
        %lt3A_228 = arith.cmpi slt, %sub3A_222, %lt3A_227 : vector<16xi32>
        %and3A_229 = arith.andi %ge3A_225, %lt3A_228 : vector<16xi1>
        %and3A_230 = arith.constant 63 : i32
        %and3A_231 = vector.broadcast %and3A_230 : i32 to vector<16xi32>
        %and3A_232 = arith.andi %get3A_220, %and3A_231 : vector<16xi32>
        %add3A_233 = arith.constant 5008 : i32
        %add3A_234 = vector.broadcast %add3A_233 : i32 to vector<16xi32>
        %add3A_235 = arith.addi %add3A_234, %and3A_232 : vector<16xi32>
        %select_n3A_236 = arith.select %and3A_229, %sub3A_222, %add3A_235 : vector<16xi1>, vector<16xi32>
        %swap3A_237 = arith.constant 16 : index
        %swap3A_238 = tpu.vector_load %arg7[%swap3A_237] {strides = array<i32>} : memref<64xi32, #tpu.memory_space<vmem>>, vector<16xi32>,
        %swap3A_239 = vector.shape_cast %swap3A_238 : vector<16xi32> to vector<16xi32>
        %swap3A_240 = vector.shape_cast %select_n3A_236 : vector<16xi32> to vector<16xi32>
        tpu.vector_store %arg7[%swap3A_237], %swap3A_240 {strides = array<i32>} : memref<64xi32, #tpu.memory_space<vmem>>, vector<16xi32>,
        %add3A_241 = arith.constant 64 : i32
        %add3A_242 = arith.addi %add3A_63, %add3A_241 : i32
        %add3A_243 = arith.constant 32 : i32
        %add3A_244 = arith.addi %add3A_242, %add3A_243 : i32
        %get3A_245 = arith.index_cast %add3A_244 : i32 to index
        %get3A_246 = tpu.vector_load %arg5[%get3A_245] {strides = array<i32>} : memref<3584xi32, #tpu.memory_space<vmem>>, vector<16xi32>,
        %get3A_247 = vector.shape_cast %get3A_246 : vector<16xi32> to vector<16xi32>
        %sub3A_248 = vector.broadcast %mul3A_20 : i32 to vector<16xi32>
        %sub3A_249 = arith.subi %get3A_247, %sub3A_248 : vector<16xi32>
        %ge3A_250 = arith.constant 0 : i32
        %ge3A_251 = vector.broadcast %ge3A_250 : i32 to vector<16xi32>
        %ge3A_252 = arith.cmpi sge, %sub3A_249, %ge3A_251 : vector<16xi32>
        %lt3A_253 = arith.constant 5008 : i32
        %lt3A_254 = vector.broadcast %lt3A_253 : i32 to vector<16xi32>
        %lt3A_255 = arith.cmpi slt, %sub3A_249, %lt3A_254 : vector<16xi32>
        %and3A_256 = arith.andi %ge3A_252, %lt3A_255 : vector<16xi1>
        %and3A_257 = arith.constant 63 : i32
        %and3A_258 = vector.broadcast %and3A_257 : i32 to vector<16xi32>
        %and3A_259 = arith.andi %get3A_247, %and3A_258 : vector<16xi32>
        %add3A_260 = arith.constant 5008 : i32
        %add3A_261 = vector.broadcast %add3A_260 : i32 to vector<16xi32>
        %add3A_262 = arith.addi %add3A_261, %and3A_259 : vector<16xi32>
        %select_n3A_263 = arith.select %and3A_256, %sub3A_249, %add3A_262 : vector<16xi1>, vector<16xi32>
        %swap3A_264 = arith.constant 32 : index
        %swap3A_265 = tpu.vector_load %arg7[%swap3A_264] {strides = array<i32>} : memref<64xi32, #tpu.memory_space<vmem>>, vector<16xi32>,
        %swap3A_266 = vector.shape_cast %swap3A_265 : vector<16xi32> to vector<16xi32>
        %swap3A_267 = vector.shape_cast %select_n3A_263 : vector<16xi32> to vector<16xi32>
        tpu.vector_store %arg7[%swap3A_264], %swap3A_267 {strides = array<i32>} : memref<64xi32, #tpu.memory_space<vmem>>, vector<16xi32>,
        %add3A_268 = arith.constant 64 : i32
        %add3A_269 = arith.addi %add3A_63, %add3A_268 : i32
        %add3A_270 = arith.constant 48 : i32
        %add3A_271 = arith.addi %add3A_269, %add3A_270 : i32
        %get3A_272 = arith.index_cast %add3A_271 : i32 to index
        %get3A_273 = tpu.vector_load %arg5[%get3A_272] {strides = array<i32>} : memref<3584xi32, #tpu.memory_space<vmem>>, vector<16xi32>,
        %get3A_274 = vector.shape_cast %get3A_273 : vector<16xi32> to vector<16xi32>
        %sub3A_275 = vector.broadcast %mul3A_20 : i32 to vector<16xi32>
        %sub3A_276 = arith.subi %get3A_274, %sub3A_275 : vector<16xi32>
        %ge3A_277 = arith.constant 0 : i32
        %ge3A_278 = vector.broadcast %ge3A_277 : i32 to vector<16xi32>
        %ge3A_279 = arith.cmpi sge, %sub3A_276, %ge3A_278 : vector<16xi32>
        %lt3A_280 = arith.constant 5008 : i32
        %lt3A_281 = vector.broadcast %lt3A_280 : i32 to vector<16xi32>
        %lt3A_282 = arith.cmpi slt, %sub3A_276, %lt3A_281 : vector<16xi32>
        %and3A_283 = arith.andi %ge3A_279, %lt3A_282 : vector<16xi1>
        %and3A_284 = arith.constant 63 : i32
        %and3A_285 = vector.broadcast %and3A_284 : i32 to vector<16xi32>
        %and3A_286 = arith.andi %get3A_274, %and3A_285 : vector<16xi32>
        %add3A_287 = arith.constant 5008 : i32
        %add3A_288 = vector.broadcast %add3A_287 : i32 to vector<16xi32>
        %add3A_289 = arith.addi %add3A_288, %and3A_286 : vector<16xi32>
        %select_n3A_290 = arith.select %and3A_283, %sub3A_276, %add3A_289 : vector<16xi1>, vector<16xi32>
        %swap3A_291 = arith.constant 48 : index
        %swap3A_292 = tpu.vector_load %arg7[%swap3A_291] {strides = array<i32>} : memref<64xi32, #tpu.memory_space<vmem>>, vector<16xi32>,
        %swap3A_293 = vector.shape_cast %swap3A_292 : vector<16xi32> to vector<16xi32>
        %swap3A_294 = vector.shape_cast %select_n3A_290 : vector<16xi32> to vector<16xi32>
        tpu.vector_store %arg7[%swap3A_291], %swap3A_294 {strides = array<i32>} : memref<64xi32, #tpu.memory_space<vmem>>, vector<16xi32>,
        %scan3A_295 = arith.constant 0 : i32
        %scan3A_296 = arith.constant 0 : i32
        %scan3A_297 = arith.constant 4 : i32
        %scan3A_298 = arith.addi %scan3A_296, %scan3A_297 : i32
        %scan3A_299 = arith.constant 1 : i32
        %scan3A_300 = scf.for %scan3A_303 = %scan3A_296 to %scan3A_298 step %scan3A_299 iter_args(%scan3A_304 = %scan3A_295) -> (i32)  : i32 {
          %broadcast_in_dim3A = arith.constant 0.000000e+00 : f32
          %broadcast_in_dim3A_305 = vector.broadcast %broadcast_in_dim3A : f32 to vector<16xf32>
          %scan3A_306 = arith.constant 0 : i32
          %scan3A_307 = arith.constant 16 : i32
          %scan3A_308 = arith.addi %scan3A_306, %scan3A_307 : i32
          %scan3A_309 = arith.constant 1 : i32
          %scan3A_310 = scf.for %scan3A_320 = %scan3A_306 to %scan3A_308 step %scan3A_309 iter_args(%scan3A_321 = %broadcast_in_dim3A_305) -> (vector<16xf32>)  : i32 {
            %mul3A_322 = arith.constant 16 : i32
            %mul3A_323 = arith.muli %scan3A_303, %mul3A_322 : i32
            %add3A_324 = arith.addi %mul3A_323, %scan3A_320 : i32
            %get3A_325 = arith.index_cast %add3A_324 : i32 to index
            %get3A_326 = arith.constant 192 : index
            %get3A_327 = tpu.vector_load %arg9[%get3A_325, %get3A_326] {strides = array<i32>} : memref<128x208xf32, #tpu.memory_space<vmem>>, vector<1x16xf32>,
            %get3A_328 = vector.shape_cast %get3A_327 : vector<1x16xf32> to vector<16xf32>
            %add3A_329 = arith.constant 64 : i32
            %add3A_330 = arith.addi %add3A_329, %add3A_324 : i32
            %get3A_331 = arith.index_cast %add3A_330 : i32 to index
            %get3A_332 = arith.constant 192 : index
            %get3A_333 = tpu.vector_load %arg9[%get3A_331, %get3A_332] {strides = array<i32>} : memref<128x208xf32, #tpu.memory_space<vmem>>, vector<1x16xf32>,
            %get3A_334 = vector.shape_cast %get3A_333 : vector<1x16xf32> to vector<16xf32>
            %lt3A_335 = arith.constant 8 : i32
            %lt3A_336 = vector.broadcast %lt3A_335 : i32 to vector<16xi32>
            %lt3A_337 = arith.cmpi slt, %iota3A, %lt3A_336 : vector<16xi32>
            %mul3A_338 = arith.mulf %get3A_328, %get3A_334 : vector<16xf32>
            %jit3A = arith.constant 0.000000e+00 : f32
            %broadcast_in_dim3A_339 = vector.broadcast %jit3A : f32 to vector<16xf32>
            %select_n3A_340 = arith.select %lt3A_337, %mul3A_338, %broadcast_in_dim3A_339 : vector<16xi1>, vector<16xf32>
            %get3A_341 = arith.index_cast %add3A_324 : i32 to index
            %get3A_342 = arith.constant 0 : index
            %get3A_343 = tpu.vector_load %arg9[%get3A_341, %get3A_342] {strides = array<i32>} : memref<128x208xf32, #tpu.memory_space<vmem>>, vector<1x16xf32>,
            %get3A_344 = vector.shape_cast %get3A_343 : vector<1x16xf32> to vector<16xf32>
            %add3A_345 = arith.constant 64 : i32
            %add3A_346 = arith.addi %add3A_345, %add3A_324 : i32
            %get3A_347 = arith.index_cast %add3A_346 : i32 to index
            %get3A_348 = arith.constant 0 : index
            %get3A_349 = tpu.vector_load %arg9[%get3A_347, %get3A_348] {strides = array<i32>} : memref<128x208xf32, #tpu.memory_space<vmem>>, vector<1x16xf32>,
            %get3A_350 = vector.shape_cast %get3A_349 : vector<1x16xf32> to vector<16xf32>
            %mul3A_351 = arith.mulf %get3A_344, %get3A_350 : vector<16xf32>
            %add3A_352 = arith.addf %select_n3A_340, %mul3A_351 : vector<16xf32>
            %get3A_353 = arith.index_cast %add3A_324 : i32 to index
            %get3A_354 = arith.constant 16 : index
            %get3A_355 = tpu.vector_load %arg9[%get3A_353, %get3A_354] {strides = array<i32>} : memref<128x208xf32, #tpu.memory_space<vmem>>, vector<1x16xf32>,
            %get3A_356 = vector.shape_cast %get3A_355 : vector<1x16xf32> to vector<16xf32>
            %add3A_357 = arith.constant 64 : i32
            %add3A_358 = arith.addi %add3A_357, %add3A_324 : i32
            %get3A_359 = arith.index_cast %add3A_358 : i32 to index
            %get3A_360 = arith.constant 16 : index
            %get3A_361 = tpu.vector_load %arg9[%get3A_359, %get3A_360] {strides = array<i32>} : memref<128x208xf32, #tpu.memory_space<vmem>>, vector<1x16xf32>,
            %get3A_362 = vector.shape_cast %get3A_361 : vector<1x16xf32> to vector<16xf32>
            %mul3A_363 = arith.mulf %get3A_356, %get3A_362 : vector<16xf32>
            %add3A_364 = arith.addf %add3A_352, %mul3A_363 : vector<16xf32>
            %get3A_365 = arith.index_cast %add3A_324 : i32 to index
            %get3A_366 = arith.constant 32 : index
            %get3A_367 = tpu.vector_load %arg9[%get3A_365, %get3A_366] {strides = array<i32>} : memref<128x208xf32, #tpu.memory_space<vmem>>, vector<1x16xf32>,
            %get3A_368 = vector.shape_cast %get3A_367 : vector<1x16xf32> to vector<16xf32>
            %add3A_369 = arith.constant 64 : i32
            %add3A_370 = arith.addi %add3A_369, %add3A_324 : i32
            %get3A_371 = arith.index_cast %add3A_370 : i32 to index
            %get3A_372 = arith.constant 32 : index
            %get3A_373 = tpu.vector_load %arg9[%get3A_371, %get3A_372] {strides = array<i32>} : memref<128x208xf32, #tpu.memory_space<vmem>>, vector<1x16xf32>,
            %get3A_374 = vector.shape_cast %get3A_373 : vector<1x16xf32> to vector<16xf32>
            %mul3A_375 = arith.mulf %get3A_368, %get3A_374 : vector<16xf32>
            %add3A_376 = arith.addf %add3A_364, %mul3A_375 : vector<16xf32>
            %get3A_377 = arith.index_cast %add3A_324 : i32 to index
            %get3A_378 = arith.constant 48 : index
            %get3A_379 = tpu.vector_load %arg9[%get3A_377, %get3A_378] {strides = array<i32>} : memref<128x208xf32, #tpu.memory_space<vmem>>, vector<1x16xf32>,
            %get3A_380 = vector.shape_cast %get3A_379 : vector<1x16xf32> to vector<16xf32>
            %add3A_381 = arith.constant 64 : i32
            %add3A_382 = arith.addi %add3A_381, %add3A_324 : i32
            %get3A_383 = arith.index_cast %add3A_382 : i32 to index
            %get3A_384 = arith.constant 48 : index
            %get3A_385 = tpu.vector_load %arg9[%get3A_383, %get3A_384] {strides = array<i32>} : memref<128x208xf32, #tpu.memory_space<vmem>>, vector<1x16xf32>,
            %get3A_386 = vector.shape_cast %get3A_385 : vector<1x16xf32> to vector<16xf32>
            %mul3A_387 = arith.mulf %get3A_380, %get3A_386 : vector<16xf32>
            %add3A_388 = arith.addf %add3A_376, %mul3A_387 : vector<16xf32>
            %get3A_389 = arith.index_cast %add3A_324 : i32 to index
            %get3A_390 = arith.constant 64 : index
            %get3A_391 = tpu.vector_load %arg9[%get3A_389, %get3A_390] {strides = array<i32>} : memref<128x208xf32, #tpu.memory_space<vmem>>, vector<1x16xf32>,
            %get3A_392 = vector.shape_cast %get3A_391 : vector<1x16xf32> to vector<16xf32>
            %add3A_393 = arith.constant 64 : i32
            %add3A_394 = arith.addi %add3A_393, %add3A_324 : i32
            %get3A_395 = arith.index_cast %add3A_394 : i32 to index
            %get3A_396 = arith.constant 64 : index
            %get3A_397 = tpu.vector_load %arg9[%get3A_395, %get3A_396] {strides = array<i32>} : memref<128x208xf32, #tpu.memory_space<vmem>>, vector<1x16xf32>,
            %get3A_398 = vector.shape_cast %get3A_397 : vector<1x16xf32> to vector<16xf32>
            %mul3A_399 = arith.mulf %get3A_392, %get3A_398 : vector<16xf32>
            %add3A_400 = arith.addf %add3A_388, %mul3A_399 : vector<16xf32>
            %get3A_401 = arith.index_cast %add3A_324 : i32 to index
            %get3A_402 = arith.constant 80 : index
            %get3A_403 = tpu.vector_load %arg9[%get3A_401, %get3A_402] {strides = array<i32>} : memref<128x208xf32, #tpu.memory_space<vmem>>, vector<1x16xf32>,
            %get3A_404 = vector.shape_cast %get3A_403 : vector<1x16xf32> to vector<16xf32>
            %add3A_405 = arith.constant 64 : i32
            %add3A_406 = arith.addi %add3A_405, %add3A_324 : i32
            %get3A_407 = arith.index_cast %add3A_406 : i32 to index
            %get3A_408 = arith.constant 80 : index
            %get3A_409 = tpu.vector_load %arg9[%get3A_407, %get3A_408] {strides = array<i32>} : memref<128x208xf32, #tpu.memory_space<vmem>>, vector<1x16xf32>,
            %get3A_410 = vector.shape_cast %get3A_409 : vector<1x16xf32> to vector<16xf32>
            %mul3A_411 = arith.mulf %get3A_404, %get3A_410 : vector<16xf32>
            %add3A_412 = arith.addf %add3A_400, %mul3A_411 : vector<16xf32>
            %get3A_413 = arith.index_cast %add3A_324 : i32 to index
            %get3A_414 = arith.constant 96 : index
            %get3A_415 = tpu.vector_load %arg9[%get3A_413, %get3A_414] {strides = array<i32>} : memref<128x208xf32, #tpu.memory_space<vmem>>, vector<1x16xf32>,
            %get3A_416 = vector.shape_cast %get3A_415 : vector<1x16xf32> to vector<16xf32>
            %add3A_417 = arith.constant 64 : i32
            %add3A_418 = arith.addi %add3A_417, %add3A_324 : i32
            %get3A_419 = arith.index_cast %add3A_418 : i32 to index
            %get3A_420 = arith.constant 96 : index
            %get3A_421 = tpu.vector_load %arg9[%get3A_419, %get3A_420] {strides = array<i32>} : memref<128x208xf32, #tpu.memory_space<vmem>>, vector<1x16xf32>,
            %get3A_422 = vector.shape_cast %get3A_421 : vector<1x16xf32> to vector<16xf32>
            %mul3A_423 = arith.mulf %get3A_416, %get3A_422 : vector<16xf32>
            %add3A_424 = arith.addf %add3A_412, %mul3A_423 : vector<16xf32>
            %get3A_425 = arith.index_cast %add3A_324 : i32 to index
            %get3A_426 = arith.constant 112 : index
            %get3A_427 = tpu.vector_load %arg9[%get3A_425, %get3A_426] {strides = array<i32>} : memref<128x208xf32, #tpu.memory_space<vmem>>, vector<1x16xf32>,
            %get3A_428 = vector.shape_cast %get3A_427 : vector<1x16xf32> to vector<16xf32>
            %add3A_429 = arith.constant 64 : i32
            %add3A_430 = arith.addi %add3A_429, %add3A_324 : i32
            %get3A_431 = arith.index_cast %add3A_430 : i32 to index
            %get3A_432 = arith.constant 112 : index
            %get3A_433 = tpu.vector_load %arg9[%get3A_431, %get3A_432] {strides = array<i32>} : memref<128x208xf32, #tpu.memory_space<vmem>>, vector<1x16xf32>,
            %get3A_434 = vector.shape_cast %get3A_433 : vector<1x16xf32> to vector<16xf32>
            %mul3A_435 = arith.mulf %get3A_428, %get3A_434 : vector<16xf32>
            %add3A_436 = arith.addf %add3A_424, %mul3A_435 : vector<16xf32>
            %get3A_437 = arith.index_cast %add3A_324 : i32 to index
            %get3A_438 = arith.constant 128 : index
            %get3A_439 = tpu.vector_load %arg9[%get3A_437, %get3A_438] {strides = array<i32>} : memref<128x208xf32, #tpu.memory_space<vmem>>, vector<1x16xf32>,
            %get3A_440 = vector.shape_cast %get3A_439 : vector<1x16xf32> to vector<16xf32>
            %add3A_441 = arith.constant 64 : i32
            %add3A_442 = arith.addi %add3A_441, %add3A_324 : i32
            %get3A_443 = arith.index_cast %add3A_442 : i32 to index
            %get3A_444 = arith.constant 128 : index
            %get3A_445 = tpu.vector_load %arg9[%get3A_443, %get3A_444] {strides = array<i32>} : memref<128x208xf32, #tpu.memory_space<vmem>>, vector<1x16xf32>,
            %get3A_446 = vector.shape_cast %get3A_445 : vector<1x16xf32> to vector<16xf32>
            %mul3A_447 = arith.mulf %get3A_440, %get3A_446 : vector<16xf32>
            %add3A_448 = arith.addf %add3A_436, %mul3A_447 : vector<16xf32>
            %get3A_449 = arith.index_cast %add3A_324 : i32 to index
            %get3A_450 = arith.constant 144 : index
            %get3A_451 = tpu.vector_load %arg9[%get3A_449, %get3A_450] {strides = array<i32>} : memref<128x208xf32, #tpu.memory_space<vmem>>, vector<1x16xf32>,
            %get3A_452 = vector.shape_cast %get3A_451 : vector<1x16xf32> to vector<16xf32>
            %add3A_453 = arith.constant 64 : i32
            %add3A_454 = arith.addi %add3A_453, %add3A_324 : i32
            %get3A_455 = arith.index_cast %add3A_454 : i32 to index
            %get3A_456 = arith.constant 144 : index
            %get3A_457 = tpu.vector_load %arg9[%get3A_455, %get3A_456] {strides = array<i32>} : memref<128x208xf32, #tpu.memory_space<vmem>>, vector<1x16xf32>,
            %get3A_458 = vector.shape_cast %get3A_457 : vector<1x16xf32> to vector<16xf32>
            %mul3A_459 = arith.mulf %get3A_452, %get3A_458 : vector<16xf32>
            %add3A_460 = arith.addf %add3A_448, %mul3A_459 : vector<16xf32>
            %get3A_461 = arith.index_cast %add3A_324 : i32 to index
            %get3A_462 = arith.constant 160 : index
            %get3A_463 = tpu.vector_load %arg9[%get3A_461, %get3A_462] {strides = array<i32>} : memref<128x208xf32, #tpu.memory_space<vmem>>, vector<1x16xf32>,
            %get3A_464 = vector.shape_cast %get3A_463 : vector<1x16xf32> to vector<16xf32>
            %add3A_465 = arith.constant 64 : i32
            %add3A_466 = arith.addi %add3A_465, %add3A_324 : i32
            %get3A_467 = arith.index_cast %add3A_466 : i32 to index
            %get3A_468 = arith.constant 160 : index
            %get3A_469 = tpu.vector_load %arg9[%get3A_467, %get3A_468] {strides = array<i32>} : memref<128x208xf32, #tpu.memory_space<vmem>>, vector<1x16xf32>,
            %get3A_470 = vector.shape_cast %get3A_469 : vector<1x16xf32> to vector<16xf32>
            %mul3A_471 = arith.mulf %get3A_464, %get3A_470 : vector<16xf32>
            %add3A_472 = arith.addf %add3A_460, %mul3A_471 : vector<16xf32>
            %get3A_473 = arith.index_cast %add3A_324 : i32 to index
            %get3A_474 = arith.constant 176 : index
            %get3A_475 = tpu.vector_load %arg9[%get3A_473, %get3A_474] {strides = array<i32>} : memref<128x208xf32, #tpu.memory_space<vmem>>, vector<1x16xf32>,
            %get3A_476 = vector.shape_cast %get3A_475 : vector<1x16xf32> to vector<16xf32>
            %add3A_477 = arith.constant 64 : i32
            %add3A_478 = arith.addi %add3A_477, %add3A_324 : i32
            %get3A_479 = arith.index_cast %add3A_478 : i32 to index
            %get3A_480 = arith.constant 176 : index
            %get3A_481 = tpu.vector_load %arg9[%get3A_479, %get3A_480] {strides = array<i32>} : memref<128x208xf32, #tpu.memory_space<vmem>>, vector<1x16xf32>,
            %get3A_482 = vector.shape_cast %get3A_481 : vector<1x16xf32> to vector<16xf32>
            %mul3A_483 = arith.mulf %get3A_476, %get3A_482 : vector<16xf32>
            %add3A_484 = arith.addf %add3A_472, %mul3A_483 : vector<16xf32>
            %xor3A = arith.constant 8 : i32
            %xor3A_485 = vector.broadcast %xor3A : i32 to vector<16xi32>
            %xor3A_486 = arith.xori %iota3A, %xor3A_485 : vector<16xi32>
            %lt3A_487 = arith.constant 0 : i32
            %lt3A_488 = vector.broadcast %lt3A_487 : i32 to vector<16xi32>
            %lt3A_489 = arith.cmpi slt, %xor3A_486, %lt3A_488 : vector<16xi32>
            %add3A_490 = arith.constant 16 : i32
            %add3A_491 = vector.broadcast %add3A_490 : i32 to vector<16xi32>
            %add3A_492 = arith.addi %xor3A_486, %add3A_491 : vector<16xi32>
            %select_n3A_493 = arith.select %lt3A_489, %add3A_492, %xor3A_486 : vector<16xi1>, vector<16xi32>
            %broadcast_in_dim3A_494 = vector.shape_cast %select_n3A_493 : vector<16xi32> to vector<16x1xi32>
            %gather3A = vector.shape_cast %broadcast_in_dim3A_494 : vector<16x1xi32> to vector<16xi32>
            %gather3A_495 = tpu.dynamic_gather %add3A_484[%gather3A] in [0] : vector<16xf32>, vector<16xi32> -> vector<16xf32>
            %add3A_496 = arith.addf %add3A_484, %gather3A_495 : vector<16xf32>
            %xor3A_497 = arith.constant 4 : i32
            %xor3A_498 = vector.broadcast %xor3A_497 : i32 to vector<16xi32>
            %xor3A_499 = arith.xori %iota3A, %xor3A_498 : vector<16xi32>
            %lt3A_500 = arith.constant 0 : i32
            %lt3A_501 = vector.broadcast %lt3A_500 : i32 to vector<16xi32>
            %lt3A_502 = arith.cmpi slt, %xor3A_499, %lt3A_501 : vector<16xi32>
            %add3A_503 = arith.constant 16 : i32
            %add3A_504 = vector.broadcast %add3A_503 : i32 to vector<16xi32>
            %add3A_505 = arith.addi %xor3A_499, %add3A_504 : vector<16xi32>
            %select_n3A_506 = arith.select %lt3A_502, %add3A_505, %xor3A_499 : vector<16xi1>, vector<16xi32>
            %broadcast_in_dim3A_507 = vector.shape_cast %select_n3A_506 : vector<16xi32> to vector<16x1xi32>
            %gather3A_508 = vector.shape_cast %broadcast_in_dim3A_507 : vector<16x1xi32> to vector<16xi32>
            %gather3A_509 = tpu.dynamic_gather %add3A_496[%gather3A_508] in [0] : vector<16xf32>, vector<16xi32> -> vector<16xf32>
            %add3A_510 = arith.addf %add3A_496, %gather3A_509 : vector<16xf32>
            %xor3A_511 = arith.constant 2 : i32
            %xor3A_512 = vector.broadcast %xor3A_511 : i32 to vector<16xi32>
            %xor3A_513 = arith.xori %iota3A, %xor3A_512 : vector<16xi32>
            %lt3A_514 = arith.constant 0 : i32
            %lt3A_515 = vector.broadcast %lt3A_514 : i32 to vector<16xi32>
            %lt3A_516 = arith.cmpi slt, %xor3A_513, %lt3A_515 : vector<16xi32>
            %add3A_517 = arith.constant 16 : i32
            %add3A_518 = vector.broadcast %add3A_517 : i32 to vector<16xi32>
            %add3A_519 = arith.addi %xor3A_513, %add3A_518 : vector<16xi32>
            %select_n3A_520 = arith.select %lt3A_516, %add3A_519, %xor3A_513 : vector<16xi1>, vector<16xi32>
            %broadcast_in_dim3A_521 = vector.shape_cast %select_n3A_520 : vector<16xi32> to vector<16x1xi32>
            %gather3A_522 = vector.shape_cast %broadcast_in_dim3A_521 : vector<16x1xi32> to vector<16xi32>
            %gather3A_523 = tpu.dynamic_gather %add3A_510[%gather3A_522] in [0] : vector<16xf32>, vector<16xi32> -> vector<16xf32>
            %add3A_524 = arith.addf %add3A_510, %gather3A_523 : vector<16xf32>
            %xor3A_525 = arith.constant 1 : i32
            %xor3A_526 = vector.broadcast %xor3A_525 : i32 to vector<16xi32>
            %xor3A_527 = arith.xori %iota3A, %xor3A_526 : vector<16xi32>
            %lt3A_528 = arith.constant 0 : i32
            %lt3A_529 = vector.broadcast %lt3A_528 : i32 to vector<16xi32>
            %lt3A_530 = arith.cmpi slt, %xor3A_527, %lt3A_529 : vector<16xi32>
            %add3A_531 = arith.constant 16 : i32
            %add3A_532 = vector.broadcast %add3A_531 : i32 to vector<16xi32>
            %add3A_533 = arith.addi %xor3A_527, %add3A_532 : vector<16xi32>
            %select_n3A_534 = arith.select %lt3A_530, %add3A_533, %xor3A_527 : vector<16xi1>, vector<16xi32>
            %broadcast_in_dim3A_535 = vector.shape_cast %select_n3A_534 : vector<16xi32> to vector<16x1xi32>
            %gather3A_536 = vector.shape_cast %broadcast_in_dim3A_535 : vector<16x1xi32> to vector<16xi32>
            %gather3A_537 = tpu.dynamic_gather %add3A_524[%gather3A_536] in [0] : vector<16xf32>, vector<16xi32> -> vector<16xf32>
            %add3A_538 = arith.addf %add3A_524, %gather3A_537 : vector<16xf32>
            %slice3A = vector.extract_strided_slice %get3A_328 {offsets = [14], sizes = [1], strides = [1]} : vector<16xf32> to vector<1xf32>
            %squeeze3A = vector.extract %slice3A[0] : f32 from vector<1xf32>
            %slice3A_539 = vector.extract_strided_slice %get3A_334 {offsets = [13], sizes = [1], strides = [1]} : vector<16xf32> to vector<1xf32>
            %squeeze3A_540 = vector.extract %slice3A_539[0] : f32 from vector<1xf32>
            %mul3A_541 = arith.mulf %squeeze3A, %squeeze3A_540 : f32
            %mul3A_542 = vector.broadcast %mul3A_541 : f32 to vector<16xf32>
            %mul3A_543 = arith.mulf %mul3A_542, %add3A_538 : vector<16xf32>
            %eq3A = vector.broadcast %scan3A_320 : i32 to vector<16xi32>
            %eq3A_544 = arith.cmpi eq, %iota3A, %eq3A : vector<16xi32>
            %select_n3A_545 = arith.select %eq3A_544, %mul3A_543, %scan3A_321 : vector<16xi1>, vector<16xf32>
            scf.yield %select_n3A_545 : vector<16xf32>
          }
          %scan3A_311 = arith.constant 16 : i32
          %exp3A = math.exp %scan3A_310 : vector<16xf32>
          %scan3A_312 = arith.constant 0 : i32
          %scan3A_313 = arith.constant 0 : i32
          %scan3A_314 = arith.constant 16 : i32
          %scan3A_315 = arith.addi %scan3A_313, %scan3A_314 : i32
          %scan3A_316 = arith.constant 1 : i32
          %scan3A_317 = scf.for %scan3A_320 = %scan3A_313 to %scan3A_315 step %scan3A_316 iter_args(%scan3A_321 = %scan3A_312) -> (i32)  : i32 {
            %mul3A_322 = arith.constant 16 : i32
            %mul3A_323 = arith.muli %scan3A_303, %mul3A_322 : i32
            %add3A_324 = arith.addi %mul3A_323, %scan3A_320 : i32
            %broadcast_in_dim3A_325 = vector.broadcast %scan3A_320 : i32 to vector<16xi32>
            %lt3A_326 = arith.constant 0 : i32
            %lt3A_327 = vector.broadcast %lt3A_326 : i32 to vector<16xi32>
            %lt3A_328 = arith.cmpi slt, %broadcast_in_dim3A_325, %lt3A_327 : vector<16xi32>
            %add3A_329 = arith.constant 16 : i32
            %add3A_330 = vector.broadcast %add3A_329 : i32 to vector<16xi32>
            %add3A_331 = arith.addi %broadcast_in_dim3A_325, %add3A_330 : vector<16xi32>
            %select_n3A_332 = arith.select %lt3A_328, %add3A_331, %broadcast_in_dim3A_325 : vector<16xi1>, vector<16xi32>
            %broadcast_in_dim3A_333 = vector.shape_cast %select_n3A_332 : vector<16xi32> to vector<16x1xi32>
            %gather3A = vector.shape_cast %broadcast_in_dim3A_333 : vector<16x1xi32> to vector<16xi32>
            %gather3A_334 = tpu.dynamic_gather %exp3A[%gather3A] in [0] : vector<16xf32>, vector<16xi32> -> vector<16xf32>
            %get3A_335 = arith.index_cast %add3A_324 : i32 to index
            %get3A_336 = arith.constant 0 : index
            %get3A_337 = tpu.vector_load %arg9[%get3A_335, %get3A_336] {strides = array<i32>} : memref<128x208xf32, #tpu.memory_space<vmem>>, vector<1x16xf32>,
            %get3A_338 = vector.shape_cast %get3A_337 : vector<1x16xf32> to vector<16xf32>
            %mul3A_339 = arith.mulf %get3A_338, %gather3A_334 : vector<16xf32>
            %swap3A_340 = arith.index_cast %add3A_324 : i32 to index
            %swap3A_341 = arith.constant 0 : index
            %swap3A_342 = tpu.vector_load %arg9[%swap3A_340, %swap3A_341] {strides = array<i32>} : memref<128x208xf32, #tpu.memory_space<vmem>>, vector<1x16xf32>,
            %swap3A_343 = vector.shape_cast %swap3A_342 : vector<1x16xf32> to vector<16xf32>
            %swap3A_344 = vector.shape_cast %mul3A_339 : vector<16xf32> to vector<1x16xf32>
            tpu.vector_store %arg9[%swap3A_340, %swap3A_341], %swap3A_344 {strides = array<i32>} : memref<128x208xf32, #tpu.memory_space<vmem>>, vector<1x16xf32>,
            %get3A_345 = arith.index_cast %add3A_324 : i32 to index
            %get3A_346 = arith.constant 16 : index
            %get3A_347 = tpu.vector_load %arg9[%get3A_345, %get3A_346] {strides = array<i32>} : memref<128x208xf32, #tpu.memory_space<vmem>>, vector<1x16xf32>,
            %get3A_348 = vector.shape_cast %get3A_347 : vector<1x16xf32> to vector<16xf32>
            %mul3A_349 = arith.mulf %get3A_348, %gather3A_334 : vector<16xf32>
            %swap3A_350 = arith.index_cast %add3A_324 : i32 to index
            %swap3A_351 = arith.constant 16 : index
            %swap3A_352 = tpu.vector_load %arg9[%swap3A_350, %swap3A_351] {strides = array<i32>} : memref<128x208xf32, #tpu.memory_space<vmem>>, vector<1x16xf32>,
            %swap3A_353 = vector.shape_cast %swap3A_352 : vector<1x16xf32> to vector<16xf32>
            %swap3A_354 = vector.shape_cast %mul3A_349 : vector<16xf32> to vector<1x16xf32>
            tpu.vector_store %arg9[%swap3A_350, %swap3A_351], %swap3A_354 {strides = array<i32>} : memref<128x208xf32, #tpu.memory_space<vmem>>, vector<1x16xf32>,
            %get3A_355 = arith.index_cast %add3A_324 : i32 to index
            %get3A_356 = arith.constant 32 : index
            %get3A_357 = tpu.vector_load %arg9[%get3A_355, %get3A_356] {strides = array<i32>} : memref<128x208xf32, #tpu.memory_space<vmem>>, vector<1x16xf32>,
            %get3A_358 = vector.shape_cast %get3A_357 : vector<1x16xf32> to vector<16xf32>
            %mul3A_359 = arith.mulf %get3A_358, %gather3A_334 : vector<16xf32>
            %swap3A_360 = arith.index_cast %add3A_324 : i32 to index
            %swap3A_361 = arith.constant 32 : index
            %swap3A_362 = tpu.vector_load %arg9[%swap3A_360, %swap3A_361] {strides = array<i32>} : memref<128x208xf32, #tpu.memory_space<vmem>>, vector<1x16xf32>,
            %swap3A_363 = vector.shape_cast %swap3A_362 : vector<1x16xf32> to vector<16xf32>
            %swap3A_364 = vector.shape_cast %mul3A_359 : vector<16xf32> to vector<1x16xf32>
            tpu.vector_store %arg9[%swap3A_360, %swap3A_361], %swap3A_364 {strides = array<i32>} : memref<128x208xf32, #tpu.memory_space<vmem>>, vector<1x16xf32>,
            %get3A_365 = arith.index_cast %add3A_324 : i32 to index
            %get3A_366 = arith.constant 48 : index
            %get3A_367 = tpu.vector_load %arg9[%get3A_365, %get3A_366] {strides = array<i32>} : memref<128x208xf32, #tpu.memory_space<vmem>>, vector<1x16xf32>,
            %get3A_368 = vector.shape_cast %get3A_367 : vector<1x16xf32> to vector<16xf32>
            %mul3A_369 = arith.mulf %get3A_368, %gather3A_334 : vector<16xf32>
            %swap3A_370 = arith.index_cast %add3A_324 : i32 to index
            %swap3A_371 = arith.constant 48 : index
            %swap3A_372 = tpu.vector_load %arg9[%swap3A_370, %swap3A_371] {strides = array<i32>} : memref<128x208xf32, #tpu.memory_space<vmem>>, vector<1x16xf32>,
            %swap3A_373 = vector.shape_cast %swap3A_372 : vector<1x16xf32> to vector<16xf32>
            %swap3A_374 = vector.shape_cast %mul3A_369 : vector<16xf32> to vector<1x16xf32>
            tpu.vector_store %arg9[%swap3A_370, %swap3A_371], %swap3A_374 {strides = array<i32>} : memref<128x208xf32, #tpu.memory_space<vmem>>, vector<1x16xf32>,
            %get3A_375 = arith.index_cast %add3A_324 : i32 to index
            %get3A_376 = arith.constant 64 : index
            %get3A_377 = tpu.vector_load %arg9[%get3A_375, %get3A_376] {strides = array<i32>} : memref<128x208xf32, #tpu.memory_space<vmem>>, vector<1x16xf32>,
            %get3A_378 = vector.shape_cast %get3A_377 : vector<1x16xf32> to vector<16xf32>
            %mul3A_379 = arith.mulf %get3A_378, %gather3A_334 : vector<16xf32>
            %swap3A_380 = arith.index_cast %add3A_324 : i32 to index
            %swap3A_381 = arith.constant 64 : index
            %swap3A_382 = tpu.vector_load %arg9[%swap3A_380, %swap3A_381] {strides = array<i32>} : memref<128x208xf32, #tpu.memory_space<vmem>>, vector<1x16xf32>,
            %swap3A_383 = vector.shape_cast %swap3A_382 : vector<1x16xf32> to vector<16xf32>
            %swap3A_384 = vector.shape_cast %mul3A_379 : vector<16xf32> to vector<1x16xf32>
            tpu.vector_store %arg9[%swap3A_380, %swap3A_381], %swap3A_384 {strides = array<i32>} : memref<128x208xf32, #tpu.memory_space<vmem>>, vector<1x16xf32>,
            %get3A_385 = arith.index_cast %add3A_324 : i32 to index
            %get3A_386 = arith.constant 80 : index
            %get3A_387 = tpu.vector_load %arg9[%get3A_385, %get3A_386] {strides = array<i32>} : memref<128x208xf32, #tpu.memory_space<vmem>>, vector<1x16xf32>,
            %get3A_388 = vector.shape_cast %get3A_387 : vector<1x16xf32> to vector<16xf32>
            %mul3A_389 = arith.mulf %get3A_388, %gather3A_334 : vector<16xf32>
            %swap3A_390 = arith.index_cast %add3A_324 : i32 to index
            %swap3A_391 = arith.constant 80 : index
            %swap3A_392 = tpu.vector_load %arg9[%swap3A_390, %swap3A_391] {strides = array<i32>} : memref<128x208xf32, #tpu.memory_space<vmem>>, vector<1x16xf32>,
            %swap3A_393 = vector.shape_cast %swap3A_392 : vector<1x16xf32> to vector<16xf32>
            %swap3A_394 = vector.shape_cast %mul3A_389 : vector<16xf32> to vector<1x16xf32>
            tpu.vector_store %arg9[%swap3A_390, %swap3A_391], %swap3A_394 {strides = array<i32>} : memref<128x208xf32, #tpu.memory_space<vmem>>, vector<1x16xf32>,
            %get3A_395 = arith.index_cast %add3A_324 : i32 to index
            %get3A_396 = arith.constant 96 : index
            %get3A_397 = tpu.vector_load %arg9[%get3A_395, %get3A_396] {strides = array<i32>} : memref<128x208xf32, #tpu.memory_space<vmem>>, vector<1x16xf32>,
            %get3A_398 = vector.shape_cast %get3A_397 : vector<1x16xf32> to vector<16xf32>
            %mul3A_399 = arith.mulf %get3A_398, %gather3A_334 : vector<16xf32>
            %swap3A_400 = arith.index_cast %add3A_324 : i32 to index
            %swap3A_401 = arith.constant 96 : index
            %swap3A_402 = tpu.vector_load %arg9[%swap3A_400, %swap3A_401] {strides = array<i32>} : memref<128x208xf32, #tpu.memory_space<vmem>>, vector<1x16xf32>,
            %swap3A_403 = vector.shape_cast %swap3A_402 : vector<1x16xf32> to vector<16xf32>
            %swap3A_404 = vector.shape_cast %mul3A_399 : vector<16xf32> to vector<1x16xf32>
            tpu.vector_store %arg9[%swap3A_400, %swap3A_401], %swap3A_404 {strides = array<i32>} : memref<128x208xf32, #tpu.memory_space<vmem>>, vector<1x16xf32>,
            %get3A_405 = arith.index_cast %add3A_324 : i32 to index
            %get3A_406 = arith.constant 112 : index
            %get3A_407 = tpu.vector_load %arg9[%get3A_405, %get3A_406] {strides = array<i32>} : memref<128x208xf32, #tpu.memory_space<vmem>>, vector<1x16xf32>,
            %get3A_408 = vector.shape_cast %get3A_407 : vector<1x16xf32> to vector<16xf32>
            %mul3A_409 = arith.mulf %get3A_408, %gather3A_334 : vector<16xf32>
            %swap3A_410 = arith.index_cast %add3A_324 : i32 to index
            %swap3A_411 = arith.constant 112 : index
            %swap3A_412 = tpu.vector_load %arg9[%swap3A_410, %swap3A_411] {strides = array<i32>} : memref<128x208xf32, #tpu.memory_space<vmem>>, vector<1x16xf32>,
            %swap3A_413 = vector.shape_cast %swap3A_412 : vector<1x16xf32> to vector<16xf32>
            %swap3A_414 = vector.shape_cast %mul3A_409 : vector<16xf32> to vector<1x16xf32>
            tpu.vector_store %arg9[%swap3A_410, %swap3A_411], %swap3A_414 {strides = array<i32>} : memref<128x208xf32, #tpu.memory_space<vmem>>, vector<1x16xf32>,
            %get3A_415 = arith.index_cast %add3A_324 : i32 to index
            %get3A_416 = arith.constant 128 : index
            %get3A_417 = tpu.vector_load %arg9[%get3A_415, %get3A_416] {strides = array<i32>} : memref<128x208xf32, #tpu.memory_space<vmem>>, vector<1x16xf32>,
            %get3A_418 = vector.shape_cast %get3A_417 : vector<1x16xf32> to vector<16xf32>
            %mul3A_419 = arith.mulf %get3A_418, %gather3A_334 : vector<16xf32>
            %swap3A_420 = arith.index_cast %add3A_324 : i32 to index
            %swap3A_421 = arith.constant 128 : index
            %swap3A_422 = tpu.vector_load %arg9[%swap3A_420, %swap3A_421] {strides = array<i32>} : memref<128x208xf32, #tpu.memory_space<vmem>>, vector<1x16xf32>,
            %swap3A_423 = vector.shape_cast %swap3A_422 : vector<1x16xf32> to vector<16xf32>
            %swap3A_424 = vector.shape_cast %mul3A_419 : vector<16xf32> to vector<1x16xf32>
            tpu.vector_store %arg9[%swap3A_420, %swap3A_421], %swap3A_424 {strides = array<i32>} : memref<128x208xf32, #tpu.memory_space<vmem>>, vector<1x16xf32>,
            %get3A_425 = arith.index_cast %add3A_324 : i32 to index
            %get3A_426 = arith.constant 144 : index
            %get3A_427 = tpu.vector_load %arg9[%get3A_425, %get3A_426] {strides = array<i32>} : memref<128x208xf32, #tpu.memory_space<vmem>>, vector<1x16xf32>,
            %get3A_428 = vector.shape_cast %get3A_427 : vector<1x16xf32> to vector<16xf32>
            %mul3A_429 = arith.mulf %get3A_428, %gather3A_334 : vector<16xf32>
            %swap3A_430 = arith.index_cast %add3A_324 : i32 to index
            %swap3A_431 = arith.constant 144 : index
            %swap3A_432 = tpu.vector_load %arg9[%swap3A_430, %swap3A_431] {strides = array<i32>} : memref<128x208xf32, #tpu.memory_space<vmem>>, vector<1x16xf32>,
            %swap3A_433 = vector.shape_cast %swap3A_432 : vector<1x16xf32> to vector<16xf32>
            %swap3A_434 = vector.shape_cast %mul3A_429 : vector<16xf32> to vector<1x16xf32>
            tpu.vector_store %arg9[%swap3A_430, %swap3A_431], %swap3A_434 {strides = array<i32>} : memref<128x208xf32, #tpu.memory_space<vmem>>, vector<1x16xf32>,
            %get3A_435 = arith.index_cast %add3A_324 : i32 to index
            %get3A_436 = arith.constant 160 : index
            %get3A_437 = tpu.vector_load %arg9[%get3A_435, %get3A_436] {strides = array<i32>} : memref<128x208xf32, #tpu.memory_space<vmem>>, vector<1x16xf32>,
            %get3A_438 = vector.shape_cast %get3A_437 : vector<1x16xf32> to vector<16xf32>
            %mul3A_439 = arith.mulf %get3A_438, %gather3A_334 : vector<16xf32>
            %swap3A_440 = arith.index_cast %add3A_324 : i32 to index
            %swap3A_441 = arith.constant 160 : index
            %swap3A_442 = tpu.vector_load %arg9[%swap3A_440, %swap3A_441] {strides = array<i32>} : memref<128x208xf32, #tpu.memory_space<vmem>>, vector<1x16xf32>,
            %swap3A_443 = vector.shape_cast %swap3A_442 : vector<1x16xf32> to vector<16xf32>
            %swap3A_444 = vector.shape_cast %mul3A_439 : vector<16xf32> to vector<1x16xf32>
            tpu.vector_store %arg9[%swap3A_440, %swap3A_441], %swap3A_444 {strides = array<i32>} : memref<128x208xf32, #tpu.memory_space<vmem>>, vector<1x16xf32>,
            %get3A_445 = arith.index_cast %add3A_324 : i32 to index
            %get3A_446 = arith.constant 176 : index
            %get3A_447 = tpu.vector_load %arg9[%get3A_445, %get3A_446] {strides = array<i32>} : memref<128x208xf32, #tpu.memory_space<vmem>>, vector<1x16xf32>,
            %get3A_448 = vector.shape_cast %get3A_447 : vector<1x16xf32> to vector<16xf32>
            %mul3A_449 = arith.mulf %get3A_448, %gather3A_334 : vector<16xf32>
            %swap3A_450 = arith.index_cast %add3A_324 : i32 to index
            %swap3A_451 = arith.constant 176 : index
            %swap3A_452 = tpu.vector_load %arg9[%swap3A_450, %swap3A_451] {strides = array<i32>} : memref<128x208xf32, #tpu.memory_space<vmem>>, vector<1x16xf32>,
            %swap3A_453 = vector.shape_cast %swap3A_452 : vector<1x16xf32> to vector<16xf32>
            %swap3A_454 = vector.shape_cast %mul3A_449 : vector<16xf32> to vector<1x16xf32>
            tpu.vector_store %arg9[%swap3A_450, %swap3A_451], %swap3A_454 {strides = array<i32>} : memref<128x208xf32, #tpu.memory_space<vmem>>, vector<1x16xf32>,
            %get3A_455 = arith.index_cast %add3A_324 : i32 to index
            %get3A_456 = arith.constant 192 : index
            %get3A_457 = tpu.vector_load %arg9[%get3A_455, %get3A_456] {strides = array<i32>} : memref<128x208xf32, #tpu.memory_space<vmem>>, vector<1x16xf32>,
            %get3A_458 = vector.shape_cast %get3A_457 : vector<1x16xf32> to vector<16xf32>
            %mul3A_459 = arith.mulf %get3A_458, %gather3A_334 : vector<16xf32>
            %swap3A_460 = arith.index_cast %add3A_324 : i32 to index
            %swap3A_461 = arith.constant 192 : index
            %swap3A_462 = tpu.vector_load %arg9[%swap3A_460, %swap3A_461] {strides = array<i32>} : memref<128x208xf32, #tpu.memory_space<vmem>>, vector<1x16xf32>,
            %swap3A_463 = vector.shape_cast %swap3A_462 : vector<1x16xf32> to vector<16xf32>
            %swap3A_464 = vector.shape_cast %mul3A_459 : vector<16xf32> to vector<1x16xf32>
            tpu.vector_store %arg9[%swap3A_460, %swap3A_461], %swap3A_464 {strides = array<i32>} : memref<128x208xf32, #tpu.memory_space<vmem>>, vector<1x16xf32>,
            %scan3A_465 = arith.constant 0 : i32
            scf.yield %scan3A_465 : i32
          }
          %scan3A_318 = arith.constant 16 : i32
          %scan3A_319 = arith.constant 0 : i32
          scf.yield %scan3A_319 : i32
        }
        %scan3A_301 = arith.constant 4 : i32
        "tpu.region"() ({
          %run_scoped3A = tpu.sem_alloc : memref<!tpu.dma_semaphore, #tpu.memory_space<semaphore_mem>>
          %dma_start3A_303 = arith.constant 0 : i32
          %dma_start3A_304 = arith.constant 0 : i32
          %dma_start3A_305 = tpu.memref_slice %arg9[%dma_start3A_303, %dma_start3A_304] : memref<128x208xf32, #tpu.memory_space<vmem>> -> memref<64x208xf32, #tpu.memory_space<vmem>>
          %dma_start3A_306 = arith.constant 0 : i32
          %dma_start3A_307 = arith.constant 0 : i32
          %dma_start3A_308 = tpu.memref_slice %arg10[%dma_start3A_306, %dma_start3A_307] : memref<5120x208xf32, #tpu.memory_space<vmem_shared>> -> memref<5120x208xf32, #tpu.memory_space<vmem_shared>>
          tpu.enqueue_indirect_dma source(%dma_start3A_305 : memref<64x208xf32, #tpu.memory_space<vmem>>) target(%dma_start3A_308 : memref<5120x208xf32, #tpu.memory_space<vmem_shared>>) offsets(%arg7 : memref<64xi32, #tpu.memory_space<vmem>>) semaphore(%run_scoped3A : memref<!tpu.dma_semaphore, #tpu.memory_space<semaphore_mem>>) {add = true}
          %dma_wait3A_309 = arith.constant 0 : i32
          %dma_wait3A_310 = arith.constant 0 : i32
          %dma_wait3A_311 = tpu.memref_slice %arg9[%dma_wait3A_309, %dma_wait3A_310] : memref<128x208xf32, #tpu.memory_space<vmem>> -> memref<64x208xf32, #tpu.memory_space<vmem>>
          %dma_wait3A_312 = arith.constant 0 : i32
          %dma_wait3A_313 = arith.constant 0 : i32
          %dma_wait3A_314 = tpu.memref_slice %arg10[%dma_wait3A_312, %dma_wait3A_313] : memref<5120x208xf32, #tpu.memory_space<vmem_shared>> -> memref<5120x208xf32, #tpu.memory_space<vmem_shared>>
          tpu.wait_indirect_dma semaphore(%run_scoped3A : memref<!tpu.dma_semaphore, #tpu.memory_space<semaphore_mem>>) src(%dma_wait3A_311 : memref<64x208xf32, #tpu.memory_space<vmem>>) dst(%dma_wait3A_314 : memref<5120x208xf32, #tpu.memory_space<vmem_shared>>)
          tpu.yield
        }) : () -> ()
        %scan3A_302 = arith.constant 0 : i32
        scf.yield %scan3A_302 : i32
      }
      %scan3A_53 = arith.constant 14 : i32
      %scan3A_54 = arith.constant 0 : i32
      scf.yield %scan3A_54 : i32
    }
    %scan3A_27 = arith.constant 6 : i32
    %barrier3A_28 = arith.constant 0 : index
    tpu.barrier barrier_id(%barrier3A_28)
    %add3A_29 = arith.constant 0 : i32
    %add3A_30 = arith.addi %multiple_of3A, %add3A_29 : i32
    "tpu.region"() ({
      %run_scoped3A = tpu.sem_alloc : memref<!tpu.dma_semaphore, #tpu.memory_space<semaphore_mem>>
      %dma_start3A = arith.constant 0 : i32
      %dma_start3A_37 = tpu.memref_slice %arg10[%add3A_30, %dma_start3A] : memref<5120x208xf32, #tpu.memory_space<vmem_shared>> -> memref<128x208xf32, #tpu.memory_space<vmem_shared>>
      %dma_start3A_38 = arith.constant 0 : i32
      %dma_start3A_39 = tpu.memref_slice %arg10[%add3A_30, %dma_start3A_38] : memref<5120x208xf32, #tpu.memory_space<vmem_shared>> -> memref<128x208xf32, #tpu.memory_space<vmem_shared>>
      tpu.enqueue_dma source(%dma_start3A_39 : memref<128x208xf32, #tpu.memory_space<vmem_shared>>) target(%arg8 : memref<128x208xf32, #tpu.memory_space<vmem>>) target_semaphore(%run_scoped3A : memref<!tpu.dma_semaphore, #tpu.memory_space<semaphore_mem>>)
      %dma_wait3A = arith.constant 0 : i32
      %dma_wait3A_40 = tpu.memref_slice %arg10[%add3A_30, %dma_wait3A] : memref<5120x208xf32, #tpu.memory_space<vmem_shared>> -> memref<128x208xf32, #tpu.memory_space<vmem_shared>>
      %dma_wait3A_41 = arith.constant 0 : i32
      %dma_wait3A_42 = tpu.memref_slice %arg10[%add3A_30, %dma_wait3A_41] : memref<5120x208xf32, #tpu.memory_space<vmem_shared>> -> memref<128x208xf32, #tpu.memory_space<vmem_shared>>
      tpu.wait_dma2 semaphore(%run_scoped3A : memref<!tpu.dma_semaphore, #tpu.memory_space<semaphore_mem>>) src(%dma_wait3A_42 : memref<128x208xf32, #tpu.memory_space<vmem_shared>>) dst(%arg8 : memref<128x208xf32, #tpu.memory_space<vmem>>)
      tpu.yield
    }) : () -> ()
    "tpu.region"() ({
      %run_scoped3A = tpu.sem_alloc : memref<!tpu.dma_semaphore, #tpu.memory_space<semaphore_mem>>
      %dma_start3A = arith.constant 0 : i32
      %dma_start3A_37 = tpu.memref_slice %arg4[%arg0, %add3A_30, %dma_start3A] : memref<2x5120x208xf32, #tpu.memory_space<hbm>> -> memref<1x128x208xf32, #tpu.memory_space<hbm>>
      %dma_start3A_38 = tpu.memref_squeeze %dma_start3A_37 : memref<1x128x208xf32, #tpu.memory_space<hbm>> -> memref<128x208xf32, #tpu.memory_space<hbm>>
      %dma_start3A_39 = arith.constant 0 : i32
      %dma_start3A_40 = tpu.memref_slice %arg4[%arg0, %add3A_30, %dma_start3A_39] : memref<2x5120x208xf32, #tpu.memory_space<hbm>> -> memref<1x128x208xf32, #tpu.memory_space<hbm>>
      %dma_start3A_41 = tpu.memref_squeeze %dma_start3A_40 : memref<1x128x208xf32, #tpu.memory_space<hbm>> -> memref<128x208xf32, #tpu.memory_space<hbm>>
      tpu.enqueue_dma source(%arg8 : memref<128x208xf32, #tpu.memory_space<vmem>>) target(%dma_start3A_41 : memref<128x208xf32, #tpu.memory_space<hbm>>) target_semaphore(%run_scoped3A : memref<!tpu.dma_semaphore, #tpu.memory_space<semaphore_mem>>)
      %dma_wait3A = arith.constant 0 : i32
      %dma_wait3A_42 = tpu.memref_slice %arg4[%arg0, %add3A_30, %dma_wait3A] : memref<2x5120x208xf32, #tpu.memory_space<hbm>> -> memref<1x128x208xf32, #tpu.memory_space<hbm>>
      %dma_wait3A_43 = tpu.memref_squeeze %dma_wait3A_42 : memref<1x128x208xf32, #tpu.memory_space<hbm>> -> memref<128x208xf32, #tpu.memory_space<hbm>>
      %dma_wait3A_44 = arith.constant 0 : i32
      %dma_wait3A_45 = tpu.memref_slice %arg4[%arg0, %add3A_30, %dma_wait3A_44] : memref<2x5120x208xf32, #tpu.memory_space<hbm>> -> memref<1x128x208xf32, #tpu.memory_space<hbm>>
      %dma_wait3A_46 = tpu.memref_squeeze %dma_wait3A_45 : memref<1x128x208xf32, #tpu.memory_space<hbm>> -> memref<128x208xf32, #tpu.memory_space<hbm>>
      tpu.wait_dma2 semaphore(%run_scoped3A : memref<!tpu.dma_semaphore, #tpu.memory_space<semaphore_mem>>) src(%arg8 : memref<128x208xf32, #tpu.memory_space<vmem>>) dst(%dma_wait3A_46 : memref<128x208xf32, #tpu.memory_space<hbm>>)
      tpu.yield
    }) : () -> ()
    %add3A_31 = arith.constant 128 : i32
    %add3A_32 = arith.addi %multiple_of3A, %add3A_31 : i32
    "tpu.region"() ({
      %run_scoped3A = tpu.sem_alloc : memref<!tpu.dma_semaphore, #tpu.memory_space<semaphore_mem>>
      %dma_start3A = arith.constant 0 : i32
      %dma_start3A_37 = tpu.memref_slice %arg10[%add3A_32, %dma_start3A] : memref<5120x208xf32, #tpu.memory_space<vmem_shared>> -> memref<128x208xf32, #tpu.memory_space<vmem_shared>>
      %dma_start3A_38 = arith.constant 0 : i32
      %dma_start3A_39 = tpu.memref_slice %arg10[%add3A_32, %dma_start3A_38] : memref<5120x208xf32, #tpu.memory_space<vmem_shared>> -> memref<128x208xf32, #tpu.memory_space<vmem_shared>>
      tpu.enqueue_dma source(%dma_start3A_39 : memref<128x208xf32, #tpu.memory_space<vmem_shared>>) target(%arg8 : memref<128x208xf32, #tpu.memory_space<vmem>>) target_semaphore(%run_scoped3A : memref<!tpu.dma_semaphore, #tpu.memory_space<semaphore_mem>>)
      %dma_wait3A = arith.constant 0 : i32
      %dma_wait3A_40 = tpu.memref_slice %arg10[%add3A_32, %dma_wait3A] : memref<5120x208xf32, #tpu.memory_space<vmem_shared>> -> memref<128x208xf32, #tpu.memory_space<vmem_shared>>
      %dma_wait3A_41 = arith.constant 0 : i32
      %dma_wait3A_42 = tpu.memref_slice %arg10[%add3A_32, %dma_wait3A_41] : memref<5120x208xf32, #tpu.memory_space<vmem_shared>> -> memref<128x208xf32, #tpu.memory_space<vmem_shared>>
      tpu.wait_dma2 semaphore(%run_scoped3A : memref<!tpu.dma_semaphore, #tpu.memory_space<semaphore_mem>>) src(%dma_wait3A_42 : memref<128x208xf32, #tpu.memory_space<vmem_shared>>) dst(%arg8 : memref<128x208xf32, #tpu.memory_space<vmem>>)
      tpu.yield
    }) : () -> ()
    "tpu.region"() ({
      %run_scoped3A = tpu.sem_alloc : memref<!tpu.dma_semaphore, #tpu.memory_space<semaphore_mem>>
      %dma_start3A = arith.constant 0 : i32
      %dma_start3A_37 = tpu.memref_slice %arg4[%arg0, %add3A_32, %dma_start3A] : memref<2x5120x208xf32, #tpu.memory_space<hbm>> -> memref<1x128x208xf32, #tpu.memory_space<hbm>>
      %dma_start3A_38 = tpu.memref_squeeze %dma_start3A_37 : memref<1x128x208xf32, #tpu.memory_space<hbm>> -> memref<128x208xf32, #tpu.memory_space<hbm>>
      %dma_start3A_39 = arith.constant 0 : i32
      %dma_start3A_40 = tpu.memref_slice %arg4[%arg0, %add3A_32, %dma_start3A_39] : memref<2x5120x208xf32, #tpu.memory_space<hbm>> -> memref<1x128x208xf32, #tpu.memory_space<hbm>>
      %dma_start3A_41 = tpu.memref_squeeze %dma_start3A_40 : memref<1x128x208xf32, #tpu.memory_space<hbm>> -> memref<128x208xf32, #tpu.memory_space<hbm>>
      tpu.enqueue_dma source(%arg8 : memref<128x208xf32, #tpu.memory_space<vmem>>) target(%dma_start3A_41 : memref<128x208xf32, #tpu.memory_space<hbm>>) target_semaphore(%run_scoped3A : memref<!tpu.dma_semaphore, #tpu.memory_space<semaphore_mem>>)
      %dma_wait3A = arith.constant 0 : i32
      %dma_wait3A_42 = tpu.memref_slice %arg4[%arg0, %add3A_32, %dma_wait3A] : memref<2x5120x208xf32, #tpu.memory_space<hbm>> -> memref<1x128x208xf32, #tpu.memory_space<hbm>>
      %dma_wait3A_43 = tpu.memref_squeeze %dma_wait3A_42 : memref<1x128x208xf32, #tpu.memory_space<hbm>> -> memref<128x208xf32, #tpu.memory_space<hbm>>
      %dma_wait3A_44 = arith.constant 0 : i32
      %dma_wait3A_45 = tpu.memref_slice %arg4[%arg0, %add3A_32, %dma_wait3A_44] : memref<2x5120x208xf32, #tpu.memory_space<hbm>> -> memref<1x128x208xf32, #tpu.memory_space<hbm>>
      %dma_wait3A_46 = tpu.memref_squeeze %dma_wait3A_45 : memref<1x128x208xf32, #tpu.memory_space<hbm>> -> memref<128x208xf32, #tpu.memory_space<hbm>>
      tpu.wait_dma2 semaphore(%run_scoped3A : memref<!tpu.dma_semaphore, #tpu.memory_space<semaphore_mem>>) src(%arg8 : memref<128x208xf32, #tpu.memory_space<vmem>>) dst(%dma_wait3A_46 : memref<128x208xf32, #tpu.memory_space<hbm>>)
      tpu.yield
    }) : () -> ()
    %add3A_33 = arith.constant 320 : i32
    %add3A_34 = arith.addi %multiple_of3A, %add3A_33 : i32
    %sub3A_35 = arith.constant 64 : i32
    %sub3A_36 = arith.subi %add3A_34, %sub3A_35 : i32
    "tpu.region"() ({
      %run_scoped3A = tpu.sem_alloc : memref<!tpu.dma_semaphore, #tpu.memory_space<semaphore_mem>>
      %dma_start3A = arith.constant 0 : i32
      %dma_start3A_37 = arith.constant 0 : i32
      %dma_start3A_38 = tpu.memref_slice %arg8[%dma_start3A, %dma_start3A_37] : memref<128x208xf32, #tpu.memory_space<vmem>> -> memref<64x208xf32, #tpu.memory_space<vmem>>
      %dma_start3A_39 = arith.constant 0 : i32
      %dma_start3A_40 = tpu.memref_slice %arg10[%sub3A_36, %dma_start3A_39] : memref<5120x208xf32, #tpu.memory_space<vmem_shared>> -> memref<64x208xf32, #tpu.memory_space<vmem_shared>>
      %dma_start3A_41 = arith.constant 0 : i32
      %dma_start3A_42 = arith.constant 0 : i32
      %dma_start3A_43 = tpu.memref_slice %arg8[%dma_start3A_41, %dma_start3A_42] : memref<128x208xf32, #tpu.memory_space<vmem>> -> memref<64x208xf32, #tpu.memory_space<vmem>>
      %dma_start3A_44 = arith.constant 0 : i32
      %dma_start3A_45 = tpu.memref_slice %arg10[%sub3A_36, %dma_start3A_44] : memref<5120x208xf32, #tpu.memory_space<vmem_shared>> -> memref<64x208xf32, #tpu.memory_space<vmem_shared>>
      tpu.enqueue_dma source(%dma_start3A_45 : memref<64x208xf32, #tpu.memory_space<vmem_shared>>) target(%dma_start3A_43 : memref<64x208xf32, #tpu.memory_space<vmem>>) target_semaphore(%run_scoped3A : memref<!tpu.dma_semaphore, #tpu.memory_space<semaphore_mem>>)
      %dma_wait3A = arith.constant 0 : i32
      %dma_wait3A_46 = arith.constant 0 : i32
      %dma_wait3A_47 = tpu.memref_slice %arg8[%dma_wait3A, %dma_wait3A_46] : memref<128x208xf32, #tpu.memory_space<vmem>> -> memref<64x208xf32, #tpu.memory_space<vmem>>
      %dma_wait3A_48 = arith.constant 0 : i32
      %dma_wait3A_49 = tpu.memref_slice %arg10[%sub3A_36, %dma_wait3A_48] : memref<5120x208xf32, #tpu.memory_space<vmem_shared>> -> memref<64x208xf32, #tpu.memory_space<vmem_shared>>
      %dma_wait3A_50 = arith.constant 0 : i32
      %dma_wait3A_51 = arith.constant 0 : i32
      %dma_wait3A_52 = tpu.memref_slice %arg8[%dma_wait3A_50, %dma_wait3A_51] : memref<128x208xf32, #tpu.memory_space<vmem>> -> memref<64x208xf32, #tpu.memory_space<vmem>>
      %dma_wait3A_53 = arith.constant 0 : i32
      %dma_wait3A_54 = tpu.memref_slice %arg10[%sub3A_36, %dma_wait3A_53] : memref<5120x208xf32, #tpu.memory_space<vmem_shared>> -> memref<64x208xf32, #tpu.memory_space<vmem_shared>>
      tpu.wait_dma2 semaphore(%run_scoped3A : memref<!tpu.dma_semaphore, #tpu.memory_space<semaphore_mem>>) src(%dma_wait3A_54 : memref<64x208xf32, #tpu.memory_space<vmem_shared>>) dst(%dma_wait3A_52 : memref<64x208xf32, #tpu.memory_space<vmem>>)
      tpu.yield
    }) : () -> ()
    "tpu.region"() ({
      %run_scoped3A = tpu.sem_alloc : memref<!tpu.dma_semaphore, #tpu.memory_space<semaphore_mem>>
      %dma_start3A = arith.constant 0 : i32
      %dma_start3A_37 = arith.constant 0 : i32
      %dma_start3A_38 = tpu.memref_slice %arg8[%dma_start3A, %dma_start3A_37] : memref<128x208xf32, #tpu.memory_space<vmem>> -> memref<64x208xf32, #tpu.memory_space<vmem>>
      %dma_start3A_39 = arith.constant 0 : i32
      %dma_start3A_40 = tpu.memref_slice %arg4[%arg0, %sub3A_36, %dma_start3A_39] : memref<2x5120x208xf32, #tpu.memory_space<hbm>> -> memref<1x64x208xf32, #tpu.memory_space<hbm>>
      %dma_start3A_41 = tpu.memref_squeeze %dma_start3A_40 : memref<1x64x208xf32, #tpu.memory_space<hbm>> -> memref<64x208xf32, #tpu.memory_space<hbm>>
      %dma_start3A_42 = arith.constant 0 : i32
      %dma_start3A_43 = tpu.memref_slice %arg4[%arg0, %sub3A_36, %dma_start3A_42] : memref<2x5120x208xf32, #tpu.memory_space<hbm>> -> memref<1x64x208xf32, #tpu.memory_space<hbm>>
      %dma_start3A_44 = tpu.memref_squeeze %dma_start3A_43 : memref<1x64x208xf32, #tpu.memory_space<hbm>> -> memref<64x208xf32, #tpu.memory_space<hbm>>
      %dma_start3A_45 = arith.constant 0 : i32
      %dma_start3A_46 = arith.constant 0 : i32
      %dma_start3A_47 = tpu.memref_slice %arg8[%dma_start3A_45, %dma_start3A_46] : memref<128x208xf32, #tpu.memory_space<vmem>> -> memref<64x208xf32, #tpu.memory_space<vmem>>
      tpu.enqueue_dma source(%dma_start3A_47 : memref<64x208xf32, #tpu.memory_space<vmem>>) target(%dma_start3A_44 : memref<64x208xf32, #tpu.memory_space<hbm>>) target_semaphore(%run_scoped3A : memref<!tpu.dma_semaphore, #tpu.memory_space<semaphore_mem>>)
      %dma_wait3A = arith.constant 0 : i32
      %dma_wait3A_48 = arith.constant 0 : i32
      %dma_wait3A_49 = tpu.memref_slice %arg8[%dma_wait3A, %dma_wait3A_48] : memref<128x208xf32, #tpu.memory_space<vmem>> -> memref<64x208xf32, #tpu.memory_space<vmem>>
      %dma_wait3A_50 = arith.constant 0 : i32
      %dma_wait3A_51 = tpu.memref_slice %arg4[%arg0, %sub3A_36, %dma_wait3A_50] : memref<2x5120x208xf32, #tpu.memory_space<hbm>> -> memref<1x64x208xf32, #tpu.memory_space<hbm>>
      %dma_wait3A_52 = tpu.memref_squeeze %dma_wait3A_51 : memref<1x64x208xf32, #tpu.memory_space<hbm>> -> memref<64x208xf32, #tpu.memory_space<hbm>>
      %dma_wait3A_53 = arith.constant 0 : i32
      %dma_wait3A_54 = tpu.memref_slice %arg4[%arg0, %sub3A_36, %dma_wait3A_53] : memref<2x5120x208xf32, #tpu.memory_space<hbm>> -> memref<1x64x208xf32, #tpu.memory_space<hbm>>
      %dma_wait3A_55 = tpu.memref_squeeze %dma_wait3A_54 : memref<1x64x208xf32, #tpu.memory_space<hbm>> -> memref<64x208xf32, #tpu.memory_space<hbm>>
      %dma_wait3A_56 = arith.constant 0 : i32
      %dma_wait3A_57 = arith.constant 0 : i32
      %dma_wait3A_58 = tpu.memref_slice %arg8[%dma_wait3A_56, %dma_wait3A_57] : memref<128x208xf32, #tpu.memory_space<vmem>> -> memref<64x208xf32, #tpu.memory_space<vmem>>
      tpu.wait_dma2 semaphore(%run_scoped3A : memref<!tpu.dma_semaphore, #tpu.memory_space<semaphore_mem>>) src(%dma_wait3A_58 : memref<64x208xf32, #tpu.memory_space<vmem>>) dst(%dma_wait3A_55 : memref<64x208xf32, #tpu.memory_space<hbm>>)
      tpu.yield
    }) : () -> ()
    return
  }
}

module attributes {stable_mosaic.version = 14 : i64} {
  func.func @_mm_first_body(%arg0: i32, %arg1: memref<2504x128xf32, #tpu.memory_space<vmem>>, %arg2: memref<128x208xf32, #tpu.memory_space<vmem>>, %arg3: memref<1x1xf32, #tpu.memory_space<smem>>, %arg4: memref<2504x208xf32, #tpu.memory_space<vmem>>) attributes {dimension_semantics = [#tpu.dimension_semantics<arbitrary>], iteration_bounds = array<i64: 4>, scalar_prefetch = 0 : i64, scratch_operands = 0 : i64, tpu.core_type = #tpu.core_type<tc>, window_params = [{transform_indices = @transform_0, window_bounds = array<i64: 2504, 128>}, {pipeline_mode = #tpu.pipeline_mode<synchronous>, transform_indices = @transform_1, window_bounds = array<i64: 128, 208>}, {transform_indices = @transform_2, window_bounds = array<i64: 1, 1>}, {transform_indices = @transform_3, window_bounds = array<i64: 2504, 208>}]} {
    %get3A = arith.constant 0 : index
    %get3A_0 = arith.constant 0 : index
    %get3A_1 = vector.load %arg1[%get3A, %get3A_0] : memref<2504x128xf32, #tpu.memory_space<vmem>>, vector<2504x128xf32>
    %get3A_2 = arith.constant 0 : index
    %get3A_3 = arith.constant 0 : index
    %get3A_4 = vector.load %arg2[%get3A_2, %get3A_3] : memref<128x208xf32, #tpu.memory_space<vmem>>, vector<128x208xf32>
    %dot_general3A = arith.constant dense<0.000000e+00> : vector<2504x208xf32>
    %dot_general3A_5 = tpu.matmul %get3A_1, %get3A_4, %dot_general3A {dimension_numbers = #tpu.dot_dimension_numbers<[1], [0], [0], [1], [0, 0, 1, 1], [], []>, transpose_lhs_hint = false} : vector<2504x128xf32>, vector<128x208xf32>, vector<2504x208xf32> -> vector<2504x208xf32>
    %get3A_6 = arith.constant 0 : index
    %get3A_7 = arith.constant 0 : index
    %get3A_8 = memref.load %arg3[%get3A_6, %get3A_7] : memref<1x1xf32, #tpu.memory_space<smem>>
    %mul3A = arith.mulf %dot_general3A_5, %dot_general3A_5 : vector<2504x208xf32>
    %reduce_sum3A = arith.constant dense<0.000000e+00> : vector<2504xf32>
    %reduce_sum3A_9 = vector.multi_reduction <add>, %mul3A, %reduce_sum3A [1] : vector<2504x208xf32> to vector<2504xf32>
    %broadcast_in_dim3A = vector.shape_cast %reduce_sum3A_9 : vector<2504xf32> to vector<2504x1xf32>
    %sqrt3A = math.sqrt %broadcast_in_dim3A : vector<2504x1xf32>
    %add3A = arith.constant 9.99999993E-9 : f32
    %add3A_10 = vector.broadcast %add3A : f32 to vector<2504x1xf32>
    %add3A_11 = arith.addf %sqrt3A, %add3A_10 : vector<2504x1xf32>
    %div3A = arith.constant 1.000000e+00 : f32
    %div3A_12 = vector.broadcast %div3A : f32 to vector<2504x1xf32>
    %div3A_13 = arith.divf %div3A_12, %add3A_11 : vector<2504x1xf32>
    %iota3A = tpu.iota {dimensions = array<i32: 1>} : vector<2504x208xi32>
    %eq3A = arith.constant 205 : i32
    %eq3A_14 = vector.broadcast %eq3A : i32 to vector<2504x208xi32>
    %eq3A_15 = arith.cmpi eq, %iota3A, %eq3A_14 : vector<2504x208xi32>
    %broadcast_in_dim3A_16 = vector.shape_cast %div3A_13 : vector<2504x1xf32> to vector<2504x1xf32>
    %broadcast_in_dim3A_17 = vector.broadcast %broadcast_in_dim3A_16 : vector<2504x1xf32> to vector<2504x208xf32>
    %select_n3A = arith.select %eq3A_15, %broadcast_in_dim3A_17, %dot_general3A_5 : vector<2504x208xi1>, vector<2504x208xf32>
    %eq3A_18 = arith.constant 206 : i32
    %eq3A_19 = vector.broadcast %eq3A_18 : i32 to vector<2504x208xi32>
    %eq3A_20 = arith.cmpi eq, %iota3A, %eq3A_19 : vector<2504x208xi32>
    %mul3A_21 = vector.broadcast %get3A_8 : f32 to vector<2504x1xf32>
    %mul3A_22 = arith.mulf %mul3A_21, %div3A_13 : vector<2504x1xf32>
    %broadcast_in_dim3A_23 = vector.shape_cast %mul3A_22 : vector<2504x1xf32> to vector<2504x1xf32>
    %broadcast_in_dim3A_24 = vector.broadcast %broadcast_in_dim3A_23 : vector<2504x1xf32> to vector<2504x208xf32>
    %select_n3A_25 = arith.select %eq3A_20, %broadcast_in_dim3A_24, %select_n3A : vector<2504x208xi1>, vector<2504x208xf32>
    %eq3A_26 = arith.constant 207 : i32
    %eq3A_27 = vector.broadcast %eq3A_26 : i32 to vector<2504x208xi32>
    %eq3A_28 = arith.cmpi eq, %iota3A, %eq3A_27 : vector<2504x208xi32>
    %jit3A = arith.constant 1.000000e+00 : f32
    %broadcast_in_dim3A_29 = vector.broadcast %jit3A : f32 to vector<2504x208xf32>
    %select_n3A_30 = arith.select %eq3A_28, %broadcast_in_dim3A_29, %select_n3A_25 : vector<2504x208xi1>, vector<2504x208xf32>
    %swap3A = arith.constant 0 : index
    %swap3A_31 = arith.constant 0 : index
    %swap3A_32 = vector.load %arg4[%swap3A, %swap3A_31] : memref<2504x208xf32, #tpu.memory_space<vmem>>, vector<2504x208xf32>
    tpu.vector_store %arg4[%swap3A, %swap3A_31], %select_n3A_30 {strides = array<i32>} : memref<2504x208xf32, #tpu.memory_space<vmem>>, vector<2504x208xf32>,
    return
  }
  func.func @transform_0(%arg0: i32) -> (i32, i32) {
    %c0_i32 = arith.constant 0 : i32
    %c0_i32_0 = arith.constant 0 : i32
    return %arg0, %c0_i32 : i32, i32
  }
  func.func @transform_1(%arg0: i32) -> (i32, i32) {
    %c0_i32 = arith.constant 0 : i32
    %c0_i32_0 = arith.constant 0 : i32
    %c0_i32_1 = arith.constant 0 : i32
    return %c0_i32, %c0_i32_0 : i32, i32
  }
  func.func @transform_2(%arg0: i32) -> (i32, i32) {
    %c0_i32 = arith.constant 0 : i32
    %c0_i32_0 = arith.constant 0 : i32
    %c0_i32_1 = arith.constant 0 : i32
    return %c0_i32, %c0_i32_0 : i32, i32
  }
  func.func @transform_3(%arg0: i32) -> (i32, i32) {
    %c0_i32 = arith.constant 0 : i32
    %c0_i32_0 = arith.constant 0 : i32
    return %arg0, %c0_i32 : i32, i32
  }
}

module attributes {stable_mosaic.version = 14 : i64} {
  func.func @_mm_mid_body(%arg0: i32, %arg1: memref<1x2504x208xf32, #tpu.memory_space<vmem>>, %arg2: memref<208x112xf32, #tpu.memory_space<vmem>>, %arg3: memref<1x1xf32, #tpu.memory_space<smem>>, %arg4: memref<2504x112xf32, #tpu.memory_space<vmem>>) attributes {dimension_semantics = [#tpu.dimension_semantics<arbitrary>], iteration_bounds = array<i64: 4>, scalar_prefetch = 0 : i64, scratch_operands = 0 : i64, tpu.core_type = #tpu.core_type<tc>, window_params = [{transform_indices = @transform_0, window_bounds = array<i64: 1, 2504, 208>}, {pipeline_mode = #tpu.pipeline_mode<synchronous>, transform_indices = @transform_1, window_bounds = array<i64: 208, 112>}, {transform_indices = @transform_2, window_bounds = array<i64: 1, 1>}, {transform_indices = @transform_3, window_bounds = array<i64: 2504, 112>}]} {
    %get3A = arith.constant 0 : index
    %get3A_0 = arith.constant 0 : index
    %get3A_1 = arith.constant 0 : index
    %get3A_2 = vector.load %arg1[%get3A, %get3A_0, %get3A_1] : memref<1x2504x208xf32, #tpu.memory_space<vmem>>, vector<1x2504x208xf32>
    %get3A_3 = vector.shape_cast %get3A_2 : vector<1x2504x208xf32> to vector<2504x208xf32>
    %slice3A = vector.extract_strided_slice %get3A_3 {offsets = [0, 207], sizes = [2504, 1], strides = [1, 1]} : vector<2504x208xf32> to vector<2504x1xf32>
    %add3A = arith.constant 1.000000e-16 : f32
    %add3A_4 = vector.broadcast %add3A : f32 to vector<2504x1xf32>
    %add3A_5 = arith.addf %slice3A, %add3A_4 : vector<2504x1xf32>
    %div3A = vector.broadcast %add3A_5 : vector<2504x1xf32> to vector<2504x208xf32>
    %div3A_6 = arith.divf %get3A_3, %div3A : vector<2504x208xf32>
    %max3A = arith.constant 0.000000e+00 : f32
    %max3A_7 = vector.broadcast %max3A : f32 to vector<2504x208xf32>
    %max3A_8 = arith.maximumf %div3A_6, %max3A_7 : vector<2504x208xf32>
    %get3A_9 = arith.constant 0 : index
    %get3A_10 = arith.constant 0 : index
    %get3A_11 = vector.load %arg2[%get3A_9, %get3A_10] : memref<208x112xf32, #tpu.memory_space<vmem>>, vector<208x112xf32>
    %dot_general3A = arith.constant dense<0.000000e+00> : vector<2504x112xf32>
    %dot_general3A_12 = tpu.matmul %max3A_8, %get3A_11, %dot_general3A {dimension_numbers = #tpu.dot_dimension_numbers<[1], [0], [0], [1], [0, 0, 1, 1], [], []>, transpose_lhs_hint = false} : vector<2504x208xf32>, vector<208x112xf32>, vector<2504x112xf32> -> vector<2504x112xf32>
    %get3A_13 = arith.constant 0 : index
    %get3A_14 = arith.constant 0 : index
    %get3A_15 = memref.load %arg3[%get3A_13, %get3A_14] : memref<1x1xf32, #tpu.memory_space<smem>>
    %mul3A = arith.mulf %dot_general3A_12, %dot_general3A_12 : vector<2504x112xf32>
    %reduce_sum3A = arith.constant dense<0.000000e+00> : vector<2504xf32>
    %reduce_sum3A_16 = vector.multi_reduction <add>, %mul3A, %reduce_sum3A [1] : vector<2504x112xf32> to vector<2504xf32>
    %broadcast_in_dim3A = vector.shape_cast %reduce_sum3A_16 : vector<2504xf32> to vector<2504x1xf32>
    %sqrt3A = math.sqrt %broadcast_in_dim3A : vector<2504x1xf32>
    %add3A_17 = arith.constant 9.99999993E-9 : f32
    %add3A_18 = vector.broadcast %add3A_17 : f32 to vector<2504x1xf32>
    %add3A_19 = arith.addf %sqrt3A, %add3A_18 : vector<2504x1xf32>
    %div3A_20 = arith.constant 1.000000e+00 : f32
    %div3A_21 = vector.broadcast %div3A_20 : f32 to vector<2504x1xf32>
    %div3A_22 = arith.divf %div3A_21, %add3A_19 : vector<2504x1xf32>
    %iota3A = tpu.iota {dimensions = array<i32: 1>} : vector<2504x112xi32>
    %eq3A = arith.constant 109 : i32
    %eq3A_23 = vector.broadcast %eq3A : i32 to vector<2504x112xi32>
    %eq3A_24 = arith.cmpi eq, %iota3A, %eq3A_23 : vector<2504x112xi32>
    %broadcast_in_dim3A_25 = vector.shape_cast %div3A_22 : vector<2504x1xf32> to vector<2504x1xf32>
    %broadcast_in_dim3A_26 = vector.broadcast %broadcast_in_dim3A_25 : vector<2504x1xf32> to vector<2504x112xf32>
    %select_n3A = arith.select %eq3A_24, %broadcast_in_dim3A_26, %dot_general3A_12 : vector<2504x112xi1>, vector<2504x112xf32>
    %eq3A_27 = arith.constant 110 : i32
    %eq3A_28 = vector.broadcast %eq3A_27 : i32 to vector<2504x112xi32>
    %eq3A_29 = arith.cmpi eq, %iota3A, %eq3A_28 : vector<2504x112xi32>
    %mul3A_30 = vector.broadcast %get3A_15 : f32 to vector<2504x1xf32>
    %mul3A_31 = arith.mulf %mul3A_30, %div3A_22 : vector<2504x1xf32>
    %broadcast_in_dim3A_32 = vector.shape_cast %mul3A_31 : vector<2504x1xf32> to vector<2504x1xf32>
    %broadcast_in_dim3A_33 = vector.broadcast %broadcast_in_dim3A_32 : vector<2504x1xf32> to vector<2504x112xf32>
    %select_n3A_34 = arith.select %eq3A_29, %broadcast_in_dim3A_33, %select_n3A : vector<2504x112xi1>, vector<2504x112xf32>
    %eq3A_35 = arith.constant 111 : i32
    %eq3A_36 = vector.broadcast %eq3A_35 : i32 to vector<2504x112xi32>
    %eq3A_37 = arith.cmpi eq, %iota3A, %eq3A_36 : vector<2504x112xi32>
    %jit3A = arith.constant 1.000000e+00 : f32
    %broadcast_in_dim3A_38 = vector.broadcast %jit3A : f32 to vector<2504x112xf32>
    %select_n3A_39 = arith.select %eq3A_37, %broadcast_in_dim3A_38, %select_n3A_34 : vector<2504x112xi1>, vector<2504x112xf32>
    %swap3A = arith.constant 0 : index
    %swap3A_40 = arith.constant 0 : index
    %swap3A_41 = vector.load %arg4[%swap3A, %swap3A_40] : memref<2504x112xf32, #tpu.memory_space<vmem>>, vector<2504x112xf32>
    tpu.vector_store %arg4[%swap3A, %swap3A_40], %select_n3A_39 {strides = array<i32>} : memref<2504x112xf32, #tpu.memory_space<vmem>>, vector<2504x112xf32>,
    return
  }
  func.func @transform_0(%arg0: i32) -> (i32, i32, i32) {
    %jit3A = arith.constant 2 : i32
    %div3A = arith.divsi %arg0, %jit3A : i32
    %sign3A = arith.constant 0 : i32
    %sign3A_0 = arith.cmpi sgt, %arg0, %sign3A : i32
    %sign3A_1 = arith.extui %sign3A_0 : i1 to i32
    %sign3A_2 = arith.constant 0 : i32
    %sign3A_3 = arith.cmpi slt, %arg0, %sign3A_2 : i32
    %sign3A_4 = arith.extui %sign3A_3 : i1 to i32
    %sign3A_5 = arith.subi %sign3A_1, %sign3A_4 : i32
    %sign3A_6 = arith.constant 0 : i32
    %sign3A_7 = arith.cmpi sgt, %jit3A, %sign3A_6 : i32
    %sign3A_8 = arith.extui %sign3A_7 : i1 to i32
    %sign3A_9 = arith.constant 0 : i32
    %sign3A_10 = arith.cmpi slt, %jit3A, %sign3A_9 : i32
    %sign3A_11 = arith.extui %sign3A_10 : i1 to i32
    %sign3A_12 = arith.subi %sign3A_8, %sign3A_11 : i32
    %ne3A = arith.cmpi ne, %sign3A_5, %sign3A_12 : i32
    %rem3A = arith.remsi %arg0, %jit3A : i32
    %ne3A_13 = arith.constant 0 : i32
    %ne3A_14 = arith.cmpi ne, %rem3A, %ne3A_13 : i32
    %and3A = arith.andi %ne3A, %ne3A_14 : i1
    %sub3A = arith.constant 1 : i32
    %sub3A_15 = arith.subi %div3A, %sub3A : i32
    %select_n3A = arith.select %and3A, %sub3A_15, %div3A : i32
    %jit3A_16 = arith.constant 2 : i32
    %eq3A = arith.constant 0 : i32
    %eq3A_17 = arith.cmpi eq, %jit3A_16, %eq3A : i32
    %jit3A_18 = arith.constant 1 : i32
    %select_n3A_19 = arith.select %eq3A_17, %jit3A_18, %jit3A_16 : i32
    %rem3A_20 = arith.remsi %arg0, %select_n3A_19 : i32
    %ne3A_21 = arith.constant 0 : i32
    %ne3A_22 = arith.cmpi ne, %rem3A_20, %ne3A_21 : i32
    %lt3A = arith.constant 0 : i32
    %lt3A_23 = arith.cmpi slt, %rem3A_20, %lt3A : i32
    %lt3A_24 = arith.constant 0 : i32
    %lt3A_25 = arith.cmpi slt, %select_n3A_19, %lt3A_24 : i32
    %ne3A_26 = arith.xori %lt3A_23, %lt3A_25 : i1
    %and3A_27 = arith.andi %ne3A_26, %ne3A_22 : i1
    %add3A = arith.addi %rem3A_20, %select_n3A_19 : i32
    %select_n3A_28 = arith.select %and3A_27, %add3A, %rem3A_20 : i32
    %c0_i32 = arith.constant 0 : i32
    %c0_i32_29 = arith.constant 0 : i32
    return %select_n3A, %select_n3A_28, %c0_i32 : i32, i32, i32
  }
  func.func @transform_1(%arg0: i32) -> (i32, i32) {
    %c0_i32 = arith.constant 0 : i32
    %c0_i32_0 = arith.constant 0 : i32
    %c0_i32_1 = arith.constant 0 : i32
    return %c0_i32, %c0_i32_0 : i32, i32
  }
  func.func @transform_2(%arg0: i32) -> (i32, i32) {
    %c0_i32 = arith.constant 0 : i32
    %c0_i32_0 = arith.constant 0 : i32
    %c0_i32_1 = arith.constant 0 : i32
    return %c0_i32, %c0_i32_0 : i32, i32
  }
  func.func @transform_3(%arg0: i32) -> (i32, i32) {
    %c0_i32 = arith.constant 0 : i32
    %c0_i32_0 = arith.constant 0 : i32
    return %arg0, %c0_i32 : i32, i32
  }
}

module attributes {stable_mosaic.version = 14 : i64} {
  func.func @_mm_mid_body(%arg0: i32, %arg1: memref<2x2504x112xf32, #tpu.memory_space<vmem>>, %arg2: memref<112x16xf32, #tpu.memory_space<vmem>>, %arg3: memref<1x1xf32, #tpu.memory_space<smem>>, %arg4: memref<2504x16xf32, #tpu.memory_space<vmem>>) attributes {dimension_semantics = [#tpu.dimension_semantics<arbitrary>], iteration_bounds = array<i64: 4>, scalar_prefetch = 0 : i64, scratch_operands = 0 : i64, tpu.core_type = #tpu.core_type<tc>, window_params = [{transform_indices = @transform_0, window_bounds = array<i64: 2, 2504, 112>}, {pipeline_mode = #tpu.pipeline_mode<synchronous>, transform_indices = @transform_1, window_bounds = array<i64: 112, 16>}, {transform_indices = @transform_2, window_bounds = array<i64: 1, 1>}, {transform_indices = @transform_3, window_bounds = array<i64: 2504, 16>}]} {
    %get3A = arith.constant 0 : index
    %get3A_0 = arith.constant 0 : index
    %get3A_1 = arith.constant 0 : index
    %get3A_2 = vector.load %arg1[%get3A, %get3A_0, %get3A_1] : memref<2x2504x112xf32, #tpu.memory_space<vmem>>, vector<1x2504x112xf32>
    %get3A_3 = vector.shape_cast %get3A_2 : vector<1x2504x112xf32> to vector<2504x112xf32>
    %get3A_4 = arith.constant 1 : index
    %get3A_5 = arith.constant 0 : index
    %get3A_6 = arith.constant 0 : index
    %get3A_7 = vector.load %arg1[%get3A_4, %get3A_5, %get3A_6] : memref<2x2504x112xf32, #tpu.memory_space<vmem>>, vector<1x2504x112xf32>
    %get3A_8 = vector.shape_cast %get3A_7 : vector<1x2504x112xf32> to vector<2504x112xf32>
    %add3A = arith.addf %get3A_3, %get3A_8 : vector<2504x112xf32>
    %slice3A = vector.extract_strided_slice %add3A {offsets = [0, 111], sizes = [2504, 1], strides = [1, 1]} : vector<2504x112xf32> to vector<2504x1xf32>
    %add3A_9 = arith.constant 1.000000e-16 : f32
    %add3A_10 = vector.broadcast %add3A_9 : f32 to vector<2504x1xf32>
    %add3A_11 = arith.addf %slice3A, %add3A_10 : vector<2504x1xf32>
    %div3A = vector.broadcast %add3A_11 : vector<2504x1xf32> to vector<2504x112xf32>
    %div3A_12 = arith.divf %add3A, %div3A : vector<2504x112xf32>
    %max3A = arith.constant 0.000000e+00 : f32
    %max3A_13 = vector.broadcast %max3A : f32 to vector<2504x112xf32>
    %max3A_14 = arith.maximumf %div3A_12, %max3A_13 : vector<2504x112xf32>
    %get3A_15 = arith.constant 0 : index
    %get3A_16 = arith.constant 0 : index
    %get3A_17 = vector.load %arg2[%get3A_15, %get3A_16] : memref<112x16xf32, #tpu.memory_space<vmem>>, vector<112x16xf32>
    %dot_general3A = arith.constant dense<0.000000e+00> : vector<2504x16xf32>
    %dot_general3A_18 = tpu.matmul %max3A_14, %get3A_17, %dot_general3A {dimension_numbers = #tpu.dot_dimension_numbers<[1], [0], [0], [1], [0, 0, 1, 1], [], []>, transpose_lhs_hint = false} : vector<2504x112xf32>, vector<112x16xf32>, vector<2504x16xf32> -> vector<2504x16xf32>
    %get3A_19 = arith.constant 0 : index
    %get3A_20 = arith.constant 0 : index
    %get3A_21 = memref.load %arg3[%get3A_19, %get3A_20] : memref<1x1xf32, #tpu.memory_space<smem>>
    %mul3A = arith.mulf %dot_general3A_18, %dot_general3A_18 : vector<2504x16xf32>
    %reduce_sum3A = arith.constant dense<0.000000e+00> : vector<2504xf32>
    %reduce_sum3A_22 = vector.multi_reduction <add>, %mul3A, %reduce_sum3A [1] : vector<2504x16xf32> to vector<2504xf32>
    %broadcast_in_dim3A = vector.shape_cast %reduce_sum3A_22 : vector<2504xf32> to vector<2504x1xf32>
    %sqrt3A = math.sqrt %broadcast_in_dim3A : vector<2504x1xf32>
    %add3A_23 = arith.constant 9.99999993E-9 : f32
    %add3A_24 = vector.broadcast %add3A_23 : f32 to vector<2504x1xf32>
    %add3A_25 = arith.addf %sqrt3A, %add3A_24 : vector<2504x1xf32>
    %div3A_26 = arith.constant 1.000000e+00 : f32
    %div3A_27 = vector.broadcast %div3A_26 : f32 to vector<2504x1xf32>
    %div3A_28 = arith.divf %div3A_27, %add3A_25 : vector<2504x1xf32>
    %iota3A = tpu.iota {dimensions = array<i32: 1>} : vector<2504x16xi32>
    %eq3A = arith.constant 13 : i32
    %eq3A_29 = vector.broadcast %eq3A : i32 to vector<2504x16xi32>
    %eq3A_30 = arith.cmpi eq, %iota3A, %eq3A_29 : vector<2504x16xi32>
    %broadcast_in_dim3A_31 = vector.shape_cast %div3A_28 : vector<2504x1xf32> to vector<2504x1xf32>
    %broadcast_in_dim3A_32 = vector.broadcast %broadcast_in_dim3A_31 : vector<2504x1xf32> to vector<2504x16xf32>
    %select_n3A = arith.select %eq3A_30, %broadcast_in_dim3A_32, %dot_general3A_18 : vector<2504x16xi1>, vector<2504x16xf32>
    %eq3A_33 = arith.constant 14 : i32
    %eq3A_34 = vector.broadcast %eq3A_33 : i32 to vector<2504x16xi32>
    %eq3A_35 = arith.cmpi eq, %iota3A, %eq3A_34 : vector<2504x16xi32>
    %mul3A_36 = vector.broadcast %get3A_21 : f32 to vector<2504x1xf32>
    %mul3A_37 = arith.mulf %mul3A_36, %div3A_28 : vector<2504x1xf32>
    %broadcast_in_dim3A_38 = vector.shape_cast %mul3A_37 : vector<2504x1xf32> to vector<2504x1xf32>
    %broadcast_in_dim3A_39 = vector.broadcast %broadcast_in_dim3A_38 : vector<2504x1xf32> to vector<2504x16xf32>
    %select_n3A_40 = arith.select %eq3A_35, %broadcast_in_dim3A_39, %select_n3A : vector<2504x16xi1>, vector<2504x16xf32>
    %eq3A_41 = arith.constant 15 : i32
    %eq3A_42 = vector.broadcast %eq3A_41 : i32 to vector<2504x16xi32>
    %eq3A_43 = arith.cmpi eq, %iota3A, %eq3A_42 : vector<2504x16xi32>
    %jit3A = arith.constant 1.000000e+00 : f32
    %broadcast_in_dim3A_44 = vector.broadcast %jit3A : f32 to vector<2504x16xf32>
    %select_n3A_45 = arith.select %eq3A_43, %broadcast_in_dim3A_44, %select_n3A_40 : vector<2504x16xi1>, vector<2504x16xf32>
    %swap3A = arith.constant 0 : index
    %swap3A_46 = arith.constant 0 : index
    %swap3A_47 = vector.load %arg4[%swap3A, %swap3A_46] : memref<2504x16xf32, #tpu.memory_space<vmem>>, vector<2504x16xf32>
    tpu.vector_store %arg4[%swap3A, %swap3A_46], %select_n3A_45 {strides = array<i32>} : memref<2504x16xf32, #tpu.memory_space<vmem>>, vector<2504x16xf32>,
    return
  }
  func.func @transform_0(%arg0: i32) -> (i32, i32, i32) {
    %c0_i32 = arith.constant 0 : i32
    %c0_i32_0 = arith.constant 0 : i32
    %c0_i32_1 = arith.constant 0 : i32
    return %c0_i32, %arg0, %c0_i32_0 : i32, i32, i32
  }
  func.func @transform_1(%arg0: i32) -> (i32, i32) {
    %c0_i32 = arith.constant 0 : i32
    %c0_i32_0 = arith.constant 0 : i32
    %c0_i32_1 = arith.constant 0 : i32
    return %c0_i32, %c0_i32_0 : i32, i32
  }
  func.func @transform_2(%arg0: i32) -> (i32, i32) {
    %c0_i32 = arith.constant 0 : i32
    %c0_i32_0 = arith.constant 0 : i32
    %c0_i32_1 = arith.constant 0 : i32
    return %c0_i32, %c0_i32_0 : i32, i32
  }
  func.func @transform_3(%arg0: i32) -> (i32, i32) {
    %c0_i32 = arith.constant 0 : i32
    %c0_i32_0 = arith.constant 0 : i32
    return %arg0, %c0_i32 : i32, i32
  }
}

module attributes {stable_mosaic.version = 14 : i64} {
  func.func @_final_body(%arg0: i32, %arg1: memref<2x2504x16xf32, #tpu.memory_space<vmem>>, %arg2: memref<2504x16xf32, #tpu.memory_space<vmem>>) attributes {dimension_semantics = [#tpu.dimension_semantics<arbitrary>], iteration_bounds = array<i64: 4>, scalar_prefetch = 0 : i64, scratch_operands = 0 : i64, tpu.core_type = #tpu.core_type<tc>, window_params = [{transform_indices = @transform_0, window_bounds = array<i64: 2, 2504, 16>}, {transform_indices = @transform_1, window_bounds = array<i64: 2504, 16>}]} {
    %get3A = arith.constant 0 : index
    %get3A_0 = arith.constant 0 : index
    %get3A_1 = arith.constant 0 : index
    %get3A_2 = vector.load %arg1[%get3A, %get3A_0, %get3A_1] : memref<2x2504x16xf32, #tpu.memory_space<vmem>>, vector<1x2504x16xf32>
    %get3A_3 = vector.shape_cast %get3A_2 : vector<1x2504x16xf32> to vector<2504x16xf32>
    %get3A_4 = arith.constant 1 : index
    %get3A_5 = arith.constant 0 : index
    %get3A_6 = arith.constant 0 : index
    %get3A_7 = vector.load %arg1[%get3A_4, %get3A_5, %get3A_6] : memref<2x2504x16xf32, #tpu.memory_space<vmem>>, vector<1x2504x16xf32>
    %get3A_8 = vector.shape_cast %get3A_7 : vector<1x2504x16xf32> to vector<2504x16xf32>
    %add3A = arith.addf %get3A_3, %get3A_8 : vector<2504x16xf32>
    %slice3A = vector.extract_strided_slice %add3A {offsets = [0, 15], sizes = [2504, 1], strides = [1, 1]} : vector<2504x16xf32> to vector<2504x1xf32>
    %add3A_9 = arith.constant 1.000000e-16 : f32
    %add3A_10 = vector.broadcast %add3A_9 : f32 to vector<2504x1xf32>
    %add3A_11 = arith.addf %slice3A, %add3A_10 : vector<2504x1xf32>
    %div3A = vector.broadcast %add3A_11 : vector<2504x1xf32> to vector<2504x16xf32>
    %div3A_12 = arith.divf %add3A, %div3A : vector<2504x16xf32>
    %max3A = arith.constant 0.000000e+00 : f32
    %max3A_13 = vector.broadcast %max3A : f32 to vector<2504x16xf32>
    %max3A_14 = arith.maximumf %div3A_12, %max3A_13 : vector<2504x16xf32>
    %swap3A = arith.constant 0 : index
    %swap3A_15 = arith.constant 0 : index
    %swap3A_16 = vector.load %arg2[%swap3A, %swap3A_15] : memref<2504x16xf32, #tpu.memory_space<vmem>>, vector<2504x16xf32>
    tpu.vector_store %arg2[%swap3A, %swap3A_15], %max3A_14 {strides = array<i32>} : memref<2504x16xf32, #tpu.memory_space<vmem>>, vector<2504x16xf32>,
    return
  }
  func.func @transform_0(%arg0: i32) -> (i32, i32, i32) {
    %c0_i32 = arith.constant 0 : i32
    %c0_i32_0 = arith.constant 0 : i32
    %c0_i32_1 = arith.constant 0 : i32
    return %c0_i32, %arg0, %c0_i32_0 : i32, i32, i32
  }
  func.func @transform_1(%arg0: i32) -> (i32, i32) {
    %c0_i32 = arith.constant 0 : i32
    %c0_i32_0 = arith.constant 0 : i32
    return %arg0, %c0_i32 : i32, i32
  }
}

</mosaic_0001>

<sc_bundles>
// kernel: kernel.12.cloned.1.call-start
scs
__scs_entry_jumppad:
0x0: {  	(pc) =	sbr.rel $0x88, $3  }
0x1: {  	(tag) =	ssettag $0x0;
	lr =	simm.s32 $0x1  }
0x2: {  	[smem:$0x3F99] =	sst lr;
	_ =	strace $0xD0000000  }
0x3: {  	_ = 	snop  }
0x4: {  	_ = 	snop  }
0x5: {  	_ = 	snop  }
0x6: {  	_ = 	snop  }
0x7: {  	_ = 	snop  }
__scs_overlays_trampoline_lowered:
0x8: {  	[smem:$0x3FA8] =	sst s0  }
0x9: {  	[smem:$0x3FA9] =	sst s1  }
0xa: {  	[smem:$0x3FAA] =	sst s2  }
0xb: {  	[smem:$0x3FAB] =	sst s3  }
0xc: {  	[smem:$0x3FAC] =	sst s4  }
0xd: {  	[smem:$0x3FAD] =	sst s5  }
0xe: {  	[smem:$0x3FAE] =	sst s6  }
0xf: {  	[smem:$0x3FAF] =	sst s7  }
0x10: {  	[smem:$0x3FB0] =	sst s8  }
0x11: {  	[smem:$0x3FB1] =	sst s9;
	s0 =	simm.s32 @!p0 $0x0  }
0x12: {  	s1 =	sld [smem:$0x3F97];
	s0 =	simm.s32 @p0 $0x1  }
0x13: {  	[smem:$0x3FB2] =	sst s0;
	s0 =	simm.s32 @!p1 $0x0  }
0x14: {  	s2 =	sld [smem:$0x3F96];
	s0 =	simm.s32 @p1 $0x1  }
0x15: {  	[smem:$0x3FB3] =	sst s0;
	s0 =	simm.s32 @!p2 $0x0  }
0x16: {  	s3 =	sld [smem:$0x3FDB];
	s0 =	simm.s32 @p2 $0x1  }
0x17: {  	s4 =	simm.s32 $0x1BF5;
	[smem:$0x3FB5] =	sst s0  }
0x18: {  	s0 =	sld [smem:$0x3F98];
	_ =	swait.ge [sflag:s4], $0x0  }
0x19: {  	s7 =	sld [smem:$0x3F99]  }
0x1a: {  	s8 =	sadd.s32 $0xFFFFE003, lr  }
0x1b: {  	s9 =	sadd.s32 $0xFFFFFEF7, lr;
	s5 =	simm.s32 $0xFFFFFFFF;
	p2 =	slt.u32 s8, $0xFFFFF086  }
0x1c: {  	p1 =	slt.u32 s9, $0xF7A;
	s5 =	simm.s32 @!p2 $0x0  }
0x1d: {  	s5 =	simm.s32 @p1 $0x1;
	p0 =	seq.s32 s7, s2  }
0x1e: {  	s7 =	smul.u32 @!p0 $0xF7A, s2;
	p2 =	seq.s32 @!p0 s5, $0x0  }
0x1f: {  	s9 =	smul.u32 $0xF7A, s1;
	s8 =	simm.s32 @!p0 $0x1BF5;
	p2 =	por !p2, p0  }
0x20: {  	[sflag:s8] =	ssyncset.s32 @!p0 $0xFFFFF086;
	s6 =	sadd.s32 @!p0 s3, s7;
	s7 =	simm.s32 @!p0 $0x108  }
0x21: {  	s3 =	sadd.s32 s3, s9;
	s6 =	sadd.s32 @!p0 $0x88, s6;
	s7 =	simm.s32 @p2 $0x1082  }
0x22: {  	[simem:s7], [sflag:s8] =	dma.local @!p0 [hbm:s6], $0xF7A  }
0x23: {  	s9 =	sor.u32 $0xD0000000, s2;
	s6 =	simm.s32 $0x108;
	_ =	swait.ge @!p0 [sflag:s8], $0x0  }
0x24: {  	s3 =	sadd.s32 $0x88, s3;
	s6 =	simm.s32 @!p1 $0x1082;
	[sflag:s4] =	ssyncset.s32 $0xFFFFF086  }
0x25: {  	[simem:s6], [sflag:s4] =	dma.local [hbm:s3], $0xF7A  }
0x26: {  	[smem:$0x3F99] =	sst s1;
	(tag) =	ssettag s2;
	_ =	strace s9  }
0x27: {  	s1 =	sld [smem:$0x3FA9]  }
0x28: {  	s2 =	sld [smem:$0x3FAA]  }
0x29: {  	s4 =	sld [smem:$0x3FAC]  }
0x2a: {  	p0 =	seq.s32 s5, $0x0;
	s5 =	sld [smem:$0x3FAD]  }
0x2b: {  	s6 =	sld [smem:$0x3FAE]  }
0x2c: {  	s7 =	sld [smem:$0x3FAF]  }
0x2d: {  	s3 =	simm.s32 $0x108;
	s8 =	sld [smem:$0x3FB0]  }
0x2e: {  	s3 =	simm.s32 @!p0 $0x1082;
	s9 =	sld [smem:$0x3FB1]  }
0x2f: {  	lr =	sadd.s32 s0, s3;
	s0 =	sld [smem:$0x3FA8]  }
0x30: {  	s3 =	sld [smem:$0x3FAB]  }
0x31: {  	[smem:$0x3FB4] =	sst s10  }
0x32: {  	s10 =	sld [smem:$0x3FB2];
	_ =	sdelay $0x3  }
0x33: {  	p0 =	seq.s32 s10, $0x1;
	s10 =	sld [smem:$0x3FB4];
	_ =	sdelay $0x3  }
0x34: {  	[smem:$0x3FB4] =	sst s10  }
0x35: {  	s10 =	sld [smem:$0x3FB3];
	_ =	sdelay $0x3  }
0x36: {  	p1 =	seq.s32 s10, $0x1;
	s10 =	sld [smem:$0x3FB4];
	_ =	sdelay $0x3  }
0x37: {  	[smem:$0x3FB4] =	sst s10  }
0x38: {  	s10 =	sld [smem:$0x3FB5]  }
0x39: {  	_ = 	snop;
	(pc) =	sbr.ind lr, $3  }
0x3a: {  	_ = 	snop  }
0x3b: {  	_ = 	snop  }
0x3c: {  	p2 =	seq.s32 s10, $0x1;
	s10 =	sld [smem:$0x3FB4]  }
0x3d: {  	_ =	shalt  }
0x3e: {  	_ =	shalt  }
0x3f: {  	_ =	shalt  }
0x40: {  	_ =	shalt  }
0x41: {  	_ =	shalt  }
0x42: {  	_ =	shalt  }
0x43: {  	_ =	shalt  }
0x44: {  	_ =	shalt  }
0x45: {  	_ =	shalt  }
0x46: {  	_ =	shalt  }
0x47: {  	_ =	shalt  }
0x48: {  	_ =	shalt  }
0x49: {  	_ =	shalt  }
0x4a: {  	_ =	shalt  }
0x4b: {  	_ =	shalt  }
0x4c: {  	_ =	shalt  }
0x4d: {  	_ =	shalt  }
0x4e: {  	_ =	shalt  }
0x4f: {  	_ =	shalt  }
0x50: {  	_ =	shalt  }
0x51: {  	_ =	shalt  }
0x52: {  	_ =	shalt  }
0x53: {  	_ =	shalt  }
0x54: {  	_ =	shalt  }
0x55: {  	_ =	shalt  }
0x56: {  	_ =	shalt  }
0x57: {  	_ =	shalt  }
0x58: {  	_ =	shalt  }
0x59: {  	_ =	shalt  }
0x5a: {  	_ =	shalt  }
0x5b: {  	_ =	shalt  }
0x5c: {  	_ =	shalt  }
0x5d: {  	_ =	shalt  }
0x5e: {  	_ =	shalt  }
0x5f: {  	_ =	shalt  }
0x60: {  	_ =	shalt  }
0x61: {  	_ =	shalt  }
0x62: {  	_ =	shalt  }
0x63: {  	_ =	shalt  }
0x64: {  	_ =	shalt  }
0x65: {  	_ =	shalt  }
0x66: {  	_ =	shalt  }
0x67: {  	_ =	shalt  }
0x68: {  	_ =	shalt  }
0x69: {  	_ =	shalt  }
0x6a: {  	_ =	shalt  }
0x6b: {  	_ =	shalt  }
0x6c: {  	_ =	shalt  }
0x6d: {  	_ =	shalt  }
0x6e: {  	_ =	shalt  }
0x6f: {  	_ =	shalt  }
0x70: {  	_ =	shalt  }
0x71: {  	_ =	shalt  }
0x72: {  	_ =	shalt  }
0x73: {  	_ =	shalt  }
0x74: {  	_ =	shalt  }
0x75: {  	_ =	shalt  }
0x76: {  	_ =	shalt  }
0x77: {  	_ =	shalt  }
0x78: {  	_ =	shalt  }
0x79: {  	_ =	shalt  }
0x7a: {  	_ =	shalt  }
0x7b: {  	_ =	shalt  }
0x7c: {  	_ =	shalt  }
0x7d: {  	_ =	shalt  }
0x7e: {  	_ =	shalt  }
0x7f: {  	_ =	shalt  }
0x80: {  	_ =	shalt  }
0x81: {  	_ =	shalt  }
0x82: {  	_ =	shalt  }
0x83: {  	_ =	shalt  }
0x84: {  	_ =	shalt  }
0x85: {  	_ =	shalt  }
0x86: {  	_ =	shalt  }
0x87: {  	_ =	shalt  }
.Lfunc_end0:
.L_simem_size_0:
called_computation.1_lowered:
.L_overlay_start_0:
0x88: {  	s2 =	sld [smem:$0x3FD9]  }
0x89: {  	s3 =	sld [smem:$0x3FFE];
	_ =	sdelay $0x1  }
0x8a: {  	s1 =	srdreg.scid  }
0x8b: {  	s0 =	sand.u32 $0x1, s1  }
0x8c: {  	s16 =	sshll.u32 s0, $0xA;
	s2 =	sadd.s32 s3, s2  }
0x8d: {  	s2 =	sadd.s32 s2, s16  }
0x8e: {  	[smem:$0x3FC0] =	sst s2  }
0x8f: {  	_ = 	snop  }
0x90: {  	(tm) =	ssettm $0x1  }
0x91: {  	s17 =	sld [smem:$0x3FFB];
	_ =	sdelay $0x3  }
0x92: {  	_ =	strace s17  }
0x93: {  	s2 =	sld [smem:$0x3FFC];
	_ =	sdelay $0x3  }
0x94: {  	_ =	strace s2  }
0x95: {  	s2 =	sld [smem:$0x3FFD];
	_ =	sdelay $0x3  }
0x96: {  	_ =	strace s2  }
0x97: {  	_ =	strace $0x8FFFFFFF  }
0x98: {  	s18 =	sld [smem:$0x3FDB];
	_ =	sdelay $0x1  }
0x99: {  	s19 =	simm.s32 $_scs_section_size  }
0x9a: {  	s4 =	simm.s32 $_size__tile_overlayer_lowered;
	s5 =	simm.s32 $_tile_overlayer_lowered  }
0x9b: {  	s22 =	simm.s32 $0x1BFF;
	s21 =	sshll.u32 s5, $0x1;
	s2 =	sadd.s32 s19, s18  }
0x9c: {  	s6 =	simm.s32 $0x0;
	s20 =	sshll.u32 s4, $0x1;
	s4 =	sadd.s32 s21, s2  }
0x9d: {  	[timem:s6], [sflag:s22] =	dma.local [hbm:s4], s20  }
0x9e: {  	_ =	swait.ge [sflag:s22], s20  }
0x9f: {  	s3 =	ssub.s32 $0x0, s20;
	[sflag:s22] =	ssyncset.done $0x0  }
0xa0: {  	[sflag:s22] =	ssyncadd.s32 s3;
	_ =	sdelay $0x1  }
0xa1: {  	s23 =	simm.s32 $0x1B8B  }
0xa2: {  	_ =	swait.ge [sflag:s23], $0x1  }
0xa3: {  	[sflag:s23] =	ssyncset.done $0x0  }
0xa4: {  	s25 =	simm.s32 $0x1B8E;
	s24 =	sld [smem:$0x3FFE];
	[sflag:s23] =	ssyncadd.s32 $0xFFFFFFFF  }
0xa5: {  	s26 =	simm.s32 $execute0_lowered;
	[smem:$0x3FD2] =	sst s25  }
0xa6: {  	s4 =	sshll.u32 s26, $0x1;
	_ =	strace $0x80000049;
	[dreg:$0x1] =	wrdreg $0xFFFFFFFF  }
0xa7: {  	s28 =	simm.s32 $_size_execute0_lowered;
	s2 =	sadd.s32 s2, s4;
	[dreg:$0x0] =	wrdreg $0x0  }
0xa8: {  	s4 =	sshll.u32 s28, $0x1;
	[dreg:$0x2] =	wrdreg s2  }
0xa9: {  	[dreg:$0x3] =	wrdreg s4  }
0xaa: {  	[dreg:$0x4] =	wrdreg $0xC0  }
0xab: {  	_ =	task [dreg:s6], $0x5FFFF  }
0xac: {  	[dreg:$0x1] =	wrdreg $0xFFFFFFFF  }
0xad: {  	[dreg:$0x0] =	wrdreg $0x60  }
0xae: {  	[dreg:$0x2] =	wrdreg s24  }
0xaf: {  	[dreg:$0x3] =	wrdreg $0x7E800  }
0xb0: {  	[dreg:$0x4] =	wrdreg $0x9  }
0xb1: {  	_ =	task.clear_ibuf [dreg:s6], $0x5FFFF;
	_ =	strace $0x90000049  }
0xb2: {  	s29 =	simm.s32 $0x9;
	_ =	strace $0x8000004B  }
0xb3: {  	_ =	swait.ge [sflag:s29], $0x1  }
0xb4: {  	[sflag:s29] =	ssyncadd.s32 $0xFFFFFFFF  }
0xb5: {  	_ =	strace $0x9000004B  }
0xb6: {  	_ =	sfence  }
0xb7: {  	s30 =	sld [smem:$0x0];
	_ =	sdelay $0x2  }
0xb8: {  	s31 =	sshll.u32 s1, $0xD;
	s1 =	sshrl.u32 s1, $0x2  }
0xb9: {  	s3 =	sand.u32 $0x4000, s31;
	s1 =	sadd.s32 s1, s30  }
0xba: {  	s0 =	sor.u32 s3, s0;
	s1 =	sshll.u32 s1, $0x11  }
0xbb: {  	s0 =	sor.u32 s1, s0  }
0xbc: {  	s0 =	sadd.s32 $0x8F2B, s0  }
0xbd: {  	[sflag:s0] =	ssyncadd.remote.s32 $0x1  }
0xbe: {  	_ =	sfence.sel $0xFFFF  }
0xbf: {  	[dreg:$0x0] =	wrdreg $0xFFFFFFFF;
	(pc) =	sbr.abs _section_cstart, $3  }
0xc0: {  	[dreg:$0x1] =	wrdreg $0xFFFFFFFF  }
0xc1: {  	_ =	task.clear_ibuf [dreg:s6], $0x2FFFF;
	_ =	strace $0x9FFFFFFF  }
0xc2: {  	(tm) =	ssettm $0x7FFFFFFF  }
0xc3: {  	_ =	shalt  }
tec
execute0_lowered:
.L_overlay_start_1:
0x0: {  	(tag) =	ssettag $0x1  }
0x1: {  	s0 =	rddreg [dreg:$0x0]  }
0x2: {  	s1 =	rddreg [dreg:$0x1];
	s3 =	simm.s32 $0x0  }
0x3: {  	s2 =	srdreg.scid;
	s17 =	stileid.u32;
	s28 =	simm.s32 $0x0  }
0x4: {  	[smem:$0x7FF] =	sst s3;
	s2 =	sand.u32 $0x1, s2;
	s6 =	smul.u32 $0x11800, s17  }
0x5: {  	s4 =	sadd.s32 $0x600, s0;
	s5 =	sadd.s32 $0x40000, s0;
	s0 =	sadd.s32 $0x4A800, s0  }
0x6: {  	_ =	strace $0x8000004A;
	s7 =	ssub.s32 $0x2, s2;
	s15 =	smul.u32 $0x118000, s2  }
0x7: {  	s2 =	sshll.u32 s2, $0x4;
	s8 =	sshrl.u32 s7, $0x1;
	s11 =	sadd.s32 $0x3800, s6  }
0x8: {  	s13 =	sadd.s32 $0x7000, s6;
	s14 =	sadd.s32 $0xA800, s6;
	s16 =	sadd.s32 $0xE000, s6  }
0x9: {  	s2 =	sor.u32 s17, s2;
	s12 =	ssub.s32 s7, s8;
	s7 =	sadd.s32 s6, s1  }
0xa: {  	s8 =	sadd.s32 s11, s1;
	s29 =	sadd.s32 s13, s1;
	s30 =	sadd.s32 s14, s1  }
0xb: {  	s31 =	sadd.s32 s16, s1;
	s6 =	sadd.s32 s6, s15;
	s18 =	sadd.s32 s15, s11  }
0xc: {  	v0 =	vimm.s32 $0xFEDCBA98;
	v1 =	vimm.s32 $0x76543210;
	s11 =	smul.u32 $0x2A00, s2;
	s21 =	sadd.s32 s15, s13;
	s22 =	sadd.s32 s15, s14  }
0xd: {  	v2 =	vimm.s32 $0xBA98FEDC;
	v3 =	vimm.s32 $0x32107654;
	v4 =	vimm.s32 $0xDCFE98BA;
	s23 =	sadd.s32 s15, s16;
	s6 =	sshrl.u32 s6, $0x3;
	s20 =	sshrl.u32 s18, $0x3  }
0xe: {  	v5 =	vimm.s32 $0x54761032;
	v6 =	vimm.s32 $0xEFCDAB89;
	v7 =	vimm.s32 $0x67452301;
	s25 =	sshrl.u32 s23, $0x3;
	s26 =	smax.u32 s12, $0x1;
	[dreg:$0x3] =	wrdreg s29  }
0xf: {  	v0 =	vunpack.c.l.s4.s8 v0;
	v1 =	vunpack.c.l.s4.s8 v1;
	v2 =	vunpack.c.l.s4.s8 v2;
	s18 =	simm.s32 $0xE80;
	s23 =	simm.s32 $0x40;
	[dreg:$0x4] =	wrdreg s30  }
0x10: {  	v3 =	vunpack.c.l.s4.s8 v3;
	v4 =	vunpack.c.l.s4.s8 v4;
	v5 =	vunpack.c.l.s4.s8 v5;
	[dreg:$0x5] =	wrdreg s31;
	s19 =	sadd.s32 s0, s6;
	s2 =	sadd.s32 s0, s20  }
0x11: {  	v6 =	vunpack.c.l.s4.s8 v6;
	v7 =	vunpack.c.l.s4.s8 v7;
	v0 =	vunpack.c.0.s8.s32 v0;
	s6 =	sshrl.u32 s22, $0x3;
	[dreg:$0xb] =	wrdreg s26;
	s20 =	simm.s32 $0x80  }
0x12: {  	v1 =	vunpack.c.0.s8.s32 v1;
	v2 =	vunpack.c.0.s8.s32 v2;
	v3 =	vunpack.c.0.s8.s32 v3;
	s22 =	simm.s32 $0x1;
	s26 =	simm.s32 $0xE40;
	[dreg:$0x6] =	wrdreg s19  }
0x13: {  	v4 =	vunpack.c.0.s8.s32 v4;
	v5 =	vunpack.c.0.s8.s32 v5;
	v0 =	vand.u32 $0xF, v0;
	[dreg:$0x7] =	wrdreg s2;
	s2 =	sshrl.u32 s21, $0x3;
	s24 =	sadd.s32 s0, s6  }
0x14: {  	v6 =	vunpack.c.0.s8.s32 v6;
	v7 =	vunpack.c.0.s8.s32 v7;
	v0 =	vcombine.low v0, v1;
	s19 =	simm.s32 $0x3;
	s2 =	sadd.s32 s0, s2;
	[dreg:$0x9] =	wrdreg s24  }
0x15: {  	vm0 =	vmmov $0xf;
	v1 =	vcombine.low v3, v2;
	v2 =	vcombine.low v5, v4;
	s21 =	simm.s32 $0x4680;
	s0 =	sadd.s32 s0, s25;
	[dreg:$0x8] =	wrdreg s2  }
0x16: {  	v3 =	vimm.f32 $0.0e+00;
	v4 =	vcombine.low v7, v6;
	v5 =	vlaneseq.u32;
	s24 =	simm.s32 $0xE00;
	s25 =	simm.s32 $0x2;
	[dreg:$0xa] =	wrdreg s0  }
.LBB2_1:
0x17: {  	s0 =	simm.s32 $0x0;
	s2 =	simm.s32 $0x1C0  }
.LBB2_2:
0x18: {  	p0 =	sne.s32 s2, $0xDE40;
	[tilespmem:s0+$0xEE0] =	vst v3  }
0x19: {  	[tilespmem:s0+$0xE80] =	vst v3  }
.Ltmp0:
0x1a: {  	[tilespmem:s0+$0xE90] =	vst v3;
	(pc) =	sbr.rel @p0 .LBB2_2-.Ltmp0, $4  }
0x1b: {  	[tilespmem:s0+$0xEA0] =	vst v3  }
0x1c: {  	[tilespmem:s0+$0xEB0] =	vst v3  }
0x1d: {  	[tilespmem:s0+$0xEC0] =	vst v3  }
0x1e: {  	[tilespmem:s0+$0xED0] =	vst v3;
	s0 =	sshra.s32 s2, $0x2;
	s2 =	sadd.s32 $0x1C0, s2  }
0x1f: {  	[tilespmem:s0+$0xEE0] =	vst v3  }
0x20: {  	[tilespmem:s0+$0xE80] =	vst v3  }
0x21: {  	[tilespmem:s0+$0xE90] =	vst v3  }
0x22: {  	[tilespmem:s0+$0xEA0] =	vst v3  }
0x23: {  	[tilespmem:s0+$0xEB0] =	vst v3  }
0x24: {  	[tilespmem:s0+$0xEC0] =	vst v3  }
0x25: {  	[tilespmem:s0+$0xED0] =	vst v3  }
0x26: {  	[spmem:s7] =	stream.linear.scatter [tilespmem:s18], [sflag:$0x3], $0x3800, $0x38;
	[tilespmem:$0x19680] =	vst v63  }
0x27: {  	_ =	swait.ge [sflag:s19], $0x3800  }
0x28: {  	[sflag:s19] =	ssyncset.done $0x0  }
0x29: {  	[sflag:s19] =	ssyncadd.s32 $0xFFFFC800  }
0x2a: {  	[spmem:s8] =	stream.linear.scatter [tilespmem:s18], [sflag:$0x3], $0x3800, $0x38;
	[tilespmem:$0x19680] =	vst v63  }
0x2b: {  	_ =	swait.ge [sflag:s19], $0x3800  }
0x2c: {  	[sflag:s19] =	ssyncset.done $0x0  }
0x2d: {  	[sflag:s19] =	ssyncadd.s32 $0xFFFFC800  }
0x2e: {  	[spmem:s29] =	stream.linear.scatter [tilespmem:s18], [sflag:$0x3], $0x3800, $0x38;
	[tilespmem:$0x19680] =	vst v63  }
0x2f: {  	_ =	swait.ge [sflag:s19], $0x3800  }
0x30: {  	[sflag:s19] =	ssyncset.done $0x0  }
0x31: {  	[sflag:s19] =	ssyncadd.s32 $0xFFFFC800  }
0x32: {  	[spmem:s30] =	stream.linear.scatter [tilespmem:s18], [sflag:$0x3], $0x3800, $0x38;
	[tilespmem:$0x19680] =	vst v63  }
0x33: {  	_ =	swait.ge [sflag:s19], $0x3800  }
0x34: {  	[sflag:s19] =	ssyncset.done $0x0  }
0x35: {  	[sflag:s19] =	ssyncadd.s32 $0xFFFFC800  }
0x36: {  	[spmem:s31] =	stream.linear.scatter [tilespmem:s18], [sflag:$0x3], $0x3800, $0x38;
	[tilespmem:$0x19680] =	vst v63  }
0x37: {  	_ =	swait.ge [sflag:s19], $0x3800  }
0x38: {  	[sflag:s19] =	ssyncset.done $0x0  }
0x39: {  	s9 =	smov.u32 s7;
	s10 =	smov.u32 s8;
	[sflag:s19] =	ssyncadd.s32 $0xFFFFC800  }
0x3a: {  	s29 =	simm.s32 $0x0;
	s30 =	simm.s32 $0x0;
	[bflag:$0x0] =	sbarrier.arrive $0xFFFF  }
.LBB2_4:
0x3b: {  	s0 =	smul.u32 $0xE00, s30;
	_ =	sdelay $0x1  }
0x3c: {  	s0 =	sadd.s32 s11, s0  }
0x3d: {  	s0 =	sshrl.u32 s0, $0x3  }
0x3e: {  	s0 =	sadd.s32 s5, s0  }
0x3f: {  	[tilespmem:s29], [sflag:$0x3] =	stream.linear.gather [hbm4b:s0+s29], $0xE00, $0x38;
	[tilespmem:$0x19680] =	vst v63  }
0x40: {  	_ =	swait.ge [sflag:s19], $0xE00  }
0x41: {  	[sflag:s19] =	ssyncset.done $0x0  }
0x42: {  	s31 =	simm.s32 $0x0;
	[sflag:s19] =	ssyncadd.s32 $0xFFFFF200  }
.LBB2_5:
0x43: {  	s0 =	sshll.u32 s31, $0x8  }
0x44: {  	s0 =	sand.u32 $0x3FFFFF00, s0  }
0x45: {  	[tilespmem:s18], [sflag:$0x1] =	stream.indirect.gather [hbm4b:s4+s20], $0x70, s0, s20, $0xb8;
	[tilespmem:$0x19680] =	vst v63  }
0x46: {  	s2 =	sor.u32 $0x80, s0  }
0x47: {  	[tilespmem:s21], [sflag:$0x2] =	stream.indirect.gather [hbm4b:s4+s20], $0x70, s2, s20, $0xb8;
	[tilespmem:$0x19680] =	vst v63  }
0x48: {  	_ =	swait.ge [sflag:s22], $0x3800  }
0x49: {  	[sflag:s22] =	ssyncset.done $0x0  }
0x4a: {  	[sflag:s22] =	ssyncadd.s32 $0xFFFFC800  }
0x4b: {  	v6 =	vld [tilespmem:s0+$0x40];
	_ =	sdelay $0x4  }
0x4c: {  	[tilespmem:$0xE00] =	vst v6  }
0x4d: {  	v6 =	vld [tilespmem:s0+$0x50];
	_ =	sdelay $0x4  }
0x4e: {  	[tilespmem:$0xE10] =	vst v6  }
0x4f: {  	v6 =	vld [tilespmem:s0+$0x60];
	_ =	sdelay $0x4  }
0x50: {  	[tilespmem:$0xE20] =	vst v6  }
0x51: {  	v6 =	vld [tilespmem:s0+$0x70];
	_ =	sdelay $0x4  }
0x52: {  	s12 =	simm.s32 $0x2AE0;
	s13 =	simm.s32 $0xEB0;
	s2 =	simm.s32 $0x0;
	[tilespmem:$0xE30] =	vst v6  }
.LBB2_6:
0x53: {  	v6 =	vld [tilespmem:s12+$0xFFFFE3B0]  }
0x54: {  	v7 =	vld [tilespmem:s12+$0xFFFFE3A0]  }
0x55: {  	v10 =	vld [tilespmem:s12+$0xFFFFE400]  }
0x56: {  	v13 =	vld [tilespmem:s12+$0x0]  }
0x57: {  	v8 =	vld [tilespmem:s12+$0xFFFFFFA0]  }
0x58: {  	v9 =	vld [tilespmem:s12+$0xFFFFFFB0]  }
0x59: {  	v11 =	vld [tilespmem:s12+$0xFFFFE3C0]  }
0x5a: {  	v12 =	vld [tilespmem:s12+$0xFFFFFFC0]  }
0x5b: {  	v15 =	vld [tilespmem:s12+$0xFFFFE3F0];
	v14 =	vmul.f32 v13, v10  }
0x5c: {  	v16 =	vld [tilespmem:s12+$0xFFFFFFD0];
	v7 =	vmul.f32 v8, v7  }
0x5d: {  	v8 =	vld [tilespmem:s12+$0xFFFFE3D0];
	v14 =	vnsel vm0, $0x0, v14  }
0x5e: {  	v6 =	vmul.f32 v9, v6;
	v9 =	vld [tilespmem:s12+$0xFFFFE3E0];
	v7 =	vadd.f32 v7, v14  }
0x5f: {  	s6 =	sadd.s32 $0x70, s12;
	v14 =	vld [tilespmem:s12+$0xFFFFFFE0]  }
0x60: {  	v17 =	vld [tilespmem:s6+$0xFFFFE3B0];
	v11 =	vmul.f32 v12, v11;
	v6 =	vadd.f32 v6, v7  }
0x61: {  	v12 =	vld [tilespmem:s12+$0xFFFFFFF0]  }
0x62: {  	v18 =	vld [tilespmem:s6+$0xFFFFE3A0];
	v6 =	vadd.f32 v11, v6;
	v11 =	vmul.f32 v16, v8  }
0x63: {  	v7 =	vld [tilespmem:s6+$0xFFFFE400]  }
0x64: {  	v8 =	vld [tilespmem:s6+$0x0];
	v9 =	vmul.f32 v14, v9;
	v6 =	vadd.f32 v11, v6  }
0x65: {  	v11 =	vld [tilespmem:s6+$0xFFFFFFA0]  }
0x66: {  	v20 =	vld [tilespmem:s6+$0xFFFFFFD0];
	v6 =	vadd.f32 v9, v6;
	v9 =	vmul.f32 v12, v15  }
0x67: {  	(v2sf) =	vpush v10, $0xE;
	v14 =	vld [tilespmem:s6+$0xFFFFFFB0]  }
0x68: {  	(v2sf) =	vpush v13, $0xD;
	v12 =	vld [tilespmem:s6+$0xFFFFE3C0];
	v6 =	vadd.f32 v9, v6  }
0x69: {  	s17 =	sadd.s32 $0x70, s6;
	v15 =	vld [tilespmem:s6+$0xFFFFFFC0];
	v16 =	vmul.f32 v8, v7  }
0x6a: {  	v10 =	vld [tilespmem:s17+$0xFFFFE3B0];
	v11 =	vmul.f32 v11, v18;
	v19 =	vperm.xlane v6, v0  }
0x6b: {  	v18 =	vld [tilespmem:s6+$0xFFFFE3D0];
	v16 =	vnsel vm0, $0x0, v16  }
0x6c: {  	v14 =	vmul.f32 v14, v17;
	v11 =	vadd.f32 v11, v16;
	v16 =	vld [tilespmem:s6+$0xFFFFE3E0];
	v6 =	vadd.f32 v6, v19  }
0x6d: {  	v19 =	vld [tilespmem:s6+$0xFFFFFFE0]  }
0x6e: {  	v9 =	vld [tilespmem:s6+$0xFFFFE3F0];
	v12 =	vmul.f32 v15, v12;
	v14 =	vadd.f32 v14, v11;
	v17 =	vperm.xlane v6, v1  }
0x6f: {  	v11 =	vld [tilespmem:s6+$0xFFFFFFF0]  }
0x70: {  	v13 =	vld [tilespmem:s17+$0x0];
	v18 =	vmul.f32 v20, v18;
	v21 =	vadd.f32 v12, v14;
	v12 =	vadd.f32 v6, v17  }
0x71: {  	s14 =	simm.s32 $0x1;
	v14 =	vld [tilespmem:s17+$0xFFFFE400];
	v6 =	vimm.f32 $0.0e+00  }
0x72: {  	s15 =	simm.s32 $0x2;
	s16 =	simm.s32 $0x0;
	v15 =	vld [tilespmem:s17+$0xFFFFE3A0];
	s6 =	simm.s32 $0x3;
	v17 =	vadd.f32 v18, v21;
	v18 =	vmul.f32 v19, v16;
	v16 =	vperm.xlane v12, v2  }
.LBB2_7:
0x73: {  	p0 =	sne.s32 s6, $0xF;
	v19 =	vld [tilespmem:s17+$0xFFFFFFA0]  }
0x74: {  	v9 =	vmul.f32 v11, v9;
	v20 =	vld [tilespmem:s17+$0xFFFFFFB0];
	v17 =	vadd.f32 v18, v17;
	v11 =	vadd.f32 v12, v16  }
0x75: {  	v12 =	vld [tilespmem:s17+$0xFFFFE3C0];
	(v2sf) =	vpush v7, $0xE  }
0x76: {  	v16 =	vld [tilespmem:s17+$0xFFFFFFC0];
	v17 =	vadd.f32 v9, v17;
	(v2sf) =	vpush v8, $0xD;
	v18 =	vperm.xlane v11, v4;
	s7 =	spop (v2sf);
	v7 =	vmovc v14  }
0x77: {  	v14 =	vmul.f32 v13, v7;
	v9 =	vld [tilespmem:s17+$0xFFFFE3F0];
	s8 =	spop (v2sf);
	v8 =	vmov v13  }
0x78: {  	v13 =	vmul.f32 v19, v15;
	v19 =	vld [tilespmem:s17+$0xFFFFE3D0];
	v15 =	vperm.xlane v17, v0;
	v11 =	vadd.f32 v11, v18;
	s7 =	smul.f32 s8, s7  }
0x79: {  	v14 =	vnsel vm0, $0x0, v14;
	v10 =	vmul.f32 v20, v10;
	v18 =	vld [tilespmem:s17+$0xFFFFFFD0];
	v20 =	vmov s16;
	s16 =	smov.u32 s14;
	s14 =	smov.u32 s15;
	s15 =	smov.u32 s6  }
0x7a: {  	v13 =	vadd.f32 v13, v14;
	v21 =	vld [tilespmem:s17+$0xFFFFE3E0];
	v14 =	vadd.f32 v17, v15;
	v15 =	vmul.f32 s7, v11  }
0x7b: {  	vm1 =	veq.s32 v20, v5;
	v12 =	vmul.f32 v16, v12;
	v16 =	vld [tilespmem:s17+$0xFFFFFFE0]  }
.Ltmp1:
0x7c: {  	v13 =	vadd.f32 v10, v13;
	v11 =	vld [tilespmem:s17+$0xFFFFFFF0];
	s17 =	sadd.s32 $0x70, s17;
	v17 =	vperm.xlane v14, v1;
	v6 =	vsel vm1, v15, v6;
	(pc) =	sbr.rel @p0 .LBB2_7-.Ltmp1, $4  }
0x7d: {  	v10 =	vld [tilespmem:s17+$0xFFFFE3B0]  }
0x7e: {  	v15 =	vld [tilespmem:s17+$0xFFFFE3A0];
	v20 =	vadd.f32 v12, v13;
	v18 =	vmul.f32 v18, v19;
	v12 =	vadd.f32 v14, v17  }
0x7f: {  	v14 =	vld [tilespmem:s17+$0xFFFFE400]  }
0x80: {  	s6 =	sadd.s32 $0x1, s6;
	v13 =	vld [tilespmem:s17+$0x0];
	v17 =	vadd.f32 v18, v20;
	v18 =	vmul.f32 v16, v21;
	v16 =	vperm.xlane v12, v2  }
0x81: {  	v19 =	vld [tilespmem:s17+$0xFFFFFFA0];
	_ =	sdelay $0x1  }
0x82: {  	v20 =	vld [tilespmem:s17+$0xFFFFFFB0]  }
0x83: {  	v21 =	vld [tilespmem:s17+$0xFFFFE3C0]  }
0x84: {  	v22 =	vld [tilespmem:s17+$0xFFFFFFC0];
	v23 =	vmul.f32 v13, v14  }
0x85: {  	v59 =	vld [tilespmem:s17+$0xFFFFE3D0];
	v15 =	vmul.f32 v19, v15  }
0x86: {  	v24 =	vld [tilespmem:s17+$0xFFFFFFD0];
	v23 =	vnsel vm0, $0x0, v23  }
0x87: {  	v60 =	vld [tilespmem:s17+$0xFFFFE3E0];
	v10 =	vmul.f32 v20, v10;
	v15 =	vadd.f32 v15, v23  }
0x88: {  	v61 =	vld [tilespmem:s17+$0xFFFFFFE0]  }
0x89: {  	v62 =	vld [tilespmem:s17+$0xFFFFE3F0];
	v21 =	vmul.f32 v22, v21;
	v10 =	vadd.f32 v10, v15  }
0x8a: {  	v15 =	vld [tilespmem:s17+$0xFFFFFFF0]  }
0x8b: {  	v19 =	vmul.f32 v24, v59;
	v10 =	vadd.f32 v21, v10;
	_ =	sdelay $0x1  }
0x8c: {  	v63 =	vmul.f32 v61, v60;
	v10 =	vadd.f32 v19, v10  }
0x8d: {  	v9 =	vmul.f32 v11, v9;
	(v2sf) =	vpush v7, $0xE;
	v17 =	vadd.f32 v18, v17  }
0x8e: {  	(v2sf) =	vpush v8, $0xD;
	v8 =	vmul.f32 v15, v62;
	v7 =	vadd.f32 v63, v10  }
0x8f: {  	v9 =	vadd.f32 v9, v17;
	(v2sf) =	vpush v14, $0xE  }
0x90: {  	(v2sf) =	vpush v13, $0xD;
	v7 =	vadd.f32 v8, v7  }
0x91: {  	v8 =	vperm.xlane v9, v0  }
0x92: {  	v10 =	vperm.xlane v7, v0  }
0x93: {  	v8 =	vadd.f32 v9, v8  }
0x94: {  	v7 =	vadd.f32 v7, v10  }
0x95: {  	v9 =	vperm.xlane v8, v1  }
0x96: {  	v10 =	vperm.xlane v7, v1  }
0x97: {  	v8 =	vadd.f32 v8, v9  }
0x98: {  	v7 =	vadd.f32 v7, v10  }
0x99: {  	v9 =	vadd.f32 v12, v16;
	v10 =	vperm.xlane v8, v2  }
0x9a: {  	s6 =	spop (v2sf);
	v11 =	vperm.xlane v7, v2  }
0x9b: {  	s7 =	spop (v2sf);
	v12 =	vperm.xlane v9, v4;
	v8 =	vadd.f32 v8, v10  }
0x9c: {  	s8 =	spop (v2sf);
	v7 =	vadd.f32 v7, v11  }
0x9d: {  	s6 =	smul.f32 s7, s6;
	s7 =	spop (v2sf);
	v9 =	vadd.f32 v9, v12;
	v10 =	vperm.xlane v8, v4  }
0x9e: {  	s17 =	spop (v2sf);
	v11 =	vperm.xlane v7, v4  }
0x9f: {  	s8 =	smul.f32 s7, s8;
	v12 =	vmov s16;
	s16 =	spop (v2sf);
	v9 =	vmul.f32 s6, v9;
	v8 =	vadd.f32 v8, v10  }
0xa0: {  	vm1 =	veq.s32 v12, v5;
	s7 =	smul.f32 s16, s17;
	v7 =	vadd.f32 v7, v11  }
0xa1: {  	v6 =	vsel vm1, v9, v6;
	v9 =	vmov s14;
	v8 =	vmul.f32 s8, v8  }
0xa2: {  	vm1 =	veq.s32 v9, v5;
	v9 =	vmov s15;
	v7 =	vmul.f32 s7, v7  }
0xa3: {  	v6 =	vsel vm1, v8, v6;
	vm1 =	veq.s32 v9, v5  }
0xa4: {  	v6 =	vsel vm1, v7, v6  }
0xa5: {  	v6 =	vmul.f32 $1.442695020e+00, v6;
	_ =	sdelay $0x1  }
0xa6: {  	(erf) = vpow2.f32 v6;
	_ =	sdelay $0x6  }
0xa7: {  	v8 =	vld [tilespmem:s13+$0xFFFFFFD0]  }
0xa8: {  	s17 =	simm.s32 $0x0;
	v9 =	vld [tilespmem:s13+$0xFFFFFFE0]  }
0xa9: {  	v12 =	vld [tilespmem:s13+$0x0];
	v6 =	vmov s17;
	v7 =	vpop (erf)  }
0xaa: {  	v10 =	vld [tilespmem:s13+$0x10];
	v6 =	vperm.xlane v7, v6  }
0xab: {  	v11 =	vld [tilespmem:s13+$0x20]  }
0xac: {  	s6 =	smov.u32 s13;
	s14 =	smov.u32 s13;
	s15 =	simm.s32 $0x1;
	v13 =	vmul.f32 v8, v6;
	v8 =	vld [tilespmem:s13+$0x30]  }
.LBB2_9:
0xad: {  	p0 =	sne.s32 s15, $0xF;
	v9 =	vmul.f32 v9, v6;
	v14 =	vld [tilespmem:s14+$0xFFFFFFF0]  }
0xae: {  	s14 =	sadd.s32 $0x70, s14;
	[tilespmem:s6+$0xFFFFFFD0] =	vst v13;
	v12 =	vmul.f32 v12, v6  }
0xaf: {  	v13 =	vld [tilespmem:s14+$0xFFFFFFD0];
	[tilespmem:s6+$0xFFFFFFE0] =	vst v9;
	v10 =	vmul.f32 v10, v6  }
.Ltmp2:
0xb0: {  	v9 =	vld [tilespmem:s14+$0xFFFFFFE0];
	[tilespmem:s6+$0x0] =	vst v12;
	v11 =	vmul.f32 v11, v6;
	(pc) =	sbr.rel @p0 .LBB2_9-.Ltmp2, $4  }
0xb1: {  	v15 =	vmov s15;
	v12 =	vld [tilespmem:s14+$0x0];
	[tilespmem:s6+$0x10] =	vst v10;
	v8 =	vmul.f32 v8, v6  }
0xb2: {  	v10 =	vld [tilespmem:s14+$0x10];
	v14 =	vmul.f32 v14, v6;
	v6 =	vperm.xlane v7, v15;
	[tilespmem:s6+$0x20] =	vst v11  }
0xb3: {  	v11 =	vld [tilespmem:s14+$0x20];
	[tilespmem:s6+$0x30] =	vst v8  }
0xb4: {  	s15 =	sadd.s32 $0x1, s15;
	v13 =	vmul.f32 v13, v6;
	v8 =	vld [tilespmem:s14+$0x30];
	[tilespmem:s6+$0xFFFFFFF0] =	vst v14;
	s6 =	smov.u32 s14  }
0xb5: {  	v7 =	vmul.f32 v9, v6;
	v62 =	vld [tilespmem:s14+$0xFFFFFFF0]  }
0xb6: {  	s2 =	sadd.s32 $0x1, s2;
	[tilespmem:s6+$0xFFFFFFD0] =	vst v13;
	v12 =	vmul.f32 v12, v6  }
0xb7: {  	p0 =	sne.s32 s2, $0x4;
	[tilespmem:s6+$0xFFFFFFE0] =	vst v7;
	v7 =	vmul.f32 v10, v6  }
.Ltmp3:
0xb8: {  	[tilespmem:s6+$0x0] =	vst v12;
	v63 =	vmul.f32 v11, v6;
	(pc) =	sbr.rel @p0 .LBB2_6-.Ltmp3, $4  }
0xb9: {  	[tilespmem:s6+$0x10] =	vst v7;
	v7 =	vmul.f32 v8, v6  }
0xba: {  	v6 =	vmul.f32 v62, v6;
	[tilespmem:s6+$0x20] =	vst v63  }
0xbb: {  	[tilespmem:s6+$0x30] =	vst v7  }
0xbc: {  	s12 =	sadd.s32 $0x700, s12;
	s13 =	sadd.s32 $0x700, s13;
	[tilespmem:s6+$0xFFFFFFF0] =	vst v6  }
0xbd: {  	[spmem:s1] =	stream.indirect.scatter.add.f32 [tilespmem:s18], [sflag:$0x3], $0x70, s24, s23, $0xb8;
	[tilespmem:$0x19680] =	vst v63  }
0xbe: {  	_ =	swait.ge [sflag:s19], $0x1C00  }
0xbf: {  	[sflag:s19] =	ssyncset.done $0x0  }
0xc0: {  	[sflag:s19] =	ssyncadd.s32 $0xFFFFE400  }
0xc1: {  	_ =	swait.ge [sflag:s25], $0x3800  }
0xc2: {  	[sflag:s25] =	ssyncset.done $0x0  }
0xc3: {  	[sflag:s25] =	ssyncadd.s32 $0xFFFFC800  }
0xc4: {  	v6 =	vld [tilespmem:s0+$0xC0];
	_ =	sdelay $0x4  }
0xc5: {  	[tilespmem:$0xE40] =	vst v6  }
0xc6: {  	v6 =	vld [tilespmem:s0+$0xD0];
	_ =	sdelay $0x4  }
0xc7: {  	[tilespmem:$0xE50] =	vst v6  }
0xc8: {  	v6 =	vld [tilespmem:s0+$0xE0];
	_ =	sdelay $0x4  }
0xc9: {  	[tilespmem:$0xE60] =	vst v6  }
0xca: {  	v6 =	vld [tilespmem:s0+$0xF0];
	_ =	sdelay $0x4  }
0xcb: {  	s2 =	simm.s32 $0x62E0;
	s12 =	simm.s32 $0x46B0;
	s0 =	simm.s32 $0x0;
	[tilespmem:$0xE70] =	vst v6  }
.LBB2_12:
0xcc: {  	v6 =	vld [tilespmem:s2+$0xFFFFE3B0]  }
0xcd: {  	v7 =	vld [tilespmem:s2+$0xFFFFE3A0]  }
0xce: {  	v10 =	vld [tilespmem:s2+$0xFFFFE400]  }
0xcf: {  	v13 =	vld [tilespmem:s2+$0x0]  }
0xd0: {  	v8 =	vld [tilespmem:s2+$0xFFFFFFA0]  }
0xd1: {  	v9 =	vld [tilespmem:s2+$0xFFFFFFB0]  }
0xd2: {  	v11 =	vld [tilespmem:s2+$0xFFFFE3C0]  }
0xd3: {  	v12 =	vld [tilespmem:s2+$0xFFFFFFC0]  }
0xd4: {  	v15 =	vld [tilespmem:s2+$0xFFFFE3F0];
	v14 =	vmul.f32 v13, v10  }
0xd5: {  	v16 =	vld [tilespmem:s2+$0xFFFFFFD0];
	v7 =	vmul.f32 v8, v7  }
0xd6: {  	v8 =	vld [tilespmem:s2+$0xFFFFE3D0];
	v14 =	vnsel vm0, $0x0, v14  }
0xd7: {  	v6 =	vmul.f32 v9, v6;
	v9 =	vld [tilespmem:s2+$0xFFFFE3E0];
	v7 =	vadd.f32 v7, v14  }
0xd8: {  	s6 =	sadd.s32 $0x70, s2;
	v14 =	vld [tilespmem:s2+$0xFFFFFFE0]  }
0xd9: {  	v17 =	vld [tilespmem:s6+$0xFFFFE3B0];
	v11 =	vmul.f32 v12, v11;
	v6 =	vadd.f32 v6, v7  }
0xda: {  	v12 =	vld [tilespmem:s2+$0xFFFFFFF0]  }
0xdb: {  	v18 =	vld [tilespmem:s6+$0xFFFFE3A0];
	v6 =	vadd.f32 v11, v6;
	v11 =	vmul.f32 v16, v8  }
0xdc: {  	v7 =	vld [tilespmem:s6+$0xFFFFE400]  }
0xdd: {  	v8 =	vld [tilespmem:s6+$0x0];
	v9 =	vmul.f32 v14, v9;
	v6 =	vadd.f32 v11, v6  }
0xde: {  	v11 =	vld [tilespmem:s6+$0xFFFFFFA0]  }
0xdf: {  	v20 =	vld [tilespmem:s6+$0xFFFFFFD0];
	v6 =	vadd.f32 v9, v6;
	v9 =	vmul.f32 v12, v15  }
0xe0: {  	(v2sf) =	vpush v10, $0xE;
	v14 =	vld [tilespmem:s6+$0xFFFFFFB0]  }
0xe1: {  	(v2sf) =	vpush v13, $0xD;
	v12 =	vld [tilespmem:s6+$0xFFFFE3C0];
	v6 =	vadd.f32 v9, v6  }
0xe2: {  	s16 =	sadd.s32 $0x70, s6;
	v15 =	vld [tilespmem:s6+$0xFFFFFFC0];
	v16 =	vmul.f32 v8, v7  }
0xe3: {  	v10 =	vld [tilespmem:s16+$0xFFFFE3B0];
	v11 =	vmul.f32 v11, v18;
	v19 =	vperm.xlane v6, v0  }
0xe4: {  	v18 =	vld [tilespmem:s6+$0xFFFFE3D0];
	v16 =	vnsel vm0, $0x0, v16  }
0xe5: {  	v14 =	vmul.f32 v14, v17;
	v11 =	vadd.f32 v11, v16;
	v16 =	vld [tilespmem:s6+$0xFFFFE3E0];
	v6 =	vadd.f32 v6, v19  }
0xe6: {  	v19 =	vld [tilespmem:s6+$0xFFFFFFE0]  }
0xe7: {  	v9 =	vld [tilespmem:s6+$0xFFFFE3F0];
	v12 =	vmul.f32 v15, v12;
	v14 =	vadd.f32 v14, v11;
	v17 =	vperm.xlane v6, v1  }
0xe8: {  	v11 =	vld [tilespmem:s6+$0xFFFFFFF0]  }
0xe9: {  	v13 =	vld [tilespmem:s16+$0x0];
	v18 =	vmul.f32 v20, v18;
	v21 =	vadd.f32 v12, v14;
	v12 =	vadd.f32 v6, v17  }
0xea: {  	s13 =	simm.s32 $0x1;
	v14 =	vld [tilespmem:s16+$0xFFFFE400];
	v6 =	vimm.f32 $0.0e+00  }
0xeb: {  	s14 =	simm.s32 $0x2;
	s15 =	simm.s32 $0x0;
	v15 =	vld [tilespmem:s16+$0xFFFFE3A0];
	s6 =	simm.s32 $0x3;
	v17 =	vadd.f32 v18, v21;
	v18 =	vmul.f32 v19, v16;
	v16 =	vperm.xlane v12, v2  }
.LBB2_13:
0xec: {  	p0 =	sne.s32 s6, $0xF;
	v19 =	vld [tilespmem:s16+$0xFFFFFFA0]  }
0xed: {  	v9 =	vmul.f32 v11, v9;
	v20 =	vld [tilespmem:s16+$0xFFFFFFB0];
	v17 =	vadd.f32 v18, v17;
	v11 =	vadd.f32 v12, v16  }
0xee: {  	v12 =	vld [tilespmem:s16+$0xFFFFE3C0];
	(v2sf) =	vpush v7, $0xE  }
0xef: {  	v16 =	vld [tilespmem:s16+$0xFFFFFFC0];
	v17 =	vadd.f32 v9, v17;
	(v2sf) =	vpush v8, $0xD;
	v18 =	vperm.xlane v11, v4;
	s7 =	spop (v2sf);
	v7 =	vmovc v14  }
0xf0: {  	v14 =	vmul.f32 v13, v7;
	v9 =	vld [tilespmem:s16+$0xFFFFE3F0];
	s8 =	spop (v2sf);
	v8 =	vmov v13  }
0xf1: {  	v13 =	vmul.f32 v19, v15;
	v19 =	vld [tilespmem:s16+$0xFFFFE3D0];
	v15 =	vperm.xlane v17, v0;
	v11 =	vadd.f32 v11, v18;
	s7 =	smul.f32 s8, s7  }
0xf2: {  	v14 =	vnsel vm0, $0x0, v14;
	v10 =	vmul.f32 v20, v10;
	v18 =	vld [tilespmem:s16+$0xFFFFFFD0];
	v20 =	vmov s15;
	s15 =	smov.u32 s13;
	s13 =	smov.u32 s14;
	s14 =	smov.u32 s6  }
0xf3: {  	v13 =	vadd.f32 v13, v14;
	v21 =	vld [tilespmem:s16+$0xFFFFE3E0];
	v14 =	vadd.f32 v17, v15;
	v15 =	vmul.f32 s7, v11  }
0xf4: {  	vm1 =	veq.s32 v20, v5;
	v12 =	vmul.f32 v16, v12;
	v16 =	vld [tilespmem:s16+$0xFFFFFFE0]  }
.Ltmp4:
0xf5: {  	v13 =	vadd.f32 v10, v13;
	v11 =	vld [tilespmem:s16+$0xFFFFFFF0];
	s16 =	sadd.s32 $0x70, s16;
	v17 =	vperm.xlane v14, v1;
	v6 =	vsel vm1, v15, v6;
	(pc) =	sbr.rel @p0 .LBB2_13-.Ltmp4, $4  }
0xf6: {  	v10 =	vld [tilespmem:s16+$0xFFFFE3B0]  }
0xf7: {  	v15 =	vld [tilespmem:s16+$0xFFFFE3A0];
	v20 =	vadd.f32 v12, v13;
	v18 =	vmul.f32 v18, v19;
	v12 =	vadd.f32 v14, v17  }
0xf8: {  	v14 =	vld [tilespmem:s16+$0xFFFFE400]  }
0xf9: {  	s6 =	sadd.s32 $0x1, s6;
	v13 =	vld [tilespmem:s16+$0x0];
	v17 =	vadd.f32 v18, v20;
	v18 =	vmul.f32 v16, v21;
	v16 =	vperm.xlane v12, v2  }
0xfa: {  	v19 =	vld [tilespmem:s16+$0xFFFFFFA0];
	_ =	sdelay $0x1  }
0xfb: {  	v20 =	vld [tilespmem:s16+$0xFFFFFFB0]  }
0xfc: {  	v21 =	vld [tilespmem:s16+$0xFFFFE3C0]  }
0xfd: {  	v22 =	vld [tilespmem:s16+$0xFFFFFFC0];
	v23 =	vmul.f32 v13, v14  }
0xfe: {  	v59 =	vld [tilespmem:s16+$0xFFFFE3D0];
	v15 =	vmul.f32 v19, v15  }
0xff: {  	v24 =	vld [tilespmem:s16+$0xFFFFFFD0];
	v23 =	vnsel vm0, $0x0, v23  }
0x100: {  	v60 =	vld [tilespmem:s16+$0xFFFFE3E0];
	v10 =	vmul.f32 v20, v10;
	v15 =	vadd.f32 v15, v23  }
0x101: {  	v61 =	vld [tilespmem:s16+$0xFFFFFFE0]  }
0x102: {  	v62 =	vld [tilespmem:s16+$0xFFFFE3F0];
	v21 =	vmul.f32 v22, v21;
	v10 =	vadd.f32 v10, v15  }
0x103: {  	v15 =	vld [tilespmem:s16+$0xFFFFFFF0]  }
0x104: {  	v19 =	vmul.f32 v24, v59;
	v10 =	vadd.f32 v21, v10;
	_ =	sdelay $0x1  }
0x105: {  	v63 =	vmul.f32 v61, v60;
	v10 =	vadd.f32 v19, v10  }
0x106: {  	v9 =	vmul.f32 v11, v9;
	(v2sf) =	vpush v7, $0xE;
	v17 =	vadd.f32 v18, v17  }
0x107: {  	(v2sf) =	vpush v8, $0xD;
	v8 =	vmul.f32 v15, v62;
	v7 =	vadd.f32 v63, v10  }
0x108: {  	v9 =	vadd.f32 v9, v17;
	(v2sf) =	vpush v14, $0xE  }
0x109: {  	(v2sf) =	vpush v13, $0xD;
	v7 =	vadd.f32 v8, v7  }
0x10a: {  	v8 =	vperm.xlane v9, v0  }
0x10b: {  	v10 =	vperm.xlane v7, v0  }
0x10c: {  	v8 =	vadd.f32 v9, v8  }
0x10d: {  	v7 =	vadd.f32 v7, v10  }
0x10e: {  	v9 =	vperm.xlane v8, v1  }
0x10f: {  	v10 =	vperm.xlane v7, v1  }
0x110: {  	v8 =	vadd.f32 v8, v9  }
0x111: {  	v7 =	vadd.f32 v7, v10  }
0x112: {  	v9 =	vadd.f32 v12, v16;
	v10 =	vperm.xlane v8, v2  }
0x113: {  	s6 =	spop (v2sf);
	v11 =	vperm.xlane v7, v2  }
0x114: {  	s7 =	spop (v2sf);
	v12 =	vperm.xlane v9, v4;
	v8 =	vadd.f32 v8, v10  }
0x115: {  	s8 =	spop (v2sf);
	v7 =	vadd.f32 v7, v11  }
0x116: {  	s6 =	smul.f32 s7, s6;
	s16 =	spop (v2sf);
	v9 =	vadd.f32 v9, v12;
	v10 =	vperm.xlane v8, v4  }
0x117: {  	s17 =	spop (v2sf);
	v11 =	vperm.xlane v7, v4  }
0x118: {  	s8 =	smul.f32 s16, s8;
	v12 =	vmov s15;
	s15 =	spop (v2sf);
	v9 =	vmul.f32 s6, v9;
	v8 =	vadd.f32 v8, v10  }
0x119: {  	vm1 =	veq.s32 v12, v5;
	s7 =	smul.f32 s15, s17;
	v7 =	vadd.f32 v7, v11  }
0x11a: {  	v6 =	vsel vm1, v9, v6;
	v9 =	vmov s13;
	v8 =	vmul.f32 s8, v8  }
0x11b: {  	vm1 =	veq.s32 v9, v5;
	v9 =	vmov s14;
	v7 =	vmul.f32 s7, v7  }
0x11c: {  	v6 =	vsel vm1, v8, v6;
	vm1 =	veq.s32 v9, v5  }
0x11d: {  	v6 =	vsel vm1, v7, v6  }
0x11e: {  	v6 =	vmul.f32 $1.442695020e+00, v6;
	_ =	sdelay $0x1  }
0x11f: {  	(erf) = vpow2.f32 v6;
	_ =	sdelay $0x6  }
0x120: {  	v8 =	vld [tilespmem:s12+$0xFFFFFFD0]  }
0x121: {  	s17 =	simm.s32 $0x0;
	v9 =	vld [tilespmem:s12+$0xFFFFFFE0]  }
0x122: {  	v12 =	vld [tilespmem:s12+$0x0];
	v6 =	vmov s17;
	v7 =	vpop (erf)  }
0x123: {  	v10 =	vld [tilespmem:s12+$0x10];
	v6 =	vperm.xlane v7, v6  }
0x124: {  	v11 =	vld [tilespmem:s12+$0x20]  }
0x125: {  	s6 =	smov.u32 s12;
	s13 =	smov.u32 s12;
	s14 =	simm.s32 $0x1;
	v13 =	vmul.f32 v8, v6;
	v8 =	vld [tilespmem:s12+$0x30]  }
.LBB2_15:
0x126: {  	p0 =	sne.s32 s14, $0xF;
	v9 =	vmul.f32 v9, v6;
	v14 =	vld [tilespmem:s13+$0xFFFFFFF0]  }
0x127: {  	s13 =	sadd.s32 $0x70, s13;
	[tilespmem:s6+$0xFFFFFFD0] =	vst v13;
	v12 =	vmul.f32 v12, v6  }
0x128: {  	v13 =	vld [tilespmem:s13+$0xFFFFFFD0];
	[tilespmem:s6+$0xFFFFFFE0] =	vst v9;
	v10 =	vmul.f32 v10, v6  }
.Ltmp5:
0x129: {  	v9 =	vld [tilespmem:s13+$0xFFFFFFE0];
	[tilespmem:s6+$0x0] =	vst v12;
	v11 =	vmul.f32 v11, v6;
	(pc) =	sbr.rel @p0 .LBB2_15-.Ltmp5, $4  }
0x12a: {  	v15 =	vmov s14;
	v12 =	vld [tilespmem:s13+$0x0];
	[tilespmem:s6+$0x10] =	vst v10;
	v8 =	vmul.f32 v8, v6  }
0x12b: {  	v10 =	vld [tilespmem:s13+$0x10];
	v14 =	vmul.f32 v14, v6;
	v6 =	vperm.xlane v7, v15;
	[tilespmem:s6+$0x20] =	vst v11  }
0x12c: {  	v11 =	vld [tilespmem:s13+$0x20];
	[tilespmem:s6+$0x30] =	vst v8  }
0x12d: {  	s14 =	sadd.s32 $0x1, s14;
	v13 =	vmul.f32 v13, v6;
	v8 =	vld [tilespmem:s13+$0x30];
	[tilespmem:s6+$0xFFFFFFF0] =	vst v14;
	s6 =	smov.u32 s13  }
0x12e: {  	v7 =	vmul.f32 v9, v6;
	v62 =	vld [tilespmem:s13+$0xFFFFFFF0]  }
0x12f: {  	s0 =	sadd.s32 $0x1, s0;
	[tilespmem:s6+$0xFFFFFFD0] =	vst v13;
	v12 =	vmul.f32 v12, v6  }
0x130: {  	p0 =	sne.s32 s0, $0x4;
	[tilespmem:s6+$0xFFFFFFE0] =	vst v7;
	v7 =	vmul.f32 v10, v6  }
.Ltmp6:
0x131: {  	[tilespmem:s6+$0x0] =	vst v12;
	v63 =	vmul.f32 v11, v6;
	(pc) =	sbr.rel @p0 .LBB2_12-.Ltmp6, $4  }
0x132: {  	[tilespmem:s6+$0x10] =	vst v7;
	v7 =	vmul.f32 v8, v6  }
0x133: {  	v6 =	vmul.f32 v62, v6;
	[tilespmem:s6+$0x20] =	vst v63  }
0x134: {  	[tilespmem:s6+$0x30] =	vst v7  }
0x135: {  	s2 =	sadd.s32 $0x700, s2;
	s12 =	sadd.s32 $0x700, s12;
	[tilespmem:s6+$0xFFFFFFF0] =	vst v6  }
0x136: {  	s31 =	sadd.s32 $0x1, s31  }
0x137: {  	p0 =	sne.s32 s31, $0xE  }
.Ltmp7:
0x138: {  	_ = 	snop;
	(pc) =	sbr.rel @p0 .LBB2_5-.Ltmp7, $4  }
0x139: {  	[spmem:s1] =	stream.indirect.scatter.add.f32 [tilespmem:s21], [sflag:$0x3], $0x70, s26, s23, $0xb8;
	[tilespmem:$0x19680] =	vst v63  }
0x13a: {  	_ =	swait.ge [sflag:s19], $0x1C00  }
0x13b: {  	[sflag:s19] =	ssyncset.done $0x0  }
0x13c: {  	[sflag:s19] =	ssyncadd.s32 $0xFFFFE400  }
0x13d: {  	s30 =	sadd.s32 $0x1, s30  }
0x13e: {  	p0 =	sne.s32 s30, $0x3  }
.Ltmp8:
0x13f: {  	_ = 	snop;
	(pc) =	sbr.rel @p0 .LBB2_4-.Ltmp8, $1  }
0x140: {  	_ =	sdelay $0x3  }
0x141: {  	[bflag:$0x0] =	sbarrier.arrive $0xFFFF  }
0x142: {  	[tilespmem:s18], [sflag:$0x3] =	stream.linear.gather [spmem:s9], $0x3800, $0x38;
	[tilespmem:$0x19680] =	vst v63  }
0x143: {  	_ =	swait.ge [sflag:s19], $0x3800  }
0x144: {  	[sflag:s19] =	ssyncset.done $0x0  }
0x145: {  	s0 =	rddreg [dreg:$0x6];
	[sflag:s19] =	ssyncadd.s32 $0xFFFFC800  }
0x146: {  	[hbm4b:s0+s3] =	stream.linear.scatter [tilespmem:s18], [sflag:$0x3], $0x3800, $0x38;
	[tilespmem:$0x19680] =	vst v63  }
0x147: {  	_ =	swait.ge [sflag:s19], $0x3800  }
0x148: {  	[sflag:s19] =	ssyncset.done $0x0  }
0x149: {  	[sflag:s19] =	ssyncadd.s32 $0xFFFFC800  }
0x14a: {  	[tilespmem:s18], [sflag:$0x3] =	stream.linear.gather [spmem:s10], $0x3800, $0x38;
	[tilespmem:$0x19680] =	vst v63  }
0x14b: {  	_ =	swait.ge [sflag:s19], $0x3800  }
0x14c: {  	[sflag:s19] =	ssyncset.done $0x0  }
0x14d: {  	s13 =	rddreg [dreg:$0x7];
	[sflag:s19] =	ssyncadd.s32 $0xFFFFC800  }
0x14e: {  	[hbm4b:s13+s3] =	stream.linear.scatter [tilespmem:s18], [sflag:$0x3], $0x3800, $0x38;
	[tilespmem:$0x19680] =	vst v63  }
0x14f: {  	_ =	swait.ge [sflag:s19], $0x3800  }
0x150: {  	[sflag:s19] =	ssyncset.done $0x0  }
0x151: {  	s29 =	rddreg [dreg:$0x3];
	[sflag:s19] =	ssyncadd.s32 $0xFFFFC800  }
0x152: {  	[tilespmem:s18], [sflag:$0x3] =	stream.linear.gather [spmem:s29], $0x3800, $0x38;
	[tilespmem:$0x19680] =	vst v63  }
0x153: {  	_ =	swait.ge [sflag:s19], $0x3800  }
0x154: {  	[sflag:s19] =	ssyncset.done $0x0  }
0x155: {  	s14 =	rddreg [dreg:$0x8];
	[sflag:s19] =	ssyncadd.s32 $0xFFFFC800  }
0x156: {  	[hbm4b:s14+s3] =	stream.linear.scatter [tilespmem:s18], [sflag:$0x3], $0x3800, $0x38;
	[tilespmem:$0x19680] =	vst v63  }
0x157: {  	_ =	swait.ge [sflag:s19], $0x3800  }
0x158: {  	[sflag:s19] =	ssyncset.done $0x0  }
0x159: {  	s30 =	rddreg [dreg:$0x4];
	[sflag:s19] =	ssyncadd.s32 $0xFFFFC800  }
0x15a: {  	[tilespmem:s18], [sflag:$0x3] =	stream.linear.gather [spmem:s30], $0x3800, $0x38;
	[tilespmem:$0x19680] =	vst v63  }
0x15b: {  	_ =	swait.ge [sflag:s19], $0x3800  }
0x15c: {  	[sflag:s19] =	ssyncset.done $0x0  }
0x15d: {  	s15 =	rddreg [dreg:$0x9];
	[sflag:s19] =	ssyncadd.s32 $0xFFFFC800  }
0x15e: {  	[hbm4b:s15+s3] =	stream.linear.scatter [tilespmem:s18], [sflag:$0x3], $0x3800, $0x38;
	[tilespmem:$0x19680] =	vst v63  }
0x15f: {  	_ =	swait.ge [sflag:s19], $0x3800  }
0x160: {  	[sflag:s19] =	ssyncset.done $0x0  }
0x161: {  	s31 =	rddreg [dreg:$0x5];
	[sflag:s19] =	ssyncadd.s32 $0xFFFFC800  }
0x162: {  	[tilespmem:s18], [sflag:$0x3] =	stream.linear.gather [spmem:s31], $0x3800, $0x38;
	[tilespmem:$0x19680] =	vst v63  }
0x163: {  	_ =	swait.ge [sflag:s19], $0x3800  }
0x164: {  	[sflag:s19] =	ssyncset.done $0x0  }
0x165: {  	s16 =	rddreg [dreg:$0xa];
	[sflag:s19] =	ssyncadd.s32 $0xFFFFC800  }
0x166: {  	[hbm4b:s16+s3] =	stream.linear.scatter [tilespmem:s18], [sflag:$0x3], $0x3800, $0x38;
	[tilespmem:$0x19680] =	vst v63  }
0x167: {  	_ =	swait.ge [sflag:s19], $0x3800  }
0x168: {  	s28 =	sadd.s32 $0x1, s28;
	s17 =	rddreg [dreg:$0xb]  }
0x169: {  	p0 =	sne.s32 s28, s17  }
.Ltmp9:
0x16a: {  	_ = 	snop;
	(pc) =	sbr.rel @p0 .LBB2_1-.Ltmp9, $3  }
0x16b: {  	_ =	sdelay $0x1  }
0x16c: {  	[sflag:s19] =	ssyncset.done $0x0  }
0x16d: {  	s7 =	smov.u32 s9;
	s8 =	smov.u32 s10;
	[sflag:s19] =	ssyncadd.s32 $0xFFFFC800  }
0x16e: {  	_ =	sfence.sel $0x180000  }
0x16f: {  	[bflag:$0x0] =	sbarrier.arrive $0xFFFF  }
0x170: {  	_ =	strace $0x9000004A  }
0x171: {  	s0 =	stileid.u32;
	[bflag:$0x2] =	sbarrier.arrive $0xFFFF  }
0x172: {  	p0 =	sne.s32 s0, $0x0;
	s0 =	rddreg [dreg:$0x2]  }
0x173: {  	s0 =	sadd.s32 @!p0 $0x100000, s0  }
0x174: {  	[sflag:s0] =	ssyncadd.tile.s32 @!p0 $0x1;
	_ =	shalt  }
.Lfunc_end2:
_tile_overlayer_lowered:
.L_overlay_start_2:
0x175: {  	(tag) =	ssettag $0x2  }
0x176: {  	s0 =	rddreg [dreg:$0x0];
	s2 =	stileid.u32  }
0x177: {  	s1 =	rddreg [dreg:$0x1];
	p0 =	sne.s32 s2, $0x0  }
0x178: {  	s3 =	rddreg [dreg:$0x2];
	[bflag:$0x3] =	sbarrier.arrive $0xFFFF;
	s2 =	simm.s32 @!p0 $0x1C03  }
0x179: {  	[timem:s3], [sflag:s2] =	dma.local @!p0 [hbm:s0], s1  }
0x17a: {  	s0 =	simm.s32 @!p0 $0x3  }
0x17b: {  	_ =	swait.ge @!p0 [sflag:s0], s1  }
0x17c: {  	s1 =	ssub.s32 @!p0 $0x0, s1;
	[sflag:s0] =	ssyncset.done @!p0 $0x0  }
0x17d: {  	[sflag:s0] =	ssyncadd.s32 @!p0 s1  }
0x17e: {  	[bflag:$0x3] =	sbarrier.arrive $0xFFFF  }
0x17f: {  	_ =	shalt  }

// kernel: kernel.15.cloned.1.call-start
scs
__scs_entry_jumppad:
0x0: {  	(pc) =	sbr.rel $0x88, $3  }
0x1: {  	(tag) =	ssettag $0x0;
	lr =	simm.s32 $0x1  }
0x2: {  	[smem:$0x3F99] =	sst lr;
	_ =	strace $0xD0000000  }
0x3: {  	_ = 	snop  }
0x4: {  	_ = 	snop  }
0x5: {  	_ = 	snop  }
0x6: {  	_ = 	snop  }
0x7: {  	_ = 	snop  }
__scs_overlays_trampoline_lowered:
0x8: {  	[smem:$0x3FA8] =	sst s0  }
0x9: {  	[smem:$0x3FA9] =	sst s1  }
0xa: {  	[smem:$0x3FAA] =	sst s2  }
0xb: {  	[smem:$0x3FAB] =	sst s3  }
0xc: {  	[smem:$0x3FAC] =	sst s4  }
0xd: {  	[smem:$0x3FAD] =	sst s5  }
0xe: {  	[smem:$0x3FAE] =	sst s6  }
0xf: {  	[smem:$0x3FAF] =	sst s7  }
0x10: {  	[smem:$0x3FB0] =	sst s8  }
0x11: {  	[smem:$0x3FB1] =	sst s9;
	s0 =	simm.s32 @!p0 $0x0  }
0x12: {  	s1 =	sld [smem:$0x3F97];
	s0 =	simm.s32 @p0 $0x1  }
0x13: {  	[smem:$0x3FB2] =	sst s0;
	s0 =	simm.s32 @!p1 $0x0  }
0x14: {  	s2 =	sld [smem:$0x3F96];
	s0 =	simm.s32 @p1 $0x1  }
0x15: {  	[smem:$0x3FB3] =	sst s0;
	s0 =	simm.s32 @!p2 $0x0  }
0x16: {  	s3 =	sld [smem:$0x3FDB];
	s0 =	simm.s32 @p2 $0x1  }
0x17: {  	s4 =	simm.s32 $0x1BF5;
	[smem:$0x3FB5] =	sst s0  }
0x18: {  	s0 =	sld [smem:$0x3F98];
	_ =	swait.ge [sflag:s4], $0x0  }
0x19: {  	s7 =	sld [smem:$0x3F99]  }
0x1a: {  	s8 =	sadd.s32 $0xFFFFE003, lr  }
0x1b: {  	s9 =	sadd.s32 $0xFFFFFEF7, lr;
	s5 =	simm.s32 $0xFFFFFFFF;
	p2 =	slt.u32 s8, $0xFFFFF086  }
0x1c: {  	p1 =	slt.u32 s9, $0xF7A;
	s5 =	simm.s32 @!p2 $0x0  }
0x1d: {  	s5 =	simm.s32 @p1 $0x1;
	p0 =	seq.s32 s7, s2  }
0x1e: {  	s7 =	smul.u32 @!p0 $0xF7A, s2;
	p2 =	seq.s32 @!p0 s5, $0x0  }
0x1f: {  	s9 =	smul.u32 $0xF7A, s1;
	s8 =	simm.s32 @!p0 $0x1BF5;
	p2 =	por !p2, p0  }
0x20: {  	[sflag:s8] =	ssyncset.s32 @!p0 $0xFFFFF086;
	s6 =	sadd.s32 @!p0 s3, s7;
	s7 =	simm.s32 @!p0 $0x108  }
0x21: {  	s3 =	sadd.s32 s3, s9;
	s6 =	sadd.s32 @!p0 $0x88, s6;
	s7 =	simm.s32 @p2 $0x1082  }
0x22: {  	[simem:s7], [sflag:s8] =	dma.local @!p0 [hbm:s6], $0xF7A  }
0x23: {  	s9 =	sor.u32 $0xD0000000, s2;
	s6 =	simm.s32 $0x108;
	_ =	swait.ge @!p0 [sflag:s8], $0x0  }
0x24: {  	s3 =	sadd.s32 $0x88, s3;
	s6 =	simm.s32 @!p1 $0x1082;
	[sflag:s4] =	ssyncset.s32 $0xFFFFF086  }
0x25: {  	[simem:s6], [sflag:s4] =	dma.local [hbm:s3], $0xF7A  }
0x26: {  	[smem:$0x3F99] =	sst s1;
	(tag) =	ssettag s2;
	_ =	strace s9  }
0x27: {  	s1 =	sld [smem:$0x3FA9]  }
0x28: {  	s2 =	sld [smem:$0x3FAA]  }
0x29: {  	s4 =	sld [smem:$0x3FAC]  }
0x2a: {  	p0 =	seq.s32 s5, $0x0;
	s5 =	sld [smem:$0x3FAD]  }
0x2b: {  	s6 =	sld [smem:$0x3FAE]  }
0x2c: {  	s7 =	sld [smem:$0x3FAF]  }
0x2d: {  	s3 =	simm.s32 $0x108;
	s8 =	sld [smem:$0x3FB0]  }
0x2e: {  	s3 =	simm.s32 @!p0 $0x1082;
	s9 =	sld [smem:$0x3FB1]  }
0x2f: {  	lr =	sadd.s32 s0, s3;
	s0 =	sld [smem:$0x3FA8]  }
0x30: {  	s3 =	sld [smem:$0x3FAB]  }
0x31: {  	[smem:$0x3FB4] =	sst s10  }
0x32: {  	s10 =	sld [smem:$0x3FB2];
	_ =	sdelay $0x3  }
0x33: {  	p0 =	seq.s32 s10, $0x1;
	s10 =	sld [smem:$0x3FB4];
	_ =	sdelay $0x3  }
0x34: {  	[smem:$0x3FB4] =	sst s10  }
0x35: {  	s10 =	sld [smem:$0x3FB3];
	_ =	sdelay $0x3  }
0x36: {  	p1 =	seq.s32 s10, $0x1;
	s10 =	sld [smem:$0x3FB4];
	_ =	sdelay $0x3  }
0x37: {  	[smem:$0x3FB4] =	sst s10  }
0x38: {  	s10 =	sld [smem:$0x3FB5]  }
0x39: {  	_ = 	snop;
	(pc) =	sbr.ind lr, $3  }
0x3a: {  	_ = 	snop  }
0x3b: {  	_ = 	snop  }
0x3c: {  	p2 =	seq.s32 s10, $0x1;
	s10 =	sld [smem:$0x3FB4]  }
0x3d: {  	_ =	shalt  }
0x3e: {  	_ =	shalt  }
0x3f: {  	_ =	shalt  }
0x40: {  	_ =	shalt  }
0x41: {  	_ =	shalt  }
0x42: {  	_ =	shalt  }
0x43: {  	_ =	shalt  }
0x44: {  	_ =	shalt  }
0x45: {  	_ =	shalt  }
0x46: {  	_ =	shalt  }
0x47: {  	_ =	shalt  }
0x48: {  	_ =	shalt  }
0x49: {  	_ =	shalt  }
0x4a: {  	_ =	shalt  }
0x4b: {  	_ =	shalt  }
0x4c: {  	_ =	shalt  }
0x4d: {  	_ =	shalt  }
0x4e: {  	_ =	shalt  }
0x4f: {  	_ =	shalt  }
0x50: {  	_ =	shalt  }
0x51: {  	_ =	shalt  }
0x52: {  	_ =	shalt  }
0x53: {  	_ =	shalt  }
0x54: {  	_ =	shalt  }
0x55: {  	_ =	shalt  }
0x56: {  	_ =	shalt  }
0x57: {  	_ =	shalt  }
0x58: {  	_ =	shalt  }
0x59: {  	_ =	shalt  }
0x5a: {  	_ =	shalt  }
0x5b: {  	_ =	shalt  }
0x5c: {  	_ =	shalt  }
0x5d: {  	_ =	shalt  }
0x5e: {  	_ =	shalt  }
0x5f: {  	_ =	shalt  }
0x60: {  	_ =	shalt  }
0x61: {  	_ =	shalt  }
0x62: {  	_ =	shalt  }
0x63: {  	_ =	shalt  }
0x64: {  	_ =	shalt  }
0x65: {  	_ =	shalt  }
0x66: {  	_ =	shalt  }
0x67: {  	_ =	shalt  }
0x68: {  	_ =	shalt  }
0x69: {  	_ =	shalt  }
0x6a: {  	_ =	shalt  }
0x6b: {  	_ =	shalt  }
0x6c: {  	_ =	shalt  }
0x6d: {  	_ =	shalt  }
0x6e: {  	_ =	shalt  }
0x6f: {  	_ =	shalt  }
0x70: {  	_ =	shalt  }
0x71: {  	_ =	shalt  }
0x72: {  	_ =	shalt  }
0x73: {  	_ =	shalt  }
0x74: {  	_ =	shalt  }
0x75: {  	_ =	shalt  }
0x76: {  	_ =	shalt  }
0x77: {  	_ =	shalt  }
0x78: {  	_ =	shalt  }
0x79: {  	_ =	shalt  }
0x7a: {  	_ =	shalt  }
0x7b: {  	_ =	shalt  }
0x7c: {  	_ =	shalt  }
0x7d: {  	_ =	shalt  }
0x7e: {  	_ =	shalt  }
0x7f: {  	_ =	shalt  }
0x80: {  	_ =	shalt  }
0x81: {  	_ =	shalt  }
0x82: {  	_ =	shalt  }
0x83: {  	_ =	shalt  }
0x84: {  	_ =	shalt  }
0x85: {  	_ =	shalt  }
0x86: {  	_ =	shalt  }
0x87: {  	_ =	shalt  }
.Lfunc_end0:
.L_simem_size_0:
called_computation.2_lowered:
.L_overlay_start_0:
0x88: {  	s2 =	sld [smem:$0x3FD9]  }
0x89: {  	s3 =	sld [smem:$0x3FFE];
	_ =	sdelay $0x1  }
0x8a: {  	s1 =	srdreg.scid  }
0x8b: {  	s0 =	sand.u32 $0x1, s1  }
0x8c: {  	s16 =	sshll.u32 s0, $0xA;
	s2 =	sadd.s32 s3, s2  }
0x8d: {  	s2 =	sadd.s32 s2, s16  }
0x8e: {  	[smem:$0x3FC0] =	sst s2  }
0x8f: {  	_ = 	snop  }
0x90: {  	(tm) =	ssettm $0x1  }
0x91: {  	s17 =	sld [smem:$0x3FFB];
	_ =	sdelay $0x3  }
0x92: {  	_ =	strace s17  }
0x93: {  	s2 =	sld [smem:$0x3FFC];
	_ =	sdelay $0x3  }
0x94: {  	_ =	strace s2  }
0x95: {  	s2 =	sld [smem:$0x3FFD];
	_ =	sdelay $0x3  }
0x96: {  	_ =	strace s2  }
0x97: {  	_ =	strace $0x8FFFFFFF  }
0x98: {  	s18 =	sld [smem:$0x3FDB];
	_ =	sdelay $0x1  }
0x99: {  	s19 =	simm.s32 $_scs_section_size  }
0x9a: {  	s4 =	simm.s32 $_size__tile_overlayer_lowered;
	s5 =	simm.s32 $_tile_overlayer_lowered  }
0x9b: {  	s22 =	simm.s32 $0x1BFF;
	s21 =	sshll.u32 s5, $0x1;
	s2 =	sadd.s32 s19, s18  }
0x9c: {  	s6 =	simm.s32 $0x0;
	s20 =	sshll.u32 s4, $0x1;
	s4 =	sadd.s32 s21, s2  }
0x9d: {  	[timem:s6], [sflag:s22] =	dma.local [hbm:s4], s20  }
0x9e: {  	_ =	swait.ge [sflag:s22], s20  }
0x9f: {  	s3 =	ssub.s32 $0x0, s20;
	[sflag:s22] =	ssyncset.done $0x0  }
0xa0: {  	[sflag:s22] =	ssyncadd.s32 s3;
	_ =	sdelay $0x1  }
0xa1: {  	s23 =	simm.s32 $0x1B8B  }
0xa2: {  	_ =	swait.ge [sflag:s23], $0x1  }
0xa3: {  	[sflag:s23] =	ssyncset.done $0x0  }
0xa4: {  	s25 =	simm.s32 $0x1B8E;
	s24 =	sld [smem:$0x3FFE];
	[sflag:s23] =	ssyncadd.s32 $0xFFFFFFFF  }
0xa5: {  	s26 =	simm.s32 $execute0_lowered;
	[smem:$0x3FD2] =	sst s25  }
0xa6: {  	s4 =	sshll.u32 s26, $0x1;
	_ =	strace $0x8000004C;
	[dreg:$0x1] =	wrdreg $0xFFFFFFFF  }
0xa7: {  	s28 =	simm.s32 $_size_execute0_lowered;
	s2 =	sadd.s32 s2, s4;
	[dreg:$0x0] =	wrdreg $0x0  }
0xa8: {  	s4 =	sshll.u32 s28, $0x1;
	[dreg:$0x2] =	wrdreg s2  }
0xa9: {  	[dreg:$0x3] =	wrdreg s4  }
0xaa: {  	[dreg:$0x4] =	wrdreg $0xC0  }
0xab: {  	_ =	task [dreg:s6], $0x5FFFF  }
0xac: {  	[dreg:$0x1] =	wrdreg $0xFFFFFFFF  }
0xad: {  	[dreg:$0x0] =	wrdreg $0x60  }
0xae: {  	[dreg:$0x2] =	wrdreg s24  }
0xaf: {  	[dreg:$0x3] =	wrdreg $0x1E800  }
0xb0: {  	[dreg:$0x4] =	wrdreg $0x9  }
0xb1: {  	_ =	task.clear_ibuf [dreg:s6], $0x5FFFF;
	_ =	strace $0x9000004C  }
0xb2: {  	s29 =	simm.s32 $0x9;
	_ =	strace $0x8000004E  }
0xb3: {  	_ =	swait.ge [sflag:s29], $0x1  }
0xb4: {  	[sflag:s29] =	ssyncadd.s32 $0xFFFFFFFF  }
0xb5: {  	_ =	strace $0x9000004E  }
0xb6: {  	_ =	sfence  }
0xb7: {  	s30 =	sld [smem:$0x0];
	_ =	sdelay $0x2  }
0xb8: {  	s31 =	sshll.u32 s1, $0xD;
	s1 =	sshrl.u32 s1, $0x2  }
0xb9: {  	s3 =	sand.u32 $0x4000, s31;
	s1 =	sadd.s32 s1, s30  }
0xba: {  	s0 =	sor.u32 s3, s0;
	s1 =	sshll.u32 s1, $0x11  }
0xbb: {  	s0 =	sor.u32 s1, s0  }
0xbc: {  	s0 =	sadd.s32 $0x8F2B, s0  }
0xbd: {  	[sflag:s0] =	ssyncadd.remote.s32 $0x1  }
0xbe: {  	_ =	sfence.sel $0xFFFF  }
0xbf: {  	[dreg:$0x0] =	wrdreg $0xFFFFFFFF;
	(pc) =	sbr.abs _section_cstart, $3  }
0xc0: {  	[dreg:$0x1] =	wrdreg $0xFFFFFFFF  }
0xc1: {  	_ =	task.clear_ibuf [dreg:s6], $0x2FFFF;
	_ =	strace $0x9FFFFFFF  }
0xc2: {  	(tm) =	ssettm $0x7FFFFFFF  }
0xc3: {  	_ =	shalt  }
tec
execute0_lowered:
.L_overlay_start_1:
0x0: {  	(tag) =	ssettag $0x1  }
0x1: {  	s0 =	rddreg [dreg:$0x0]  }
0x2: {  	s1 =	rddreg [dreg:$0x1];
	s2 =	simm.s32 $0x0;
	s18 =	srdreg.scid  }
0x3: {  	s10 =	stileid.u32;
	s28 =	simm.s32 $0x0;
	[smem:$0x7FF] =	sst s2  }
0x4: {  	s2 =	sand.u32 $0x1, s18;
	s6 =	smul.u32 $0x2800, s10;
	s4 =	sadd.s32 $0x600, s0  }
0x5: {  	s5 =	sadd.s32 $0x40000, s0;
	s0 =	sadd.s32 $0x5600, s0;
	s18 =	simm.s32 $0xE80  }
0x6: {  	_ =	strace $0x8000004D;
	s7 =	ssub.s32 $0x2, s2;
	s13 =	smul.u32 $0x28000, s2  }
0x7: {  	s2 =	sshll.u32 s2, $0x4;
	s8 =	sshrl.u32 s7, $0x1;
	s9 =	sadd.s32 $0x800, s6  }
0x8: {  	s15 =	sadd.s32 s6, s1;
	s19 =	sadd.s32 $0x1000, s6;
	s12 =	sadd.s32 $0x1800, s6  }
0x9: {  	s14 =	sadd.s32 $0x2000, s6;
	s2 =	sor.u32 s10, s2;
	s7 =	ssub.s32 s7, s8  }
0xa: {  	s16 =	sadd.s32 s9, s1;
	s17 =	sadd.s32 s19, s1;
	s29 =	sadd.s32 s12, s1  }
0xb: {  	s30 =	sadd.s32 s14, s1;
	s6 =	sadd.s32 s6, s13;
	s9 =	sadd.s32 s13, s9  }
0xc: {  	v0 =	vimm.s32 $0xFEDCBA98;
	v1 =	vimm.s32 $0x76543210;
	s11 =	smul.u32 $0x2A00, s2;
	s22 =	sadd.s32 s13, s19;
	s23 =	sadd.s32 s13, s12  }
0xd: {  	v2 =	vimm.s32 $0xBA98FEDC;
	v3 =	vimm.s32 $0x32107654;
	v4 =	vimm.s32 $0xDCFE98BA;
	s24 =	sadd.s32 s13, s14;
	s19 =	simm.s32 $0x3;
	[dreg:$0x3] =	wrdreg s16  }
0xe: {  	v5 =	vimm.s32 $0x54761032;
	v6 =	vimm.s32 $0xEFCDAB89;
	v7 =	vimm.s32 $0x67452301;
	s6 =	sshrl.u32 s6, $0x3;
	s21 =	sshrl.u32 s9, $0x3;
	[dreg:$0x4] =	wrdreg s17  }
0xf: {  	v0 =	vunpack.c.l.s4.s8 v0;
	v1 =	vunpack.c.l.s4.s8 v1;
	v2 =	vunpack.c.l.s4.s8 v2;
	s26 =	sshrl.u32 s24, $0x3;
	s31 =	smax.u32 s7, $0x1;
	[dreg:$0x5] =	wrdreg s29  }
0x10: {  	v3 =	vunpack.c.l.s4.s8 v3;
	v4 =	vunpack.c.l.s4.s8 v4;
	v5 =	vunpack.c.l.s4.s8 v5;
	s24 =	simm.s32 $0xE00;
	[dreg:$0x6] =	wrdreg s30;
	s20 =	sadd.s32 s0, s6  }
0x11: {  	v6 =	vunpack.c.l.s4.s8 v6;
	v7 =	vunpack.c.l.s4.s8 v7;
	v0 =	vunpack.c.0.s8.s32 v0;
	s2 =	sadd.s32 s0, s21;
	s6 =	sshrl.u32 s23, $0x3;
	[dreg:$0xc] =	wrdreg s31  }
0x12: {  	v1 =	vunpack.c.0.s8.s32 v1;
	v2 =	vunpack.c.0.s8.s32 v2;
	v3 =	vunpack.c.0.s8.s32 v3;
	s21 =	simm.s32 $0x1680;
	s23 =	simm.s32 $0x40;
	[dreg:$0x7] =	wrdreg s20  }
0x13: {  	v4 =	vunpack.c.0.s8.s32 v4;
	v5 =	vunpack.c.0.s8.s32 v5;
	v0 =	vand.u32 $0xF, v0;
	[dreg:$0x8] =	wrdreg s2;
	s2 =	sshrl.u32 s22, $0x3;
	s25 =	sadd.s32 s0, s6  }
0x14: {  	v6 =	vunpack.c.0.s8.s32 v6;
	v7 =	vunpack.c.0.s8.s32 v7;
	v0 =	vcombine.low v0, v1;
	s20 =	simm.s32 $0x80;
	s2 =	sadd.s32 s0, s2;
	[dreg:$0xa] =	wrdreg s25  }
0x15: {  	vm0 =	vmmov $0x3;
	v1 =	vcombine.low v3, v2;
	v2 =	vcombine.low v5, v4;
	s22 =	simm.s32 $0x1;
	s0 =	sadd.s32 s0, s26;
	[dreg:$0x9] =	wrdreg s2  }
0x16: {  	v3 =	vimm.f32 $0.0e+00;
	v4 =	vcombine.low v7, v6;
	v5 =	vlaneseq.u32;
	s25 =	simm.s32 $0x2;
	s26 =	simm.s32 $0xE40;
	[dreg:$0xb] =	wrdreg s0  }
.LBB2_1:
0x17: {  	s0 =	simm.s32 $0x40;
	s2 =	simm.s32 $0x0  }
.LBB2_2:
0x18: {  	p0 =	sne.s32 s0, $0x1FC0;
	[tilespmem:s2+$0xE80] =	vst v3;
	s2 =	smov.u32 s0;
	s0 =	sadd.s32 $0x40, s0  }
.Ltmp0:
0x19: {  	(pc) =	sbr.rel @p0 .LBB2_2-.Ltmp0, $2  }
0x1a: {  	_ =	sdelay $0x2  }
0x1b: {  	s2 =	sshra.s32 s2, $0x2  }
0x1c: {  	[tilespmem:s2+$0xE80] =	vst v3  }
0x1d: {  	[spmem:s15] =	stream.linear.scatter [tilespmem:s18], [sflag:$0x3], $0x800, $0x38;
	[tilespmem:$0x4680] =	vst v63  }
0x1e: {  	_ =	swait.ge [sflag:s19], $0x800  }
0x1f: {  	[sflag:s19] =	ssyncset.done $0x0  }
0x20: {  	[sflag:s19] =	ssyncadd.s32 $0xFFFFF800  }
0x21: {  	[spmem:s16] =	stream.linear.scatter [tilespmem:s18], [sflag:$0x3], $0x800, $0x38;
	[tilespmem:$0x4680] =	vst v63  }
0x22: {  	_ =	swait.ge [sflag:s19], $0x800  }
0x23: {  	[sflag:s19] =	ssyncset.done $0x0  }
0x24: {  	[sflag:s19] =	ssyncadd.s32 $0xFFFFF800  }
0x25: {  	[spmem:s17] =	stream.linear.scatter [tilespmem:s18], [sflag:$0x3], $0x800, $0x38;
	[tilespmem:$0x4680] =	vst v63  }
0x26: {  	_ =	swait.ge [sflag:s19], $0x800  }
0x27: {  	[sflag:s19] =	ssyncset.done $0x0  }
0x28: {  	[sflag:s19] =	ssyncadd.s32 $0xFFFFF800  }
0x29: {  	[spmem:s29] =	stream.linear.scatter [tilespmem:s18], [sflag:$0x3], $0x800, $0x38;
	[tilespmem:$0x4680] =	vst v63  }
0x2a: {  	_ =	swait.ge [sflag:s19], $0x800  }
0x2b: {  	[sflag:s19] =	ssyncset.done $0x0  }
0x2c: {  	[sflag:s19] =	ssyncadd.s32 $0xFFFFF800  }
0x2d: {  	[spmem:s30] =	stream.linear.scatter [tilespmem:s18], [sflag:$0x3], $0x800, $0x38;
	[tilespmem:$0x4680] =	vst v63  }
0x2e: {  	_ =	swait.ge [sflag:s19], $0x800  }
0x2f: {  	[sflag:s19] =	ssyncset.done $0x0  }
0x30: {  	s3 =	smov.u32 s15;
	[sflag:s19] =	ssyncadd.s32 $0xFFFFF800  }
0x31: {  	s29 =	simm.s32 $0x0;
	s30 =	simm.s32 $0x0;
	[bflag:$0x0] =	sbarrier.arrive $0xFFFF  }
.LBB2_4:
0x32: {  	s0 =	smul.u32 $0xE00, s30;
	_ =	sdelay $0x1  }
0x33: {  	s0 =	sadd.s32 s11, s0  }
0x34: {  	s0 =	sshrl.u32 s0, $0x3  }
0x35: {  	s0 =	sadd.s32 s5, s0  }
0x36: {  	[tilespmem:s29], [sflag:$0x3] =	stream.linear.gather [hbm4b:s0+s29], $0xE00, $0x38;
	[tilespmem:$0x4680] =	vst v63  }
0x37: {  	_ =	swait.ge [sflag:s19], $0xE00  }
0x38: {  	[sflag:s19] =	ssyncset.done $0x0  }
0x39: {  	s31 =	simm.s32 $0x0;
	[sflag:s19] =	ssyncadd.s32 $0xFFFFF200  }
.LBB2_5:
0x3a: {  	s0 =	sshll.u32 s31, $0x8  }
0x3b: {  	s2 =	simm.s32 $0xE80;
	s0 =	sand.u32 $0x3FFFFF00, s0  }
0x3c: {  	[tilespmem:s2], [sflag:$0x1] =	stream.indirect.gather [hbm4b:s4+s20], $0x10, s0, s20, $0xb8;
	[tilespmem:$0x4680] =	vst v63  }
0x3d: {  	s6 =	sor.u32 $0x80, s0  }
0x3e: {  	[tilespmem:s21], [sflag:$0x2] =	stream.indirect.gather [hbm4b:s4+s20], $0x10, s6, s20, $0xb8;
	[tilespmem:$0x4680] =	vst v63  }
0x3f: {  	_ =	swait.ge [sflag:s22], $0x800  }
0x40: {  	[sflag:s22] =	ssyncset.done $0x0  }
0x41: {  	[sflag:s22] =	ssyncadd.s32 $0xFFFFF800  }
0x42: {  	v6 =	vld [tilespmem:s0+$0x40];
	_ =	sdelay $0x4  }
0x43: {  	[tilespmem:$0xE00] =	vst v6  }
0x44: {  	v6 =	vld [tilespmem:s0+$0x50];
	_ =	sdelay $0x4  }
0x45: {  	[tilespmem:$0xE10] =	vst v6  }
0x46: {  	v6 =	vld [tilespmem:s0+$0x60];
	_ =	sdelay $0x4  }
0x47: {  	[tilespmem:$0xE20] =	vst v6  }
0x48: {  	v6 =	vld [tilespmem:s0+$0x70];
	_ =	sdelay $0x4  }
0x49: {  	s12 =	simm.s32 $0x0;
	s13 =	simm.s32 $0x1280;
	[tilespmem:$0xE30] =	vst v6  }
.LBB2_6:
0x4a: {  	v6 =	vld [tilespmem:s13+$0xFFFFFC00]  }
0x4b: {  	v7 =	vld [tilespmem:s13+$0x0];
	_ =	sdelay $0x4  }
0x4c: {  	(v2sf) =	vpush v6, $0xE;
	v6 =	vmul.f32 v7, v6;
	_ =	sdelay $0x1  }
0x4d: {  	s6 =	sadd.s32 $0x10, s13;
	v6 =	vnsel vm0, $0x0, v6  }
0x4e: {  	v8 =	vld [tilespmem:s6+$0xFFFFFC00];
	v9 =	vperm.xlane v6, v0  }
0x4f: {  	(v2sf) =	vpush v7, $0xD;
	v7 =	vld [tilespmem:s6+$0x0];
	s6 =	sadd.s32 $0x10, s6  }
0x50: {  	v6 =	vadd.f32 v6, v9;
	v9 =	vld [tilespmem:s6+$0xFFFFFC00]  }
0x51: {  	v11 =	vld [tilespmem:s6+$0x0];
	_ =	sdelay $0x1  }
0x52: {  	(v2sf) =	vpush v8, $0xE  }
0x53: {  	(v2sf) =	vpush v7, $0xD;
	v12 =	vperm.xlane v6, v1  }
0x54: {  	v10 =	vmul.f32 v7, v8;
	(v2sf) =	vpush v9, $0xE  }
0x55: {  	v6 =	vadd.f32 v6, v12;
	(v2sf) =	vpush v11, $0xD  }
0x56: {  	v10 =	vnsel vm0, $0x0, v10  }
0x57: {  	s8 =	sadd.s32 $0x10, s6;
	v13 =	vperm.xlane v10, v0;
	v8 =	vperm.xlane v6, v2  }
0x58: {  	v12 =	vmul.f32 v11, v9;
	v11 =	vld [tilespmem:s8+$0x0]  }
0x59: {  	v10 =	vadd.f32 v10, v13;
	v7 =	vadd.f32 v6, v8;
	v8 =	vld [tilespmem:s8+$0xFFFFFC00];
	_ =	sdelay $0x1  }
0x5a: {  	s15 =	simm.s32 $0x1;
	s14 =	simm.s32 $0x2;
	v14 =	vperm.xlane v10, v1  }
0x5b: {  	s16 =	simm.s32 $0x3;
	s7 =	simm.s32 $0x4;
	v9 =	vnsel vm0, $0x0, v12;
	v6 =	vimm.f32 $0.0e+00;
	s6 =	spop (v2sf)  }
0x5c: {  	s17 =	simm.s32 $0x0;
	v13 =	vperm.xlane v9, v0;
	s8 =	sadd.s32 $0x10, s8;
	v10 =	vadd.f32 v10, v14;
	v12 =	vperm.xlane v7, v4;
	s9 =	spop (v2sf)  }
.LBB2_7:
0x5d: {  	v14 =	vmul.f32 v11, v8;
	(v2sf) =	vpush v8, $0xE;
	v8 =	vld [tilespmem:s8+$0xFFFFFC00];
	v15 =	vmov v11;
	s10 =	smov.u32 s7;
	s9 =	smul.f32 s9, s6;
	p0 =	sne.s32 s7, $0xF  }
.Ltmp1:
0x5e: {  	v16 =	vadd.f32 v9, v13;
	v11 =	vld [tilespmem:s8+$0x0];
	v13 =	vperm.xlane v10, v2;
	v12 =	vadd.f32 v7, v12;
	(pc) =	sbr.rel @p0 .LBB2_7-.Ltmp1, $4  }
0x5f: {  	v9 =	vnsel vm0, $0x0, v14;
	(v2sf) =	vpush v15, $0xD;
	v14 =	vmov s17;
	s17 =	smov.u32 s15;
	s15 =	smov.u32 s14;
	s14 =	smov.u32 s16  }
0x60: {  	s7 =	sadd.s32 $0x1, s7;
	v15 =	vperm.xlane v16, v1;
	v7 =	vadd.f32 v10, v13;
	s6 =	spop (v2sf);
	v17 =	vmul.f32 s9, v12  }
0x61: {  	s16 =	smov.u32 s10;
	v13 =	vperm.xlane v9, v0;
	vm1 =	veq.s32 v14, v5;
	_ =	sdelay $0x1  }
0x62: {  	s8 =	sadd.s32 $0x10, s8;
	v10 =	vadd.f32 v16, v15;
	v12 =	vperm.xlane v7, v4;
	s9 =	spop (v2sf);
	v6 =	vsel vm1, v17, v6  }
0x63: {  	v14 =	vmul.f32 v11, v8;
	(v2sf) =	vpush v8, $0xE  }
0x64: {  	(v2sf) =	vpush v11, $0xD  }
0x65: {  	v8 =	vnsel vm0, $0x0, v14  }
0x66: {  	v56 =	vperm.xlane v8, v0  }
0x67: {  	v9 =	vadd.f32 v9, v13  }
0x68: {  	v8 =	vadd.f32 v8, v56  }
0x69: {  	v57 =	vperm.xlane v9, v1  }
0x6a: {  	v58 =	vperm.xlane v8, v1  }
0x6b: {  	v59 =	vperm.xlane v10, v2;
	v9 =	vadd.f32 v9, v57  }
0x6c: {  	v8 =	vadd.f32 v8, v58  }
0x6d: {  	v10 =	vadd.f32 v10, v59;
	v11 =	vperm.xlane v9, v2  }
0x6e: {  	s7 =	spop (v2sf);
	v13 =	vperm.xlane v8, v2  }
0x6f: {  	s8 =	spop (v2sf);
	v14 =	vperm.xlane v10, v4;
	v9 =	vadd.f32 v9, v11  }
0x70: {  	v7 =	vadd.f32 v7, v12;
	s6 =	smul.f32 s9, s6;
	s9 =	spop (v2sf);
	v8 =	vadd.f32 v8, v13  }
0x71: {  	v60 =	vmov s17;
	s7 =	smul.f32 s8, s7;
	v10 =	vadd.f32 v10, v14;
	v61 =	vperm.xlane v9, v4;
	s17 =	spop (v2sf)  }
0x72: {  	v62 =	vmov s15;
	v7 =	vmul.f32 s6, v7;
	s10 =	spop (v2sf);
	v63 =	vperm.xlane v8, v4  }
0x73: {  	vm1 =	veq.s32 v60, v5;
	v10 =	vmul.f32 s7, v10;
	s15 =	smul.f32 s17, s9;
	v9 =	vadd.f32 v9, v61;
	s17 =	spop (v2sf)  }
0x74: {  	v6 =	vsel vm1, v7, v6;
	vm1 =	veq.s32 v62, v5;
	v7 =	vadd.f32 v8, v63;
	s6 =	smul.f32 s17, s10  }
0x75: {  	v6 =	vsel vm1, v10, v6;
	v9 =	vmul.f32 s15, v9;
	v8 =	vmov s14  }
0x76: {  	vm1 =	veq.s32 v8, v5;
	v8 =	vmov s16;
	v7 =	vmul.f32 s6, v7  }
0x77: {  	v6 =	vsel vm1, v9, v6;
	vm1 =	veq.s32 v8, v5  }
0x78: {  	v6 =	vsel vm1, v7, v6  }
0x79: {  	v6 =	vmul.f32 $1.442695020e+00, v6;
	_ =	sdelay $0x1  }
0x7a: {  	(erf) = vpow2.f32 v6;
	_ =	sdelay $0x8  }
0x7b: {  	s8 =	simm.s32 $0x1;
	s7 =	simm.s32 $0x0;
	s6 =	smov.u32 s2;
	v7 =	vld [tilespmem:s2+$0x0];
	v6 =	vpop (erf)  }
.LBB2_9:
0x7c: {  	p0 =	sne.s32 s8, $0xF  }
0x7d: {  	v8 =	vmov s7;
	s7 =	smov.u32 s8  }
0x7e: {  	v8 =	vperm.xlane v6, v8  }
.Ltmp2:
0x7f: {  	(pc) =	sbr.rel @p0 .LBB2_9-.Ltmp2, $3  }
0x80: {  	v7 =	vmul.f32 v7, v8;
	_ =	sdelay $0x1  }
0x81: {  	[tilespmem:s6+$0x0] =	vst v7;
	s6 =	sadd.s32 $0x10, s6  }
0x82: {  	s8 =	sadd.s32 $0x1, s8;
	v7 =	vld [tilespmem:s6+$0x0]  }
0x83: {  	s12 =	sadd.s32 $0x1, s12  }
0x84: {  	v8 =	vmov s7;
	p0 =	sne.s32 s12, $0x4  }
.Ltmp3:
0x85: {  	v6 =	vperm.xlane v6, v8;
	(pc) =	sbr.rel @p0 .LBB2_6-.Ltmp3, $3  }
0x86: {  	_ = 	snop  }
0x87: {  	v6 =	vmul.f32 v7, v6;
	_ =	sdelay $0x1  }
0x88: {  	s13 =	sadd.s32 $0x100, s13;
	s2 =	sadd.s32 $0x100, s2;
	[tilespmem:s6+$0x0] =	vst v6  }
0x89: {  	[spmem:s1] =	stream.indirect.scatter.add.f32 [tilespmem:s18], [sflag:$0x3], $0x10, s24, s23, $0xb8;
	[tilespmem:$0x4680] =	vst v63  }
0x8a: {  	_ =	swait.ge [sflag:s19], $0x400  }
0x8b: {  	[sflag:s19] =	ssyncset.done $0x0  }
0x8c: {  	[sflag:s19] =	ssyncadd.s32 $0xFFFFFC00  }
0x8d: {  	_ =	swait.ge [sflag:s25], $0x800  }
0x8e: {  	[sflag:s25] =	ssyncset.done $0x0  }
0x8f: {  	[sflag:s25] =	ssyncadd.s32 $0xFFFFF800  }
0x90: {  	v6 =	vld [tilespmem:s0+$0xC0];
	_ =	sdelay $0x4  }
0x91: {  	[tilespmem:$0xE40] =	vst v6  }
0x92: {  	v6 =	vld [tilespmem:s0+$0xD0];
	_ =	sdelay $0x4  }
0x93: {  	[tilespmem:$0xE50] =	vst v6  }
0x94: {  	v6 =	vld [tilespmem:s0+$0xE0];
	_ =	sdelay $0x4  }
0x95: {  	[tilespmem:$0xE60] =	vst v6  }
0x96: {  	v6 =	vld [tilespmem:s0+$0xF0];
	_ =	sdelay $0x4  }
0x97: {  	s2 =	simm.s32 $0x1A80;
	s12 =	simm.s32 $0x1680;
	s0 =	simm.s32 $0x0;
	[tilespmem:$0xE70] =	vst v6  }
.LBB2_12:
0x98: {  	v6 =	vld [tilespmem:s2+$0xFFFFFC00]  }
0x99: {  	v7 =	vld [tilespmem:s2+$0x0];
	_ =	sdelay $0x4  }
0x9a: {  	(v2sf) =	vpush v6, $0xE;
	v6 =	vmul.f32 v7, v6;
	_ =	sdelay $0x1  }
0x9b: {  	s6 =	sadd.s32 $0x10, s2;
	v6 =	vnsel vm0, $0x0, v6  }
0x9c: {  	v8 =	vld [tilespmem:s6+$0xFFFFFC00];
	v9 =	vperm.xlane v6, v0  }
0x9d: {  	(v2sf) =	vpush v7, $0xD;
	v7 =	vld [tilespmem:s6+$0x0];
	s6 =	sadd.s32 $0x10, s6  }
0x9e: {  	v6 =	vadd.f32 v6, v9;
	v9 =	vld [tilespmem:s6+$0xFFFFFC00]  }
0x9f: {  	v11 =	vld [tilespmem:s6+$0x0];
	_ =	sdelay $0x1  }
0xa0: {  	(v2sf) =	vpush v8, $0xE  }
0xa1: {  	(v2sf) =	vpush v7, $0xD;
	v12 =	vperm.xlane v6, v1  }
0xa2: {  	v10 =	vmul.f32 v7, v8;
	(v2sf) =	vpush v9, $0xE  }
0xa3: {  	v6 =	vadd.f32 v6, v12;
	(v2sf) =	vpush v11, $0xD  }
0xa4: {  	v10 =	vnsel vm0, $0x0, v10  }
0xa5: {  	s8 =	sadd.s32 $0x10, s6;
	v13 =	vperm.xlane v10, v0;
	v8 =	vperm.xlane v6, v2  }
0xa6: {  	v12 =	vmul.f32 v11, v9;
	v11 =	vld [tilespmem:s8+$0x0]  }
0xa7: {  	v10 =	vadd.f32 v10, v13;
	v7 =	vadd.f32 v6, v8;
	v8 =	vld [tilespmem:s8+$0xFFFFFC00];
	_ =	sdelay $0x1  }
0xa8: {  	s14 =	simm.s32 $0x1;
	s13 =	simm.s32 $0x2;
	v14 =	vperm.xlane v10, v1  }
0xa9: {  	s15 =	simm.s32 $0x3;
	s7 =	simm.s32 $0x4;
	v9 =	vnsel vm0, $0x0, v12;
	v6 =	vimm.f32 $0.0e+00;
	s6 =	spop (v2sf)  }
0xaa: {  	s16 =	simm.s32 $0x0;
	v13 =	vperm.xlane v9, v0;
	s8 =	sadd.s32 $0x10, s8;
	v10 =	vadd.f32 v10, v14;
	v12 =	vperm.xlane v7, v4;
	s9 =	spop (v2sf)  }
.LBB2_13:
0xab: {  	v14 =	vmul.f32 v11, v8;
	(v2sf) =	vpush v8, $0xE;
	v8 =	vld [tilespmem:s8+$0xFFFFFC00];
	v15 =	vmov v11;
	s10 =	smov.u32 s7;
	s9 =	smul.f32 s9, s6;
	p0 =	sne.s32 s7, $0xF  }
.Ltmp4:
0xac: {  	v16 =	vadd.f32 v9, v13;
	v11 =	vld [tilespmem:s8+$0x0];
	v13 =	vperm.xlane v10, v2;
	v12 =	vadd.f32 v7, v12;
	(pc) =	sbr.rel @p0 .LBB2_13-.Ltmp4, $4  }
0xad: {  	v9 =	vnsel vm0, $0x0, v14;
	(v2sf) =	vpush v15, $0xD;
	v14 =	vmov s16;
	s16 =	smov.u32 s14;
	s14 =	smov.u32 s13;
	s13 =	smov.u32 s15  }
0xae: {  	s7 =	sadd.s32 $0x1, s7;
	v15 =	vperm.xlane v16, v1;
	v7 =	vadd.f32 v10, v13;
	s6 =	spop (v2sf);
	v17 =	vmul.f32 s9, v12  }
0xaf: {  	s15 =	smov.u32 s10;
	v13 =	vperm.xlane v9, v0;
	vm1 =	veq.s32 v14, v5;
	_ =	sdelay $0x1  }
0xb0: {  	s8 =	sadd.s32 $0x10, s8;
	v10 =	vadd.f32 v16, v15;
	v12 =	vperm.xlane v7, v4;
	s9 =	spop (v2sf);
	v6 =	vsel vm1, v17, v6  }
0xb1: {  	v14 =	vmul.f32 v11, v8;
	(v2sf) =	vpush v8, $0xE  }
0xb2: {  	(v2sf) =	vpush v11, $0xD  }
0xb3: {  	v8 =	vnsel vm0, $0x0, v14  }
0xb4: {  	v56 =	vperm.xlane v8, v0  }
0xb5: {  	v9 =	vadd.f32 v9, v13  }
0xb6: {  	v8 =	vadd.f32 v8, v56  }
0xb7: {  	v57 =	vperm.xlane v9, v1  }
0xb8: {  	v58 =	vperm.xlane v8, v1  }
0xb9: {  	v59 =	vperm.xlane v10, v2;
	v9 =	vadd.f32 v9, v57  }
0xba: {  	v8 =	vadd.f32 v8, v58  }
0xbb: {  	v10 =	vadd.f32 v10, v59;
	v11 =	vperm.xlane v9, v2  }
0xbc: {  	s7 =	spop (v2sf);
	v13 =	vperm.xlane v8, v2  }
0xbd: {  	s8 =	spop (v2sf);
	v14 =	vperm.xlane v10, v4;
	v9 =	vadd.f32 v9, v11  }
0xbe: {  	v7 =	vadd.f32 v7, v12;
	s6 =	smul.f32 s9, s6;
	s17 =	spop (v2sf);
	v8 =	vadd.f32 v8, v13  }
0xbf: {  	v60 =	vmov s16;
	s7 =	smul.f32 s8, s7;
	v10 =	vadd.f32 v10, v14;
	v61 =	vperm.xlane v9, v4;
	s10 =	spop (v2sf)  }
0xc0: {  	v62 =	vmov s14;
	v7 =	vmul.f32 s6, v7;
	s14 =	spop (v2sf);
	v63 =	vperm.xlane v8, v4  }
0xc1: {  	vm1 =	veq.s32 v60, v5;
	v10 =	vmul.f32 s7, v10;
	s16 =	smul.f32 s10, s17;
	v9 =	vadd.f32 v9, v61;
	s17 =	spop (v2sf)  }
0xc2: {  	v6 =	vsel vm1, v7, v6;
	vm1 =	veq.s32 v62, v5;
	v7 =	vadd.f32 v8, v63;
	s6 =	smul.f32 s17, s14  }
0xc3: {  	v6 =	vsel vm1, v10, v6;
	v9 =	vmul.f32 s16, v9;
	v8 =	vmov s13  }
0xc4: {  	vm1 =	veq.s32 v8, v5;
	v8 =	vmov s15;
	v7 =	vmul.f32 s6, v7  }
0xc5: {  	v6 =	vsel vm1, v9, v6;
	vm1 =	veq.s32 v8, v5  }
0xc6: {  	v6 =	vsel vm1, v7, v6  }
0xc7: {  	v6 =	vmul.f32 $1.442695020e+00, v6;
	_ =	sdelay $0x1  }
0xc8: {  	(erf) = vpow2.f32 v6;
	_ =	sdelay $0x8  }
0xc9: {  	s8 =	simm.s32 $0x1;
	s7 =	simm.s32 $0x0;
	s6 =	smov.u32 s12;
	v7 =	vld [tilespmem:s12+$0x0];
	v6 =	vpop (erf)  }
.LBB2_15:
0xca: {  	p0 =	sne.s32 s8, $0xF  }
0xcb: {  	v8 =	vmov s7;
	s7 =	smov.u32 s8  }
0xcc: {  	v8 =	vperm.xlane v6, v8  }
.Ltmp5:
0xcd: {  	(pc) =	sbr.rel @p0 .LBB2_15-.Ltmp5, $3  }
0xce: {  	v7 =	vmul.f32 v7, v8;
	_ =	sdelay $0x1  }
0xcf: {  	[tilespmem:s6+$0x0] =	vst v7;
	s6 =	sadd.s32 $0x10, s6  }
0xd0: {  	s8 =	sadd.s32 $0x1, s8;
	v7 =	vld [tilespmem:s6+$0x0]  }
0xd1: {  	s0 =	sadd.s32 $0x1, s0  }
0xd2: {  	v8 =	vmov s7;
	p0 =	sne.s32 s0, $0x4  }
.Ltmp6:
0xd3: {  	v6 =	vperm.xlane v6, v8;
	(pc) =	sbr.rel @p0 .LBB2_12-.Ltmp6, $3  }
0xd4: {  	_ = 	snop  }
0xd5: {  	v6 =	vmul.f32 v7, v6;
	_ =	sdelay $0x1  }
0xd6: {  	s2 =	sadd.s32 $0x100, s2;
	s12 =	sadd.s32 $0x100, s12;
	[tilespmem:s6+$0x0] =	vst v6  }
0xd7: {  	s31 =	sadd.s32 $0x1, s31  }
0xd8: {  	p0 =	sne.s32 s31, $0xE  }
.Ltmp7:
0xd9: {  	_ = 	snop;
	(pc) =	sbr.rel @p0 .LBB2_5-.Ltmp7, $4  }
0xda: {  	[spmem:s1] =	stream.indirect.scatter.add.f32 [tilespmem:s21], [sflag:$0x3], $0x10, s26, s23, $0xb8;
	[tilespmem:$0x4680] =	vst v63  }
0xdb: {  	_ =	swait.ge [sflag:s19], $0x400  }
0xdc: {  	[sflag:s19] =	ssyncset.done $0x0  }
0xdd: {  	[sflag:s19] =	ssyncadd.s32 $0xFFFFFC00  }
0xde: {  	s30 =	sadd.s32 $0x1, s30  }
0xdf: {  	p0 =	sne.s32 s30, $0x3  }
.Ltmp8:
0xe0: {  	_ = 	snop;
	(pc) =	sbr.rel @p0 .LBB2_4-.Ltmp8, $1  }
0xe1: {  	_ =	sdelay $0x3  }
0xe2: {  	[bflag:$0x0] =	sbarrier.arrive $0xFFFF  }
0xe3: {  	[tilespmem:s18], [sflag:$0x3] =	stream.linear.gather [spmem:s3], $0x800, $0x38;
	[tilespmem:$0x4680] =	vst v63  }
0xe4: {  	_ =	swait.ge [sflag:s19], $0x800  }
0xe5: {  	[sflag:s19] =	ssyncset.done $0x0  }
0xe6: {  	s0 =	simm.s32 $0x0;
	s2 =	rddreg [dreg:$0x7];
	[sflag:s19] =	ssyncadd.s32 $0xFFFFF800  }
0xe7: {  	[hbm4b:s2+s0] =	stream.linear.scatter [tilespmem:s18], [sflag:$0x3], $0x800, $0x38;
	[tilespmem:$0x4680] =	vst v63  }
0xe8: {  	_ =	swait.ge [sflag:s19], $0x800  }
0xe9: {  	[sflag:s19] =	ssyncset.done $0x0  }
0xea: {  	s16 =	rddreg [dreg:$0x3];
	[sflag:s19] =	ssyncadd.s32 $0xFFFFF800  }
0xeb: {  	[tilespmem:s18], [sflag:$0x3] =	stream.linear.gather [spmem:s16], $0x800, $0x38;
	[tilespmem:$0x4680] =	vst v63  }
0xec: {  	_ =	swait.ge [sflag:s19], $0x800  }
0xed: {  	[sflag:s19] =	ssyncset.done $0x0  }
0xee: {  	s10 =	rddreg [dreg:$0x8];
	[sflag:s19] =	ssyncadd.s32 $0xFFFFF800  }
0xef: {  	[hbm4b:s10+s0] =	stream.linear.scatter [tilespmem:s18], [sflag:$0x3], $0x800, $0x38;
	[tilespmem:$0x4680] =	vst v63  }
0xf0: {  	_ =	swait.ge [sflag:s19], $0x800  }
0xf1: {  	[sflag:s19] =	ssyncset.done $0x0  }
0xf2: {  	s17 =	rddreg [dreg:$0x4];
	[sflag:s19] =	ssyncadd.s32 $0xFFFFF800  }
0xf3: {  	[tilespmem:s18], [sflag:$0x3] =	stream.linear.gather [spmem:s17], $0x800, $0x38;
	[tilespmem:$0x4680] =	vst v63  }
0xf4: {  	_ =	swait.ge [sflag:s19], $0x800  }
0xf5: {  	[sflag:s19] =	ssyncset.done $0x0  }
0xf6: {  	s12 =	rddreg [dreg:$0x9];
	[sflag:s19] =	ssyncadd.s32 $0xFFFFF800  }
0xf7: {  	[hbm4b:s12+s0] =	stream.linear.scatter [tilespmem:s18], [sflag:$0x3], $0x800, $0x38;
	[tilespmem:$0x4680] =	vst v63  }
0xf8: {  	_ =	swait.ge [sflag:s19], $0x800  }
0xf9: {  	[sflag:s19] =	ssyncset.done $0x0  }
0xfa: {  	s29 =	rddreg [dreg:$0x5];
	[sflag:s19] =	ssyncadd.s32 $0xFFFFF800  }
0xfb: {  	[tilespmem:s18], [sflag:$0x3] =	stream.linear.gather [spmem:s29], $0x800, $0x38;
	[tilespmem:$0x4680] =	vst v63  }
0xfc: {  	_ =	swait.ge [sflag:s19], $0x800  }
0xfd: {  	[sflag:s19] =	ssyncset.done $0x0  }
0xfe: {  	s13 =	rddreg [dreg:$0xa];
	[sflag:s19] =	ssyncadd.s32 $0xFFFFF800  }
0xff: {  	[hbm4b:s13+s0] =	stream.linear.scatter [tilespmem:s18], [sflag:$0x3], $0x800, $0x38;
	[tilespmem:$0x4680] =	vst v63  }
0x100: {  	_ =	swait.ge [sflag:s19], $0x800  }
0x101: {  	[sflag:s19] =	ssyncset.done $0x0  }
0x102: {  	s30 =	rddreg [dreg:$0x6];
	[sflag:s19] =	ssyncadd.s32 $0xFFFFF800  }
0x103: {  	[tilespmem:s18], [sflag:$0x3] =	stream.linear.gather [spmem:s30], $0x800, $0x38;
	[tilespmem:$0x4680] =	vst v63  }
0x104: {  	_ =	swait.ge [sflag:s19], $0x800  }
0x105: {  	[sflag:s19] =	ssyncset.done $0x0  }
0x106: {  	s14 =	rddreg [dreg:$0xb];
	[sflag:s19] =	ssyncadd.s32 $0xFFFFF800  }
0x107: {  	[hbm4b:s14+s0] =	stream.linear.scatter [tilespmem:s18], [sflag:$0x3], $0x800, $0x38;
	[tilespmem:$0x4680] =	vst v63  }
0x108: {  	_ =	swait.ge [sflag:s19], $0x800  }
0x109: {  	s28 =	sadd.s32 $0x1, s28;
	s31 =	rddreg [dreg:$0xc]  }
0x10a: {  	p0 =	sne.s32 s28, s31  }
.Ltmp9:
0x10b: {  	_ = 	snop;
	(pc) =	sbr.rel @p0 .LBB2_1-.Ltmp9, $3  }
0x10c: {  	_ =	sdelay $0x1  }
0x10d: {  	[sflag:s19] =	ssyncset.done $0x0  }
0x10e: {  	s15 =	smov.u32 s3;
	[sflag:s19] =	ssyncadd.s32 $0xFFFFF800  }
0x10f: {  	_ =	sfence.sel $0x180000  }
0x110: {  	[bflag:$0x0] =	sbarrier.arrive $0xFFFF  }
0x111: {  	_ =	strace $0x9000004D  }
0x112: {  	s0 =	stileid.u32;
	[bflag:$0x2] =	sbarrier.arrive $0xFFFF  }
0x113: {  	p0 =	sne.s32 s0, $0x0;
	s0 =	rddreg [dreg:$0x2]  }
0x114: {  	s0 =	sadd.s32 @!p0 $0x100000, s0  }
0x115: {  	[sflag:s0] =	ssyncadd.tile.s32 @!p0 $0x1;
	_ =	shalt  }
.Lfunc_end2:
_tile_overlayer_lowered:
.L_overlay_start_2:
0x116: {  	(tag) =	ssettag $0x2  }
0x117: {  	s0 =	rddreg [dreg:$0x0];
	s2 =	stileid.u32  }
0x118: {  	s1 =	rddreg [dreg:$0x1];
	p0 =	sne.s32 s2, $0x0  }
0x119: {  	s3 =	rddreg [dreg:$0x2];
	[bflag:$0x3] =	sbarrier.arrive $0xFFFF;
	s2 =	simm.s32 @!p0 $0x1C03  }
0x11a: {  	[timem:s3], [sflag:s2] =	dma.local @!p0 [hbm:s0], s1  }
0x11b: {  	s0 =	simm.s32 @!p0 $0x3  }
0x11c: {  	_ =	swait.ge @!p0 [sflag:s0], s1  }
0x11d: {  	s1 =	ssub.s32 @!p0 $0x0, s1;
	[sflag:s0] =	ssyncset.done @!p0 $0x0  }
0x11e: {  	[sflag:s0] =	ssyncadd.s32 @!p0 s1  }
0x11f: {  	[bflag:$0x3] =	sbarrier.arrive $0xFFFF  }
0x120: {  	_ =	shalt  }

// kernel: kernel.9.cloned.1.call-start
scs
__scs_entry_jumppad:
0x0: {  	(pc) =	sbr.rel $0x88, $3  }
0x1: {  	(tag) =	ssettag $0x0;
	lr =	simm.s32 $0x1  }
0x2: {  	[smem:$0x3F99] =	sst lr;
	_ =	strace $0xD0000000  }
0x3: {  	_ = 	snop  }
0x4: {  	_ = 	snop  }
0x5: {  	_ = 	snop  }
0x6: {  	_ = 	snop  }
0x7: {  	_ = 	snop  }
__scs_overlays_trampoline_lowered:
0x8: {  	[smem:$0x3FA8] =	sst s0  }
0x9: {  	[smem:$0x3FA9] =	sst s1  }
0xa: {  	[smem:$0x3FAA] =	sst s2  }
0xb: {  	[smem:$0x3FAB] =	sst s3  }
0xc: {  	[smem:$0x3FAC] =	sst s4  }
0xd: {  	[smem:$0x3FAD] =	sst s5  }
0xe: {  	[smem:$0x3FAE] =	sst s6  }
0xf: {  	[smem:$0x3FAF] =	sst s7  }
0x10: {  	[smem:$0x3FB0] =	sst s8  }
0x11: {  	[smem:$0x3FB1] =	sst s9;
	s0 =	simm.s32 @!p0 $0x0  }
0x12: {  	s1 =	sld [smem:$0x3F97];
	s0 =	simm.s32 @p0 $0x1  }
0x13: {  	[smem:$0x3FB2] =	sst s0;
	s0 =	simm.s32 @!p1 $0x0  }
0x14: {  	s2 =	sld [smem:$0x3F96];
	s0 =	simm.s32 @p1 $0x1  }
0x15: {  	[smem:$0x3FB3] =	sst s0;
	s0 =	simm.s32 @!p2 $0x0  }
0x16: {  	s3 =	sld [smem:$0x3FDB];
	s0 =	simm.s32 @p2 $0x1  }
0x17: {  	s4 =	simm.s32 $0x1BF5;
	[smem:$0x3FB5] =	sst s0  }
0x18: {  	s0 =	sld [smem:$0x3F98];
	_ =	swait.ge [sflag:s4], $0x0  }
0x19: {  	s7 =	sld [smem:$0x3F99]  }
0x1a: {  	s8 =	sadd.s32 $0xFFFFE003, lr  }
0x1b: {  	s9 =	sadd.s32 $0xFFFFFEF7, lr;
	s5 =	simm.s32 $0xFFFFFFFF;
	p2 =	slt.u32 s8, $0xFFFFF086  }
0x1c: {  	p1 =	slt.u32 s9, $0xF7A;
	s5 =	simm.s32 @!p2 $0x0  }
0x1d: {  	s5 =	simm.s32 @p1 $0x1;
	p0 =	seq.s32 s7, s2  }
0x1e: {  	s7 =	smul.u32 @!p0 $0xF7A, s2;
	p2 =	seq.s32 @!p0 s5, $0x0  }
0x1f: {  	s9 =	smul.u32 $0xF7A, s1;
	s8 =	simm.s32 @!p0 $0x1BF5;
	p2 =	por !p2, p0  }
0x20: {  	[sflag:s8] =	ssyncset.s32 @!p0 $0xFFFFF086;
	s6 =	sadd.s32 @!p0 s3, s7;
	s7 =	simm.s32 @!p0 $0x108  }
0x21: {  	s3 =	sadd.s32 s3, s9;
	s6 =	sadd.s32 @!p0 $0x88, s6;
	s7 =	simm.s32 @p2 $0x1082  }
0x22: {  	[simem:s7], [sflag:s8] =	dma.local @!p0 [hbm:s6], $0xF7A  }
0x23: {  	s9 =	sor.u32 $0xD0000000, s2;
	s6 =	simm.s32 $0x108;
	_ =	swait.ge @!p0 [sflag:s8], $0x0  }
0x24: {  	s3 =	sadd.s32 $0x88, s3;
	s6 =	simm.s32 @!p1 $0x1082;
	[sflag:s4] =	ssyncset.s32 $0xFFFFF086  }
0x25: {  	[simem:s6], [sflag:s4] =	dma.local [hbm:s3], $0xF7A  }
0x26: {  	[smem:$0x3F99] =	sst s1;
	(tag) =	ssettag s2;
	_ =	strace s9  }
0x27: {  	s1 =	sld [smem:$0x3FA9]  }
0x28: {  	s2 =	sld [smem:$0x3FAA]  }
0x29: {  	s4 =	sld [smem:$0x3FAC]  }
0x2a: {  	p0 =	seq.s32 s5, $0x0;
	s5 =	sld [smem:$0x3FAD]  }
0x2b: {  	s6 =	sld [smem:$0x3FAE]  }
0x2c: {  	s7 =	sld [smem:$0x3FAF]  }
0x2d: {  	s3 =	simm.s32 $0x108;
	s8 =	sld [smem:$0x3FB0]  }
0x2e: {  	s3 =	simm.s32 @!p0 $0x1082;
	s9 =	sld [smem:$0x3FB1]  }
0x2f: {  	lr =	sadd.s32 s0, s3;
	s0 =	sld [smem:$0x3FA8]  }
0x30: {  	s3 =	sld [smem:$0x3FAB]  }
0x31: {  	[smem:$0x3FB4] =	sst s10  }
0x32: {  	s10 =	sld [smem:$0x3FB2];
	_ =	sdelay $0x3  }
0x33: {  	p0 =	seq.s32 s10, $0x1;
	s10 =	sld [smem:$0x3FB4];
	_ =	sdelay $0x3  }
0x34: {  	[smem:$0x3FB4] =	sst s10  }
0x35: {  	s10 =	sld [smem:$0x3FB3];
	_ =	sdelay $0x3  }
0x36: {  	p1 =	seq.s32 s10, $0x1;
	s10 =	sld [smem:$0x3FB4];
	_ =	sdelay $0x3  }
0x37: {  	[smem:$0x3FB4] =	sst s10  }
0x38: {  	s10 =	sld [smem:$0x3FB5]  }
0x39: {  	_ = 	snop;
	(pc) =	sbr.ind lr, $3  }
0x3a: {  	_ = 	snop  }
0x3b: {  	_ = 	snop  }
0x3c: {  	p2 =	seq.s32 s10, $0x1;
	s10 =	sld [smem:$0x3FB4]  }
0x3d: {  	_ =	shalt  }
0x3e: {  	_ =	shalt  }
0x3f: {  	_ =	shalt  }
0x40: {  	_ =	shalt  }
0x41: {  	_ =	shalt  }
0x42: {  	_ =	shalt  }
0x43: {  	_ =	shalt  }
0x44: {  	_ =	shalt  }
0x45: {  	_ =	shalt  }
0x46: {  	_ =	shalt  }
0x47: {  	_ =	shalt  }
0x48: {  	_ =	shalt  }
0x49: {  	_ =	shalt  }
0x4a: {  	_ =	shalt  }
0x4b: {  	_ =	shalt  }
0x4c: {  	_ =	shalt  }
0x4d: {  	_ =	shalt  }
0x4e: {  	_ =	shalt  }
0x4f: {  	_ =	shalt  }
0x50: {  	_ =	shalt  }
0x51: {  	_ =	shalt  }
0x52: {  	_ =	shalt  }
0x53: {  	_ =	shalt  }
0x54: {  	_ =	shalt  }
0x55: {  	_ =	shalt  }
0x56: {  	_ =	shalt  }
0x57: {  	_ =	shalt  }
0x58: {  	_ =	shalt  }
0x59: {  	_ =	shalt  }
0x5a: {  	_ =	shalt  }
0x5b: {  	_ =	shalt  }
0x5c: {  	_ =	shalt  }
0x5d: {  	_ =	shalt  }
0x5e: {  	_ =	shalt  }
0x5f: {  	_ =	shalt  }
0x60: {  	_ =	shalt  }
0x61: {  	_ =	shalt  }
0x62: {  	_ =	shalt  }
0x63: {  	_ =	shalt  }
0x64: {  	_ =	shalt  }
0x65: {  	_ =	shalt  }
0x66: {  	_ =	shalt  }
0x67: {  	_ =	shalt  }
0x68: {  	_ =	shalt  }
0x69: {  	_ =	shalt  }
0x6a: {  	_ =	shalt  }
0x6b: {  	_ =	shalt  }
0x6c: {  	_ =	shalt  }
0x6d: {  	_ =	shalt  }
0x6e: {  	_ =	shalt  }
0x6f: {  	_ =	shalt  }
0x70: {  	_ =	shalt  }
0x71: {  	_ =	shalt  }
0x72: {  	_ =	shalt  }
0x73: {  	_ =	shalt  }
0x74: {  	_ =	shalt  }
0x75: {  	_ =	shalt  }
0x76: {  	_ =	shalt  }
0x77: {  	_ =	shalt  }
0x78: {  	_ =	shalt  }
0x79: {  	_ =	shalt  }
0x7a: {  	_ =	shalt  }
0x7b: {  	_ =	shalt  }
0x7c: {  	_ =	shalt  }
0x7d: {  	_ =	shalt  }
0x7e: {  	_ =	shalt  }
0x7f: {  	_ =	shalt  }
0x80: {  	_ =	shalt  }
0x81: {  	_ =	shalt  }
0x82: {  	_ =	shalt  }
0x83: {  	_ =	shalt  }
0x84: {  	_ =	shalt  }
0x85: {  	_ =	shalt  }
0x86: {  	_ =	shalt  }
0x87: {  	_ =	shalt  }
.Lfunc_end0:
.L_simem_size_0:
called_computation_lowered:
.L_overlay_start_0:
0x88: {  	s2 =	sld [smem:$0x3FD9]  }
0x89: {  	s3 =	sld [smem:$0x3FFE];
	_ =	sdelay $0x1  }
0x8a: {  	s1 =	srdreg.scid  }
0x8b: {  	s0 =	sand.u32 $0x1, s1  }
0x8c: {  	s16 =	sshll.u32 s0, $0xA;
	s2 =	sadd.s32 s3, s2  }
0x8d: {  	s2 =	sadd.s32 s2, s16  }
0x8e: {  	[smem:$0x3FC0] =	sst s2  }
0x8f: {  	_ = 	snop  }
0x90: {  	(tm) =	ssettm $0x1  }
0x91: {  	s17 =	sld [smem:$0x3FFB];
	_ =	sdelay $0x3  }
0x92: {  	_ =	strace s17  }
0x93: {  	s2 =	sld [smem:$0x3FFC];
	_ =	sdelay $0x3  }
0x94: {  	_ =	strace s2  }
0x95: {  	s2 =	sld [smem:$0x3FFD];
	_ =	sdelay $0x3  }
0x96: {  	_ =	strace s2  }
0x97: {  	_ =	strace $0x8FFFFFFF  }
0x98: {  	s18 =	sld [smem:$0x3FDB];
	_ =	sdelay $0x1  }
0x99: {  	s19 =	simm.s32 $_scs_section_size  }
0x9a: {  	s4 =	simm.s32 $_size__tile_overlayer_lowered;
	s5 =	simm.s32 $_tile_overlayer_lowered  }
0x9b: {  	s22 =	simm.s32 $0x1BFF;
	s21 =	sshll.u32 s5, $0x1;
	s2 =	sadd.s32 s19, s18  }
0x9c: {  	s6 =	simm.s32 $0x0;
	s20 =	sshll.u32 s4, $0x1;
	s4 =	sadd.s32 s21, s2  }
0x9d: {  	[timem:s6], [sflag:s22] =	dma.local [hbm:s4], s20  }
0x9e: {  	_ =	swait.ge [sflag:s22], s20  }
0x9f: {  	s3 =	ssub.s32 $0x0, s20;
	[sflag:s22] =	ssyncset.done $0x0  }
0xa0: {  	[sflag:s22] =	ssyncadd.s32 s3;
	_ =	sdelay $0x1  }
0xa1: {  	s23 =	simm.s32 $0x1B8B  }
0xa2: {  	_ =	swait.ge [sflag:s23], $0x1  }
0xa3: {  	[sflag:s23] =	ssyncset.done $0x0  }
0xa4: {  	s25 =	simm.s32 $0x1B8E;
	s24 =	sld [smem:$0x3FFE];
	[sflag:s23] =	ssyncadd.s32 $0xFFFFFFFF  }
0xa5: {  	s26 =	simm.s32 $execute0_lowered;
	[smem:$0x3FD2] =	sst s25  }
0xa6: {  	s4 =	sshll.u32 s26, $0x1;
	_ =	strace $0x80000046;
	[dreg:$0x1] =	wrdreg $0xFFFFFFFF  }
0xa7: {  	s28 =	simm.s32 $_size_execute0_lowered;
	s2 =	sadd.s32 s2, s4;
	[dreg:$0x0] =	wrdreg $0x0  }
0xa8: {  	s4 =	sshll.u32 s28, $0x1;
	[dreg:$0x2] =	wrdreg s2  }
0xa9: {  	[dreg:$0x3] =	wrdreg s4  }
0xaa: {  	[dreg:$0x4] =	wrdreg $0xC0  }
0xab: {  	_ =	task [dreg:s6], $0x5FFFF  }
0xac: {  	[dreg:$0x1] =	wrdreg $0xFFFFFFFF  }
0xad: {  	[dreg:$0x0] =	wrdreg $0x60  }
0xae: {  	[dreg:$0x2] =	wrdreg s24  }
0xaf: {  	[dreg:$0x3] =	wrdreg $0xDE800  }
0xb0: {  	[dreg:$0x4] =	wrdreg $0x9  }
0xb1: {  	_ =	task.clear_ibuf [dreg:s6], $0x5FFFF;
	_ =	strace $0x90000046  }
0xb2: {  	s29 =	simm.s32 $0x9;
	_ =	strace $0x80000048  }
0xb3: {  	_ =	swait.ge [sflag:s29], $0x1  }
0xb4: {  	[sflag:s29] =	ssyncadd.s32 $0xFFFFFFFF  }
0xb5: {  	_ =	strace $0x90000048  }
0xb6: {  	_ =	sfence  }
0xb7: {  	s30 =	sld [smem:$0x0];
	_ =	sdelay $0x2  }
0xb8: {  	s31 =	sshll.u32 s1, $0xD;
	s1 =	sshrl.u32 s1, $0x2  }
0xb9: {  	s3 =	sand.u32 $0x4000, s31;
	s1 =	sadd.s32 s1, s30  }
0xba: {  	s0 =	sor.u32 s3, s0;
	s1 =	sshll.u32 s1, $0x11  }
0xbb: {  	s0 =	sor.u32 s1, s0  }
0xbc: {  	s0 =	sadd.s32 $0x8F2B, s0  }
0xbd: {  	[sflag:s0] =	ssyncadd.remote.s32 $0x1  }
0xbe: {  	_ =	sfence.sel $0xFFFF  }
0xbf: {  	[dreg:$0x0] =	wrdreg $0xFFFFFFFF;
	(pc) =	sbr.abs _section_cstart, $3  }
0xc0: {  	[dreg:$0x1] =	wrdreg $0xFFFFFFFF  }
0xc1: {  	_ =	task.clear_ibuf [dreg:s6], $0x2FFFF;
	_ =	strace $0x9FFFFFFF  }
0xc2: {  	(tm) =	ssettm $0x7FFFFFFF  }
0xc3: {  	_ =	shalt  }
tec
execute0_lowered:
.L_overlay_start_1:
0x0: {  	(tag) =	ssettag $0x1  }
0x1: {  	s0 =	rddreg [dreg:$0x0]  }
0x2: {  	s1 =	rddreg [dreg:$0x1];
	s3 =	simm.s32 $0x0  }
0x3: {  	s2 =	srdreg.scid;
	s9 =	stileid.u32;
	s15 =	simm.s32 $0x3  }
0x4: {  	s16 =	simm.s32 $0x80;
	s17 =	simm.s32 $0x7680;
	s18 =	simm.s32 $0x1  }
0x5: {  	v0 =	vimm.s32 $0xFEDCBA98;
	v1 =	vimm.s32 $0x76543210;
	s19 =	simm.s32 $0x40;
	s20 =	simm.s32 $0xE00;
	s21 =	simm.s32 $0x2  }
0x6: {  	v2 =	vimm.s32 $0xBA98FEDC;
	v3 =	vimm.s32 $0x32107654;
	s22 =	simm.s32 $0xE40;
	s23 =	simm.s32 $0x0;
	[smem:$0x7FF] =	sst s3  }
0x7: {  	v4 =	vimm.s32 $0xDCFE98BA;
	v5 =	vimm.s32 $0x54761032;
	s2 =	sand.u32 $0x1, s2;
	s10 =	smul.u32 $0x10400, s9;
	s4 =	sadd.s32 $0x600, s0  }
0x8: {  	v6 =	vimm.s32 $0xEFCDAB89;
	s5 =	sadd.s32 $0x40000, s0;
	s0 =	sadd.s32 $0x4A800, s0;
	s14 =	smul.u32 $0x104000, s2  }
0x9: {  	v7 =	vimm.s32 $0x67452301;
	vm0 =	vmmov $0xff;
	_ =	strace $0x80000047;
	s6 =	ssub.s32 $0x2, s2;
	s2 =	smul.u32 $0x1390, s2  }
0xa: {  	v0 =	vunpack.c.l.s4.s8 v0;
	v1 =	vunpack.c.l.s4.s8 v1;
	v2 =	vunpack.c.l.s4.s8 v2;
	s7 =	sshrl.u32 s6, $0x1;
	s12 =	sadd.s32 $0x6800, s10;
	s13 =	sadd.s32 $0xD000, s10  }
0xb: {  	v3 =	vunpack.c.l.s4.s8 v3;
	v4 =	vunpack.c.l.s4.s8 v4;
	v5 =	vunpack.c.l.s4.s8 v5;
	s11 =	ssub.s32 s6, s7;
	s6 =	sadd.s32 s10, s1;
	s7 =	sadd.s32 s12, s1  }
0xc: {  	v6 =	vunpack.c.l.s4.s8 v6;
	v7 =	vunpack.c.l.s4.s8 v7;
	v0 =	vunpack.c.0.s8.s32 v0;
	s8 =	sadd.s32 s13, s1;
	s10 =	sadd.s32 s10, s14;
	s12 =	sadd.s32 s14, s12  }
0xd: {  	v1 =	vunpack.c.0.s8.s32 v1;
	v2 =	vunpack.c.0.s8.s32 v2;
	v3 =	vunpack.c.0.s8.s32 v3;
	s13 =	sadd.s32 s14, s13;
	s10 =	sshrl.u32 s10, $0x3;
	s31 =	smax.u32 s11, $0x1  }
0xe: {  	v4 =	vunpack.c.0.s8.s32 v4;
	v5 =	vunpack.c.0.s8.s32 v5;
	v0 =	vand.u32 $0xF, v0;
	s12 =	sshrl.u32 s12, $0x3;
	s10 =	sadd.s32 s0, s10;
	[dreg:$0x6] =	wrdreg s31  }
0xf: {  	v6 =	vunpack.c.0.s8.s32 v6;
	v7 =	vunpack.c.0.s8.s32 v7;
	s30 =	sshrl.u32 s13, $0x3;
	s29 =	sadd.s32 s0, s12;
	v0 =	vcombine.low v0, v1;
	[dreg:$0x3] =	wrdreg s10  }
0x10: {  	s24 =	simm.s32 $0x0;
	s0 =	sadd.s32 s0, s30;
	v1 =	vcombine.low v3, v2;
	v2 =	vmov s2;
	v3 =	vcombine.low v5, v4;
	[dreg:$0x4] =	wrdreg s29  }
0x11: {  	s9 =	smul.u32 $0x5400, s9;
	s14 =	simm.s32 $0xE80;
	v4 =	vimm.f32 $0.0e+00;
	v5 =	vcombine.low v7, v6;
	v6 =	vlaneseq.u32;
	[dreg:$0x5] =	wrdreg s0  }
.LBB2_1:
0x12: {  	s0 =	simm.s32 $0x0;
	s2 =	simm.s32 $0x340  }
.LBB2_2:
0x13: {  	p0 =	sne.s32 s2, $0x19CC0;
	[tilespmem:s0+$0xF40] =	vst v4  }
0x14: {  	[tilespmem:s0+$0xE80] =	vst v4  }
0x15: {  	[tilespmem:s0+$0xE90] =	vst v4  }
0x16: {  	[tilespmem:s0+$0xEA0] =	vst v4  }
0x17: {  	[tilespmem:s0+$0xEB0] =	vst v4  }
0x18: {  	[tilespmem:s0+$0xEC0] =	vst v4  }
0x19: {  	[tilespmem:s0+$0xED0] =	vst v4  }
0x1a: {  	[tilespmem:s0+$0xEE0] =	vst v4  }
.Ltmp0:
0x1b: {  	[tilespmem:s0+$0xEF0] =	vst v4;
	(pc) =	sbr.rel @p0 .LBB2_2-.Ltmp0, $4  }
0x1c: {  	[tilespmem:s0+$0xF00] =	vst v4  }
0x1d: {  	[tilespmem:s0+$0xF10] =	vst v4  }
0x1e: {  	[tilespmem:s0+$0xF20] =	vst v4  }
0x1f: {  	[tilespmem:s0+$0xF30] =	vst v4;
	s0 =	sshra.s32 s2, $0x2;
	s2 =	sadd.s32 $0x340, s2  }
0x20: {  	[tilespmem:s0+$0xF40] =	vst v4  }
0x21: {  	[tilespmem:s0+$0xE80] =	vst v4  }
0x22: {  	[tilespmem:s0+$0xE90] =	vst v4  }
0x23: {  	[tilespmem:s0+$0xEA0] =	vst v4  }
0x24: {  	[tilespmem:s0+$0xEB0] =	vst v4  }
0x25: {  	[tilespmem:s0+$0xEC0] =	vst v4  }
0x26: {  	[tilespmem:s0+$0xED0] =	vst v4  }
0x27: {  	[tilespmem:s0+$0xEE0] =	vst v4  }
0x28: {  	[tilespmem:s0+$0xEF0] =	vst v4  }
0x29: {  	[tilespmem:s0+$0xF00] =	vst v4  }
0x2a: {  	[tilespmem:s0+$0xF10] =	vst v4  }
0x2b: {  	[tilespmem:s0+$0xF20] =	vst v4  }
0x2c: {  	[tilespmem:s0+$0xF30] =	vst v4  }
0x2d: {  	[spmem:s6] =	stream.linear.scatter [tilespmem:s14], [sflag:$0x3], $0x6800, $0x38;
	[tilespmem:$0x1E280] =	vst v63  }
0x2e: {  	_ =	swait.ge [sflag:s15], $0x6800  }
0x2f: {  	[sflag:s15] =	ssyncset.done $0x0  }
0x30: {  	[sflag:s15] =	ssyncadd.s32 $0xFFFF9800  }
0x31: {  	[spmem:s7] =	stream.linear.scatter [tilespmem:s14], [sflag:$0x3], $0x6800, $0x38;
	[tilespmem:$0x1E280] =	vst v63  }
0x32: {  	_ =	swait.ge [sflag:s15], $0x6800  }
0x33: {  	[sflag:s15] =	ssyncset.done $0x0  }
0x34: {  	[sflag:s15] =	ssyncadd.s32 $0xFFFF9800  }
0x35: {  	[spmem:s8] =	stream.linear.scatter [tilespmem:s14], [sflag:$0x3], $0x3400, $0x38;
	[tilespmem:$0x1E280] =	vst v63  }
0x36: {  	_ =	swait.ge [sflag:s15], $0x3400  }
0x37: {  	[sflag:s15] =	ssyncset.done $0x0  }
0x38: {  	[sflag:s15] =	ssyncadd.s32 $0xFFFFCC00  }
0x39: {  	s25 =	simm.s32 $0x0;
	[bflag:$0x0] =	sbarrier.arrive $0xFFFF  }
.LBB2_4:
0x3a: {  	s0 =	smul.u32 $0xE00, s25;
	_ =	sdelay $0x1  }
0x3b: {  	s0 =	sadd.s32 s9, s0  }
0x3c: {  	s0 =	sshrl.u32 s0, $0x3  }
0x3d: {  	s0 =	sadd.s32 s5, s0  }
0x3e: {  	[tilespmem:s24], [sflag:$0x3] =	stream.linear.gather [hbm4b:s0+s24], $0xE00, $0x38;
	[tilespmem:$0x1E280] =	vst v63  }
0x3f: {  	_ =	swait.ge [sflag:s15], $0xE00  }
0x40: {  	[sflag:s15] =	ssyncset.done $0x0  }
0x41: {  	s26 =	simm.s32 $0x0;
	[sflag:s15] =	ssyncadd.s32 $0xFFFFF200  }
.LBB2_5:
0x42: {  	s0 =	sshll.u32 s26, $0x8  }
0x43: {  	s28 =	sand.u32 $0x3FFFFF00, s0  }
0x44: {  	[tilespmem:s14], [sflag:$0x1] =	stream.indirect.gather [hbm4b:s4+s16], $0xD0, s28, s16, $0xb8;
	[tilespmem:$0x1E280] =	vst v63  }
0x45: {  	s0 =	sor.u32 $0x80, s28  }
0x46: {  	[tilespmem:s17], [sflag:$0x2] =	stream.indirect.gather [hbm4b:s4+s16], $0xD0, s0, s16, $0xb8;
	[tilespmem:$0x1E280] =	vst v63  }
0x47: {  	_ =	swait.ge [sflag:s18], $0x6800  }
0x48: {  	[sflag:s18] =	ssyncset.done $0x0  }
0x49: {  	[sflag:s18] =	ssyncadd.s32 $0xFFFF9800  }
0x4a: {  	v7 =	vld [tilespmem:s28+$0x40];
	_ =	sdelay $0x4  }
0x4b: {  	v8 =	vsub.s32 v7, v2;
	v7 =	vand.u32 $0x3F, v7  }
0x4c: {  	vm1 =	vlt.u32 v8, $0x1390;
	v7 =	vadd.s32 $0x1390, v7  }
0x4d: {  	v7 =	vsel vm1, v8, v7  }
0x4e: {  	[tilespmem:$0xE00] =	vst v7  }
0x4f: {  	v7 =	vld [tilespmem:s28+$0x50];
	_ =	sdelay $0x4  }
0x50: {  	v8 =	vsub.s32 v7, v2;
	v7 =	vand.u32 $0x3F, v7  }
0x51: {  	vm1 =	vlt.u32 v8, $0x1390;
	v7 =	vadd.s32 $0x1390, v7  }
0x52: {  	v7 =	vsel vm1, v8, v7  }
0x53: {  	[tilespmem:$0xE10] =	vst v7  }
0x54: {  	v7 =	vld [tilespmem:s28+$0x60];
	_ =	sdelay $0x4  }
0x55: {  	v8 =	vsub.s32 v7, v2;
	v7 =	vand.u32 $0x3F, v7  }
0x56: {  	vm1 =	vlt.u32 v8, $0x1390;
	v7 =	vadd.s32 $0x1390, v7  }
0x57: {  	v7 =	vsel vm1, v8, v7  }
0x58: {  	[tilespmem:$0xE20] =	vst v7  }
0x59: {  	v7 =	vld [tilespmem:s28+$0x70];
	_ =	sdelay $0x4  }
0x5a: {  	v8 =	vsub.s32 v7, v2;
	v7 =	vand.u32 $0x3F, v7  }
0x5b: {  	vm1 =	vlt.u32 v8, $0x1390;
	v7 =	vadd.s32 $0x1390, v7  }
0x5c: {  	v7 =	vsel vm1, v8, v7  }
0x5d: {  	s29 =	simm.s32 $0x0;
	s30 =	simm.s32 $0x4340;
	s31 =	simm.s32 $0xEE0;
	[tilespmem:$0xE30] =	vst v7  }
.LBB2_6:
0x5e: {  	v9 =	vld [tilespmem:s30+$0xFFFFCB40]  }
0x5f: {  	v7 =	vld [tilespmem:s30+$0xFFFFCC00]  }
0x60: {  	v8 =	vld [tilespmem:s30+$0x0]  }
0x61: {  	v10 =	vld [tilespmem:s30+$0xFFFFFF40]  }
0x62: {  	v11 =	vld [tilespmem:s30+$0xFFFFCB50]  }
0x63: {  	v12 =	vld [tilespmem:s30+$0xFFFFFF50]  }
0x64: {  	v13 =	vld [tilespmem:s30+$0xFFFFCB60]  }
0x65: {  	v15 =	vld [tilespmem:s30+$0xFFFFFF60];
	v14 =	vmul.f32 v8, v7  }
0x66: {  	v16 =	vld [tilespmem:s30+$0xFFFFFF70];
	v9 =	vmul.f32 v10, v9  }
0x67: {  	v10 =	vld [tilespmem:s30+$0xFFFFCB70];
	v14 =	vnsel vm0, $0x0, v14  }
0x68: {  	v11 =	vmul.f32 v12, v11;
	v12 =	vld [tilespmem:s30+$0xFFFFCB80];
	v9 =	vadd.f32 v9, v14  }
0x69: {  	v14 =	vld [tilespmem:s30+$0xFFFFFF80]  }
0x6a: {  	v9 =	vadd.f32 v11, v9;
	v11 =	vmul.f32 v15, v13;
	v13 =	vld [tilespmem:s30+$0xFFFFCB90]  }
0x6b: {  	v15 =	vld [tilespmem:s30+$0xFFFFFF90]  }
0x6c: {  	v10 =	vmul.f32 v16, v10;
	v16 =	vld [tilespmem:s30+$0xFFFFFFA0];
	v9 =	vadd.f32 v11, v9  }
0x6d: {  	v11 =	vld [tilespmem:s30+$0xFFFFCBA0]  }
0x6e: {  	v9 =	vadd.f32 v10, v9;
	v10 =	vmul.f32 v14, v12;
	v12 =	vld [tilespmem:s30+$0xFFFFCBB0]  }
0x6f: {  	v14 =	vld [tilespmem:s30+$0xFFFFFFB0]  }
0x70: {  	v9 =	vadd.f32 v10, v9;
	v10 =	vmul.f32 v15, v13;
	v13 =	vld [tilespmem:s30+$0xFFFFCBC0]  }
0x71: {  	v15 =	vld [tilespmem:s30+$0xFFFFFFC0]  }
0x72: {  	v17 =	vld [tilespmem:s30+$0xFFFFFFD0];
	v9 =	vadd.f32 v10, v9;
	v10 =	vmul.f32 v16, v11  }
0x73: {  	v11 =	vld [tilespmem:s30+$0xFFFFCBD0]  }
0x74: {  	v18 =	vld [tilespmem:s30+$0xFFFFCBE0];
	v9 =	vadd.f32 v10, v9;
	v10 =	vmul.f32 v14, v12  }
0x75: {  	v19 =	vld [tilespmem:s30+$0xFFFFFFE0]  }
0x76: {  	v12 =	vld [tilespmem:s30+$0xFFFFFFF0];
	v13 =	vmul.f32 v15, v13;
	v9 =	vadd.f32 v10, v9  }
0x77: {  	s10 =	sadd.s32 $0xD0, s30;
	v10 =	vld [tilespmem:s30+$0xFFFFCBF0]  }
0x78: {  	v16 =	vld [tilespmem:s10+$0xFFFFCB40];
	v15 =	vmul.f32 v17, v11;
	v14 =	vadd.f32 v13, v9  }
0x79: {  	v13 =	vld [tilespmem:s10+$0xFFFFCC00]  }
0x7a: {  	s0 =	simm.s32 $0x1;
	s11 =	simm.s32 $0x2;
	s2 =	simm.s32 $0x0;
	v11 =	vld [tilespmem:s10+$0x0];
	v9 =	vimm.f32 $0.0e+00;
	v14 =	vadd.f32 v15, v14;
	v15 =	vmul.f32 v19, v18  }
.LBB2_7:
0x7b: {  	p0 =	sne.s32 s11, $0xF;
	v17 =	vld [tilespmem:s10+$0xFFFFFF40]  }
0x7c: {  	v18 =	vld [tilespmem:s10+$0xFFFFCB50];
	v14 =	vadd.f32 v15, v14;
	v10 =	vmul.f32 v12, v10  }
0x7d: {  	v12 =	vld [tilespmem:s10+$0xFFFFFF50];
	(v2sf) =	vpush v7, $0xE  }
0x7e: {  	v15 =	vld [tilespmem:s10+$0xFFFFCB60];
	v10 =	vadd.f32 v10, v14;
	(v2sf) =	vpush v8, $0xD;
	v7 =	vmov v13  }
0x7f: {  	v13 =	vmul.f32 v11, v7;
	v14 =	vld [tilespmem:s10+$0xFFFFFF60];
	v8 =	vmov v11  }
0x80: {  	v11 =	vmul.f32 v17, v16;
	v16 =	vld [tilespmem:s10+$0xFFFFCB70];
	v17 =	vperm.xlane v10, v0  }
0x81: {  	v13 =	vnsel vm0, $0x0, v13;
	v19 =	vld [tilespmem:s10+$0xFFFFFF70]  }
0x82: {  	v11 =	vadd.f32 v11, v13;
	v12 =	vmul.f32 v12, v18;
	v13 =	vld [tilespmem:s10+$0xFFFFCB80];
	v10 =	vadd.f32 v10, v17  }
0x83: {  	v17 =	vld [tilespmem:s10+$0xFFFFFF80]  }
0x84: {  	v11 =	vadd.f32 v12, v11;
	v12 =	vmul.f32 v14, v15;
	v14 =	vld [tilespmem:s10+$0xFFFFCB90];
	v15 =	vperm.xlane v10, v1  }
0x85: {  	v18 =	vld [tilespmem:s10+$0xFFFFFF90]  }
0x86: {  	v11 =	vadd.f32 v12, v11;
	v12 =	vmul.f32 v19, v16;
	v16 =	vld [tilespmem:s10+$0xFFFFCBA0];
	v10 =	vadd.f32 v10, v15  }
0x87: {  	v15 =	vld [tilespmem:s10+$0xFFFFFFA0]  }
0x88: {  	v11 =	vadd.f32 v12, v11;
	v12 =	vmul.f32 v17, v13;
	v13 =	vld [tilespmem:s10+$0xFFFFCBB0];
	v17 =	vperm.xlane v10, v3  }
0x89: {  	v19 =	vld [tilespmem:s10+$0xFFFFFFB0]  }
0x8a: {  	v11 =	vadd.f32 v12, v11;
	v12 =	vmul.f32 v18, v14;
	v14 =	vld [tilespmem:s10+$0xFFFFCBC0];
	v10 =	vadd.f32 v10, v17  }
0x8b: {  	v17 =	vld [tilespmem:s10+$0xFFFFFFC0]  }
0x8c: {  	v11 =	vadd.f32 v12, v11;
	v12 =	vmul.f32 v15, v16;
	v15 =	vld [tilespmem:s10+$0xFFFFCBD0];
	v16 =	vperm.xlane v10, v5;
	s12 =	spop (v2sf)  }
0x8d: {  	v18 =	vld [tilespmem:s10+$0xFFFFFFD0];
	s13 =	spop (v2sf)  }
0x8e: {  	v11 =	vadd.f32 v12, v11;
	v12 =	vmul.f32 v19, v13;
	v19 =	vld [tilespmem:s10+$0xFFFFCBE0];
	v13 =	vadd.f32 v10, v16;
	s12 =	smul.f32 s13, s12  }
0x8f: {  	v16 =	vmov s2;
	s2 =	smov.u32 s0;
	s0 =	smov.u32 s11;
	v20 =	vld [tilespmem:s10+$0xFFFFFFE0]  }
.Ltmp1:
0x90: {  	v11 =	vadd.f32 v12, v11;
	v14 =	vmul.f32 v17, v14;
	v10 =	vld [tilespmem:s10+$0xFFFFCBF0];
	v13 =	vmul.f32 s12, v13;
	(pc) =	sbr.rel @p0 .LBB2_7-.Ltmp1, $4  }
0x91: {  	vm1 =	veq.s32 v16, v6;
	v12 =	vld [tilespmem:s10+$0xFFFFFFF0];
	s10 =	sadd.s32 $0xD0, s10  }
0x92: {  	v16 =	vld [tilespmem:s10+$0xFFFFCB40];
	v14 =	vadd.f32 v14, v11;
	v15 =	vmul.f32 v18, v15;
	v9 =	vsel vm1, v13, v9  }
0x93: {  	v13 =	vld [tilespmem:s10+$0xFFFFCC00]  }
0x94: {  	s11 =	sadd.s32 $0x1, s11;
	v11 =	vld [tilespmem:s10+$0x0];
	v14 =	vadd.f32 v15, v14;
	v15 =	vmul.f32 v20, v19  }
0x95: {  	v17 =	vld [tilespmem:s10+$0xFFFFFF40]  }
0x96: {  	v18 =	vld [tilespmem:s10+$0xFFFFCB50]  }
0x97: {  	v19 =	vld [tilespmem:s10+$0xFFFFFF50]  }
0x98: {  	v20 =	vld [tilespmem:s10+$0xFFFFCB60]  }
0x99: {  	v22 =	vld [tilespmem:s10+$0xFFFFFF60];
	v21 =	vmul.f32 v11, v13  }
0x9a: {  	v23 =	vld [tilespmem:s10+$0xFFFFFF70];
	v16 =	vmul.f32 v17, v16  }
0x9b: {  	v17 =	vld [tilespmem:s10+$0xFFFFCB70];
	v21 =	vnsel vm0, $0x0, v21  }
0x9c: {  	v47 =	vld [tilespmem:s10+$0xFFFFCB80];
	v18 =	vmul.f32 v19, v18;
	v16 =	vadd.f32 v16, v21  }
0x9d: {  	v48 =	vld [tilespmem:s10+$0xFFFFFF80]  }
0x9e: {  	v50 =	vld [tilespmem:s10+$0xFFFFCB90];
	v49 =	vmul.f32 v22, v20;
	v16 =	vadd.f32 v18, v16  }
0x9f: {  	v51 =	vld [tilespmem:s10+$0xFFFFFF90]  }
0xa0: {  	v52 =	vld [tilespmem:s10+$0xFFFFCBA0];
	v17 =	vmul.f32 v23, v17;
	v16 =	vadd.f32 v49, v16  }
0xa1: {  	v53 =	vld [tilespmem:s10+$0xFFFFFFA0]  }
0xa2: {  	v54 =	vld [tilespmem:s10+$0xFFFFCBB0];
	v16 =	vadd.f32 v17, v16;
	v17 =	vmul.f32 v48, v47  }
0xa3: {  	v55 =	vld [tilespmem:s10+$0xFFFFFFB0]  }
0xa4: {  	v56 =	vld [tilespmem:s10+$0xFFFFCBC0];
	v16 =	vadd.f32 v17, v16;
	v17 =	vmul.f32 v51, v50  }
0xa5: {  	v57 =	vld [tilespmem:s10+$0xFFFFFFC0]  }
0xa6: {  	v58 =	vld [tilespmem:s10+$0xFFFFCBD0];
	v16 =	vadd.f32 v17, v16;
	v17 =	vmul.f32 v53, v52  }
0xa7: {  	v59 =	vld [tilespmem:s10+$0xFFFFFFD0]  }
0xa8: {  	v60 =	vld [tilespmem:s10+$0xFFFFCBE0];
	v16 =	vadd.f32 v17, v16;
	v17 =	vmul.f32 v55, v54  }
0xa9: {  	v61 =	vld [tilespmem:s10+$0xFFFFFFE0]  }
0xaa: {  	v62 =	vld [tilespmem:s10+$0xFFFFCBF0];
	v16 =	vadd.f32 v17, v16;
	v17 =	vmul.f32 v57, v56  }
0xab: {  	v63 =	vld [tilespmem:s10+$0xFFFFFFF0]  }
0xac: {  	v16 =	vadd.f32 v17, v16;
	v17 =	vmul.f32 v59, v58;
	_ =	sdelay $0x1  }
0xad: {  	v16 =	vadd.f32 v17, v16;
	v17 =	vmul.f32 v61, v60  }
0xae: {  	(v2sf) =	vpush v7, $0xE;
	v14 =	vadd.f32 v15, v14;
	v10 =	vmul.f32 v12, v10  }
0xaf: {  	(v2sf) =	vpush v8, $0xD;
	v8 =	vmul.f32 v63, v62;
	v7 =	vadd.f32 v17, v16  }
0xb0: {  	v10 =	vadd.f32 v10, v14;
	(v2sf) =	vpush v13, $0xE  }
0xb1: {  	(v2sf) =	vpush v11, $0xD;
	v7 =	vadd.f32 v8, v7  }
0xb2: {  	v8 =	vperm.xlane v10, v0  }
0xb3: {  	v11 =	vperm.xlane v7, v0  }
0xb4: {  	v8 =	vadd.f32 v10, v8  }
0xb5: {  	v7 =	vadd.f32 v7, v11  }
0xb6: {  	v10 =	vperm.xlane v8, v1  }
0xb7: {  	v11 =	vperm.xlane v7, v1  }
0xb8: {  	v8 =	vadd.f32 v8, v10  }
0xb9: {  	v7 =	vadd.f32 v7, v11  }
0xba: {  	v10 =	vperm.xlane v8, v3  }
0xbb: {  	v11 =	vperm.xlane v7, v3  }
0xbc: {  	v8 =	vadd.f32 v8, v10  }
0xbd: {  	s13 =	spop (v2sf);
	v7 =	vadd.f32 v7, v11  }
0xbe: {  	s11 =	spop (v2sf);
	v10 =	vperm.xlane v8, v5  }
0xbf: {  	s12 =	spop (v2sf);
	v11 =	vperm.xlane v7, v5  }
0xc0: {  	s10 =	smul.f32 s11, s13;
	s13 =	spop (v2sf);
	v8 =	vadd.f32 v8, v10  }
0xc1: {  	s11 =	smul.f32 s13, s12;
	v7 =	vadd.f32 v7, v11  }
0xc2: {  	v10 =	vmov s2;
	v8 =	vmul.f32 s10, v8  }
0xc3: {  	vm1 =	veq.s32 v10, v6;
	v10 =	vmov s0;
	v7 =	vmul.f32 s11, v7  }
0xc4: {  	v8 =	vsel vm1, v8, v9;
	vm1 =	veq.s32 v10, v6  }
0xc5: {  	v7 =	vsel vm1, v7, v8  }
0xc6: {  	v7 =	vmul.f32 $1.442695020e+00, v7;
	_ =	sdelay $0x1  }
0xc7: {  	(erf) = vpow2.f32 v7;
	_ =	sdelay $0x6  }
0xc8: {  	v9 =	vld [tilespmem:s31+$0xFFFFFFA0]  }
0xc9: {  	s13 =	simm.s32 $0x0;
	v10 =	vld [tilespmem:s31+$0xFFFFFFB0]  }
0xca: {  	v11 =	vld [tilespmem:s31+$0xFFFFFFC0];
	v7 =	vmov s13;
	v8 =	vpop (erf)  }
0xcb: {  	v12 =	vld [tilespmem:s31+$0xFFFFFFD0];
	v7 =	vperm.xlane v8, v7  }
0xcc: {  	v13 =	vld [tilespmem:s31+$0xFFFFFFE0]  }
0xcd: {  	v14 =	vld [tilespmem:s31+$0x0];
	v9 =	vmul.f32 v9, v7  }
0xce: {  	v16 =	vld [tilespmem:s31+$0x10];
	v10 =	vmul.f32 v10, v7  }
0xcf: {  	v11 =	vmul.f32 v11, v7;
	[tilespmem:s31+$0xFFFFFFA0] =	vst v9;
	v9 =	vld [tilespmem:s31+$0x20]  }
0xd0: {  	v15 =	vmul.f32 v12, v7;
	[tilespmem:s31+$0xFFFFFFB0] =	vst v10;
	v10 =	vld [tilespmem:s31+$0x30]  }
0xd1: {  	v13 =	vmul.f32 v13, v7;
	v12 =	vld [tilespmem:s31+$0x40];
	[tilespmem:s31+$0xFFFFFFC0] =	vst v11  }
0xd2: {  	[tilespmem:s31+$0xFFFFFFD0] =	vst v15;
	v11 =	vld [tilespmem:s31+$0x50];
	v15 =	vmul.f32 v14, v7  }
0xd3: {  	s2 =	simm.s32 $0x1;
	s0 =	smov.u32 s31;
	s10 =	smov.u32 s31;
	[tilespmem:s31+$0xFFFFFFE0] =	vst v13;
	v14 =	vmul.f32 v16, v7;
	v13 =	vld [tilespmem:s31+$0x60]  }
.LBB2_9:
0xd4: {  	p0 =	sne.s32 s2, $0xF;
	v16 =	vld [tilespmem:s0+$0xFFFFFFF0];
	[tilespmem:s0+$0x0] =	vst v15;
	v9 =	vmul.f32 v9, v7;
	s10 =	sadd.s32 $0xD0, s10  }
0xd5: {  	v15 =	vld [tilespmem:s10+$0xFFFFFFA0];
	[tilespmem:s0+$0x10] =	vst v14;
	v10 =	vmul.f32 v10, v7  }
0xd6: {  	v14 =	vld [tilespmem:s10+$0xFFFFFFB0];
	[tilespmem:s0+$0x20] =	vst v9;
	v9 =	vmul.f32 v12, v7  }
0xd7: {  	v12 =	vmov s2;
	v17 =	vld [tilespmem:s10+$0xFFFFFFC0];
	[tilespmem:s0+$0x30] =	vst v10;
	v10 =	vmul.f32 v11, v7  }
0xd8: {  	v11 =	vperm.xlane v8, v12;
	v12 =	vld [tilespmem:s10+$0xFFFFFFD0];
	[tilespmem:s0+$0x40] =	vst v9;
	v9 =	vmul.f32 v13, v7  }
0xd9: {  	v13 =	vld [tilespmem:s10+$0xFFFFFFE0];
	v16 =	vmul.f32 v16, v7;
	[tilespmem:s0+$0x50] =	vst v10  }
0xda: {  	v7 =	vmov v11;
	v10 =	vmul.f32 v15, v11;
	v15 =	vld [tilespmem:s10+$0x0];
	[tilespmem:s0+$0x60] =	vst v9  }
0xdb: {  	v11 =	vmul.f32 v14, v7;
	v14 =	vld [tilespmem:s10+$0x10];
	[tilespmem:s0+$0xFFFFFFF0] =	vst v16;
	s0 =	smov.u32 s10  }
.Ltmp2:
0xdc: {  	[tilespmem:s10+$0xFFFFFFA0] =	vst v10;
	v16 =	vmul.f32 v17, v7;
	v9 =	vld [tilespmem:s10+$0x20];
	(pc) =	sbr.rel @p0 .LBB2_9-.Ltmp2, $4  }
0xdd: {  	[tilespmem:s10+$0xFFFFFFB0] =	vst v11;
	v11 =	vmul.f32 v12, v7;
	v10 =	vld [tilespmem:s10+$0x30]  }
0xde: {  	[tilespmem:s10+$0xFFFFFFC0] =	vst v16;
	v13 =	vmul.f32 v13, v7;
	v12 =	vld [tilespmem:s10+$0x40]  }
0xdf: {  	[tilespmem:s10+$0xFFFFFFD0] =	vst v11;
	v15 =	vmul.f32 v15, v7;
	v11 =	vld [tilespmem:s10+$0x50]  }
0xe0: {  	s2 =	sadd.s32 $0x1, s2;
	[tilespmem:s10+$0xFFFFFFE0] =	vst v13;
	v14 =	vmul.f32 v14, v7;
	v13 =	vld [tilespmem:s10+$0x60]  }
0xe1: {  	v8 =	vld [tilespmem:s0+$0xFFFFFFF0];
	[tilespmem:s0+$0x0] =	vst v15;
	v9 =	vmul.f32 v9, v7  }
0xe2: {  	s29 =	sadd.s32 $0x1, s29;
	[tilespmem:s0+$0x10] =	vst v14;
	v10 =	vmul.f32 v10, v7  }
0xe3: {  	p0 =	sne.s32 s29, $0x4;
	[tilespmem:s0+$0x20] =	vst v9;
	v61 =	vmul.f32 v12, v7  }
.Ltmp3:
0xe4: {  	[tilespmem:s0+$0x30] =	vst v10;
	v62 =	vmul.f32 v11, v7;
	(pc) =	sbr.rel @p0 .LBB2_6-.Ltmp3, $4  }
0xe5: {  	[tilespmem:s0+$0x40] =	vst v61;
	v63 =	vmul.f32 v13, v7  }
0xe6: {  	v7 =	vmul.f32 v8, v7;
	[tilespmem:s0+$0x50] =	vst v62  }
0xe7: {  	[tilespmem:s0+$0x60] =	vst v63  }
0xe8: {  	s30 =	sadd.s32 $0xD00, s30;
	s31 =	sadd.s32 $0xD00, s31;
	[tilespmem:s0+$0xFFFFFFF0] =	vst v7  }
0xe9: {  	[spmem:s1] =	stream.indirect.scatter.add.f32 [tilespmem:s14], [sflag:$0x3], $0xD0, s20, s19, $0xb8;
	[tilespmem:$0x1E280] =	vst v63  }
0xea: {  	_ =	swait.ge [sflag:s15], $0x3400  }
0xeb: {  	[sflag:s15] =	ssyncset.done $0x0  }
0xec: {  	[sflag:s15] =	ssyncadd.s32 $0xFFFFCC00  }
0xed: {  	_ =	swait.ge [sflag:s21], $0x6800  }
0xee: {  	[sflag:s21] =	ssyncset.done $0x0  }
0xef: {  	[sflag:s21] =	ssyncadd.s32 $0xFFFF9800  }
0xf0: {  	v7 =	vld [tilespmem:s28+$0xC0];
	_ =	sdelay $0x4  }
0xf1: {  	v8 =	vsub.s32 v7, v2;
	v7 =	vand.u32 $0x3F, v7  }
0xf2: {  	vm1 =	vlt.u32 v8, $0x1390;
	v7 =	vadd.s32 $0x1390, v7  }
0xf3: {  	v7 =	vsel vm1, v8, v7  }
0xf4: {  	[tilespmem:$0xE40] =	vst v7  }
0xf5: {  	v7 =	vld [tilespmem:s28+$0xD0];
	_ =	sdelay $0x4  }
0xf6: {  	v8 =	vsub.s32 v7, v2;
	v7 =	vand.u32 $0x3F, v7  }
0xf7: {  	vm1 =	vlt.u32 v8, $0x1390;
	v7 =	vadd.s32 $0x1390, v7  }
0xf8: {  	v7 =	vsel vm1, v8, v7  }
0xf9: {  	[tilespmem:$0xE50] =	vst v7  }
0xfa: {  	v7 =	vld [tilespmem:s28+$0xE0];
	_ =	sdelay $0x4  }
0xfb: {  	v8 =	vsub.s32 v7, v2;
	v7 =	vand.u32 $0x3F, v7  }
0xfc: {  	vm1 =	vlt.u32 v8, $0x1390;
	v7 =	vadd.s32 $0x1390, v7  }
0xfd: {  	v7 =	vsel vm1, v8, v7  }
0xfe: {  	[tilespmem:$0xE60] =	vst v7  }
0xff: {  	v7 =	vld [tilespmem:s28+$0xF0];
	_ =	sdelay $0x4  }
0x100: {  	v8 =	vsub.s32 v7, v2;
	v7 =	vand.u32 $0x3F, v7  }
0x101: {  	vm1 =	vlt.u32 v8, $0x1390;
	v7 =	vadd.s32 $0x1390, v7  }
0x102: {  	v7 =	vsel vm1, v8, v7  }
0x103: {  	s29 =	simm.s32 $0xAB40;
	s30 =	simm.s32 $0x76E0;
	s28 =	simm.s32 $0x0;
	[tilespmem:$0xE70] =	vst v7  }
.LBB2_12:
0x104: {  	v9 =	vld [tilespmem:s29+$0xFFFFCB40]  }
0x105: {  	v7 =	vld [tilespmem:s29+$0xFFFFCC00]  }
0x106: {  	v8 =	vld [tilespmem:s29+$0x0]  }
0x107: {  	v10 =	vld [tilespmem:s29+$0xFFFFFF40]  }
0x108: {  	v11 =	vld [tilespmem:s29+$0xFFFFCB50]  }
0x109: {  	v12 =	vld [tilespmem:s29+$0xFFFFFF50]  }
0x10a: {  	v13 =	vld [tilespmem:s29+$0xFFFFCB60]  }
0x10b: {  	v15 =	vld [tilespmem:s29+$0xFFFFFF60];
	v14 =	vmul.f32 v8, v7  }
0x10c: {  	v16 =	vld [tilespmem:s29+$0xFFFFFF70];
	v9 =	vmul.f32 v10, v9  }
0x10d: {  	v10 =	vld [tilespmem:s29+$0xFFFFCB70];
	v14 =	vnsel vm0, $0x0, v14  }
0x10e: {  	v11 =	vmul.f32 v12, v11;
	v12 =	vld [tilespmem:s29+$0xFFFFCB80];
	v9 =	vadd.f32 v9, v14  }
0x10f: {  	v14 =	vld [tilespmem:s29+$0xFFFFFF80]  }
0x110: {  	v9 =	vadd.f32 v11, v9;
	v11 =	vmul.f32 v15, v13;
	v13 =	vld [tilespmem:s29+$0xFFFFCB90]  }
0x111: {  	v15 =	vld [tilespmem:s29+$0xFFFFFF90]  }
0x112: {  	v10 =	vmul.f32 v16, v10;
	v16 =	vld [tilespmem:s29+$0xFFFFFFA0];
	v9 =	vadd.f32 v11, v9  }
0x113: {  	v11 =	vld [tilespmem:s29+$0xFFFFCBA0]  }
0x114: {  	v9 =	vadd.f32 v10, v9;
	v10 =	vmul.f32 v14, v12;
	v12 =	vld [tilespmem:s29+$0xFFFFCBB0]  }
0x115: {  	v14 =	vld [tilespmem:s29+$0xFFFFFFB0]  }
0x116: {  	v9 =	vadd.f32 v10, v9;
	v10 =	vmul.f32 v15, v13;
	v13 =	vld [tilespmem:s29+$0xFFFFCBC0]  }
0x117: {  	v15 =	vld [tilespmem:s29+$0xFFFFFFC0]  }
0x118: {  	v17 =	vld [tilespmem:s29+$0xFFFFFFD0];
	v9 =	vadd.f32 v10, v9;
	v10 =	vmul.f32 v16, v11  }
0x119: {  	v11 =	vld [tilespmem:s29+$0xFFFFCBD0]  }
0x11a: {  	v18 =	vld [tilespmem:s29+$0xFFFFCBE0];
	v9 =	vadd.f32 v10, v9;
	v10 =	vmul.f32 v14, v12  }
0x11b: {  	v19 =	vld [tilespmem:s29+$0xFFFFFFE0]  }
0x11c: {  	v12 =	vld [tilespmem:s29+$0xFFFFFFF0];
	v13 =	vmul.f32 v15, v13;
	v9 =	vadd.f32 v10, v9  }
0x11d: {  	s10 =	sadd.s32 $0xD0, s29;
	v10 =	vld [tilespmem:s29+$0xFFFFCBF0]  }
0x11e: {  	v16 =	vld [tilespmem:s10+$0xFFFFCB40];
	v15 =	vmul.f32 v17, v11;
	v14 =	vadd.f32 v13, v9  }
0x11f: {  	v13 =	vld [tilespmem:s10+$0xFFFFCC00]  }
0x120: {  	s0 =	simm.s32 $0x1;
	s11 =	simm.s32 $0x2;
	s2 =	simm.s32 $0x0;
	v11 =	vld [tilespmem:s10+$0x0];
	v9 =	vimm.f32 $0.0e+00;
	v14 =	vadd.f32 v15, v14;
	v15 =	vmul.f32 v19, v18  }
.LBB2_13:
0x121: {  	p0 =	sne.s32 s11, $0xF;
	v17 =	vld [tilespmem:s10+$0xFFFFFF40]  }
0x122: {  	v18 =	vld [tilespmem:s10+$0xFFFFCB50];
	v14 =	vadd.f32 v15, v14;
	v10 =	vmul.f32 v12, v10  }
0x123: {  	v12 =	vld [tilespmem:s10+$0xFFFFFF50];
	(v2sf) =	vpush v7, $0xE  }
0x124: {  	v15 =	vld [tilespmem:s10+$0xFFFFCB60];
	v10 =	vadd.f32 v10, v14;
	(v2sf) =	vpush v8, $0xD;
	v7 =	vmov v13  }
0x125: {  	v13 =	vmul.f32 v11, v7;
	v14 =	vld [tilespmem:s10+$0xFFFFFF60];
	v8 =	vmov v11  }
0x126: {  	v11 =	vmul.f32 v17, v16;
	v16 =	vld [tilespmem:s10+$0xFFFFCB70];
	v17 =	vperm.xlane v10, v0  }
0x127: {  	v13 =	vnsel vm0, $0x0, v13;
	v19 =	vld [tilespmem:s10+$0xFFFFFF70]  }
0x128: {  	v11 =	vadd.f32 v11, v13;
	v12 =	vmul.f32 v12, v18;
	v13 =	vld [tilespmem:s10+$0xFFFFCB80];
	v10 =	vadd.f32 v10, v17  }
0x129: {  	v17 =	vld [tilespmem:s10+$0xFFFFFF80]  }
0x12a: {  	v11 =	vadd.f32 v12, v11;
	v12 =	vmul.f32 v14, v15;
	v14 =	vld [tilespmem:s10+$0xFFFFCB90];
	v15 =	vperm.xlane v10, v1  }
0x12b: {  	v18 =	vld [tilespmem:s10+$0xFFFFFF90]  }
0x12c: {  	v11 =	vadd.f32 v12, v11;
	v12 =	vmul.f32 v19, v16;
	v16 =	vld [tilespmem:s10+$0xFFFFCBA0];
	v10 =	vadd.f32 v10, v15  }
0x12d: {  	v15 =	vld [tilespmem:s10+$0xFFFFFFA0]  }
0x12e: {  	v11 =	vadd.f32 v12, v11;
	v12 =	vmul.f32 v17, v13;
	v13 =	vld [tilespmem:s10+$0xFFFFCBB0];
	v17 =	vperm.xlane v10, v3  }
0x12f: {  	v19 =	vld [tilespmem:s10+$0xFFFFFFB0]  }
0x130: {  	v11 =	vadd.f32 v12, v11;
	v12 =	vmul.f32 v18, v14;
	v14 =	vld [tilespmem:s10+$0xFFFFCBC0];
	v10 =	vadd.f32 v10, v17  }
0x131: {  	v17 =	vld [tilespmem:s10+$0xFFFFFFC0]  }
0x132: {  	v11 =	vadd.f32 v12, v11;
	v12 =	vmul.f32 v15, v16;
	v15 =	vld [tilespmem:s10+$0xFFFFCBD0];
	v16 =	vperm.xlane v10, v5;
	s12 =	spop (v2sf)  }
0x133: {  	v18 =	vld [tilespmem:s10+$0xFFFFFFD0];
	s13 =	spop (v2sf)  }
0x134: {  	v11 =	vadd.f32 v12, v11;
	v12 =	vmul.f32 v19, v13;
	v19 =	vld [tilespmem:s10+$0xFFFFCBE0];
	v13 =	vadd.f32 v10, v16;
	s12 =	smul.f32 s13, s12  }
0x135: {  	v16 =	vmov s2;
	s2 =	smov.u32 s0;
	s0 =	smov.u32 s11;
	v20 =	vld [tilespmem:s10+$0xFFFFFFE0]  }
.Ltmp4:
0x136: {  	v11 =	vadd.f32 v12, v11;
	v14 =	vmul.f32 v17, v14;
	v10 =	vld [tilespmem:s10+$0xFFFFCBF0];
	v13 =	vmul.f32 s12, v13;
	(pc) =	sbr.rel @p0 .LBB2_13-.Ltmp4, $4  }
0x137: {  	vm1 =	veq.s32 v16, v6;
	v12 =	vld [tilespmem:s10+$0xFFFFFFF0];
	s10 =	sadd.s32 $0xD0, s10  }
0x138: {  	v16 =	vld [tilespmem:s10+$0xFFFFCB40];
	v14 =	vadd.f32 v14, v11;
	v15 =	vmul.f32 v18, v15;
	v9 =	vsel vm1, v13, v9  }
0x139: {  	v13 =	vld [tilespmem:s10+$0xFFFFCC00]  }
0x13a: {  	s11 =	sadd.s32 $0x1, s11;
	v11 =	vld [tilespmem:s10+$0x0];
	v14 =	vadd.f32 v15, v14;
	v15 =	vmul.f32 v20, v19  }
0x13b: {  	v17 =	vld [tilespmem:s10+$0xFFFFFF40]  }
0x13c: {  	v18 =	vld [tilespmem:s10+$0xFFFFCB50]  }
0x13d: {  	v19 =	vld [tilespmem:s10+$0xFFFFFF50]  }
0x13e: {  	v20 =	vld [tilespmem:s10+$0xFFFFCB60]  }
0x13f: {  	v22 =	vld [tilespmem:s10+$0xFFFFFF60];
	v21 =	vmul.f32 v11, v13  }
0x140: {  	v23 =	vld [tilespmem:s10+$0xFFFFFF70];
	v16 =	vmul.f32 v17, v16  }
0x141: {  	v17 =	vld [tilespmem:s10+$0xFFFFCB70];
	v21 =	vnsel vm0, $0x0, v21  }
0x142: {  	v47 =	vld [tilespmem:s10+$0xFFFFCB80];
	v18 =	vmul.f32 v19, v18;
	v16 =	vadd.f32 v16, v21  }
0x143: {  	v48 =	vld [tilespmem:s10+$0xFFFFFF80]  }
0x144: {  	v50 =	vld [tilespmem:s10+$0xFFFFCB90];
	v49 =	vmul.f32 v22, v20;
	v16 =	vadd.f32 v18, v16  }
0x145: {  	v51 =	vld [tilespmem:s10+$0xFFFFFF90]  }
0x146: {  	v52 =	vld [tilespmem:s10+$0xFFFFCBA0];
	v17 =	vmul.f32 v23, v17;
	v16 =	vadd.f32 v49, v16  }
0x147: {  	v53 =	vld [tilespmem:s10+$0xFFFFFFA0]  }
0x148: {  	v54 =	vld [tilespmem:s10+$0xFFFFCBB0];
	v16 =	vadd.f32 v17, v16;
	v17 =	vmul.f32 v48, v47  }
0x149: {  	v55 =	vld [tilespmem:s10+$0xFFFFFFB0]  }
0x14a: {  	v56 =	vld [tilespmem:s10+$0xFFFFCBC0];
	v16 =	vadd.f32 v17, v16;
	v17 =	vmul.f32 v51, v50  }
0x14b: {  	v57 =	vld [tilespmem:s10+$0xFFFFFFC0]  }
0x14c: {  	v58 =	vld [tilespmem:s10+$0xFFFFCBD0];
	v16 =	vadd.f32 v17, v16;
	v17 =	vmul.f32 v53, v52  }
0x14d: {  	v59 =	vld [tilespmem:s10+$0xFFFFFFD0]  }
0x14e: {  	v60 =	vld [tilespmem:s10+$0xFFFFCBE0];
	v16 =	vadd.f32 v17, v16;
	v17 =	vmul.f32 v55, v54  }
0x14f: {  	v61 =	vld [tilespmem:s10+$0xFFFFFFE0]  }
0x150: {  	v62 =	vld [tilespmem:s10+$0xFFFFCBF0];
	v16 =	vadd.f32 v17, v16;
	v17 =	vmul.f32 v57, v56  }
0x151: {  	v63 =	vld [tilespmem:s10+$0xFFFFFFF0]  }
0x152: {  	v16 =	vadd.f32 v17, v16;
	v17 =	vmul.f32 v59, v58;
	_ =	sdelay $0x1  }
0x153: {  	v16 =	vadd.f32 v17, v16;
	v17 =	vmul.f32 v61, v60  }
0x154: {  	(v2sf) =	vpush v7, $0xE;
	v14 =	vadd.f32 v15, v14;
	v10 =	vmul.f32 v12, v10  }
0x155: {  	(v2sf) =	vpush v8, $0xD;
	v8 =	vmul.f32 v63, v62;
	v7 =	vadd.f32 v17, v16  }
0x156: {  	v10 =	vadd.f32 v10, v14;
	(v2sf) =	vpush v13, $0xE  }
0x157: {  	(v2sf) =	vpush v11, $0xD;
	v7 =	vadd.f32 v8, v7  }
0x158: {  	v8 =	vperm.xlane v10, v0  }
0x159: {  	v11 =	vperm.xlane v7, v0  }
0x15a: {  	v8 =	vadd.f32 v10, v8  }
0x15b: {  	v7 =	vadd.f32 v7, v11  }
0x15c: {  	v10 =	vperm.xlane v8, v1  }
0x15d: {  	v11 =	vperm.xlane v7, v1  }
0x15e: {  	v8 =	vadd.f32 v8, v10  }
0x15f: {  	v7 =	vadd.f32 v7, v11  }
0x160: {  	v10 =	vperm.xlane v8, v3  }
0x161: {  	v11 =	vperm.xlane v7, v3  }
0x162: {  	v8 =	vadd.f32 v8, v10  }
0x163: {  	s31 =	spop (v2sf);
	v7 =	vadd.f32 v7, v11  }
0x164: {  	s11 =	spop (v2sf);
	v10 =	vperm.xlane v8, v5  }
0x165: {  	s12 =	spop (v2sf);
	v11 =	vperm.xlane v7, v5  }
0x166: {  	s10 =	smul.f32 s11, s31;
	s13 =	spop (v2sf);
	v8 =	vadd.f32 v8, v10  }
0x167: {  	s11 =	smul.f32 s13, s12;
	v7 =	vadd.f32 v7, v11  }
0x168: {  	v10 =	vmov s2;
	v8 =	vmul.f32 s10, v8  }
0x169: {  	vm1 =	veq.s32 v10, v6;
	v10 =	vmov s0;
	v7 =	vmul.f32 s11, v7  }
0x16a: {  	v8 =	vsel vm1, v8, v9;
	vm1 =	veq.s32 v10, v6  }
0x16b: {  	v7 =	vsel vm1, v7, v8  }
0x16c: {  	v7 =	vmul.f32 $1.442695020e+00, v7;
	_ =	sdelay $0x1  }
0x16d: {  	(erf) = vpow2.f32 v7;
	_ =	sdelay $0x6  }
0x16e: {  	v9 =	vld [tilespmem:s30+$0xFFFFFFA0]  }
0x16f: {  	s31 =	simm.s32 $0x0;
	v10 =	vld [tilespmem:s30+$0xFFFFFFB0]  }
0x170: {  	v11 =	vld [tilespmem:s30+$0xFFFFFFC0];
	v7 =	vmov s31;
	v8 =	vpop (erf)  }
0x171: {  	v12 =	vld [tilespmem:s30+$0xFFFFFFD0];
	v7 =	vperm.xlane v8, v7  }
0x172: {  	v13 =	vld [tilespmem:s30+$0xFFFFFFE0]  }
0x173: {  	v14 =	vld [tilespmem:s30+$0x0];
	v9 =	vmul.f32 v9, v7  }
0x174: {  	v16 =	vld [tilespmem:s30+$0x10];
	v10 =	vmul.f32 v10, v7  }
0x175: {  	v11 =	vmul.f32 v11, v7;
	[tilespmem:s30+$0xFFFFFFA0] =	vst v9;
	v9 =	vld [tilespmem:s30+$0x20]  }
0x176: {  	v15 =	vmul.f32 v12, v7;
	[tilespmem:s30+$0xFFFFFFB0] =	vst v10;
	v10 =	vld [tilespmem:s30+$0x30]  }
0x177: {  	v13 =	vmul.f32 v13, v7;
	v12 =	vld [tilespmem:s30+$0x40];
	[tilespmem:s30+$0xFFFFFFC0] =	vst v11  }
0x178: {  	[tilespmem:s30+$0xFFFFFFD0] =	vst v15;
	v11 =	vld [tilespmem:s30+$0x50];
	v15 =	vmul.f32 v14, v7  }
0x179: {  	s2 =	simm.s32 $0x1;
	s0 =	smov.u32 s30;
	s10 =	smov.u32 s30;
	[tilespmem:s30+$0xFFFFFFE0] =	vst v13;
	v14 =	vmul.f32 v16, v7;
	v13 =	vld [tilespmem:s30+$0x60]  }
.LBB2_15:
0x17a: {  	p0 =	sne.s32 s2, $0xF;
	v16 =	vld [tilespmem:s0+$0xFFFFFFF0];
	[tilespmem:s0+$0x0] =	vst v15;
	v9 =	vmul.f32 v9, v7;
	s10 =	sadd.s32 $0xD0, s10  }
0x17b: {  	v15 =	vld [tilespmem:s10+$0xFFFFFFA0];
	[tilespmem:s0+$0x10] =	vst v14;
	v10 =	vmul.f32 v10, v7  }
0x17c: {  	v14 =	vld [tilespmem:s10+$0xFFFFFFB0];
	[tilespmem:s0+$0x20] =	vst v9;
	v9 =	vmul.f32 v12, v7  }
0x17d: {  	v12 =	vmov s2;
	v17 =	vld [tilespmem:s10+$0xFFFFFFC0];
	[tilespmem:s0+$0x30] =	vst v10;
	v10 =	vmul.f32 v11, v7  }
0x17e: {  	v11 =	vperm.xlane v8, v12;
	v12 =	vld [tilespmem:s10+$0xFFFFFFD0];
	[tilespmem:s0+$0x40] =	vst v9;
	v9 =	vmul.f32 v13, v7  }
0x17f: {  	v13 =	vld [tilespmem:s10+$0xFFFFFFE0];
	v16 =	vmul.f32 v16, v7;
	[tilespmem:s0+$0x50] =	vst v10  }
0x180: {  	v7 =	vmov v11;
	v10 =	vmul.f32 v15, v11;
	v15 =	vld [tilespmem:s10+$0x0];
	[tilespmem:s0+$0x60] =	vst v9  }
0x181: {  	v11 =	vmul.f32 v14, v7;
	v14 =	vld [tilespmem:s10+$0x10];
	[tilespmem:s0+$0xFFFFFFF0] =	vst v16;
	s0 =	smov.u32 s10  }
.Ltmp5:
0x182: {  	[tilespmem:s10+$0xFFFFFFA0] =	vst v10;
	v16 =	vmul.f32 v17, v7;
	v9 =	vld [tilespmem:s10+$0x20];
	(pc) =	sbr.rel @p0 .LBB2_15-.Ltmp5, $4  }
0x183: {  	[tilespmem:s10+$0xFFFFFFB0] =	vst v11;
	v11 =	vmul.f32 v12, v7;
	v10 =	vld [tilespmem:s10+$0x30]  }
0x184: {  	[tilespmem:s10+$0xFFFFFFC0] =	vst v16;
	v13 =	vmul.f32 v13, v7;
	v12 =	vld [tilespmem:s10+$0x40]  }
0x185: {  	[tilespmem:s10+$0xFFFFFFD0] =	vst v11;
	v15 =	vmul.f32 v15, v7;
	v11 =	vld [tilespmem:s10+$0x50]  }
0x186: {  	s2 =	sadd.s32 $0x1, s2;
	[tilespmem:s10+$0xFFFFFFE0] =	vst v13;
	v14 =	vmul.f32 v14, v7;
	v13 =	vld [tilespmem:s10+$0x60]  }
0x187: {  	v8 =	vld [tilespmem:s0+$0xFFFFFFF0];
	[tilespmem:s0+$0x0] =	vst v15;
	v9 =	vmul.f32 v9, v7  }
0x188: {  	s28 =	sadd.s32 $0x1, s28;
	[tilespmem:s0+$0x10] =	vst v14;
	v10 =	vmul.f32 v10, v7  }
0x189: {  	p0 =	sne.s32 s28, $0x4;
	[tilespmem:s0+$0x20] =	vst v9;
	v61 =	vmul.f32 v12, v7  }
.Ltmp6:
0x18a: {  	[tilespmem:s0+$0x30] =	vst v10;
	v62 =	vmul.f32 v11, v7;
	(pc) =	sbr.rel @p0 .LBB2_12-.Ltmp6, $4  }
0x18b: {  	[tilespmem:s0+$0x40] =	vst v61;
	v63 =	vmul.f32 v13, v7  }
0x18c: {  	v7 =	vmul.f32 v8, v7;
	[tilespmem:s0+$0x50] =	vst v62  }
0x18d: {  	[tilespmem:s0+$0x60] =	vst v63  }
0x18e: {  	s29 =	sadd.s32 $0xD00, s29;
	s30 =	sadd.s32 $0xD00, s30;
	[tilespmem:s0+$0xFFFFFFF0] =	vst v7  }
0x18f: {  	s26 =	sadd.s32 $0x1, s26  }
0x190: {  	p0 =	sne.s32 s26, $0xE  }
.Ltmp7:
0x191: {  	_ = 	snop;
	(pc) =	sbr.rel @p0 .LBB2_5-.Ltmp7, $4  }
0x192: {  	[spmem:s1] =	stream.indirect.scatter.add.f32 [tilespmem:s17], [sflag:$0x3], $0xD0, s22, s19, $0xb8;
	[tilespmem:$0x1E280] =	vst v63  }
0x193: {  	_ =	swait.ge [sflag:s15], $0x3400  }
0x194: {  	[sflag:s15] =	ssyncset.done $0x0  }
0x195: {  	[sflag:s15] =	ssyncadd.s32 $0xFFFFCC00  }
0x196: {  	s25 =	sadd.s32 $0x1, s25  }
0x197: {  	p0 =	sne.s32 s25, $0x6  }
.Ltmp8:
0x198: {  	_ = 	snop;
	(pc) =	sbr.rel @p0 .LBB2_4-.Ltmp8, $1  }
0x199: {  	_ =	sdelay $0x3  }
0x19a: {  	[bflag:$0x0] =	sbarrier.arrive $0xFFFF  }
0x19b: {  	[tilespmem:s14], [sflag:$0x3] =	stream.linear.gather [spmem:s6], $0x6800, $0x38;
	[tilespmem:$0x1E280] =	vst v63  }
0x19c: {  	_ =	swait.ge [sflag:s15], $0x6800  }
0x19d: {  	[sflag:s15] =	ssyncset.done $0x0  }
0x19e: {  	s0 =	rddreg [dreg:$0x3];
	[sflag:s15] =	ssyncadd.s32 $0xFFFF9800  }
0x19f: {  	[hbm4b:s0+s3] =	stream.linear.scatter [tilespmem:s14], [sflag:$0x3], $0x6800, $0x38;
	[tilespmem:$0x1E280] =	vst v63  }
0x1a0: {  	_ =	swait.ge [sflag:s15], $0x6800  }
0x1a1: {  	[sflag:s15] =	ssyncset.done $0x0  }
0x1a2: {  	[sflag:s15] =	ssyncadd.s32 $0xFFFF9800  }
0x1a3: {  	[tilespmem:s14], [sflag:$0x3] =	stream.linear.gather [spmem:s7], $0x6800, $0x38;
	[tilespmem:$0x1E280] =	vst v63  }
0x1a4: {  	_ =	swait.ge [sflag:s15], $0x6800  }
0x1a5: {  	[sflag:s15] =	ssyncset.done $0x0  }
0x1a6: {  	s29 =	rddreg [dreg:$0x4];
	[sflag:s15] =	ssyncadd.s32 $0xFFFF9800  }
0x1a7: {  	[hbm4b:s29+s3] =	stream.linear.scatter [tilespmem:s14], [sflag:$0x3], $0x6800, $0x38;
	[tilespmem:$0x1E280] =	vst v63  }
0x1a8: {  	_ =	swait.ge [sflag:s15], $0x6800  }
0x1a9: {  	[sflag:s15] =	ssyncset.done $0x0  }
0x1aa: {  	[sflag:s15] =	ssyncadd.s32 $0xFFFF9800  }
0x1ab: {  	[tilespmem:s14], [sflag:$0x3] =	stream.linear.gather [spmem:s8], $0x3400, $0x38;
	[tilespmem:$0x1E280] =	vst v63  }
0x1ac: {  	_ =	swait.ge [sflag:s15], $0x3400  }
0x1ad: {  	[sflag:s15] =	ssyncset.done $0x0  }
0x1ae: {  	s30 =	rddreg [dreg:$0x5];
	[sflag:s15] =	ssyncadd.s32 $0xFFFFCC00  }
0x1af: {  	[hbm4b:s30+s3] =	stream.linear.scatter [tilespmem:s14], [sflag:$0x3], $0x3400, $0x38;
	[tilespmem:$0x1E280] =	vst v63  }
0x1b0: {  	_ =	swait.ge [sflag:s15], $0x3400  }
0x1b1: {  	s23 =	sadd.s32 $0x1, s23;
	s31 =	rddreg [dreg:$0x6]  }
0x1b2: {  	p0 =	sne.s32 s23, s31  }
.Ltmp9:
0x1b3: {  	_ = 	snop;
	(pc) =	sbr.rel @p0 .LBB2_1-.Ltmp9, $3  }
0x1b4: {  	_ =	sdelay $0x1  }
0x1b5: {  	[sflag:s15] =	ssyncset.done $0x0  }
0x1b6: {  	[sflag:s15] =	ssyncadd.s32 $0xFFFFCC00  }
0x1b7: {  	_ =	sfence.sel $0x180000  }
0x1b8: {  	[bflag:$0x0] =	sbarrier.arrive $0xFFFF  }
0x1b9: {  	_ =	strace $0x90000047  }
0x1ba: {  	s0 =	stileid.u32;
	[bflag:$0x2] =	sbarrier.arrive $0xFFFF  }
0x1bb: {  	p0 =	sne.s32 s0, $0x0;
	s0 =	rddreg [dreg:$0x2]  }
0x1bc: {  	s0 =	sadd.s32 @!p0 $0x100000, s0  }
0x1bd: {  	[sflag:s0] =	ssyncadd.tile.s32 @!p0 $0x1;
	_ =	shalt  }
.Lfunc_end2:
_tile_overlayer_lowered:
.L_overlay_start_2:
0x1be: {  	(tag) =	ssettag $0x2  }
0x1bf: {  	s0 =	rddreg [dreg:$0x0];
	s2 =	stileid.u32  }
0x1c0: {  	s1 =	rddreg [dreg:$0x1];
	p0 =	sne.s32 s2, $0x0  }
0x1c1: {  	s3 =	rddreg [dreg:$0x2];
	[bflag:$0x3] =	sbarrier.arrive $0xFFFF;
	s2 =	simm.s32 @!p0 $0x1C03  }
0x1c2: {  	[timem:s3], [sflag:s2] =	dma.local @!p0 [hbm:s0], s1  }
0x1c3: {  	s0 =	simm.s32 @!p0 $0x3  }
0x1c4: {  	_ =	swait.ge @!p0 [sflag:s0], s1  }
0x1c5: {  	s1 =	ssub.s32 @!p0 $0x0, s1;
	[sflag:s0] =	ssyncset.done @!p0 $0x0  }
0x1c6: {  	[sflag:s0] =	ssyncadd.s32 @!p0 s1  }
0x1c7: {  	[bflag:$0x3] =	sbarrier.arrive $0xFFFF  }
0x1c8: {  	_ =	shalt  }

</sc_bundles>
